<compile_context>
chip_gen: v7x
topology: tpu7x:2x2x1
jax: 0.10.2.dev20260603
libtpu: 0.0.44.dev20260713+nightly
codegen_flags: <defaults>
</compile_context>

<pallas_src>
import functools

import jax
import jax.numpy as jnp
from jax import lax
from jax.experimental import pallas as pl
from jax.experimental.pallas import tpu as pltpu
from jax.experimental.pallas import tpu_sc as plsc

B, N, C, K = 4, 1024, 256, 16
QB = 128
NQB = N // QB
TW = C + 128

SC_CORES, SC_SUBCORES = 2, 16
NW = SC_CORES * SC_SUBCORES
ROWS = N * K
RPW = ROWS // NW
CH = 128
NCH = RPW // CH

_f32 = jnp.float32
_bf16 = jnp.bfloat16
_HI = -65536


def _rne_hi(u):
    return (u + 0x7FFF + (lax.shift_right_logical(u, 16) & 1)) & _HI


def _prep_body(pos_ref, posT_ref, feat_ref, W_emb_ref, b_emb_ref,
               W_q_ref, W_k_ref, W_v_ref,
               q_ref, table_ref, knn_ref):
    pos = pos_ref[0]
    posT = posT_ref[0]
    x = jnp.dot(feat_ref[0], W_emb_ref[...],
                preferred_element_type=_f32) + b_emb_ref[...]
    q_ref[0] = jnp.dot(x, W_q_ref[...], preferred_element_type=_f32)
    xk = jnp.dot(x, W_k_ref[...], preferred_element_type=_f32)
    xv = jnp.dot(x, W_v_ref[...], preferred_element_type=_f32)

    uk = lax.bitcast_convert_type(xk, jnp.int32)
    uv = lax.bitcast_convert_type(xv, jnp.int32)
    packed = lax.shift_right_logical(_rne_hi(uk), 16) | _rne_hi(uv)
    pos_pad = jnp.concatenate([pos, jnp.zeros((N, 125), _f32)], axis=1)
    table_ref[0] = jnp.concatenate(
        [packed, lax.bitcast_convert_type(pos_pad, jnp.int32)], axis=1)

    d2 = (pos[:, 0:1] - posT[0:1, :]) ** 2
    d2 = d2 + (pos[:, 1:2] - posT[1:2, :]) ** 2
    d2 = d2 + (pos[:, 2:3] - posT[2:3, :]) ** 2

    iota = lax.broadcasted_iota(jnp.int32, (N, N), 1)
    work = d2
    cols = []
    for _ in range(K):
        m = jnp.min(work, axis=1, keepdims=True)
        idx = jnp.min(jnp.where(work == m, iota, N), axis=1, keepdims=True)
        cols.append(idx)
        work = jnp.where(iota == idx, jnp.inf, work)
    knn_ref[0] = jnp.concatenate(cols, axis=1)


def _gather_body(table_hbm, idx_hbm, out_hbm, idx_v, buf0, buf1, sem0, sem1):
    wid = lax.axis_index("s") * SC_CORES + lax.axis_index("c")
    base = wid * RPW
    pltpu.sync_copy(idx_hbm.at[pl.ds(base, RPW)], idx_v)
    bufs = (buf0, buf1)
    sems = (sem0, sem1)

    def start(ch, slot):
        return pltpu.async_copy(
            table_hbm.at[idx_v.at[pl.ds(ch * CH, CH)]], bufs[slot], sems[slot])

    desc = [None] * NCH
    desc[0] = start(0, 0)
    if NCH > 1:
        desc[1] = start(1, 1)
    for ch in range(NCH):
        slot = ch % 2
        desc[ch].wait()
        pltpu.sync_copy(bufs[slot], out_hbm.at[pl.ds(base + ch * CH, CH)])
        if ch + 2 < NCH:
            desc[ch + 2] = start(ch + 2, slot)


def _attn_body(g_ref, q_ref, posq_ref, feat_ref,
               Wp1_ref, bp1_ref, Wp2_ref, bp2_ref,
               Wa1_ref, ba1_ref, Wa2_ref, ba2_ref,
               W_out_ref, b_out_ref, out_ref):
    gi = g_ref[0]
    kk = lax.bitcast_convert_type(lax.shift_left(gi[:, 0:C], 16), _f32)
    v = lax.bitcast_convert_type(gi[:, 0:C] & _HI, _f32)
    gpos = lax.bitcast_convert_type(gi[:, C:C + 3], _f32)

    posq = posq_ref[0]
    posq_rep = jnp.broadcast_to(posq[:, None, :], (QB, K, 3)).reshape(QB * K, 3)
    gpos = gpos - posq_rep

    h = jnp.maximum(
        jnp.dot(gpos, Wp1_ref[...], preferred_element_type=_f32) + bp1_ref[...],
        0.0)
    posenc = jnp.dot(h.astype(_bf16), Wp2_ref[...],
                     preferred_element_type=_f32) + bp2_ref[...]

    q = q_ref[0]
    q_rep = jnp.broadcast_to(q[:, None, :], (QB, K, C)).reshape(QB * K, C)
    pre = q_rep - kk + posenc
    h2 = jnp.maximum(
        jnp.dot(pre.astype(_bf16), Wa1_ref[...],
                preferred_element_type=_f32) + ba1_ref[...],
        0.0)
    attn = jnp.dot(h2.astype(_bf16), Wa2_ref[...],
                   preferred_element_type=_f32) + ba2_ref[...]

    s = (attn * (1.0 / 16.0)).reshape(QB, K, C)
    m = jnp.max(s, axis=1, keepdims=True)
    e = jnp.exp(s - m)
    w = e / jnp.sum(e, axis=1, keepdims=True)

    vp = (v + posenc).reshape(QB, K, C)
    res = jnp.sum(w * vp, axis=1)
    out_ref[0] = (jnp.dot(res.astype(_bf16), W_out_ref[...],
                          preferred_element_type=_f32)
                  + b_out_ref[...] + feat_ref[0])


def _full(shape):
    return pl.BlockSpec(shape, lambda *args: tuple(0 for _ in shape))


def kernel(pos, features, W_emb, b_emb, W_q, W_k, W_v, Wp1, bp1, Wp2, bp2,
           Wa1, ba1, Wa2, ba2, W_out, b_out):
    posT = jnp.transpose(pos, (0, 2, 1))
    b_emb2 = b_emb.reshape(1, C)
    bp12 = bp1.reshape(1, C)
    bp22 = bp2.reshape(1, C)
    ba12 = ba1.reshape(1, C)
    ba22 = ba2.reshape(1, C)
    b_out2 = b_out.reshape(1, -1)
    Wp2b = Wp2.astype(_bf16)
    Wa1b = Wa1.astype(_bf16)
    Wa2b = Wa2.astype(_bf16)
    W_outb = W_out.astype(_bf16)

    prep = pl.pallas_call(
        _prep_body,
        grid=(1,),
        in_specs=[
            pl.BlockSpec((1, N, 3), lambda i: (0, 0, 0)),
            pl.BlockSpec((1, 3, N), lambda i: (0, 0, 0)),
            pl.BlockSpec((1, N, C), lambda i: (0, 0, 0)),
            _full(W_emb.shape), _full((1, C)),
            _full(W_q.shape), _full(W_k.shape), _full(W_v.shape),
        ],
        out_specs=[
            pl.BlockSpec((1, N, C), lambda i: (0, 0, 0)),
            pl.BlockSpec((1, N, TW), lambda i: (0, 0, 0)),
            pl.BlockSpec((1, N, K), lambda i: (0, 0, 0)),
        ],
        out_shape=[
            jax.ShapeDtypeStruct((1, N, C), _f32),
            jax.ShapeDtypeStruct((1, N, TW), jnp.int32),
            jax.ShapeDtypeStruct((1, N, K), jnp.int32),
        ],
    )

    sc_gather = pl.kernel(
        _gather_body,
        out_type=jax.ShapeDtypeStruct((ROWS, TW), jnp.int32),
        mesh=plsc.VectorSubcoreMesh(core_axis_name="c", subcore_axis_name="s",
                                    num_cores=SC_CORES),
        scratch_types=[
            pltpu.VMEM((RPW,), jnp.int32),
            pltpu.VMEM((CH, TW), jnp.int32),
            pltpu.VMEM((CH, TW), jnp.int32),
            pltpu.SemaphoreType.DMA,
            pltpu.SemaphoreType.DMA,
        ],
    )

    attn = pl.pallas_call(
        _attn_body,
        grid=(NQB,),
        in_specs=[
            pl.BlockSpec((1, QB * K, TW), lambda qb: (0, qb, 0)),
            pl.BlockSpec((1, QB, C), lambda qb: (0, qb, 0)),
            pl.BlockSpec((1, QB, 3), lambda qb: (0, qb, 0)),
            pl.BlockSpec((1, QB, C), lambda qb: (0, qb, 0)),
            _full(Wp1.shape), _full((1, C)),
            _full(Wp2.shape), _full((1, C)),
            _full(Wa1.shape), _full((1, C)),
            _full(Wa2.shape), _full((1, C)),
            _full(W_out.shape), _full((1, b_out.shape[0])),
        ],
        out_specs=pl.BlockSpec((1, QB, C), lambda qb: (0, qb, 0)),
        out_shape=jax.ShapeDtypeStruct((1, N, C), _f32),
    )

    outs = []
    for b in range(B):
        q, table, knn = prep(pos[b:b + 1], posT[b:b + 1],
                             features[b:b + 1], W_emb, b_emb2, W_q, W_k, W_v)
        g = sc_gather(table.reshape(N, TW), knn.reshape(ROWS))
        outs.append(attn(g.reshape(1, N * K, TW),
                         q, pos[b:b + 1], features[b:b + 1],
                         Wp1, bp12, Wp2b, bp22, Wa1b, ba12, Wa2b, ba22,
                         W_outb, b_out2))
    return jnp.concatenate(outs, axis=0)

# --- scband reference (transcript-rebuilt; emitter-appended) ---
"""Pipeline reference for scband-transformer-block-6322191860209 (READ-ONLY COPY).

The authoritative reference and input builder live on the scoring server;
editing this copy changes nothing except your own understanding.
"""

import jax, jax.numpy as jnp
import numpy as np

B, N, C_IN, C_OUT, K = 4, 1024, 256, 256, 16


def _gather(x, idx):
    # x: [B, N, C], idx: [B, M, K] -> [B, M, K, C]
    return jax.vmap(lambda xb, ib: xb[ib])(x, idx)


def setup_inputs(seed: int = 0) -> dict:
    key = jax.random.key(seed)
    ks = jax.random.split(key, 20)
    s_in = 1.0 / np.sqrt(C_IN)
    s_out = 1.0 / np.sqrt(C_OUT)
    s3 = 1.0 / np.sqrt(3.0)
    inp = {}
    inp['pos'] = jax.random.normal(ks[0], (B, N, 3), dtype=jnp.float32)
    inp['features'] = jax.random.normal(ks[1], (B, N, C_IN), dtype=jnp.float32)
    # embedding: Linear(C_in, C_out)
    inp['W_emb'] = jax.random.normal(ks[2], (C_IN, C_OUT), dtype=jnp.float32) * s_in
    inp['b_emb'] = jnp.zeros((C_OUT,), dtype=jnp.float32)
    # q/k/v projections (no bias)
    inp['W_q'] = jax.random.normal(ks[3], (C_OUT, C_OUT), dtype=jnp.float32) * s_out
    inp['W_k'] = jax.random.normal(ks[4], (C_OUT, C_OUT), dtype=jnp.float32) * s_out
    inp['W_v'] = jax.random.normal(ks[5], (C_OUT, C_OUT), dtype=jnp.float32) * s_out
    # mlp_posenc: Linear(3, C_out) -> ReLU -> Linear(C_out, C_out)
    inp['Wp1'] = jax.random.normal(ks[6], (3, C_OUT), dtype=jnp.float32) * s3
    inp['bp1'] = jnp.zeros((C_OUT,), dtype=jnp.float32)
    inp['Wp2'] = jax.random.normal(ks[7], (C_OUT, C_OUT), dtype=jnp.float32) * s_out
    inp['bp2'] = jnp.zeros((C_OUT,), dtype=jnp.float32)
    # mlp_attn: Linear(C_out, C_out) -> ReLU -> Linear(C_out, C_out)
    inp['Wa1'] = jax.random.normal(ks[8], (C_OUT, C_OUT), dtype=jnp.float32) * s_out
    inp['ba1'] = jnp.zeros((C_OUT,), dtype=jnp.float32)
    inp['Wa2'] = jax.random.normal(ks[9], (C_OUT, C_OUT), dtype=jnp.float32) * s_out
    inp['ba2'] = jnp.zeros((C_OUT,), dtype=jnp.float32)
    # linear_out: Linear(C_out, C_in)
    inp['W_out'] = jax.random.normal(ks[10], (C_OUT, C_IN), dtype=jnp.float32) * s_out
    inp['b_out'] = jnp.zeros((C_IN,), dtype=jnp.float32)
    return inp


def reference(pos, features, W_emb, b_emb, W_q, W_k, W_v, Wp1, bp1, Wp2, bp2, Wa1, ba1, Wa2, ba2, W_out, b_out):
    # kNN over all points (queries = all points)
    d2 = jnp.sum((pos[:, :, None, :] - pos[:, None, :, :]) ** 2, axis=-1)  # [B, N, N]
    _, knn_idx = jax.lax.top_k(-d2, K)  # [B, N, K]
    # grouped positions, recentered around query point
    grouped_pos = _gather(pos, knn_idx) - pos[:, :, None, :]  # [B, N, K, 3]
    residual = features
    x = features @ W_emb + b_emb  # [B, N, C_OUT]
    q = x @ W_q                   # [B, N, C_OUT]
    kk = _gather(x @ W_k, knn_idx)  # [B, N, K, C_OUT]
    v = _gather(x @ W_v, knn_idx)   # [B, N, K, C_OUT]
    posenc = jax.nn.relu(grouped_pos @ Wp1 + bp1) @ Wp2 + bp2  # [B, N, K, C_OUT]
    pre = q[:, :, None, :] - kk + posenc
    attn = jax.nn.relu(pre @ Wa1 + ba1) @ Wa2 + ba2
    attn = jax.nn.softmax(attn / np.sqrt(C_OUT), axis=-2)
    result = jnp.sum(attn * (v + posenc), axis=2)  # einsum bmnf,bmnf->bmf
    result = result @ W_out + b_out + residual
    return result

if __name__ == "__main__":
    import jax
    _d = setup_inputs()
    print(jax.jit(kernel)(*tuple(_d.values())))

</pallas_src>

<mosaic_0001>
#map = affine_map<(d0, d1) -> (0, 0)>
#map1 = affine_map<(d0, d1) -> (0)>
module attributes {stable_mosaic.version = 14 : i64} {
  func.func @_gather_body(%arg0: i32, %arg1: i32, %arg2: memref<1024x384xi32, #tpu.memory_space<hbm>>, %arg3: memref<16384xi32, #tpu.memory_space<hbm>>, %arg4: memref<16384x384xi32, #tpu.memory_space<hbm>>, %arg5: memref<512xi32, #tpu.memory_space<vmem>>, %arg6: memref<128x384xi32, #tpu.memory_space<vmem>>, %arg7: memref<128x384xi32, #tpu.memory_space<vmem>>, %arg8: memref<!tpu.dma_semaphore, #tpu.memory_space<semaphore_mem>>, %arg9: memref<!tpu.dma_semaphore, #tpu.memory_space<semaphore_mem>>) attributes {dimension_semantics = [#tpu.dimension_semantics<core_parallel>, #tpu.dimension_semantics<subcore_parallel>], iteration_bounds = array<i64: 2, 16>, scalar_prefetch = 0 : i64, scratch_operands = 5 : i64, tpu.core_type = #tpu.core_type<sc_vector_subcore>, window_params = [{transform_indices = #map}, {transform_indices = #map1}, {transform_indices = #map}]} {
    %mul3A = arith.constant 2 : i32
    %mul3A_0 = arith.muli %arg1, %mul3A : i32
    %add3A = arith.addi %mul3A_0, %arg0 : i32
    %mul3A_1 = arith.constant 512 : i32
    %mul3A_2 = arith.muli %add3A, %mul3A_1 : i32
    "tpu.region"() ({
      %run_scoped3A = tpu.sem_alloc : memref<!tpu.dma_semaphore, #tpu.memory_space<semaphore_mem>>
      %dma_start3A_49 = tpu.memref_slice %arg3[%mul3A_2] : memref<16384xi32, #tpu.memory_space<hbm>> -> memref<512xi32, #tpu.memory_space<hbm>>
      %dma_start3A_50 = tpu.memref_slice %arg3[%mul3A_2] : memref<16384xi32, #tpu.memory_space<hbm>> -> memref<512xi32, #tpu.memory_space<hbm>>
      tpu.enqueue_dma source(%dma_start3A_50 : memref<512xi32, #tpu.memory_space<hbm>>) target(%arg5 : memref<512xi32, #tpu.memory_space<vmem>>) target_semaphore(%run_scoped3A : memref<!tpu.dma_semaphore, #tpu.memory_space<semaphore_mem>>)
      %dma_wait3A_51 = tpu.memref_slice %arg3[%mul3A_2] : memref<16384xi32, #tpu.memory_space<hbm>> -> memref<512xi32, #tpu.memory_space<hbm>>
      %dma_wait3A_52 = tpu.memref_slice %arg3[%mul3A_2] : memref<16384xi32, #tpu.memory_space<hbm>> -> memref<512xi32, #tpu.memory_space<hbm>>
      tpu.wait_dma2 semaphore(%run_scoped3A : memref<!tpu.dma_semaphore, #tpu.memory_space<semaphore_mem>>) src(%dma_wait3A_52 : memref<512xi32, #tpu.memory_space<hbm>>) dst(%arg5 : memref<512xi32, #tpu.memory_space<vmem>>)
      tpu.yield
    }) : () -> ()
    %dma_start3A = arith.constant 0 : i32
    %dma_start3A_3 = tpu.memref_slice %arg5[%dma_start3A] : memref<512xi32, #tpu.memory_space<vmem>> -> memref<128xi32, #tpu.memory_space<vmem>>
    %dma_start3A_4 = arith.constant 0 : i32
    %dma_start3A_5 = arith.constant 0 : i32
    %dma_start3A_6 = tpu.memref_slice %arg2[%dma_start3A_4, %dma_start3A_5] : memref<1024x384xi32, #tpu.memory_space<hbm>> -> memref<1024x384xi32, #tpu.memory_space<hbm>>
    tpu.enqueue_indirect_dma source(%dma_start3A_6 : memref<1024x384xi32, #tpu.memory_space<hbm>>) target(%arg6 : memref<128x384xi32, #tpu.memory_space<vmem>>) offsets(%dma_start3A_3 : memref<128xi32, #tpu.memory_space<vmem>>) semaphore(%arg8 : memref<!tpu.dma_semaphore, #tpu.memory_space<semaphore_mem>>)
    %dma_start3A_7 = arith.constant 128 : i32
    %dma_start3A_8 = tpu.memref_slice %arg5[%dma_start3A_7] : memref<512xi32, #tpu.memory_space<vmem>> -> memref<128xi32, #tpu.memory_space<vmem>>
    %dma_start3A_9 = arith.constant 0 : i32
    %dma_start3A_10 = arith.constant 0 : i32
    %dma_start3A_11 = tpu.memref_slice %arg2[%dma_start3A_9, %dma_start3A_10] : memref<1024x384xi32, #tpu.memory_space<hbm>> -> memref<1024x384xi32, #tpu.memory_space<hbm>>
    tpu.enqueue_indirect_dma source(%dma_start3A_11 : memref<1024x384xi32, #tpu.memory_space<hbm>>) target(%arg7 : memref<128x384xi32, #tpu.memory_space<vmem>>) offsets(%dma_start3A_8 : memref<128xi32, #tpu.memory_space<vmem>>) semaphore(%arg9 : memref<!tpu.dma_semaphore, #tpu.memory_space<semaphore_mem>>)
    %dma_wait3A = arith.constant 0 : i32
    %dma_wait3A_12 = tpu.memref_slice %arg5[%dma_wait3A] : memref<512xi32, #tpu.memory_space<vmem>> -> memref<128xi32, #tpu.memory_space<vmem>>
    %dma_wait3A_13 = arith.constant 0 : i32
    %dma_wait3A_14 = arith.constant 0 : i32
    %dma_wait3A_15 = tpu.memref_slice %arg2[%dma_wait3A_13, %dma_wait3A_14] : memref<1024x384xi32, #tpu.memory_space<hbm>> -> memref<1024x384xi32, #tpu.memory_space<hbm>>
    tpu.wait_indirect_dma semaphore(%arg8 : memref<!tpu.dma_semaphore, #tpu.memory_space<semaphore_mem>>) src(%dma_wait3A_15 : memref<1024x384xi32, #tpu.memory_space<hbm>>) dst(%arg6 : memref<128x384xi32, #tpu.memory_space<vmem>>)
    %add3A_16 = arith.constant 0 : i32
    %add3A_17 = arith.addi %mul3A_2, %add3A_16 : i32
    "tpu.region"() ({
      %run_scoped3A = tpu.sem_alloc : memref<!tpu.dma_semaphore, #tpu.memory_space<semaphore_mem>>
      %dma_start3A_49 = arith.constant 0 : i32
      %dma_start3A_50 = tpu.memref_slice %arg4[%add3A_17, %dma_start3A_49] : memref<16384x384xi32, #tpu.memory_space<hbm>> -> memref<128x384xi32, #tpu.memory_space<hbm>>
      %dma_start3A_51 = arith.constant 0 : i32
      %dma_start3A_52 = tpu.memref_slice %arg4[%add3A_17, %dma_start3A_51] : memref<16384x384xi32, #tpu.memory_space<hbm>> -> memref<128x384xi32, #tpu.memory_space<hbm>>
      tpu.enqueue_dma source(%arg6 : memref<128x384xi32, #tpu.memory_space<vmem>>) target(%dma_start3A_52 : memref<128x384xi32, #tpu.memory_space<hbm>>) target_semaphore(%run_scoped3A : memref<!tpu.dma_semaphore, #tpu.memory_space<semaphore_mem>>)
      %dma_wait3A_53 = arith.constant 0 : i32
      %dma_wait3A_54 = tpu.memref_slice %arg4[%add3A_17, %dma_wait3A_53] : memref<16384x384xi32, #tpu.memory_space<hbm>> -> memref<128x384xi32, #tpu.memory_space<hbm>>
      %dma_wait3A_55 = arith.constant 0 : i32
      %dma_wait3A_56 = tpu.memref_slice %arg4[%add3A_17, %dma_wait3A_55] : memref<16384x384xi32, #tpu.memory_space<hbm>> -> memref<128x384xi32, #tpu.memory_space<hbm>>
      tpu.wait_dma2 semaphore(%run_scoped3A : memref<!tpu.dma_semaphore, #tpu.memory_space<semaphore_mem>>) src(%arg6 : memref<128x384xi32, #tpu.memory_space<vmem>>) dst(%dma_wait3A_56 : memref<128x384xi32, #tpu.memory_space<hbm>>)
      tpu.yield
    }) : () -> ()
    %dma_start3A_18 = arith.constant 256 : i32
    %dma_start3A_19 = tpu.memref_slice %arg5[%dma_start3A_18] : memref<512xi32, #tpu.memory_space<vmem>> -> memref<128xi32, #tpu.memory_space<vmem>>
    %dma_start3A_20 = arith.constant 0 : i32
    %dma_start3A_21 = arith.constant 0 : i32
    %dma_start3A_22 = tpu.memref_slice %arg2[%dma_start3A_20, %dma_start3A_21] : memref<1024x384xi32, #tpu.memory_space<hbm>> -> memref<1024x384xi32, #tpu.memory_space<hbm>>
    tpu.enqueue_indirect_dma source(%dma_start3A_22 : memref<1024x384xi32, #tpu.memory_space<hbm>>) target(%arg6 : memref<128x384xi32, #tpu.memory_space<vmem>>) offsets(%dma_start3A_19 : memref<128xi32, #tpu.memory_space<vmem>>) semaphore(%arg8 : memref<!tpu.dma_semaphore, #tpu.memory_space<semaphore_mem>>)
    %dma_wait3A_23 = arith.constant 128 : i32
    %dma_wait3A_24 = tpu.memref_slice %arg5[%dma_wait3A_23] : memref<512xi32, #tpu.memory_space<vmem>> -> memref<128xi32, #tpu.memory_space<vmem>>
    %dma_wait3A_25 = arith.constant 0 : i32
    %dma_wait3A_26 = arith.constant 0 : i32
    %dma_wait3A_27 = tpu.memref_slice %arg2[%dma_wait3A_25, %dma_wait3A_26] : memref<1024x384xi32, #tpu.memory_space<hbm>> -> memref<1024x384xi32, #tpu.memory_space<hbm>>
    tpu.wait_indirect_dma semaphore(%arg9 : memref<!tpu.dma_semaphore, #tpu.memory_space<semaphore_mem>>) src(%dma_wait3A_27 : memref<1024x384xi32, #tpu.memory_space<hbm>>) dst(%arg7 : memref<128x384xi32, #tpu.memory_space<vmem>>)
    %add3A_28 = arith.constant 128 : i32
    %add3A_29 = arith.addi %mul3A_2, %add3A_28 : i32
    "tpu.region"() ({
      %run_scoped3A = tpu.sem_alloc : memref<!tpu.dma_semaphore, #tpu.memory_space<semaphore_mem>>
      %dma_start3A_49 = arith.constant 0 : i32
      %dma_start3A_50 = tpu.memref_slice %arg4[%add3A_29, %dma_start3A_49] : memref<16384x384xi32, #tpu.memory_space<hbm>> -> memref<128x384xi32, #tpu.memory_space<hbm>>
      %dma_start3A_51 = arith.constant 0 : i32
      %dma_start3A_52 = tpu.memref_slice %arg4[%add3A_29, %dma_start3A_51] : memref<16384x384xi32, #tpu.memory_space<hbm>> -> memref<128x384xi32, #tpu.memory_space<hbm>>
      tpu.enqueue_dma source(%arg7 : memref<128x384xi32, #tpu.memory_space<vmem>>) target(%dma_start3A_52 : memref<128x384xi32, #tpu.memory_space<hbm>>) target_semaphore(%run_scoped3A : memref<!tpu.dma_semaphore, #tpu.memory_space<semaphore_mem>>)
      %dma_wait3A_53 = arith.constant 0 : i32
      %dma_wait3A_54 = tpu.memref_slice %arg4[%add3A_29, %dma_wait3A_53] : memref<16384x384xi32, #tpu.memory_space<hbm>> -> memref<128x384xi32, #tpu.memory_space<hbm>>
      %dma_wait3A_55 = arith.constant 0 : i32
      %dma_wait3A_56 = tpu.memref_slice %arg4[%add3A_29, %dma_wait3A_55] : memref<16384x384xi32, #tpu.memory_space<hbm>> -> memref<128x384xi32, #tpu.memory_space<hbm>>
      tpu.wait_dma2 semaphore(%run_scoped3A : memref<!tpu.dma_semaphore, #tpu.memory_space<semaphore_mem>>) src(%arg7 : memref<128x384xi32, #tpu.memory_space<vmem>>) dst(%dma_wait3A_56 : memref<128x384xi32, #tpu.memory_space<hbm>>)
      tpu.yield
    }) : () -> ()
    %dma_start3A_30 = arith.constant 384 : i32
    %dma_start3A_31 = tpu.memref_slice %arg5[%dma_start3A_30] : memref<512xi32, #tpu.memory_space<vmem>> -> memref<128xi32, #tpu.memory_space<vmem>>
    %dma_start3A_32 = arith.constant 0 : i32
    %dma_start3A_33 = arith.constant 0 : i32
    %dma_start3A_34 = tpu.memref_slice %arg2[%dma_start3A_32, %dma_start3A_33] : memref<1024x384xi32, #tpu.memory_space<hbm>> -> memref<1024x384xi32, #tpu.memory_space<hbm>>
    tpu.enqueue_indirect_dma source(%dma_start3A_34 : memref<1024x384xi32, #tpu.memory_space<hbm>>) target(%arg7 : memref<128x384xi32, #tpu.memory_space<vmem>>) offsets(%dma_start3A_31 : memref<128xi32, #tpu.memory_space<vmem>>) semaphore(%arg9 : memref<!tpu.dma_semaphore, #tpu.memory_space<semaphore_mem>>)
    %dma_wait3A_35 = arith.constant 256 : i32
    %dma_wait3A_36 = tpu.memref_slice %arg5[%dma_wait3A_35] : memref<512xi32, #tpu.memory_space<vmem>> -> memref<128xi32, #tpu.memory_space<vmem>>
    %dma_wait3A_37 = arith.constant 0 : i32
    %dma_wait3A_38 = arith.constant 0 : i32
    %dma_wait3A_39 = tpu.memref_slice %arg2[%dma_wait3A_37, %dma_wait3A_38] : memref<1024x384xi32, #tpu.memory_space<hbm>> -> memref<1024x384xi32, #tpu.memory_space<hbm>>
    tpu.wait_indirect_dma semaphore(%arg8 : memref<!tpu.dma_semaphore, #tpu.memory_space<semaphore_mem>>) src(%dma_wait3A_39 : memref<1024x384xi32, #tpu.memory_space<hbm>>) dst(%arg6 : memref<128x384xi32, #tpu.memory_space<vmem>>)
    %add3A_40 = arith.constant 256 : i32
    %add3A_41 = arith.addi %mul3A_2, %add3A_40 : i32
    "tpu.region"() ({
      %run_scoped3A = tpu.sem_alloc : memref<!tpu.dma_semaphore, #tpu.memory_space<semaphore_mem>>
      %dma_start3A_49 = arith.constant 0 : i32
      %dma_start3A_50 = tpu.memref_slice %arg4[%add3A_41, %dma_start3A_49] : memref<16384x384xi32, #tpu.memory_space<hbm>> -> memref<128x384xi32, #tpu.memory_space<hbm>>
      %dma_start3A_51 = arith.constant 0 : i32
      %dma_start3A_52 = tpu.memref_slice %arg4[%add3A_41, %dma_start3A_51] : memref<16384x384xi32, #tpu.memory_space<hbm>> -> memref<128x384xi32, #tpu.memory_space<hbm>>
      tpu.enqueue_dma source(%arg6 : memref<128x384xi32, #tpu.memory_space<vmem>>) target(%dma_start3A_52 : memref<128x384xi32, #tpu.memory_space<hbm>>) target_semaphore(%run_scoped3A : memref<!tpu.dma_semaphore, #tpu.memory_space<semaphore_mem>>)
      %dma_wait3A_53 = arith.constant 0 : i32
      %dma_wait3A_54 = tpu.memref_slice %arg4[%add3A_41, %dma_wait3A_53] : memref<16384x384xi32, #tpu.memory_space<hbm>> -> memref<128x384xi32, #tpu.memory_space<hbm>>
      %dma_wait3A_55 = arith.constant 0 : i32
      %dma_wait3A_56 = tpu.memref_slice %arg4[%add3A_41, %dma_wait3A_55] : memref<16384x384xi32, #tpu.memory_space<hbm>> -> memref<128x384xi32, #tpu.memory_space<hbm>>
      tpu.wait_dma2 semaphore(%run_scoped3A : memref<!tpu.dma_semaphore, #tpu.memory_space<semaphore_mem>>) src(%arg6 : memref<128x384xi32, #tpu.memory_space<vmem>>) dst(%dma_wait3A_56 : memref<128x384xi32, #tpu.memory_space<hbm>>)
      tpu.yield
    }) : () -> ()
    %dma_wait3A_42 = arith.constant 384 : i32
    %dma_wait3A_43 = tpu.memref_slice %arg5[%dma_wait3A_42] : memref<512xi32, #tpu.memory_space<vmem>> -> memref<128xi32, #tpu.memory_space<vmem>>
    %dma_wait3A_44 = arith.constant 0 : i32
    %dma_wait3A_45 = arith.constant 0 : i32
    %dma_wait3A_46 = tpu.memref_slice %arg2[%dma_wait3A_44, %dma_wait3A_45] : memref<1024x384xi32, #tpu.memory_space<hbm>> -> memref<1024x384xi32, #tpu.memory_space<hbm>>
    tpu.wait_indirect_dma semaphore(%arg9 : memref<!tpu.dma_semaphore, #tpu.memory_space<semaphore_mem>>) src(%dma_wait3A_46 : memref<1024x384xi32, #tpu.memory_space<hbm>>) dst(%arg7 : memref<128x384xi32, #tpu.memory_space<vmem>>)
    %add3A_47 = arith.constant 384 : i32
    %add3A_48 = arith.addi %mul3A_2, %add3A_47 : i32
    "tpu.region"() ({
      %run_scoped3A = tpu.sem_alloc : memref<!tpu.dma_semaphore, #tpu.memory_space<semaphore_mem>>
      %dma_start3A_49 = arith.constant 0 : i32
      %dma_start3A_50 = tpu.memref_slice %arg4[%add3A_48, %dma_start3A_49] : memref<16384x384xi32, #tpu.memory_space<hbm>> -> memref<128x384xi32, #tpu.memory_space<hbm>>
      %dma_start3A_51 = arith.constant 0 : i32
      %dma_start3A_52 = tpu.memref_slice %arg4[%add3A_48, %dma_start3A_51] : memref<16384x384xi32, #tpu.memory_space<hbm>> -> memref<128x384xi32, #tpu.memory_space<hbm>>
      tpu.enqueue_dma source(%arg7 : memref<128x384xi32, #tpu.memory_space<vmem>>) target(%dma_start3A_52 : memref<128x384xi32, #tpu.memory_space<hbm>>) target_semaphore(%run_scoped3A : memref<!tpu.dma_semaphore, #tpu.memory_space<semaphore_mem>>)
      %dma_wait3A_53 = arith.constant 0 : i32
      %dma_wait3A_54 = tpu.memref_slice %arg4[%add3A_48, %dma_wait3A_53] : memref<16384x384xi32, #tpu.memory_space<hbm>> -> memref<128x384xi32, #tpu.memory_space<hbm>>
      %dma_wait3A_55 = arith.constant 0 : i32
      %dma_wait3A_56 = tpu.memref_slice %arg4[%add3A_48, %dma_wait3A_55] : memref<16384x384xi32, #tpu.memory_space<hbm>> -> memref<128x384xi32, #tpu.memory_space<hbm>>
      tpu.wait_dma2 semaphore(%run_scoped3A : memref<!tpu.dma_semaphore, #tpu.memory_space<semaphore_mem>>) src(%arg7 : memref<128x384xi32, #tpu.memory_space<vmem>>) dst(%dma_wait3A_56 : memref<128x384xi32, #tpu.memory_space<hbm>>)
      tpu.yield
    }) : () -> ()
    return
  }
}

#map = affine_map<(d0, d1) -> (0, 0)>
#map1 = affine_map<(d0, d1) -> (0)>
module attributes {stable_mosaic.version = 14 : i64} {
  func.func @_gather_body(%arg0: i32, %arg1: i32, %arg2: memref<1024x384xi32, #tpu.memory_space<hbm>>, %arg3: memref<16384xi32, #tpu.memory_space<hbm>>, %arg4: memref<16384x384xi32, #tpu.memory_space<hbm>>, %arg5: memref<512xi32, #tpu.memory_space<vmem>>, %arg6: memref<128x384xi32, #tpu.memory_space<vmem>>, %arg7: memref<128x384xi32, #tpu.memory_space<vmem>>, %arg8: memref<!tpu.dma_semaphore, #tpu.memory_space<semaphore_mem>>, %arg9: memref<!tpu.dma_semaphore, #tpu.memory_space<semaphore_mem>>) attributes {dimension_semantics = [#tpu.dimension_semantics<core_parallel>, #tpu.dimension_semantics<subcore_parallel>], iteration_bounds = array<i64: 2, 16>, scalar_prefetch = 0 : i64, scratch_operands = 5 : i64, tpu.core_type = #tpu.core_type<sc_vector_subcore>, window_params = [{transform_indices = #map}, {transform_indices = #map1}, {transform_indices = #map}]} {
    %mul3A = arith.constant 2 : i32
    %mul3A_0 = arith.muli %arg1, %mul3A : i32
    %add3A = arith.addi %mul3A_0, %arg0 : i32
    %mul3A_1 = arith.constant 512 : i32
    %mul3A_2 = arith.muli %add3A, %mul3A_1 : i32
    "tpu.region"() ({
      %run_scoped3A = tpu.sem_alloc : memref<!tpu.dma_semaphore, #tpu.memory_space<semaphore_mem>>
      %dma_start3A_49 = tpu.memref_slice %arg3[%mul3A_2] : memref<16384xi32, #tpu.memory_space<hbm>> -> memref<512xi32, #tpu.memory_space<hbm>>
      %dma_start3A_50 = tpu.memref_slice %arg3[%mul3A_2] : memref<16384xi32, #tpu.memory_space<hbm>> -> memref<512xi32, #tpu.memory_space<hbm>>
      tpu.enqueue_dma source(%dma_start3A_50 : memref<512xi32, #tpu.memory_space<hbm>>) target(%arg5 : memref<512xi32, #tpu.memory_space<vmem>>) target_semaphore(%run_scoped3A : memref<!tpu.dma_semaphore, #tpu.memory_space<semaphore_mem>>)
      %dma_wait3A_51 = tpu.memref_slice %arg3[%mul3A_2] : memref<16384xi32, #tpu.memory_space<hbm>> -> memref<512xi32, #tpu.memory_space<hbm>>
      %dma_wait3A_52 = tpu.memref_slice %arg3[%mul3A_2] : memref<16384xi32, #tpu.memory_space<hbm>> -> memref<512xi32, #tpu.memory_space<hbm>>
      tpu.wait_dma2 semaphore(%run_scoped3A : memref<!tpu.dma_semaphore, #tpu.memory_space<semaphore_mem>>) src(%dma_wait3A_52 : memref<512xi32, #tpu.memory_space<hbm>>) dst(%arg5 : memref<512xi32, #tpu.memory_space<vmem>>)
      tpu.yield
    }) : () -> ()
    %dma_start3A = arith.constant 0 : i32
    %dma_start3A_3 = tpu.memref_slice %arg5[%dma_start3A] : memref<512xi32, #tpu.memory_space<vmem>> -> memref<128xi32, #tpu.memory_space<vmem>>
    %dma_start3A_4 = arith.constant 0 : i32
    %dma_start3A_5 = arith.constant 0 : i32
    %dma_start3A_6 = tpu.memref_slice %arg2[%dma_start3A_4, %dma_start3A_5] : memref<1024x384xi32, #tpu.memory_space<hbm>> -> memref<1024x384xi32, #tpu.memory_space<hbm>>
    tpu.enqueue_indirect_dma source(%dma_start3A_6 : memref<1024x384xi32, #tpu.memory_space<hbm>>) target(%arg6 : memref<128x384xi32, #tpu.memory_space<vmem>>) offsets(%dma_start3A_3 : memref<128xi32, #tpu.memory_space<vmem>>) semaphore(%arg8 : memref<!tpu.dma_semaphore, #tpu.memory_space<semaphore_mem>>)
    %dma_start3A_7 = arith.constant 128 : i32
    %dma_start3A_8 = tpu.memref_slice %arg5[%dma_start3A_7] : memref<512xi32, #tpu.memory_space<vmem>> -> memref<128xi32, #tpu.memory_space<vmem>>
    %dma_start3A_9 = arith.constant 0 : i32
    %dma_start3A_10 = arith.constant 0 : i32
    %dma_start3A_11 = tpu.memref_slice %arg2[%dma_start3A_9, %dma_start3A_10] : memref<1024x384xi32, #tpu.memory_space<hbm>> -> memref<1024x384xi32, #tpu.memory_space<hbm>>
    tpu.enqueue_indirect_dma source(%dma_start3A_11 : memref<1024x384xi32, #tpu.memory_space<hbm>>) target(%arg7 : memref<128x384xi32, #tpu.memory_space<vmem>>) offsets(%dma_start3A_8 : memref<128xi32, #tpu.memory_space<vmem>>) semaphore(%arg9 : memref<!tpu.dma_semaphore, #tpu.memory_space<semaphore_mem>>)
    %dma_wait3A = arith.constant 0 : i32
    %dma_wait3A_12 = tpu.memref_slice %arg5[%dma_wait3A] : memref<512xi32, #tpu.memory_space<vmem>> -> memref<128xi32, #tpu.memory_space<vmem>>
    %dma_wait3A_13 = arith.constant 0 : i32
    %dma_wait3A_14 = arith.constant 0 : i32
    %dma_wait3A_15 = tpu.memref_slice %arg2[%dma_wait3A_13, %dma_wait3A_14] : memref<1024x384xi32, #tpu.memory_space<hbm>> -> memref<1024x384xi32, #tpu.memory_space<hbm>>
    tpu.wait_indirect_dma semaphore(%arg8 : memref<!tpu.dma_semaphore, #tpu.memory_space<semaphore_mem>>) src(%dma_wait3A_15 : memref<1024x384xi32, #tpu.memory_space<hbm>>) dst(%arg6 : memref<128x384xi32, #tpu.memory_space<vmem>>)
    %add3A_16 = arith.constant 0 : i32
    %add3A_17 = arith.addi %mul3A_2, %add3A_16 : i32
    "tpu.region"() ({
      %run_scoped3A = tpu.sem_alloc : memref<!tpu.dma_semaphore, #tpu.memory_space<semaphore_mem>>
      %dma_start3A_49 = arith.constant 0 : i32
      %dma_start3A_50 = tpu.memref_slice %arg4[%add3A_17, %dma_start3A_49] : memref<16384x384xi32, #tpu.memory_space<hbm>> -> memref<128x384xi32, #tpu.memory_space<hbm>>
      %dma_start3A_51 = arith.constant 0 : i32
      %dma_start3A_52 = tpu.memref_slice %arg4[%add3A_17, %dma_start3A_51] : memref<16384x384xi32, #tpu.memory_space<hbm>> -> memref<128x384xi32, #tpu.memory_space<hbm>>
      tpu.enqueue_dma source(%arg6 : memref<128x384xi32, #tpu.memory_space<vmem>>) target(%dma_start3A_52 : memref<128x384xi32, #tpu.memory_space<hbm>>) target_semaphore(%run_scoped3A : memref<!tpu.dma_semaphore, #tpu.memory_space<semaphore_mem>>)
      %dma_wait3A_53 = arith.constant 0 : i32
      %dma_wait3A_54 = tpu.memref_slice %arg4[%add3A_17, %dma_wait3A_53] : memref<16384x384xi32, #tpu.memory_space<hbm>> -> memref<128x384xi32, #tpu.memory_space<hbm>>
      %dma_wait3A_55 = arith.constant 0 : i32
      %dma_wait3A_56 = tpu.memref_slice %arg4[%add3A_17, %dma_wait3A_55] : memref<16384x384xi32, #tpu.memory_space<hbm>> -> memref<128x384xi32, #tpu.memory_space<hbm>>
      tpu.wait_dma2 semaphore(%run_scoped3A : memref<!tpu.dma_semaphore, #tpu.memory_space<semaphore_mem>>) src(%arg6 : memref<128x384xi32, #tpu.memory_space<vmem>>) dst(%dma_wait3A_56 : memref<128x384xi32, #tpu.memory_space<hbm>>)
      tpu.yield
    }) : () -> ()
    %dma_start3A_18 = arith.constant 256 : i32
    %dma_start3A_19 = tpu.memref_slice %arg5[%dma_start3A_18] : memref<512xi32, #tpu.memory_space<vmem>> -> memref<128xi32, #tpu.memory_space<vmem>>
    %dma_start3A_20 = arith.constant 0 : i32
    %dma_start3A_21 = arith.constant 0 : i32
    %dma_start3A_22 = tpu.memref_slice %arg2[%dma_start3A_20, %dma_start3A_21] : memref<1024x384xi32, #tpu.memory_space<hbm>> -> memref<1024x384xi32, #tpu.memory_space<hbm>>
    tpu.enqueue_indirect_dma source(%dma_start3A_22 : memref<1024x384xi32, #tpu.memory_space<hbm>>) target(%arg6 : memref<128x384xi32, #tpu.memory_space<vmem>>) offsets(%dma_start3A_19 : memref<128xi32, #tpu.memory_space<vmem>>) semaphore(%arg8 : memref<!tpu.dma_semaphore, #tpu.memory_space<semaphore_mem>>)
    %dma_wait3A_23 = arith.constant 128 : i32
    %dma_wait3A_24 = tpu.memref_slice %arg5[%dma_wait3A_23] : memref<512xi32, #tpu.memory_space<vmem>> -> memref<128xi32, #tpu.memory_space<vmem>>
    %dma_wait3A_25 = arith.constant 0 : i32
    %dma_wait3A_26 = arith.constant 0 : i32
    %dma_wait3A_27 = tpu.memref_slice %arg2[%dma_wait3A_25, %dma_wait3A_26] : memref<1024x384xi32, #tpu.memory_space<hbm>> -> memref<1024x384xi32, #tpu.memory_space<hbm>>
    tpu.wait_indirect_dma semaphore(%arg9 : memref<!tpu.dma_semaphore, #tpu.memory_space<semaphore_mem>>) src(%dma_wait3A_27 : memref<1024x384xi32, #tpu.memory_space<hbm>>) dst(%arg7 : memref<128x384xi32, #tpu.memory_space<vmem>>)
    %add3A_28 = arith.constant 128 : i32
    %add3A_29 = arith.addi %mul3A_2, %add3A_28 : i32
    "tpu.region"() ({
      %run_scoped3A = tpu.sem_alloc : memref<!tpu.dma_semaphore, #tpu.memory_space<semaphore_mem>>
      %dma_start3A_49 = arith.constant 0 : i32
      %dma_start3A_50 = tpu.memref_slice %arg4[%add3A_29, %dma_start3A_49] : memref<16384x384xi32, #tpu.memory_space<hbm>> -> memref<128x384xi32, #tpu.memory_space<hbm>>
      %dma_start3A_51 = arith.constant 0 : i32
      %dma_start3A_52 = tpu.memref_slice %arg4[%add3A_29, %dma_start3A_51] : memref<16384x384xi32, #tpu.memory_space<hbm>> -> memref<128x384xi32, #tpu.memory_space<hbm>>
      tpu.enqueue_dma source(%arg7 : memref<128x384xi32, #tpu.memory_space<vmem>>) target(%dma_start3A_52 : memref<128x384xi32, #tpu.memory_space<hbm>>) target_semaphore(%run_scoped3A : memref<!tpu.dma_semaphore, #tpu.memory_space<semaphore_mem>>)
      %dma_wait3A_53 = arith.constant 0 : i32
      %dma_wait3A_54 = tpu.memref_slice %arg4[%add3A_29, %dma_wait3A_53] : memref<16384x384xi32, #tpu.memory_space<hbm>> -> memref<128x384xi32, #tpu.memory_space<hbm>>
      %dma_wait3A_55 = arith.constant 0 : i32
      %dma_wait3A_56 = tpu.memref_slice %arg4[%add3A_29, %dma_wait3A_55] : memref<16384x384xi32, #tpu.memory_space<hbm>> -> memref<128x384xi32, #tpu.memory_space<hbm>>
      tpu.wait_dma2 semaphore(%run_scoped3A : memref<!tpu.dma_semaphore, #tpu.memory_space<semaphore_mem>>) src(%arg7 : memref<128x384xi32, #tpu.memory_space<vmem>>) dst(%dma_wait3A_56 : memref<128x384xi32, #tpu.memory_space<hbm>>)
      tpu.yield
    }) : () -> ()
    %dma_start3A_30 = arith.constant 384 : i32
    %dma_start3A_31 = tpu.memref_slice %arg5[%dma_start3A_30] : memref<512xi32, #tpu.memory_space<vmem>> -> memref<128xi32, #tpu.memory_space<vmem>>
    %dma_start3A_32 = arith.constant 0 : i32
    %dma_start3A_33 = arith.constant 0 : i32
    %dma_start3A_34 = tpu.memref_slice %arg2[%dma_start3A_32, %dma_start3A_33] : memref<1024x384xi32, #tpu.memory_space<hbm>> -> memref<1024x384xi32, #tpu.memory_space<hbm>>
    tpu.enqueue_indirect_dma source(%dma_start3A_34 : memref<1024x384xi32, #tpu.memory_space<hbm>>) target(%arg7 : memref<128x384xi32, #tpu.memory_space<vmem>>) offsets(%dma_start3A_31 : memref<128xi32, #tpu.memory_space<vmem>>) semaphore(%arg9 : memref<!tpu.dma_semaphore, #tpu.memory_space<semaphore_mem>>)
    %dma_wait3A_35 = arith.constant 256 : i32
    %dma_wait3A_36 = tpu.memref_slice %arg5[%dma_wait3A_35] : memref<512xi32, #tpu.memory_space<vmem>> -> memref<128xi32, #tpu.memory_space<vmem>>
    %dma_wait3A_37 = arith.constant 0 : i32
    %dma_wait3A_38 = arith.constant 0 : i32
    %dma_wait3A_39 = tpu.memref_slice %arg2[%dma_wait3A_37, %dma_wait3A_38] : memref<1024x384xi32, #tpu.memory_space<hbm>> -> memref<1024x384xi32, #tpu.memory_space<hbm>>
    tpu.wait_indirect_dma semaphore(%arg8 : memref<!tpu.dma_semaphore, #tpu.memory_space<semaphore_mem>>) src(%dma_wait3A_39 : memref<1024x384xi32, #tpu.memory_space<hbm>>) dst(%arg6 : memref<128x384xi32, #tpu.memory_space<vmem>>)
    %add3A_40 = arith.constant 256 : i32
    %add3A_41 = arith.addi %mul3A_2, %add3A_40 : i32
    "tpu.region"() ({
      %run_scoped3A = tpu.sem_alloc : memref<!tpu.dma_semaphore, #tpu.memory_space<semaphore_mem>>
      %dma_start3A_49 = arith.constant 0 : i32
      %dma_start3A_50 = tpu.memref_slice %arg4[%add3A_41, %dma_start3A_49] : memref<16384x384xi32, #tpu.memory_space<hbm>> -> memref<128x384xi32, #tpu.memory_space<hbm>>
      %dma_start3A_51 = arith.constant 0 : i32
      %dma_start3A_52 = tpu.memref_slice %arg4[%add3A_41, %dma_start3A_51] : memref<16384x384xi32, #tpu.memory_space<hbm>> -> memref<128x384xi32, #tpu.memory_space<hbm>>
      tpu.enqueue_dma source(%arg6 : memref<128x384xi32, #tpu.memory_space<vmem>>) target(%dma_start3A_52 : memref<128x384xi32, #tpu.memory_space<hbm>>) target_semaphore(%run_scoped3A : memref<!tpu.dma_semaphore, #tpu.memory_space<semaphore_mem>>)
      %dma_wait3A_53 = arith.constant 0 : i32
      %dma_wait3A_54 = tpu.memref_slice %arg4[%add3A_41, %dma_wait3A_53] : memref<16384x384xi32, #tpu.memory_space<hbm>> -> memref<128x384xi32, #tpu.memory_space<hbm>>
      %dma_wait3A_55 = arith.constant 0 : i32
      %dma_wait3A_56 = tpu.memref_slice %arg4[%add3A_41, %dma_wait3A_55] : memref<16384x384xi32, #tpu.memory_space<hbm>> -> memref<128x384xi32, #tpu.memory_space<hbm>>
      tpu.wait_dma2 semaphore(%run_scoped3A : memref<!tpu.dma_semaphore, #tpu.memory_space<semaphore_mem>>) src(%arg6 : memref<128x384xi32, #tpu.memory_space<vmem>>) dst(%dma_wait3A_56 : memref<128x384xi32, #tpu.memory_space<hbm>>)
      tpu.yield
    }) : () -> ()
    %dma_wait3A_42 = arith.constant 384 : i32
    %dma_wait3A_43 = tpu.memref_slice %arg5[%dma_wait3A_42] : memref<512xi32, #tpu.memory_space<vmem>> -> memref<128xi32, #tpu.memory_space<vmem>>
    %dma_wait3A_44 = arith.constant 0 : i32
    %dma_wait3A_45 = arith.constant 0 : i32
    %dma_wait3A_46 = tpu.memref_slice %arg2[%dma_wait3A_44, %dma_wait3A_45] : memref<1024x384xi32, #tpu.memory_space<hbm>> -> memref<1024x384xi32, #tpu.memory_space<hbm>>
    tpu.wait_indirect_dma semaphore(%arg9 : memref<!tpu.dma_semaphore, #tpu.memory_space<semaphore_mem>>) src(%dma_wait3A_46 : memref<1024x384xi32, #tpu.memory_space<hbm>>) dst(%arg7 : memref<128x384xi32, #tpu.memory_space<vmem>>)
    %add3A_47 = arith.constant 384 : i32
    %add3A_48 = arith.addi %mul3A_2, %add3A_47 : i32
    "tpu.region"() ({
      %run_scoped3A = tpu.sem_alloc : memref<!tpu.dma_semaphore, #tpu.memory_space<semaphore_mem>>
      %dma_start3A_49 = arith.constant 0 : i32
      %dma_start3A_50 = tpu.memref_slice %arg4[%add3A_48, %dma_start3A_49] : memref<16384x384xi32, #tpu.memory_space<hbm>> -> memref<128x384xi32, #tpu.memory_space<hbm>>
      %dma_start3A_51 = arith.constant 0 : i32
      %dma_start3A_52 = tpu.memref_slice %arg4[%add3A_48, %dma_start3A_51] : memref<16384x384xi32, #tpu.memory_space<hbm>> -> memref<128x384xi32, #tpu.memory_space<hbm>>
      tpu.enqueue_dma source(%arg7 : memref<128x384xi32, #tpu.memory_space<vmem>>) target(%dma_start3A_52 : memref<128x384xi32, #tpu.memory_space<hbm>>) target_semaphore(%run_scoped3A : memref<!tpu.dma_semaphore, #tpu.memory_space<semaphore_mem>>)
      %dma_wait3A_53 = arith.constant 0 : i32
      %dma_wait3A_54 = tpu.memref_slice %arg4[%add3A_48, %dma_wait3A_53] : memref<16384x384xi32, #tpu.memory_space<hbm>> -> memref<128x384xi32, #tpu.memory_space<hbm>>
      %dma_wait3A_55 = arith.constant 0 : i32
      %dma_wait3A_56 = tpu.memref_slice %arg4[%add3A_48, %dma_wait3A_55] : memref<16384x384xi32, #tpu.memory_space<hbm>> -> memref<128x384xi32, #tpu.memory_space<hbm>>
      tpu.wait_dma2 semaphore(%run_scoped3A : memref<!tpu.dma_semaphore, #tpu.memory_space<semaphore_mem>>) src(%arg7 : memref<128x384xi32, #tpu.memory_space<vmem>>) dst(%dma_wait3A_56 : memref<128x384xi32, #tpu.memory_space<hbm>>)
      tpu.yield
    }) : () -> ()
    return
  }
}

#map = affine_map<(d0, d1) -> (0, 0)>
#map1 = affine_map<(d0, d1) -> (0)>
module attributes {stable_mosaic.version = 14 : i64} {
  func.func @_gather_body(%arg0: i32, %arg1: i32, %arg2: memref<1024x384xi32, #tpu.memory_space<hbm>>, %arg3: memref<16384xi32, #tpu.memory_space<hbm>>, %arg4: memref<16384x384xi32, #tpu.memory_space<hbm>>, %arg5: memref<512xi32, #tpu.memory_space<vmem>>, %arg6: memref<128x384xi32, #tpu.memory_space<vmem>>, %arg7: memref<128x384xi32, #tpu.memory_space<vmem>>, %arg8: memref<!tpu.dma_semaphore, #tpu.memory_space<semaphore_mem>>, %arg9: memref<!tpu.dma_semaphore, #tpu.memory_space<semaphore_mem>>) attributes {dimension_semantics = [#tpu.dimension_semantics<core_parallel>, #tpu.dimension_semantics<subcore_parallel>], iteration_bounds = array<i64: 2, 16>, scalar_prefetch = 0 : i64, scratch_operands = 5 : i64, tpu.core_type = #tpu.core_type<sc_vector_subcore>, window_params = [{transform_indices = #map}, {transform_indices = #map1}, {transform_indices = #map}]} {
    %mul3A = arith.constant 2 : i32
    %mul3A_0 = arith.muli %arg1, %mul3A : i32
    %add3A = arith.addi %mul3A_0, %arg0 : i32
    %mul3A_1 = arith.constant 512 : i32
    %mul3A_2 = arith.muli %add3A, %mul3A_1 : i32
    "tpu.region"() ({
      %run_scoped3A = tpu.sem_alloc : memref<!tpu.dma_semaphore, #tpu.memory_space<semaphore_mem>>
      %dma_start3A_49 = tpu.memref_slice %arg3[%mul3A_2] : memref<16384xi32, #tpu.memory_space<hbm>> -> memref<512xi32, #tpu.memory_space<hbm>>
      %dma_start3A_50 = tpu.memref_slice %arg3[%mul3A_2] : memref<16384xi32, #tpu.memory_space<hbm>> -> memref<512xi32, #tpu.memory_space<hbm>>
      tpu.enqueue_dma source(%dma_start3A_50 : memref<512xi32, #tpu.memory_space<hbm>>) target(%arg5 : memref<512xi32, #tpu.memory_space<vmem>>) target_semaphore(%run_scoped3A : memref<!tpu.dma_semaphore, #tpu.memory_space<semaphore_mem>>)
      %dma_wait3A_51 = tpu.memref_slice %arg3[%mul3A_2] : memref<16384xi32, #tpu.memory_space<hbm>> -> memref<512xi32, #tpu.memory_space<hbm>>
      %dma_wait3A_52 = tpu.memref_slice %arg3[%mul3A_2] : memref<16384xi32, #tpu.memory_space<hbm>> -> memref<512xi32, #tpu.memory_space<hbm>>
      tpu.wait_dma2 semaphore(%run_scoped3A : memref<!tpu.dma_semaphore, #tpu.memory_space<semaphore_mem>>) src(%dma_wait3A_52 : memref<512xi32, #tpu.memory_space<hbm>>) dst(%arg5 : memref<512xi32, #tpu.memory_space<vmem>>)
      tpu.yield
    }) : () -> ()
    %dma_start3A = arith.constant 0 : i32
    %dma_start3A_3 = tpu.memref_slice %arg5[%dma_start3A] : memref<512xi32, #tpu.memory_space<vmem>> -> memref<128xi32, #tpu.memory_space<vmem>>
    %dma_start3A_4 = arith.constant 0 : i32
    %dma_start3A_5 = arith.constant 0 : i32
    %dma_start3A_6 = tpu.memref_slice %arg2[%dma_start3A_4, %dma_start3A_5] : memref<1024x384xi32, #tpu.memory_space<hbm>> -> memref<1024x384xi32, #tpu.memory_space<hbm>>
    tpu.enqueue_indirect_dma source(%dma_start3A_6 : memref<1024x384xi32, #tpu.memory_space<hbm>>) target(%arg6 : memref<128x384xi32, #tpu.memory_space<vmem>>) offsets(%dma_start3A_3 : memref<128xi32, #tpu.memory_space<vmem>>) semaphore(%arg8 : memref<!tpu.dma_semaphore, #tpu.memory_space<semaphore_mem>>)
    %dma_start3A_7 = arith.constant 128 : i32
    %dma_start3A_8 = tpu.memref_slice %arg5[%dma_start3A_7] : memref<512xi32, #tpu.memory_space<vmem>> -> memref<128xi32, #tpu.memory_space<vmem>>
    %dma_start3A_9 = arith.constant 0 : i32
    %dma_start3A_10 = arith.constant 0 : i32
    %dma_start3A_11 = tpu.memref_slice %arg2[%dma_start3A_9, %dma_start3A_10] : memref<1024x384xi32, #tpu.memory_space<hbm>> -> memref<1024x384xi32, #tpu.memory_space<hbm>>
    tpu.enqueue_indirect_dma source(%dma_start3A_11 : memref<1024x384xi32, #tpu.memory_space<hbm>>) target(%arg7 : memref<128x384xi32, #tpu.memory_space<vmem>>) offsets(%dma_start3A_8 : memref<128xi32, #tpu.memory_space<vmem>>) semaphore(%arg9 : memref<!tpu.dma_semaphore, #tpu.memory_space<semaphore_mem>>)
    %dma_wait3A = arith.constant 0 : i32
    %dma_wait3A_12 = tpu.memref_slice %arg5[%dma_wait3A] : memref<512xi32, #tpu.memory_space<vmem>> -> memref<128xi32, #tpu.memory_space<vmem>>
    %dma_wait3A_13 = arith.constant 0 : i32
    %dma_wait3A_14 = arith.constant 0 : i32
    %dma_wait3A_15 = tpu.memref_slice %arg2[%dma_wait3A_13, %dma_wait3A_14] : memref<1024x384xi32, #tpu.memory_space<hbm>> -> memref<1024x384xi32, #tpu.memory_space<hbm>>
    tpu.wait_indirect_dma semaphore(%arg8 : memref<!tpu.dma_semaphore, #tpu.memory_space<semaphore_mem>>) src(%dma_wait3A_15 : memref<1024x384xi32, #tpu.memory_space<hbm>>) dst(%arg6 : memref<128x384xi32, #tpu.memory_space<vmem>>)
    %add3A_16 = arith.constant 0 : i32
    %add3A_17 = arith.addi %mul3A_2, %add3A_16 : i32
    "tpu.region"() ({
      %run_scoped3A = tpu.sem_alloc : memref<!tpu.dma_semaphore, #tpu.memory_space<semaphore_mem>>
      %dma_start3A_49 = arith.constant 0 : i32
      %dma_start3A_50 = tpu.memref_slice %arg4[%add3A_17, %dma_start3A_49] : memref<16384x384xi32, #tpu.memory_space<hbm>> -> memref<128x384xi32, #tpu.memory_space<hbm>>
      %dma_start3A_51 = arith.constant 0 : i32
      %dma_start3A_52 = tpu.memref_slice %arg4[%add3A_17, %dma_start3A_51] : memref<16384x384xi32, #tpu.memory_space<hbm>> -> memref<128x384xi32, #tpu.memory_space<hbm>>
      tpu.enqueue_dma source(%arg6 : memref<128x384xi32, #tpu.memory_space<vmem>>) target(%dma_start3A_52 : memref<128x384xi32, #tpu.memory_space<hbm>>) target_semaphore(%run_scoped3A : memref<!tpu.dma_semaphore, #tpu.memory_space<semaphore_mem>>)
      %dma_wait3A_53 = arith.constant 0 : i32
      %dma_wait3A_54 = tpu.memref_slice %arg4[%add3A_17, %dma_wait3A_53] : memref<16384x384xi32, #tpu.memory_space<hbm>> -> memref<128x384xi32, #tpu.memory_space<hbm>>
      %dma_wait3A_55 = arith.constant 0 : i32
      %dma_wait3A_56 = tpu.memref_slice %arg4[%add3A_17, %dma_wait3A_55] : memref<16384x384xi32, #tpu.memory_space<hbm>> -> memref<128x384xi32, #tpu.memory_space<hbm>>
      tpu.wait_dma2 semaphore(%run_scoped3A : memref<!tpu.dma_semaphore, #tpu.memory_space<semaphore_mem>>) src(%arg6 : memref<128x384xi32, #tpu.memory_space<vmem>>) dst(%dma_wait3A_56 : memref<128x384xi32, #tpu.memory_space<hbm>>)
      tpu.yield
    }) : () -> ()
    %dma_start3A_18 = arith.constant 256 : i32
    %dma_start3A_19 = tpu.memref_slice %arg5[%dma_start3A_18] : memref<512xi32, #tpu.memory_space<vmem>> -> memref<128xi32, #tpu.memory_space<vmem>>
    %dma_start3A_20 = arith.constant 0 : i32
    %dma_start3A_21 = arith.constant 0 : i32
    %dma_start3A_22 = tpu.memref_slice %arg2[%dma_start3A_20, %dma_start3A_21] : memref<1024x384xi32, #tpu.memory_space<hbm>> -> memref<1024x384xi32, #tpu.memory_space<hbm>>
    tpu.enqueue_indirect_dma source(%dma_start3A_22 : memref<1024x384xi32, #tpu.memory_space<hbm>>) target(%arg6 : memref<128x384xi32, #tpu.memory_space<vmem>>) offsets(%dma_start3A_19 : memref<128xi32, #tpu.memory_space<vmem>>) semaphore(%arg8 : memref<!tpu.dma_semaphore, #tpu.memory_space<semaphore_mem>>)
    %dma_wait3A_23 = arith.constant 128 : i32
    %dma_wait3A_24 = tpu.memref_slice %arg5[%dma_wait3A_23] : memref<512xi32, #tpu.memory_space<vmem>> -> memref<128xi32, #tpu.memory_space<vmem>>
    %dma_wait3A_25 = arith.constant 0 : i32
    %dma_wait3A_26 = arith.constant 0 : i32
    %dma_wait3A_27 = tpu.memref_slice %arg2[%dma_wait3A_25, %dma_wait3A_26] : memref<1024x384xi32, #tpu.memory_space<hbm>> -> memref<1024x384xi32, #tpu.memory_space<hbm>>
    tpu.wait_indirect_dma semaphore(%arg9 : memref<!tpu.dma_semaphore, #tpu.memory_space<semaphore_mem>>) src(%dma_wait3A_27 : memref<1024x384xi32, #tpu.memory_space<hbm>>) dst(%arg7 : memref<128x384xi32, #tpu.memory_space<vmem>>)
    %add3A_28 = arith.constant 128 : i32
    %add3A_29 = arith.addi %mul3A_2, %add3A_28 : i32
    "tpu.region"() ({
      %run_scoped3A = tpu.sem_alloc : memref<!tpu.dma_semaphore, #tpu.memory_space<semaphore_mem>>
      %dma_start3A_49 = arith.constant 0 : i32
      %dma_start3A_50 = tpu.memref_slice %arg4[%add3A_29, %dma_start3A_49] : memref<16384x384xi32, #tpu.memory_space<hbm>> -> memref<128x384xi32, #tpu.memory_space<hbm>>
      %dma_start3A_51 = arith.constant 0 : i32
      %dma_start3A_52 = tpu.memref_slice %arg4[%add3A_29, %dma_start3A_51] : memref<16384x384xi32, #tpu.memory_space<hbm>> -> memref<128x384xi32, #tpu.memory_space<hbm>>
      tpu.enqueue_dma source(%arg7 : memref<128x384xi32, #tpu.memory_space<vmem>>) target(%dma_start3A_52 : memref<128x384xi32, #tpu.memory_space<hbm>>) target_semaphore(%run_scoped3A : memref<!tpu.dma_semaphore, #tpu.memory_space<semaphore_mem>>)
      %dma_wait3A_53 = arith.constant 0 : i32
      %dma_wait3A_54 = tpu.memref_slice %arg4[%add3A_29, %dma_wait3A_53] : memref<16384x384xi32, #tpu.memory_space<hbm>> -> memref<128x384xi32, #tpu.memory_space<hbm>>
      %dma_wait3A_55 = arith.constant 0 : i32
      %dma_wait3A_56 = tpu.memref_slice %arg4[%add3A_29, %dma_wait3A_55] : memref<16384x384xi32, #tpu.memory_space<hbm>> -> memref<128x384xi32, #tpu.memory_space<hbm>>
      tpu.wait_dma2 semaphore(%run_scoped3A : memref<!tpu.dma_semaphore, #tpu.memory_space<semaphore_mem>>) src(%arg7 : memref<128x384xi32, #tpu.memory_space<vmem>>) dst(%dma_wait3A_56 : memref<128x384xi32, #tpu.memory_space<hbm>>)
      tpu.yield
    }) : () -> ()
    %dma_start3A_30 = arith.constant 384 : i32
    %dma_start3A_31 = tpu.memref_slice %arg5[%dma_start3A_30] : memref<512xi32, #tpu.memory_space<vmem>> -> memref<128xi32, #tpu.memory_space<vmem>>
    %dma_start3A_32 = arith.constant 0 : i32
    %dma_start3A_33 = arith.constant 0 : i32
    %dma_start3A_34 = tpu.memref_slice %arg2[%dma_start3A_32, %dma_start3A_33] : memref<1024x384xi32, #tpu.memory_space<hbm>> -> memref<1024x384xi32, #tpu.memory_space<hbm>>
    tpu.enqueue_indirect_dma source(%dma_start3A_34 : memref<1024x384xi32, #tpu.memory_space<hbm>>) target(%arg7 : memref<128x384xi32, #tpu.memory_space<vmem>>) offsets(%dma_start3A_31 : memref<128xi32, #tpu.memory_space<vmem>>) semaphore(%arg9 : memref<!tpu.dma_semaphore, #tpu.memory_space<semaphore_mem>>)
    %dma_wait3A_35 = arith.constant 256 : i32
    %dma_wait3A_36 = tpu.memref_slice %arg5[%dma_wait3A_35] : memref<512xi32, #tpu.memory_space<vmem>> -> memref<128xi32, #tpu.memory_space<vmem>>
    %dma_wait3A_37 = arith.constant 0 : i32
    %dma_wait3A_38 = arith.constant 0 : i32
    %dma_wait3A_39 = tpu.memref_slice %arg2[%dma_wait3A_37, %dma_wait3A_38] : memref<1024x384xi32, #tpu.memory_space<hbm>> -> memref<1024x384xi32, #tpu.memory_space<hbm>>
    tpu.wait_indirect_dma semaphore(%arg8 : memref<!tpu.dma_semaphore, #tpu.memory_space<semaphore_mem>>) src(%dma_wait3A_39 : memref<1024x384xi32, #tpu.memory_space<hbm>>) dst(%arg6 : memref<128x384xi32, #tpu.memory_space<vmem>>)
    %add3A_40 = arith.constant 256 : i32
    %add3A_41 = arith.addi %mul3A_2, %add3A_40 : i32
    "tpu.region"() ({
      %run_scoped3A = tpu.sem_alloc : memref<!tpu.dma_semaphore, #tpu.memory_space<semaphore_mem>>
      %dma_start3A_49 = arith.constant 0 : i32
      %dma_start3A_50 = tpu.memref_slice %arg4[%add3A_41, %dma_start3A_49] : memref<16384x384xi32, #tpu.memory_space<hbm>> -> memref<128x384xi32, #tpu.memory_space<hbm>>
      %dma_start3A_51 = arith.constant 0 : i32
      %dma_start3A_52 = tpu.memref_slice %arg4[%add3A_41, %dma_start3A_51] : memref<16384x384xi32, #tpu.memory_space<hbm>> -> memref<128x384xi32, #tpu.memory_space<hbm>>
      tpu.enqueue_dma source(%arg6 : memref<128x384xi32, #tpu.memory_space<vmem>>) target(%dma_start3A_52 : memref<128x384xi32, #tpu.memory_space<hbm>>) target_semaphore(%run_scoped3A : memref<!tpu.dma_semaphore, #tpu.memory_space<semaphore_mem>>)
      %dma_wait3A_53 = arith.constant 0 : i32
      %dma_wait3A_54 = tpu.memref_slice %arg4[%add3A_41, %dma_wait3A_53] : memref<16384x384xi32, #tpu.memory_space<hbm>> -> memref<128x384xi32, #tpu.memory_space<hbm>>
      %dma_wait3A_55 = arith.constant 0 : i32
      %dma_wait3A_56 = tpu.memref_slice %arg4[%add3A_41, %dma_wait3A_55] : memref<16384x384xi32, #tpu.memory_space<hbm>> -> memref<128x384xi32, #tpu.memory_space<hbm>>
      tpu.wait_dma2 semaphore(%run_scoped3A : memref<!tpu.dma_semaphore, #tpu.memory_space<semaphore_mem>>) src(%arg6 : memref<128x384xi32, #tpu.memory_space<vmem>>) dst(%dma_wait3A_56 : memref<128x384xi32, #tpu.memory_space<hbm>>)
      tpu.yield
    }) : () -> ()
    %dma_wait3A_42 = arith.constant 384 : i32
    %dma_wait3A_43 = tpu.memref_slice %arg5[%dma_wait3A_42] : memref<512xi32, #tpu.memory_space<vmem>> -> memref<128xi32, #tpu.memory_space<vmem>>
    %dma_wait3A_44 = arith.constant 0 : i32
    %dma_wait3A_45 = arith.constant 0 : i32
    %dma_wait3A_46 = tpu.memref_slice %arg2[%dma_wait3A_44, %dma_wait3A_45] : memref<1024x384xi32, #tpu.memory_space<hbm>> -> memref<1024x384xi32, #tpu.memory_space<hbm>>
    tpu.wait_indirect_dma semaphore(%arg9 : memref<!tpu.dma_semaphore, #tpu.memory_space<semaphore_mem>>) src(%dma_wait3A_46 : memref<1024x384xi32, #tpu.memory_space<hbm>>) dst(%arg7 : memref<128x384xi32, #tpu.memory_space<vmem>>)
    %add3A_47 = arith.constant 384 : i32
    %add3A_48 = arith.addi %mul3A_2, %add3A_47 : i32
    "tpu.region"() ({
      %run_scoped3A = tpu.sem_alloc : memref<!tpu.dma_semaphore, #tpu.memory_space<semaphore_mem>>
      %dma_start3A_49 = arith.constant 0 : i32
      %dma_start3A_50 = tpu.memref_slice %arg4[%add3A_48, %dma_start3A_49] : memref<16384x384xi32, #tpu.memory_space<hbm>> -> memref<128x384xi32, #tpu.memory_space<hbm>>
      %dma_start3A_51 = arith.constant 0 : i32
      %dma_start3A_52 = tpu.memref_slice %arg4[%add3A_48, %dma_start3A_51] : memref<16384x384xi32, #tpu.memory_space<hbm>> -> memref<128x384xi32, #tpu.memory_space<hbm>>
      tpu.enqueue_dma source(%arg7 : memref<128x384xi32, #tpu.memory_space<vmem>>) target(%dma_start3A_52 : memref<128x384xi32, #tpu.memory_space<hbm>>) target_semaphore(%run_scoped3A : memref<!tpu.dma_semaphore, #tpu.memory_space<semaphore_mem>>)
      %dma_wait3A_53 = arith.constant 0 : i32
      %dma_wait3A_54 = tpu.memref_slice %arg4[%add3A_48, %dma_wait3A_53] : memref<16384x384xi32, #tpu.memory_space<hbm>> -> memref<128x384xi32, #tpu.memory_space<hbm>>
      %dma_wait3A_55 = arith.constant 0 : i32
      %dma_wait3A_56 = tpu.memref_slice %arg4[%add3A_48, %dma_wait3A_55] : memref<16384x384xi32, #tpu.memory_space<hbm>> -> memref<128x384xi32, #tpu.memory_space<hbm>>
      tpu.wait_dma2 semaphore(%run_scoped3A : memref<!tpu.dma_semaphore, #tpu.memory_space<semaphore_mem>>) src(%arg7 : memref<128x384xi32, #tpu.memory_space<vmem>>) dst(%dma_wait3A_56 : memref<128x384xi32, #tpu.memory_space<hbm>>)
      tpu.yield
    }) : () -> ()
    return
  }
}

#map = affine_map<(d0, d1) -> (0, 0)>
#map1 = affine_map<(d0, d1) -> (0)>
module attributes {stable_mosaic.version = 14 : i64} {
  func.func @_gather_body(%arg0: i32, %arg1: i32, %arg2: memref<1024x384xi32, #tpu.memory_space<hbm>>, %arg3: memref<16384xi32, #tpu.memory_space<hbm>>, %arg4: memref<16384x384xi32, #tpu.memory_space<hbm>>, %arg5: memref<512xi32, #tpu.memory_space<vmem>>, %arg6: memref<128x384xi32, #tpu.memory_space<vmem>>, %arg7: memref<128x384xi32, #tpu.memory_space<vmem>>, %arg8: memref<!tpu.dma_semaphore, #tpu.memory_space<semaphore_mem>>, %arg9: memref<!tpu.dma_semaphore, #tpu.memory_space<semaphore_mem>>) attributes {dimension_semantics = [#tpu.dimension_semantics<core_parallel>, #tpu.dimension_semantics<subcore_parallel>], iteration_bounds = array<i64: 2, 16>, scalar_prefetch = 0 : i64, scratch_operands = 5 : i64, tpu.core_type = #tpu.core_type<sc_vector_subcore>, window_params = [{transform_indices = #map}, {transform_indices = #map1}, {transform_indices = #map}]} {
    %mul3A = arith.constant 2 : i32
    %mul3A_0 = arith.muli %arg1, %mul3A : i32
    %add3A = arith.addi %mul3A_0, %arg0 : i32
    %mul3A_1 = arith.constant 512 : i32
    %mul3A_2 = arith.muli %add3A, %mul3A_1 : i32
    "tpu.region"() ({
      %run_scoped3A = tpu.sem_alloc : memref<!tpu.dma_semaphore, #tpu.memory_space<semaphore_mem>>
      %dma_start3A_49 = tpu.memref_slice %arg3[%mul3A_2] : memref<16384xi32, #tpu.memory_space<hbm>> -> memref<512xi32, #tpu.memory_space<hbm>>
      %dma_start3A_50 = tpu.memref_slice %arg3[%mul3A_2] : memref<16384xi32, #tpu.memory_space<hbm>> -> memref<512xi32, #tpu.memory_space<hbm>>
      tpu.enqueue_dma source(%dma_start3A_50 : memref<512xi32, #tpu.memory_space<hbm>>) target(%arg5 : memref<512xi32, #tpu.memory_space<vmem>>) target_semaphore(%run_scoped3A : memref<!tpu.dma_semaphore, #tpu.memory_space<semaphore_mem>>)
      %dma_wait3A_51 = tpu.memref_slice %arg3[%mul3A_2] : memref<16384xi32, #tpu.memory_space<hbm>> -> memref<512xi32, #tpu.memory_space<hbm>>
      %dma_wait3A_52 = tpu.memref_slice %arg3[%mul3A_2] : memref<16384xi32, #tpu.memory_space<hbm>> -> memref<512xi32, #tpu.memory_space<hbm>>
      tpu.wait_dma2 semaphore(%run_scoped3A : memref<!tpu.dma_semaphore, #tpu.memory_space<semaphore_mem>>) src(%dma_wait3A_52 : memref<512xi32, #tpu.memory_space<hbm>>) dst(%arg5 : memref<512xi32, #tpu.memory_space<vmem>>)
      tpu.yield
    }) : () -> ()
    %dma_start3A = arith.constant 0 : i32
    %dma_start3A_3 = tpu.memref_slice %arg5[%dma_start3A] : memref<512xi32, #tpu.memory_space<vmem>> -> memref<128xi32, #tpu.memory_space<vmem>>
    %dma_start3A_4 = arith.constant 0 : i32
    %dma_start3A_5 = arith.constant 0 : i32
    %dma_start3A_6 = tpu.memref_slice %arg2[%dma_start3A_4, %dma_start3A_5] : memref<1024x384xi32, #tpu.memory_space<hbm>> -> memref<1024x384xi32, #tpu.memory_space<hbm>>
    tpu.enqueue_indirect_dma source(%dma_start3A_6 : memref<1024x384xi32, #tpu.memory_space<hbm>>) target(%arg6 : memref<128x384xi32, #tpu.memory_space<vmem>>) offsets(%dma_start3A_3 : memref<128xi32, #tpu.memory_space<vmem>>) semaphore(%arg8 : memref<!tpu.dma_semaphore, #tpu.memory_space<semaphore_mem>>)
    %dma_start3A_7 = arith.constant 128 : i32
    %dma_start3A_8 = tpu.memref_slice %arg5[%dma_start3A_7] : memref<512xi32, #tpu.memory_space<vmem>> -> memref<128xi32, #tpu.memory_space<vmem>>
    %dma_start3A_9 = arith.constant 0 : i32
    %dma_start3A_10 = arith.constant 0 : i32
    %dma_start3A_11 = tpu.memref_slice %arg2[%dma_start3A_9, %dma_start3A_10] : memref<1024x384xi32, #tpu.memory_space<hbm>> -> memref<1024x384xi32, #tpu.memory_space<hbm>>
    tpu.enqueue_indirect_dma source(%dma_start3A_11 : memref<1024x384xi32, #tpu.memory_space<hbm>>) target(%arg7 : memref<128x384xi32, #tpu.memory_space<vmem>>) offsets(%dma_start3A_8 : memref<128xi32, #tpu.memory_space<vmem>>) semaphore(%arg9 : memref<!tpu.dma_semaphore, #tpu.memory_space<semaphore_mem>>)
    %dma_wait3A = arith.constant 0 : i32
    %dma_wait3A_12 = tpu.memref_slice %arg5[%dma_wait3A] : memref<512xi32, #tpu.memory_space<vmem>> -> memref<128xi32, #tpu.memory_space<vmem>>
    %dma_wait3A_13 = arith.constant 0 : i32
    %dma_wait3A_14 = arith.constant 0 : i32
    %dma_wait3A_15 = tpu.memref_slice %arg2[%dma_wait3A_13, %dma_wait3A_14] : memref<1024x384xi32, #tpu.memory_space<hbm>> -> memref<1024x384xi32, #tpu.memory_space<hbm>>
    tpu.wait_indirect_dma semaphore(%arg8 : memref<!tpu.dma_semaphore, #tpu.memory_space<semaphore_mem>>) src(%dma_wait3A_15 : memref<1024x384xi32, #tpu.memory_space<hbm>>) dst(%arg6 : memref<128x384xi32, #tpu.memory_space<vmem>>)
    %add3A_16 = arith.constant 0 : i32
    %add3A_17 = arith.addi %mul3A_2, %add3A_16 : i32
    "tpu.region"() ({
      %run_scoped3A = tpu.sem_alloc : memref<!tpu.dma_semaphore, #tpu.memory_space<semaphore_mem>>
      %dma_start3A_49 = arith.constant 0 : i32
      %dma_start3A_50 = tpu.memref_slice %arg4[%add3A_17, %dma_start3A_49] : memref<16384x384xi32, #tpu.memory_space<hbm>> -> memref<128x384xi32, #tpu.memory_space<hbm>>
      %dma_start3A_51 = arith.constant 0 : i32
      %dma_start3A_52 = tpu.memref_slice %arg4[%add3A_17, %dma_start3A_51] : memref<16384x384xi32, #tpu.memory_space<hbm>> -> memref<128x384xi32, #tpu.memory_space<hbm>>
      tpu.enqueue_dma source(%arg6 : memref<128x384xi32, #tpu.memory_space<vmem>>) target(%dma_start3A_52 : memref<128x384xi32, #tpu.memory_space<hbm>>) target_semaphore(%run_scoped3A : memref<!tpu.dma_semaphore, #tpu.memory_space<semaphore_mem>>)
      %dma_wait3A_53 = arith.constant 0 : i32
      %dma_wait3A_54 = tpu.memref_slice %arg4[%add3A_17, %dma_wait3A_53] : memref<16384x384xi32, #tpu.memory_space<hbm>> -> memref<128x384xi32, #tpu.memory_space<hbm>>
      %dma_wait3A_55 = arith.constant 0 : i32
      %dma_wait3A_56 = tpu.memref_slice %arg4[%add3A_17, %dma_wait3A_55] : memref<16384x384xi32, #tpu.memory_space<hbm>> -> memref<128x384xi32, #tpu.memory_space<hbm>>
      tpu.wait_dma2 semaphore(%run_scoped3A : memref<!tpu.dma_semaphore, #tpu.memory_space<semaphore_mem>>) src(%arg6 : memref<128x384xi32, #tpu.memory_space<vmem>>) dst(%dma_wait3A_56 : memref<128x384xi32, #tpu.memory_space<hbm>>)
      tpu.yield
    }) : () -> ()
    %dma_start3A_18 = arith.constant 256 : i32
    %dma_start3A_19 = tpu.memref_slice %arg5[%dma_start3A_18] : memref<512xi32, #tpu.memory_space<vmem>> -> memref<128xi32, #tpu.memory_space<vmem>>
    %dma_start3A_20 = arith.constant 0 : i32
    %dma_start3A_21 = arith.constant 0 : i32
    %dma_start3A_22 = tpu.memref_slice %arg2[%dma_start3A_20, %dma_start3A_21] : memref<1024x384xi32, #tpu.memory_space<hbm>> -> memref<1024x384xi32, #tpu.memory_space<hbm>>
    tpu.enqueue_indirect_dma source(%dma_start3A_22 : memref<1024x384xi32, #tpu.memory_space<hbm>>) target(%arg6 : memref<128x384xi32, #tpu.memory_space<vmem>>) offsets(%dma_start3A_19 : memref<128xi32, #tpu.memory_space<vmem>>) semaphore(%arg8 : memref<!tpu.dma_semaphore, #tpu.memory_space<semaphore_mem>>)
    %dma_wait3A_23 = arith.constant 128 : i32
    %dma_wait3A_24 = tpu.memref_slice %arg5[%dma_wait3A_23] : memref<512xi32, #tpu.memory_space<vmem>> -> memref<128xi32, #tpu.memory_space<vmem>>
    %dma_wait3A_25 = arith.constant 0 : i32
    %dma_wait3A_26 = arith.constant 0 : i32
    %dma_wait3A_27 = tpu.memref_slice %arg2[%dma_wait3A_25, %dma_wait3A_26] : memref<1024x384xi32, #tpu.memory_space<hbm>> -> memref<1024x384xi32, #tpu.memory_space<hbm>>
    tpu.wait_indirect_dma semaphore(%arg9 : memref<!tpu.dma_semaphore, #tpu.memory_space<semaphore_mem>>) src(%dma_wait3A_27 : memref<1024x384xi32, #tpu.memory_space<hbm>>) dst(%arg7 : memref<128x384xi32, #tpu.memory_space<vmem>>)
    %add3A_28 = arith.constant 128 : i32
    %add3A_29 = arith.addi %mul3A_2, %add3A_28 : i32
    "tpu.region"() ({
      %run_scoped3A = tpu.sem_alloc : memref<!tpu.dma_semaphore, #tpu.memory_space<semaphore_mem>>
      %dma_start3A_49 = arith.constant 0 : i32
      %dma_start3A_50 = tpu.memref_slice %arg4[%add3A_29, %dma_start3A_49] : memref<16384x384xi32, #tpu.memory_space<hbm>> -> memref<128x384xi32, #tpu.memory_space<hbm>>
      %dma_start3A_51 = arith.constant 0 : i32
      %dma_start3A_52 = tpu.memref_slice %arg4[%add3A_29, %dma_start3A_51] : memref<16384x384xi32, #tpu.memory_space<hbm>> -> memref<128x384xi32, #tpu.memory_space<hbm>>
      tpu.enqueue_dma source(%arg7 : memref<128x384xi32, #tpu.memory_space<vmem>>) target(%dma_start3A_52 : memref<128x384xi32, #tpu.memory_space<hbm>>) target_semaphore(%run_scoped3A : memref<!tpu.dma_semaphore, #tpu.memory_space<semaphore_mem>>)
      %dma_wait3A_53 = arith.constant 0 : i32
      %dma_wait3A_54 = tpu.memref_slice %arg4[%add3A_29, %dma_wait3A_53] : memref<16384x384xi32, #tpu.memory_space<hbm>> -> memref<128x384xi32, #tpu.memory_space<hbm>>
      %dma_wait3A_55 = arith.constant 0 : i32
      %dma_wait3A_56 = tpu.memref_slice %arg4[%add3A_29, %dma_wait3A_55] : memref<16384x384xi32, #tpu.memory_space<hbm>> -> memref<128x384xi32, #tpu.memory_space<hbm>>
      tpu.wait_dma2 semaphore(%run_scoped3A : memref<!tpu.dma_semaphore, #tpu.memory_space<semaphore_mem>>) src(%arg7 : memref<128x384xi32, #tpu.memory_space<vmem>>) dst(%dma_wait3A_56 : memref<128x384xi32, #tpu.memory_space<hbm>>)
      tpu.yield
    }) : () -> ()
    %dma_start3A_30 = arith.constant 384 : i32
    %dma_start3A_31 = tpu.memref_slice %arg5[%dma_start3A_30] : memref<512xi32, #tpu.memory_space<vmem>> -> memref<128xi32, #tpu.memory_space<vmem>>
    %dma_start3A_32 = arith.constant 0 : i32
    %dma_start3A_33 = arith.constant 0 : i32
    %dma_start3A_34 = tpu.memref_slice %arg2[%dma_start3A_32, %dma_start3A_33] : memref<1024x384xi32, #tpu.memory_space<hbm>> -> memref<1024x384xi32, #tpu.memory_space<hbm>>
    tpu.enqueue_indirect_dma source(%dma_start3A_34 : memref<1024x384xi32, #tpu.memory_space<hbm>>) target(%arg7 : memref<128x384xi32, #tpu.memory_space<vmem>>) offsets(%dma_start3A_31 : memref<128xi32, #tpu.memory_space<vmem>>) semaphore(%arg9 : memref<!tpu.dma_semaphore, #tpu.memory_space<semaphore_mem>>)
    %dma_wait3A_35 = arith.constant 256 : i32
    %dma_wait3A_36 = tpu.memref_slice %arg5[%dma_wait3A_35] : memref<512xi32, #tpu.memory_space<vmem>> -> memref<128xi32, #tpu.memory_space<vmem>>
    %dma_wait3A_37 = arith.constant 0 : i32
    %dma_wait3A_38 = arith.constant 0 : i32
    %dma_wait3A_39 = tpu.memref_slice %arg2[%dma_wait3A_37, %dma_wait3A_38] : memref<1024x384xi32, #tpu.memory_space<hbm>> -> memref<1024x384xi32, #tpu.memory_space<hbm>>
    tpu.wait_indirect_dma semaphore(%arg8 : memref<!tpu.dma_semaphore, #tpu.memory_space<semaphore_mem>>) src(%dma_wait3A_39 : memref<1024x384xi32, #tpu.memory_space<hbm>>) dst(%arg6 : memref<128x384xi32, #tpu.memory_space<vmem>>)
    %add3A_40 = arith.constant 256 : i32
    %add3A_41 = arith.addi %mul3A_2, %add3A_40 : i32
    "tpu.region"() ({
      %run_scoped3A = tpu.sem_alloc : memref<!tpu.dma_semaphore, #tpu.memory_space<semaphore_mem>>
      %dma_start3A_49 = arith.constant 0 : i32
      %dma_start3A_50 = tpu.memref_slice %arg4[%add3A_41, %dma_start3A_49] : memref<16384x384xi32, #tpu.memory_space<hbm>> -> memref<128x384xi32, #tpu.memory_space<hbm>>
      %dma_start3A_51 = arith.constant 0 : i32
      %dma_start3A_52 = tpu.memref_slice %arg4[%add3A_41, %dma_start3A_51] : memref<16384x384xi32, #tpu.memory_space<hbm>> -> memref<128x384xi32, #tpu.memory_space<hbm>>
      tpu.enqueue_dma source(%arg6 : memref<128x384xi32, #tpu.memory_space<vmem>>) target(%dma_start3A_52 : memref<128x384xi32, #tpu.memory_space<hbm>>) target_semaphore(%run_scoped3A : memref<!tpu.dma_semaphore, #tpu.memory_space<semaphore_mem>>)
      %dma_wait3A_53 = arith.constant 0 : i32
      %dma_wait3A_54 = tpu.memref_slice %arg4[%add3A_41, %dma_wait3A_53] : memref<16384x384xi32, #tpu.memory_space<hbm>> -> memref<128x384xi32, #tpu.memory_space<hbm>>
      %dma_wait3A_55 = arith.constant 0 : i32
      %dma_wait3A_56 = tpu.memref_slice %arg4[%add3A_41, %dma_wait3A_55] : memref<16384x384xi32, #tpu.memory_space<hbm>> -> memref<128x384xi32, #tpu.memory_space<hbm>>
      tpu.wait_dma2 semaphore(%run_scoped3A : memref<!tpu.dma_semaphore, #tpu.memory_space<semaphore_mem>>) src(%arg6 : memref<128x384xi32, #tpu.memory_space<vmem>>) dst(%dma_wait3A_56 : memref<128x384xi32, #tpu.memory_space<hbm>>)
      tpu.yield
    }) : () -> ()
    %dma_wait3A_42 = arith.constant 384 : i32
    %dma_wait3A_43 = tpu.memref_slice %arg5[%dma_wait3A_42] : memref<512xi32, #tpu.memory_space<vmem>> -> memref<128xi32, #tpu.memory_space<vmem>>
    %dma_wait3A_44 = arith.constant 0 : i32
    %dma_wait3A_45 = arith.constant 0 : i32
    %dma_wait3A_46 = tpu.memref_slice %arg2[%dma_wait3A_44, %dma_wait3A_45] : memref<1024x384xi32, #tpu.memory_space<hbm>> -> memref<1024x384xi32, #tpu.memory_space<hbm>>
    tpu.wait_indirect_dma semaphore(%arg9 : memref<!tpu.dma_semaphore, #tpu.memory_space<semaphore_mem>>) src(%dma_wait3A_46 : memref<1024x384xi32, #tpu.memory_space<hbm>>) dst(%arg7 : memref<128x384xi32, #tpu.memory_space<vmem>>)
    %add3A_47 = arith.constant 384 : i32
    %add3A_48 = arith.addi %mul3A_2, %add3A_47 : i32
    "tpu.region"() ({
      %run_scoped3A = tpu.sem_alloc : memref<!tpu.dma_semaphore, #tpu.memory_space<semaphore_mem>>
      %dma_start3A_49 = arith.constant 0 : i32
      %dma_start3A_50 = tpu.memref_slice %arg4[%add3A_48, %dma_start3A_49] : memref<16384x384xi32, #tpu.memory_space<hbm>> -> memref<128x384xi32, #tpu.memory_space<hbm>>
      %dma_start3A_51 = arith.constant 0 : i32
      %dma_start3A_52 = tpu.memref_slice %arg4[%add3A_48, %dma_start3A_51] : memref<16384x384xi32, #tpu.memory_space<hbm>> -> memref<128x384xi32, #tpu.memory_space<hbm>>
      tpu.enqueue_dma source(%arg7 : memref<128x384xi32, #tpu.memory_space<vmem>>) target(%dma_start3A_52 : memref<128x384xi32, #tpu.memory_space<hbm>>) target_semaphore(%run_scoped3A : memref<!tpu.dma_semaphore, #tpu.memory_space<semaphore_mem>>)
      %dma_wait3A_53 = arith.constant 0 : i32
      %dma_wait3A_54 = tpu.memref_slice %arg4[%add3A_48, %dma_wait3A_53] : memref<16384x384xi32, #tpu.memory_space<hbm>> -> memref<128x384xi32, #tpu.memory_space<hbm>>
      %dma_wait3A_55 = arith.constant 0 : i32
      %dma_wait3A_56 = tpu.memref_slice %arg4[%add3A_48, %dma_wait3A_55] : memref<16384x384xi32, #tpu.memory_space<hbm>> -> memref<128x384xi32, #tpu.memory_space<hbm>>
      tpu.wait_dma2 semaphore(%run_scoped3A : memref<!tpu.dma_semaphore, #tpu.memory_space<semaphore_mem>>) src(%arg7 : memref<128x384xi32, #tpu.memory_space<vmem>>) dst(%dma_wait3A_56 : memref<128x384xi32, #tpu.memory_space<hbm>>)
      tpu.yield
    }) : () -> ()
    return
  }
}

module attributes {stable_mosaic.version = 14 : i64} {
  func.func @_prep_body(%arg0: i32, %arg1: memref<1x1024x3xf32, #tpu.memory_space<vmem>>, %arg2: memref<1x3x1024xf32, #tpu.memory_space<vmem>>, %arg3: memref<1x1024x256xf32, #tpu.memory_space<vmem>>, %arg4: memref<256x256xf32, #tpu.memory_space<vmem>>, %arg5: memref<1x256xf32, #tpu.memory_space<vmem>>, %arg6: memref<256x256xf32, #tpu.memory_space<vmem>>, %arg7: memref<256x256xf32, #tpu.memory_space<vmem>>, %arg8: memref<256x256xf32, #tpu.memory_space<vmem>>, %arg9: memref<1x1024x256xf32, #tpu.memory_space<vmem>>, %arg10: memref<1x1024x384xi32, #tpu.memory_space<vmem>>, %arg11: memref<1x1024x16xi32, #tpu.memory_space<vmem>>) attributes {dimension_semantics = [#tpu.dimension_semantics<arbitrary>], iteration_bounds = array<i64: 1>, scalar_prefetch = 0 : i64, scratch_operands = 0 : i64, tpu.core_type = #tpu.core_type<tc>, window_params = [{pipeline_mode = #tpu.pipeline_mode<synchronous>, transform_indices = @transform_0, window_bounds = array<i64: 1, 1024, 3>}, {pipeline_mode = #tpu.pipeline_mode<synchronous>, transform_indices = @transform_1, window_bounds = array<i64: 1, 3, 1024>}, {pipeline_mode = #tpu.pipeline_mode<synchronous>, transform_indices = @transform_2, window_bounds = array<i64: 1, 1024, 256>}, {pipeline_mode = #tpu.pipeline_mode<synchronous>, transform_indices = @transform_3, window_bounds = array<i64: 256, 256>}, {pipeline_mode = #tpu.pipeline_mode<synchronous>, transform_indices = @transform_4, window_bounds = array<i64: 1, 256>}, {pipeline_mode = #tpu.pipeline_mode<synchronous>, transform_indices = @transform_5, window_bounds = array<i64: 256, 256>}, {pipeline_mode = #tpu.pipeline_mode<synchronous>, transform_indices = @transform_6, window_bounds = array<i64: 256, 256>}, {pipeline_mode = #tpu.pipeline_mode<synchronous>, transform_indices = @transform_7, window_bounds = array<i64: 256, 256>}, {pipeline_mode = #tpu.pipeline_mode<synchronous>, transform_indices = @transform_8, window_bounds = array<i64: 1, 1024, 256>}, {pipeline_mode = #tpu.pipeline_mode<synchronous>, transform_indices = @transform_9, window_bounds = array<i64: 1, 1024, 384>}, {pipeline_mode = #tpu.pipeline_mode<synchronous>, transform_indices = @transform_10, window_bounds = array<i64: 1, 1024, 16>}]} {
    %get3A = arith.constant 0 : index
    %get3A_0 = arith.constant 0 : index
    %get3A_1 = arith.constant 0 : index
    %get3A_2 = vector.load %arg1[%get3A, %get3A_0, %get3A_1] : memref<1x1024x3xf32, #tpu.memory_space<vmem>>, vector<1x1024x3xf32>
    %get3A_3 = vector.shape_cast %get3A_2 : vector<1x1024x3xf32> to vector<1024x3xf32>
    %get3A_4 = arith.constant 0 : index
    %get3A_5 = arith.constant 0 : index
    %get3A_6 = arith.constant 0 : index
    %get3A_7 = vector.load %arg2[%get3A_4, %get3A_5, %get3A_6] : memref<1x3x1024xf32, #tpu.memory_space<vmem>>, vector<1x3x1024xf32>
    %get3A_8 = vector.shape_cast %get3A_7 : vector<1x3x1024xf32> to vector<3x1024xf32>
    %get3A_9 = arith.constant 0 : index
    %get3A_10 = arith.constant 0 : index
    %get3A_11 = arith.constant 0 : index
    %get3A_12 = vector.load %arg3[%get3A_9, %get3A_10, %get3A_11] : memref<1x1024x256xf32, #tpu.memory_space<vmem>>, vector<1x1024x256xf32>
    %get3A_13 = vector.shape_cast %get3A_12 : vector<1x1024x256xf32> to vector<1024x256xf32>
    %get3A_14 = arith.constant 0 : index
    %get3A_15 = arith.constant 0 : index
    %get3A_16 = vector.load %arg4[%get3A_14, %get3A_15] : memref<256x256xf32, #tpu.memory_space<vmem>>, vector<256x256xf32>
    %dot_general3A = arith.constant dense<0.000000e+00> : vector<1024x256xf32>
    %dot_general3A_17 = tpu.matmul %get3A_13, %get3A_16, %dot_general3A {dimension_numbers = #tpu.dot_dimension_numbers<[1], [0], [0], [1], [0, 0, 1, 1], [], []>, transpose_lhs_hint = false} : vector<1024x256xf32>, vector<256x256xf32>, vector<1024x256xf32> -> vector<1024x256xf32>
    %get3A_18 = arith.constant 0 : index
    %get3A_19 = arith.constant 0 : index
    %get3A_20 = vector.load %arg5[%get3A_18, %get3A_19] : memref<1x256xf32, #tpu.memory_space<vmem>>, vector<1x256xf32>
    %add3A = vector.broadcast %get3A_20 : vector<1x256xf32> to vector<1024x256xf32>
    %add3A_21 = arith.addf %dot_general3A_17, %add3A : vector<1024x256xf32>
    %get3A_22 = arith.constant 0 : index
    %get3A_23 = arith.constant 0 : index
    %get3A_24 = vector.load %arg6[%get3A_22, %get3A_23] : memref<256x256xf32, #tpu.memory_space<vmem>>, vector<256x256xf32>
    %dot_general3A_25 = arith.constant dense<0.000000e+00> : vector<1024x256xf32>
    %dot_general3A_26 = tpu.matmul %add3A_21, %get3A_24, %dot_general3A_25 {dimension_numbers = #tpu.dot_dimension_numbers<[1], [0], [0], [1], [0, 0, 1, 1], [], []>, transpose_lhs_hint = false} : vector<1024x256xf32>, vector<256x256xf32>, vector<1024x256xf32> -> vector<1024x256xf32>
    %swap3A = arith.constant 0 : index
    %swap3A_27 = arith.constant 0 : index
    %swap3A_28 = arith.constant 0 : index
    %swap3A_29 = vector.load %arg9[%swap3A, %swap3A_27, %swap3A_28] : memref<1x1024x256xf32, #tpu.memory_space<vmem>>, vector<1x1024x256xf32>
    %swap3A_30 = vector.shape_cast %swap3A_29 : vector<1x1024x256xf32> to vector<1024x256xf32>
    %swap3A_31 = vector.shape_cast %dot_general3A_26 : vector<1024x256xf32> to vector<1x1024x256xf32>
    tpu.vector_store %arg9[%swap3A, %swap3A_27, %swap3A_28], %swap3A_31 {strides = array<i32>} : memref<1x1024x256xf32, #tpu.memory_space<vmem>>, vector<1x1024x256xf32>,
    %get3A_32 = arith.constant 0 : index
    %get3A_33 = arith.constant 0 : index
    %get3A_34 = vector.load %arg7[%get3A_32, %get3A_33] : memref<256x256xf32, #tpu.memory_space<vmem>>, vector<256x256xf32>
    %dot_general3A_35 = arith.constant dense<0.000000e+00> : vector<1024x256xf32>
    %dot_general3A_36 = tpu.matmul %add3A_21, %get3A_34, %dot_general3A_35 {dimension_numbers = #tpu.dot_dimension_numbers<[1], [0], [0], [1], [0, 0, 1, 1], [], []>, transpose_lhs_hint = false} : vector<1024x256xf32>, vector<256x256xf32>, vector<1024x256xf32> -> vector<1024x256xf32>
    %get3A_37 = arith.constant 0 : index
    %get3A_38 = arith.constant 0 : index
    %get3A_39 = vector.load %arg8[%get3A_37, %get3A_38] : memref<256x256xf32, #tpu.memory_space<vmem>>, vector<256x256xf32>
    %dot_general3A_40 = arith.constant dense<0.000000e+00> : vector<1024x256xf32>
    %dot_general3A_41 = tpu.matmul %add3A_21, %get3A_39, %dot_general3A_40 {dimension_numbers = #tpu.dot_dimension_numbers<[1], [0], [0], [1], [0, 0, 1, 1], [], []>, transpose_lhs_hint = false} : vector<1024x256xf32>, vector<256x256xf32>, vector<1024x256xf32> -> vector<1024x256xf32>
    %bitcast_convert_type3A = tpu.bitcast %dot_general3A_36 : vector<1024x256xf32> -> vector<1024x256xi32>
    %bitcast_convert_type3A_42 = tpu.bitcast %dot_general3A_41 : vector<1024x256xf32> -> vector<1024x256xi32>
    %add3A_43 = arith.constant 32767 : i32
    %add3A_44 = vector.broadcast %add3A_43 : i32 to vector<1024x256xi32>
    %add3A_45 = arith.addi %bitcast_convert_type3A, %add3A_44 : vector<1024x256xi32>
    %shift_right_logical3A = arith.constant 16 : i32
    %shift_right_logical3A_46 = vector.broadcast %shift_right_logical3A : i32 to vector<1024x256xi32>
    %shift_right_logical3A_47 = arith.shrui %bitcast_convert_type3A, %shift_right_logical3A_46 : vector<1024x256xi32>
    %and3A = arith.constant 1 : i32
    %and3A_48 = vector.broadcast %and3A : i32 to vector<1024x256xi32>
    %and3A_49 = arith.andi %shift_right_logical3A_47, %and3A_48 : vector<1024x256xi32>
    %add3A_50 = arith.addi %add3A_45, %and3A_49 : vector<1024x256xi32>
    %and3A_51 = arith.constant -65536 : i32
    %and3A_52 = vector.broadcast %and3A_51 : i32 to vector<1024x256xi32>
    %and3A_53 = arith.andi %add3A_50, %and3A_52 : vector<1024x256xi32>
    %shift_right_logical3A_54 = arith.constant 16 : i32
    %shift_right_logical3A_55 = vector.broadcast %shift_right_logical3A_54 : i32 to vector<1024x256xi32>
    %shift_right_logical3A_56 = arith.shrui %and3A_53, %shift_right_logical3A_55 : vector<1024x256xi32>
    %add3A_57 = arith.constant 32767 : i32
    %add3A_58 = vector.broadcast %add3A_57 : i32 to vector<1024x256xi32>
    %add3A_59 = arith.addi %bitcast_convert_type3A_42, %add3A_58 : vector<1024x256xi32>
    %shift_right_logical3A_60 = arith.constant 16 : i32
    %shift_right_logical3A_61 = vector.broadcast %shift_right_logical3A_60 : i32 to vector<1024x256xi32>
    %shift_right_logical3A_62 = arith.shrui %bitcast_convert_type3A_42, %shift_right_logical3A_61 : vector<1024x256xi32>
    %and3A_63 = arith.constant 1 : i32
    %and3A_64 = vector.broadcast %and3A_63 : i32 to vector<1024x256xi32>
    %and3A_65 = arith.andi %shift_right_logical3A_62, %and3A_64 : vector<1024x256xi32>
    %add3A_66 = arith.addi %add3A_59, %and3A_65 : vector<1024x256xi32>
    %and3A_67 = arith.constant -65536 : i32
    %and3A_68 = vector.broadcast %and3A_67 : i32 to vector<1024x256xi32>
    %and3A_69 = arith.andi %add3A_66, %and3A_68 : vector<1024x256xi32>
    %or3A = arith.ori %shift_right_logical3A_56, %and3A_69 : vector<1024x256xi32>
    %broadcast_in_dim3A = arith.constant 0.000000e+00 : f32
    %broadcast_in_dim3A_70 = vector.broadcast %broadcast_in_dim3A : f32 to vector<1024x125xf32>
    %concatenate3A = tpu.concatenate %get3A_3, %broadcast_in_dim3A_70 in 1 : vector<1024x3xf32>, vector<1024x125xf32> -> vector<1024x128xf32>
    %bitcast_convert_type3A_71 = tpu.bitcast %concatenate3A : vector<1024x128xf32> -> vector<1024x128xi32>
    %concatenate3A_72 = tpu.concatenate %or3A, %bitcast_convert_type3A_71 in 1 : vector<1024x256xi32>, vector<1024x128xi32> -> vector<1024x384xi32>
    %swap3A_73 = arith.constant 0 : index
    %swap3A_74 = arith.constant 0 : index
    %swap3A_75 = arith.constant 0 : index
    %swap3A_76 = vector.load %arg10[%swap3A_73, %swap3A_74, %swap3A_75] : memref<1x1024x384xi32, #tpu.memory_space<vmem>>, vector<1x1024x384xi32>
    %swap3A_77 = vector.shape_cast %swap3A_76 : vector<1x1024x384xi32> to vector<1024x384xi32>
    %swap3A_78 = vector.shape_cast %concatenate3A_72 : vector<1024x384xi32> to vector<1x1024x384xi32>
    tpu.vector_store %arg10[%swap3A_73, %swap3A_74, %swap3A_75], %swap3A_78 {strides = array<i32>} : memref<1x1024x384xi32, #tpu.memory_space<vmem>>, vector<1x1024x384xi32>,
    %slice3A = vector.extract_strided_slice %get3A_3 {offsets = [0, 0], sizes = [1024, 1], strides = [1, 1]} : vector<1024x3xf32> to vector<1024x1xf32>
    %slice3A_79 = vector.extract_strided_slice %get3A_8 {offsets = [0, 0], sizes = [1, 1024], strides = [1, 1]} : vector<3x1024xf32> to vector<1x1024xf32>
    %sub3A = vector.broadcast %slice3A : vector<1024x1xf32> to vector<1024x1024xf32>
    %sub3A_80 = vector.broadcast %slice3A_79 : vector<1x1024xf32> to vector<1024x1024xf32>
    %sub3A_81 = arith.subf %sub3A, %sub3A_80 : vector<1024x1024xf32>
    %integer_pow3A = arith.mulf %sub3A_81, %sub3A_81 : vector<1024x1024xf32>
    %slice3A_82 = vector.extract_strided_slice %get3A_3 {offsets = [0, 1], sizes = [1024, 1], strides = [1, 1]} : vector<1024x3xf32> to vector<1024x1xf32>
    %slice3A_83 = vector.extract_strided_slice %get3A_8 {offsets = [1, 0], sizes = [1, 1024], strides = [1, 1]} : vector<3x1024xf32> to vector<1x1024xf32>
    %sub3A_84 = vector.broadcast %slice3A_82 : vector<1024x1xf32> to vector<1024x1024xf32>
    %sub3A_85 = vector.broadcast %slice3A_83 : vector<1x1024xf32> to vector<1024x1024xf32>
    %sub3A_86 = arith.subf %sub3A_84, %sub3A_85 : vector<1024x1024xf32>
    %integer_pow3A_87 = arith.mulf %sub3A_86, %sub3A_86 : vector<1024x1024xf32>
    %add3A_88 = arith.addf %integer_pow3A, %integer_pow3A_87 : vector<1024x1024xf32>
    %slice3A_89 = vector.extract_strided_slice %get3A_3 {offsets = [0, 2], sizes = [1024, 1], strides = [1, 1]} : vector<1024x3xf32> to vector<1024x1xf32>
    %slice3A_90 = vector.extract_strided_slice %get3A_8 {offsets = [2, 0], sizes = [1, 1024], strides = [1, 1]} : vector<3x1024xf32> to vector<1x1024xf32>
    %sub3A_91 = vector.broadcast %slice3A_89 : vector<1024x1xf32> to vector<1024x1024xf32>
    %sub3A_92 = vector.broadcast %slice3A_90 : vector<1x1024xf32> to vector<1024x1024xf32>
    %sub3A_93 = arith.subf %sub3A_91, %sub3A_92 : vector<1024x1024xf32>
    %integer_pow3A_94 = arith.mulf %sub3A_93, %sub3A_93 : vector<1024x1024xf32>
    %add3A_95 = arith.addf %add3A_88, %integer_pow3A_94 : vector<1024x1024xf32>
    %iota3A = tpu.iota {dimensions = array<i32: 1>} : vector<1024x1024xi32>
    %reduce_min3A = arith.constant dense<0x7F800000> : vector<1024xf32>
    %reduce_min3A_96 = vector.multi_reduction <minimumf>, %add3A_95, %reduce_min3A [1] : vector<1024x1024xf32> to vector<1024xf32>
    %broadcast_in_dim3A_97 = vector.shape_cast %reduce_min3A_96 : vector<1024xf32> to vector<1024x1xf32>
    %eq3A = vector.broadcast %broadcast_in_dim3A_97 : vector<1024x1xf32> to vector<1024x1024xf32>
    %eq3A_98 = arith.cmpf oeq, %add3A_95, %eq3A : vector<1024x1024xf32>
    %jit3A = arith.constant 1024 : i32
    %broadcast_in_dim3A_99 = vector.broadcast %jit3A : i32 to vector<1024x1024xi32>
    %select_n3A = arith.select %eq3A_98, %iota3A, %broadcast_in_dim3A_99 : vector<1024x1024xi1>, vector<1024x1024xi32>
    %reduce_min3A_100 = arith.constant dense<2147483647> : vector<1024xi32>
    %reduce_min3A_101 = vector.multi_reduction <minsi>, %select_n3A, %reduce_min3A_100 [1] : vector<1024x1024xi32> to vector<1024xi32>
    %broadcast_in_dim3A_102 = vector.shape_cast %reduce_min3A_101 : vector<1024xi32> to vector<1024x1xi32>
    %eq3A_103 = vector.broadcast %broadcast_in_dim3A_102 : vector<1024x1xi32> to vector<1024x1024xi32>
    %eq3A_104 = arith.cmpi eq, %iota3A, %eq3A_103 : vector<1024x1024xi32>
    %jit3A_105 = arith.constant 0x7F800000 : f32
    %broadcast_in_dim3A_106 = vector.broadcast %jit3A_105 : f32 to vector<1024x1024xf32>
    %select_n3A_107 = arith.select %eq3A_104, %broadcast_in_dim3A_106, %add3A_95 : vector<1024x1024xi1>, vector<1024x1024xf32>
    %reduce_min3A_108 = arith.constant dense<0x7F800000> : vector<1024xf32>
    %reduce_min3A_109 = vector.multi_reduction <minimumf>, %select_n3A_107, %reduce_min3A_108 [1] : vector<1024x1024xf32> to vector<1024xf32>
    %broadcast_in_dim3A_110 = vector.shape_cast %reduce_min3A_109 : vector<1024xf32> to vector<1024x1xf32>
    %eq3A_111 = vector.broadcast %broadcast_in_dim3A_110 : vector<1024x1xf32> to vector<1024x1024xf32>
    %eq3A_112 = arith.cmpf oeq, %select_n3A_107, %eq3A_111 : vector<1024x1024xf32>
    %jit3A_113 = arith.constant 1024 : i32
    %broadcast_in_dim3A_114 = vector.broadcast %jit3A_113 : i32 to vector<1024x1024xi32>
    %select_n3A_115 = arith.select %eq3A_112, %iota3A, %broadcast_in_dim3A_114 : vector<1024x1024xi1>, vector<1024x1024xi32>
    %reduce_min3A_116 = arith.constant dense<2147483647> : vector<1024xi32>
    %reduce_min3A_117 = vector.multi_reduction <minsi>, %select_n3A_115, %reduce_min3A_116 [1] : vector<1024x1024xi32> to vector<1024xi32>
    %broadcast_in_dim3A_118 = vector.shape_cast %reduce_min3A_117 : vector<1024xi32> to vector<1024x1xi32>
    %eq3A_119 = vector.broadcast %broadcast_in_dim3A_118 : vector<1024x1xi32> to vector<1024x1024xi32>
    %eq3A_120 = arith.cmpi eq, %iota3A, %eq3A_119 : vector<1024x1024xi32>
    %jit3A_121 = arith.constant 0x7F800000 : f32
    %broadcast_in_dim3A_122 = vector.broadcast %jit3A_121 : f32 to vector<1024x1024xf32>
    %select_n3A_123 = arith.select %eq3A_120, %broadcast_in_dim3A_122, %select_n3A_107 : vector<1024x1024xi1>, vector<1024x1024xf32>
    %reduce_min3A_124 = arith.constant dense<0x7F800000> : vector<1024xf32>
    %reduce_min3A_125 = vector.multi_reduction <minimumf>, %select_n3A_123, %reduce_min3A_124 [1] : vector<1024x1024xf32> to vector<1024xf32>
    %broadcast_in_dim3A_126 = vector.shape_cast %reduce_min3A_125 : vector<1024xf32> to vector<1024x1xf32>
    %eq3A_127 = vector.broadcast %broadcast_in_dim3A_126 : vector<1024x1xf32> to vector<1024x1024xf32>
    %eq3A_128 = arith.cmpf oeq, %select_n3A_123, %eq3A_127 : vector<1024x1024xf32>
    %jit3A_129 = arith.constant 1024 : i32
    %broadcast_in_dim3A_130 = vector.broadcast %jit3A_129 : i32 to vector<1024x1024xi32>
    %select_n3A_131 = arith.select %eq3A_128, %iota3A, %broadcast_in_dim3A_130 : vector<1024x1024xi1>, vector<1024x1024xi32>
    %reduce_min3A_132 = arith.constant dense<2147483647> : vector<1024xi32>
    %reduce_min3A_133 = vector.multi_reduction <minsi>, %select_n3A_131, %reduce_min3A_132 [1] : vector<1024x1024xi32> to vector<1024xi32>
    %broadcast_in_dim3A_134 = vector.shape_cast %reduce_min3A_133 : vector<1024xi32> to vector<1024x1xi32>
    %eq3A_135 = vector.broadcast %broadcast_in_dim3A_134 : vector<1024x1xi32> to vector<1024x1024xi32>
    %eq3A_136 = arith.cmpi eq, %iota3A, %eq3A_135 : vector<1024x1024xi32>
    %jit3A_137 = arith.constant 0x7F800000 : f32
    %broadcast_in_dim3A_138 = vector.broadcast %jit3A_137 : f32 to vector<1024x1024xf32>
    %select_n3A_139 = arith.select %eq3A_136, %broadcast_in_dim3A_138, %select_n3A_123 : vector<1024x1024xi1>, vector<1024x1024xf32>
    %reduce_min3A_140 = arith.constant dense<0x7F800000> : vector<1024xf32>
    %reduce_min3A_141 = vector.multi_reduction <minimumf>, %select_n3A_139, %reduce_min3A_140 [1] : vector<1024x1024xf32> to vector<1024xf32>
    %broadcast_in_dim3A_142 = vector.shape_cast %reduce_min3A_141 : vector<1024xf32> to vector<1024x1xf32>
    %eq3A_143 = vector.broadcast %broadcast_in_dim3A_142 : vector<1024x1xf32> to vector<1024x1024xf32>
    %eq3A_144 = arith.cmpf oeq, %select_n3A_139, %eq3A_143 : vector<1024x1024xf32>
    %jit3A_145 = arith.constant 1024 : i32
    %broadcast_in_dim3A_146 = vector.broadcast %jit3A_145 : i32 to vector<1024x1024xi32>
    %select_n3A_147 = arith.select %eq3A_144, %iota3A, %broadcast_in_dim3A_146 : vector<1024x1024xi1>, vector<1024x1024xi32>
    %reduce_min3A_148 = arith.constant dense<2147483647> : vector<1024xi32>
    %reduce_min3A_149 = vector.multi_reduction <minsi>, %select_n3A_147, %reduce_min3A_148 [1] : vector<1024x1024xi32> to vector<1024xi32>
    %broadcast_in_dim3A_150 = vector.shape_cast %reduce_min3A_149 : vector<1024xi32> to vector<1024x1xi32>
    %eq3A_151 = vector.broadcast %broadcast_in_dim3A_150 : vector<1024x1xi32> to vector<1024x1024xi32>
    %eq3A_152 = arith.cmpi eq, %iota3A, %eq3A_151 : vector<1024x1024xi32>
    %jit3A_153 = arith.constant 0x7F800000 : f32
    %broadcast_in_dim3A_154 = vector.broadcast %jit3A_153 : f32 to vector<1024x1024xf32>
    %select_n3A_155 = arith.select %eq3A_152, %broadcast_in_dim3A_154, %select_n3A_139 : vector<1024x1024xi1>, vector<1024x1024xf32>
    %reduce_min3A_156 = arith.constant dense<0x7F800000> : vector<1024xf32>
    %reduce_min3A_157 = vector.multi_reduction <minimumf>, %select_n3A_155, %reduce_min3A_156 [1] : vector<1024x1024xf32> to vector<1024xf32>
    %broadcast_in_dim3A_158 = vector.shape_cast %reduce_min3A_157 : vector<1024xf32> to vector<1024x1xf32>
    %eq3A_159 = vector.broadcast %broadcast_in_dim3A_158 : vector<1024x1xf32> to vector<1024x1024xf32>
    %eq3A_160 = arith.cmpf oeq, %select_n3A_155, %eq3A_159 : vector<1024x1024xf32>
    %jit3A_161 = arith.constant 1024 : i32
    %broadcast_in_dim3A_162 = vector.broadcast %jit3A_161 : i32 to vector<1024x1024xi32>
    %select_n3A_163 = arith.select %eq3A_160, %iota3A, %broadcast_in_dim3A_162 : vector<1024x1024xi1>, vector<1024x1024xi32>
    %reduce_min3A_164 = arith.constant dense<2147483647> : vector<1024xi32>
    %reduce_min3A_165 = vector.multi_reduction <minsi>, %select_n3A_163, %reduce_min3A_164 [1] : vector<1024x1024xi32> to vector<1024xi32>
    %broadcast_in_dim3A_166 = vector.shape_cast %reduce_min3A_165 : vector<1024xi32> to vector<1024x1xi32>
    %eq3A_167 = vector.broadcast %broadcast_in_dim3A_166 : vector<1024x1xi32> to vector<1024x1024xi32>
    %eq3A_168 = arith.cmpi eq, %iota3A, %eq3A_167 : vector<1024x1024xi32>
    %jit3A_169 = arith.constant 0x7F800000 : f32
    %broadcast_in_dim3A_170 = vector.broadcast %jit3A_169 : f32 to vector<1024x1024xf32>
    %select_n3A_171 = arith.select %eq3A_168, %broadcast_in_dim3A_170, %select_n3A_155 : vector<1024x1024xi1>, vector<1024x1024xf32>
    %reduce_min3A_172 = arith.constant dense<0x7F800000> : vector<1024xf32>
    %reduce_min3A_173 = vector.multi_reduction <minimumf>, %select_n3A_171, %reduce_min3A_172 [1] : vector<1024x1024xf32> to vector<1024xf32>
    %broadcast_in_dim3A_174 = vector.shape_cast %reduce_min3A_173 : vector<1024xf32> to vector<1024x1xf32>
    %eq3A_175 = vector.broadcast %broadcast_in_dim3A_174 : vector<1024x1xf32> to vector<1024x1024xf32>
    %eq3A_176 = arith.cmpf oeq, %select_n3A_171, %eq3A_175 : vector<1024x1024xf32>
    %jit3A_177 = arith.constant 1024 : i32
    %broadcast_in_dim3A_178 = vector.broadcast %jit3A_177 : i32 to vector<1024x1024xi32>
    %select_n3A_179 = arith.select %eq3A_176, %iota3A, %broadcast_in_dim3A_178 : vector<1024x1024xi1>, vector<1024x1024xi32>
    %reduce_min3A_180 = arith.constant dense<2147483647> : vector<1024xi32>
    %reduce_min3A_181 = vector.multi_reduction <minsi>, %select_n3A_179, %reduce_min3A_180 [1] : vector<1024x1024xi32> to vector<1024xi32>
    %broadcast_in_dim3A_182 = vector.shape_cast %reduce_min3A_181 : vector<1024xi32> to vector<1024x1xi32>
    %eq3A_183 = vector.broadcast %broadcast_in_dim3A_182 : vector<1024x1xi32> to vector<1024x1024xi32>
    %eq3A_184 = arith.cmpi eq, %iota3A, %eq3A_183 : vector<1024x1024xi32>
    %jit3A_185 = arith.constant 0x7F800000 : f32
    %broadcast_in_dim3A_186 = vector.broadcast %jit3A_185 : f32 to vector<1024x1024xf32>
    %select_n3A_187 = arith.select %eq3A_184, %broadcast_in_dim3A_186, %select_n3A_171 : vector<1024x1024xi1>, vector<1024x1024xf32>
    %reduce_min3A_188 = arith.constant dense<0x7F800000> : vector<1024xf32>
    %reduce_min3A_189 = vector.multi_reduction <minimumf>, %select_n3A_187, %reduce_min3A_188 [1] : vector<1024x1024xf32> to vector<1024xf32>
    %broadcast_in_dim3A_190 = vector.shape_cast %reduce_min3A_189 : vector<1024xf32> to vector<1024x1xf32>
    %eq3A_191 = vector.broadcast %broadcast_in_dim3A_190 : vector<1024x1xf32> to vector<1024x1024xf32>
    %eq3A_192 = arith.cmpf oeq, %select_n3A_187, %eq3A_191 : vector<1024x1024xf32>
    %jit3A_193 = arith.constant 1024 : i32
    %broadcast_in_dim3A_194 = vector.broadcast %jit3A_193 : i32 to vector<1024x1024xi32>
    %select_n3A_195 = arith.select %eq3A_192, %iota3A, %broadcast_in_dim3A_194 : vector<1024x1024xi1>, vector<1024x1024xi32>
    %reduce_min3A_196 = arith.constant dense<2147483647> : vector<1024xi32>
    %reduce_min3A_197 = vector.multi_reduction <minsi>, %select_n3A_195, %reduce_min3A_196 [1] : vector<1024x1024xi32> to vector<1024xi32>
    %broadcast_in_dim3A_198 = vector.shape_cast %reduce_min3A_197 : vector<1024xi32> to vector<1024x1xi32>
    %eq3A_199 = vector.broadcast %broadcast_in_dim3A_198 : vector<1024x1xi32> to vector<1024x1024xi32>
    %eq3A_200 = arith.cmpi eq, %iota3A, %eq3A_199 : vector<1024x1024xi32>
    %jit3A_201 = arith.constant 0x7F800000 : f32
    %broadcast_in_dim3A_202 = vector.broadcast %jit3A_201 : f32 to vector<1024x1024xf32>
    %select_n3A_203 = arith.select %eq3A_200, %broadcast_in_dim3A_202, %select_n3A_187 : vector<1024x1024xi1>, vector<1024x1024xf32>
    %reduce_min3A_204 = arith.constant dense<0x7F800000> : vector<1024xf32>
    %reduce_min3A_205 = vector.multi_reduction <minimumf>, %select_n3A_203, %reduce_min3A_204 [1] : vector<1024x1024xf32> to vector<1024xf32>
    %broadcast_in_dim3A_206 = vector.shape_cast %reduce_min3A_205 : vector<1024xf32> to vector<1024x1xf32>
    %eq3A_207 = vector.broadcast %broadcast_in_dim3A_206 : vector<1024x1xf32> to vector<1024x1024xf32>
    %eq3A_208 = arith.cmpf oeq, %select_n3A_203, %eq3A_207 : vector<1024x1024xf32>
    %jit3A_209 = arith.constant 1024 : i32
    %broadcast_in_dim3A_210 = vector.broadcast %jit3A_209 : i32 to vector<1024x1024xi32>
    %select_n3A_211 = arith.select %eq3A_208, %iota3A, %broadcast_in_dim3A_210 : vector<1024x1024xi1>, vector<1024x1024xi32>
    %reduce_min3A_212 = arith.constant dense<2147483647> : vector<1024xi32>
    %reduce_min3A_213 = vector.multi_reduction <minsi>, %select_n3A_211, %reduce_min3A_212 [1] : vector<1024x1024xi32> to vector<1024xi32>
    %broadcast_in_dim3A_214 = vector.shape_cast %reduce_min3A_213 : vector<1024xi32> to vector<1024x1xi32>
    %eq3A_215 = vector.broadcast %broadcast_in_dim3A_214 : vector<1024x1xi32> to vector<1024x1024xi32>
    %eq3A_216 = arith.cmpi eq, %iota3A, %eq3A_215 : vector<1024x1024xi32>
    %jit3A_217 = arith.constant 0x7F800000 : f32
    %broadcast_in_dim3A_218 = vector.broadcast %jit3A_217 : f32 to vector<1024x1024xf32>
    %select_n3A_219 = arith.select %eq3A_216, %broadcast_in_dim3A_218, %select_n3A_203 : vector<1024x1024xi1>, vector<1024x1024xf32>
    %reduce_min3A_220 = arith.constant dense<0x7F800000> : vector<1024xf32>
    %reduce_min3A_221 = vector.multi_reduction <minimumf>, %select_n3A_219, %reduce_min3A_220 [1] : vector<1024x1024xf32> to vector<1024xf32>
    %broadcast_in_dim3A_222 = vector.shape_cast %reduce_min3A_221 : vector<1024xf32> to vector<1024x1xf32>
    %eq3A_223 = vector.broadcast %broadcast_in_dim3A_222 : vector<1024x1xf32> to vector<1024x1024xf32>
    %eq3A_224 = arith.cmpf oeq, %select_n3A_219, %eq3A_223 : vector<1024x1024xf32>
    %jit3A_225 = arith.constant 1024 : i32
    %broadcast_in_dim3A_226 = vector.broadcast %jit3A_225 : i32 to vector<1024x1024xi32>
    %select_n3A_227 = arith.select %eq3A_224, %iota3A, %broadcast_in_dim3A_226 : vector<1024x1024xi1>, vector<1024x1024xi32>
    %reduce_min3A_228 = arith.constant dense<2147483647> : vector<1024xi32>
    %reduce_min3A_229 = vector.multi_reduction <minsi>, %select_n3A_227, %reduce_min3A_228 [1] : vector<1024x1024xi32> to vector<1024xi32>
    %broadcast_in_dim3A_230 = vector.shape_cast %reduce_min3A_229 : vector<1024xi32> to vector<1024x1xi32>
    %eq3A_231 = vector.broadcast %broadcast_in_dim3A_230 : vector<1024x1xi32> to vector<1024x1024xi32>
    %eq3A_232 = arith.cmpi eq, %iota3A, %eq3A_231 : vector<1024x1024xi32>
    %jit3A_233 = arith.constant 0x7F800000 : f32
    %broadcast_in_dim3A_234 = vector.broadcast %jit3A_233 : f32 to vector<1024x1024xf32>
    %select_n3A_235 = arith.select %eq3A_232, %broadcast_in_dim3A_234, %select_n3A_219 : vector<1024x1024xi1>, vector<1024x1024xf32>
    %reduce_min3A_236 = arith.constant dense<0x7F800000> : vector<1024xf32>
    %reduce_min3A_237 = vector.multi_reduction <minimumf>, %select_n3A_235, %reduce_min3A_236 [1] : vector<1024x1024xf32> to vector<1024xf32>
    %broadcast_in_dim3A_238 = vector.shape_cast %reduce_min3A_237 : vector<1024xf32> to vector<1024x1xf32>
    %eq3A_239 = vector.broadcast %broadcast_in_dim3A_238 : vector<1024x1xf32> to vector<1024x1024xf32>
    %eq3A_240 = arith.cmpf oeq, %select_n3A_235, %eq3A_239 : vector<1024x1024xf32>
    %jit3A_241 = arith.constant 1024 : i32
    %broadcast_in_dim3A_242 = vector.broadcast %jit3A_241 : i32 to vector<1024x1024xi32>
    %select_n3A_243 = arith.select %eq3A_240, %iota3A, %broadcast_in_dim3A_242 : vector<1024x1024xi1>, vector<1024x1024xi32>
    %reduce_min3A_244 = arith.constant dense<2147483647> : vector<1024xi32>
    %reduce_min3A_245 = vector.multi_reduction <minsi>, %select_n3A_243, %reduce_min3A_244 [1] : vector<1024x1024xi32> to vector<1024xi32>
    %broadcast_in_dim3A_246 = vector.shape_cast %reduce_min3A_245 : vector<1024xi32> to vector<1024x1xi32>
    %eq3A_247 = vector.broadcast %broadcast_in_dim3A_246 : vector<1024x1xi32> to vector<1024x1024xi32>
    %eq3A_248 = arith.cmpi eq, %iota3A, %eq3A_247 : vector<1024x1024xi32>
    %jit3A_249 = arith.constant 0x7F800000 : f32
    %broadcast_in_dim3A_250 = vector.broadcast %jit3A_249 : f32 to vector<1024x1024xf32>
    %select_n3A_251 = arith.select %eq3A_248, %broadcast_in_dim3A_250, %select_n3A_235 : vector<1024x1024xi1>, vector<1024x1024xf32>
    %reduce_min3A_252 = arith.constant dense<0x7F800000> : vector<1024xf32>
    %reduce_min3A_253 = vector.multi_reduction <minimumf>, %select_n3A_251, %reduce_min3A_252 [1] : vector<1024x1024xf32> to vector<1024xf32>
    %broadcast_in_dim3A_254 = vector.shape_cast %reduce_min3A_253 : vector<1024xf32> to vector<1024x1xf32>
    %eq3A_255 = vector.broadcast %broadcast_in_dim3A_254 : vector<1024x1xf32> to vector<1024x1024xf32>
    %eq3A_256 = arith.cmpf oeq, %select_n3A_251, %eq3A_255 : vector<1024x1024xf32>
    %jit3A_257 = arith.constant 1024 : i32
    %broadcast_in_dim3A_258 = vector.broadcast %jit3A_257 : i32 to vector<1024x1024xi32>
    %select_n3A_259 = arith.select %eq3A_256, %iota3A, %broadcast_in_dim3A_258 : vector<1024x1024xi1>, vector<1024x1024xi32>
    %reduce_min3A_260 = arith.constant dense<2147483647> : vector<1024xi32>
    %reduce_min3A_261 = vector.multi_reduction <minsi>, %select_n3A_259, %reduce_min3A_260 [1] : vector<1024x1024xi32> to vector<1024xi32>
    %broadcast_in_dim3A_262 = vector.shape_cast %reduce_min3A_261 : vector<1024xi32> to vector<1024x1xi32>
    %eq3A_263 = vector.broadcast %broadcast_in_dim3A_262 : vector<1024x1xi32> to vector<1024x1024xi32>
    %eq3A_264 = arith.cmpi eq, %iota3A, %eq3A_263 : vector<1024x1024xi32>
    %jit3A_265 = arith.constant 0x7F800000 : f32
    %broadcast_in_dim3A_266 = vector.broadcast %jit3A_265 : f32 to vector<1024x1024xf32>
    %select_n3A_267 = arith.select %eq3A_264, %broadcast_in_dim3A_266, %select_n3A_251 : vector<1024x1024xi1>, vector<1024x1024xf32>
    %reduce_min3A_268 = arith.constant dense<0x7F800000> : vector<1024xf32>
    %reduce_min3A_269 = vector.multi_reduction <minimumf>, %select_n3A_267, %reduce_min3A_268 [1] : vector<1024x1024xf32> to vector<1024xf32>
    %broadcast_in_dim3A_270 = vector.shape_cast %reduce_min3A_269 : vector<1024xf32> to vector<1024x1xf32>
    %eq3A_271 = vector.broadcast %broadcast_in_dim3A_270 : vector<1024x1xf32> to vector<1024x1024xf32>
    %eq3A_272 = arith.cmpf oeq, %select_n3A_267, %eq3A_271 : vector<1024x1024xf32>
    %jit3A_273 = arith.constant 1024 : i32
    %broadcast_in_dim3A_274 = vector.broadcast %jit3A_273 : i32 to vector<1024x1024xi32>
    %select_n3A_275 = arith.select %eq3A_272, %iota3A, %broadcast_in_dim3A_274 : vector<1024x1024xi1>, vector<1024x1024xi32>
    %reduce_min3A_276 = arith.constant dense<2147483647> : vector<1024xi32>
    %reduce_min3A_277 = vector.multi_reduction <minsi>, %select_n3A_275, %reduce_min3A_276 [1] : vector<1024x1024xi32> to vector<1024xi32>
    %broadcast_in_dim3A_278 = vector.shape_cast %reduce_min3A_277 : vector<1024xi32> to vector<1024x1xi32>
    %eq3A_279 = vector.broadcast %broadcast_in_dim3A_278 : vector<1024x1xi32> to vector<1024x1024xi32>
    %eq3A_280 = arith.cmpi eq, %iota3A, %eq3A_279 : vector<1024x1024xi32>
    %jit3A_281 = arith.constant 0x7F800000 : f32
    %broadcast_in_dim3A_282 = vector.broadcast %jit3A_281 : f32 to vector<1024x1024xf32>
    %select_n3A_283 = arith.select %eq3A_280, %broadcast_in_dim3A_282, %select_n3A_267 : vector<1024x1024xi1>, vector<1024x1024xf32>
    %reduce_min3A_284 = arith.constant dense<0x7F800000> : vector<1024xf32>
    %reduce_min3A_285 = vector.multi_reduction <minimumf>, %select_n3A_283, %reduce_min3A_284 [1] : vector<1024x1024xf32> to vector<1024xf32>
    %broadcast_in_dim3A_286 = vector.shape_cast %reduce_min3A_285 : vector<1024xf32> to vector<1024x1xf32>
    %eq3A_287 = vector.broadcast %broadcast_in_dim3A_286 : vector<1024x1xf32> to vector<1024x1024xf32>
    %eq3A_288 = arith.cmpf oeq, %select_n3A_283, %eq3A_287 : vector<1024x1024xf32>
    %jit3A_289 = arith.constant 1024 : i32
    %broadcast_in_dim3A_290 = vector.broadcast %jit3A_289 : i32 to vector<1024x1024xi32>
    %select_n3A_291 = arith.select %eq3A_288, %iota3A, %broadcast_in_dim3A_290 : vector<1024x1024xi1>, vector<1024x1024xi32>
    %reduce_min3A_292 = arith.constant dense<2147483647> : vector<1024xi32>
    %reduce_min3A_293 = vector.multi_reduction <minsi>, %select_n3A_291, %reduce_min3A_292 [1] : vector<1024x1024xi32> to vector<1024xi32>
    %broadcast_in_dim3A_294 = vector.shape_cast %reduce_min3A_293 : vector<1024xi32> to vector<1024x1xi32>
    %eq3A_295 = vector.broadcast %broadcast_in_dim3A_294 : vector<1024x1xi32> to vector<1024x1024xi32>
    %eq3A_296 = arith.cmpi eq, %iota3A, %eq3A_295 : vector<1024x1024xi32>
    %jit3A_297 = arith.constant 0x7F800000 : f32
    %broadcast_in_dim3A_298 = vector.broadcast %jit3A_297 : f32 to vector<1024x1024xf32>
    %select_n3A_299 = arith.select %eq3A_296, %broadcast_in_dim3A_298, %select_n3A_283 : vector<1024x1024xi1>, vector<1024x1024xf32>
    %reduce_min3A_300 = arith.constant dense<0x7F800000> : vector<1024xf32>
    %reduce_min3A_301 = vector.multi_reduction <minimumf>, %select_n3A_299, %reduce_min3A_300 [1] : vector<1024x1024xf32> to vector<1024xf32>
    %broadcast_in_dim3A_302 = vector.shape_cast %reduce_min3A_301 : vector<1024xf32> to vector<1024x1xf32>
    %eq3A_303 = vector.broadcast %broadcast_in_dim3A_302 : vector<1024x1xf32> to vector<1024x1024xf32>
    %eq3A_304 = arith.cmpf oeq, %select_n3A_299, %eq3A_303 : vector<1024x1024xf32>
    %jit3A_305 = arith.constant 1024 : i32
    %broadcast_in_dim3A_306 = vector.broadcast %jit3A_305 : i32 to vector<1024x1024xi32>
    %select_n3A_307 = arith.select %eq3A_304, %iota3A, %broadcast_in_dim3A_306 : vector<1024x1024xi1>, vector<1024x1024xi32>
    %reduce_min3A_308 = arith.constant dense<2147483647> : vector<1024xi32>
    %reduce_min3A_309 = vector.multi_reduction <minsi>, %select_n3A_307, %reduce_min3A_308 [1] : vector<1024x1024xi32> to vector<1024xi32>
    %broadcast_in_dim3A_310 = vector.shape_cast %reduce_min3A_309 : vector<1024xi32> to vector<1024x1xi32>
    %eq3A_311 = vector.broadcast %broadcast_in_dim3A_310 : vector<1024x1xi32> to vector<1024x1024xi32>
    %eq3A_312 = arith.cmpi eq, %iota3A, %eq3A_311 : vector<1024x1024xi32>
    %jit3A_313 = arith.constant 0x7F800000 : f32
    %broadcast_in_dim3A_314 = vector.broadcast %jit3A_313 : f32 to vector<1024x1024xf32>
    %select_n3A_315 = arith.select %eq3A_312, %broadcast_in_dim3A_314, %select_n3A_299 : vector<1024x1024xi1>, vector<1024x1024xf32>
    %reduce_min3A_316 = arith.constant dense<0x7F800000> : vector<1024xf32>
    %reduce_min3A_317 = vector.multi_reduction <minimumf>, %select_n3A_315, %reduce_min3A_316 [1] : vector<1024x1024xf32> to vector<1024xf32>
    %broadcast_in_dim3A_318 = vector.shape_cast %reduce_min3A_317 : vector<1024xf32> to vector<1024x1xf32>
    %eq3A_319 = vector.broadcast %broadcast_in_dim3A_318 : vector<1024x1xf32> to vector<1024x1024xf32>
    %eq3A_320 = arith.cmpf oeq, %select_n3A_315, %eq3A_319 : vector<1024x1024xf32>
    %jit3A_321 = arith.constant 1024 : i32
    %broadcast_in_dim3A_322 = vector.broadcast %jit3A_321 : i32 to vector<1024x1024xi32>
    %select_n3A_323 = arith.select %eq3A_320, %iota3A, %broadcast_in_dim3A_322 : vector<1024x1024xi1>, vector<1024x1024xi32>
    %reduce_min3A_324 = arith.constant dense<2147483647> : vector<1024xi32>
    %reduce_min3A_325 = vector.multi_reduction <minsi>, %select_n3A_323, %reduce_min3A_324 [1] : vector<1024x1024xi32> to vector<1024xi32>
    %broadcast_in_dim3A_326 = vector.shape_cast %reduce_min3A_325 : vector<1024xi32> to vector<1024x1xi32>
    %eq3A_327 = vector.broadcast %broadcast_in_dim3A_326 : vector<1024x1xi32> to vector<1024x1024xi32>
    %eq3A_328 = arith.cmpi eq, %iota3A, %eq3A_327 : vector<1024x1024xi32>
    %jit3A_329 = arith.constant 0x7F800000 : f32
    %broadcast_in_dim3A_330 = vector.broadcast %jit3A_329 : f32 to vector<1024x1024xf32>
    %select_n3A_331 = arith.select %eq3A_328, %broadcast_in_dim3A_330, %select_n3A_315 : vector<1024x1024xi1>, vector<1024x1024xf32>
    %reduce_min3A_332 = arith.constant dense<0x7F800000> : vector<1024xf32>
    %reduce_min3A_333 = vector.multi_reduction <minimumf>, %select_n3A_331, %reduce_min3A_332 [1] : vector<1024x1024xf32> to vector<1024xf32>
    %broadcast_in_dim3A_334 = vector.shape_cast %reduce_min3A_333 : vector<1024xf32> to vector<1024x1xf32>
    %eq3A_335 = vector.broadcast %broadcast_in_dim3A_334 : vector<1024x1xf32> to vector<1024x1024xf32>
    %eq3A_336 = arith.cmpf oeq, %select_n3A_331, %eq3A_335 : vector<1024x1024xf32>
    %jit3A_337 = arith.constant 1024 : i32
    %broadcast_in_dim3A_338 = vector.broadcast %jit3A_337 : i32 to vector<1024x1024xi32>
    %select_n3A_339 = arith.select %eq3A_336, %iota3A, %broadcast_in_dim3A_338 : vector<1024x1024xi1>, vector<1024x1024xi32>
    %reduce_min3A_340 = arith.constant dense<2147483647> : vector<1024xi32>
    %reduce_min3A_341 = vector.multi_reduction <minsi>, %select_n3A_339, %reduce_min3A_340 [1] : vector<1024x1024xi32> to vector<1024xi32>
    %broadcast_in_dim3A_342 = vector.shape_cast %reduce_min3A_341 : vector<1024xi32> to vector<1024x1xi32>
    %concatenate3A_343 = tpu.concatenate %broadcast_in_dim3A_102, %broadcast_in_dim3A_118, %broadcast_in_dim3A_134, %broadcast_in_dim3A_150, %broadcast_in_dim3A_166, %broadcast_in_dim3A_182, %broadcast_in_dim3A_198, %broadcast_in_dim3A_214, %broadcast_in_dim3A_230, %broadcast_in_dim3A_246, %broadcast_in_dim3A_262, %broadcast_in_dim3A_278, %broadcast_in_dim3A_294, %broadcast_in_dim3A_310, %broadcast_in_dim3A_326, %broadcast_in_dim3A_342 in 1 : vector<1024x1xi32>, vector<1024x1xi32>, vector<1024x1xi32>, vector<1024x1xi32>, vector<1024x1xi32>, vector<1024x1xi32>, vector<1024x1xi32>, vector<1024x1xi32>, vector<1024x1xi32>, vector<1024x1xi32>, vector<1024x1xi32>, vector<1024x1xi32>, vector<1024x1xi32>, vector<1024x1xi32>, vector<1024x1xi32>, vector<1024x1xi32> -> vector<1024x16xi32>
    %swap3A_344 = arith.constant 0 : index
    %swap3A_345 = arith.constant 0 : index
    %swap3A_346 = arith.constant 0 : index
    %swap3A_347 = vector.load %arg11[%swap3A_344, %swap3A_345, %swap3A_346] : memref<1x1024x16xi32, #tpu.memory_space<vmem>>, vector<1x1024x16xi32>
    %swap3A_348 = vector.shape_cast %swap3A_347 : vector<1x1024x16xi32> to vector<1024x16xi32>
    %swap3A_349 = vector.shape_cast %concatenate3A_343 : vector<1024x16xi32> to vector<1x1024x16xi32>
    tpu.vector_store %arg11[%swap3A_344, %swap3A_345, %swap3A_346], %swap3A_349 {strides = array<i32>} : memref<1x1024x16xi32, #tpu.memory_space<vmem>>, vector<1x1024x16xi32>,
    return
  }
  func.func @transform_0(%arg0: i32) -> (i32, i32, i32) {
    %c0_i32 = arith.constant 0 : i32
    %c0_i32_0 = arith.constant 0 : i32
    %c0_i32_1 = arith.constant 0 : i32
    %c0_i32_2 = arith.constant 0 : i32
    return %c0_i32, %c0_i32_0, %c0_i32_1 : i32, i32, i32
  }
  func.func @transform_1(%arg0: i32) -> (i32, i32, i32) {
    %c0_i32 = arith.constant 0 : i32
    %c0_i32_0 = arith.constant 0 : i32
    %c0_i32_1 = arith.constant 0 : i32
    %c0_i32_2 = arith.constant 0 : i32
    return %c0_i32, %c0_i32_0, %c0_i32_1 : i32, i32, i32
  }
  func.func @transform_2(%arg0: i32) -> (i32, i32, i32) {
    %c0_i32 = arith.constant 0 : i32
    %c0_i32_0 = arith.constant 0 : i32
    %c0_i32_1 = arith.constant 0 : i32
    %c0_i32_2 = arith.constant 0 : i32
    return %c0_i32, %c0_i32_0, %c0_i32_1 : i32, i32, i32
  }
  func.func @transform_3(%arg0: i32) -> (i32, i32) {
    %c0_i32 = arith.constant 0 : i32
    %c0_i32_0 = arith.constant 0 : i32
    %c0_i32_1 = arith.constant 0 : i32
    return %c0_i32, %c0_i32_0 : i32, i32
  }
  func.func @transform_4(%arg0: i32) -> (i32, i32) {
    %c0_i32 = arith.constant 0 : i32
    %c0_i32_0 = arith.constant 0 : i32
    %c0_i32_1 = arith.constant 0 : i32
    return %c0_i32, %c0_i32_0 : i32, i32
  }
  func.func @transform_5(%arg0: i32) -> (i32, i32) {
    %c0_i32 = arith.constant 0 : i32
    %c0_i32_0 = arith.constant 0 : i32
    %c0_i32_1 = arith.constant 0 : i32
    return %c0_i32, %c0_i32_0 : i32, i32
  }
  func.func @transform_6(%arg0: i32) -> (i32, i32) {
    %c0_i32 = arith.constant 0 : i32
    %c0_i32_0 = arith.constant 0 : i32
    %c0_i32_1 = arith.constant 0 : i32
    return %c0_i32, %c0_i32_0 : i32, i32
  }
  func.func @transform_7(%arg0: i32) -> (i32, i32) {
    %c0_i32 = arith.constant 0 : i32
    %c0_i32_0 = arith.constant 0 : i32
    %c0_i32_1 = arith.constant 0 : i32
    return %c0_i32, %c0_i32_0 : i32, i32
  }
  func.func @transform_8(%arg0: i32) -> (i32, i32, i32) {
    %c0_i32 = arith.constant 0 : i32
    %c0_i32_0 = arith.constant 0 : i32
    %c0_i32_1 = arith.constant 0 : i32
    %c0_i32_2 = arith.constant 0 : i32
    return %c0_i32, %c0_i32_0, %c0_i32_1 : i32, i32, i32
  }
  func.func @transform_9(%arg0: i32) -> (i32, i32, i32) {
    %c0_i32 = arith.constant 0 : i32
    %c0_i32_0 = arith.constant 0 : i32
    %c0_i32_1 = arith.constant 0 : i32
    %c0_i32_2 = arith.constant 0 : i32
    return %c0_i32, %c0_i32_0, %c0_i32_1 : i32, i32, i32
  }
  func.func @transform_10(%arg0: i32) -> (i32, i32, i32) {
    %c0_i32 = arith.constant 0 : i32
    %c0_i32_0 = arith.constant 0 : i32
    %c0_i32_1 = arith.constant 0 : i32
    %c0_i32_2 = arith.constant 0 : i32
    return %c0_i32, %c0_i32_0, %c0_i32_1 : i32, i32, i32
  }
}

module attributes {stable_mosaic.version = 14 : i64} {
  func.func @_attn_body(%arg0: i32, %arg1: memref<1x2048x384xi32, #tpu.memory_space<vmem>>, %arg2: memref<1x128x256xf32, #tpu.memory_space<vmem>>, %arg3: memref<1x128x3xf32, #tpu.memory_space<vmem>>, %arg4: memref<1x128x256xf32, #tpu.memory_space<vmem>>, %arg5: memref<3x256xf32, #tpu.memory_space<vmem>>, %arg6: memref<1x256xf32, #tpu.memory_space<vmem>>, %arg7: memref<256x256xbf16, #tpu.memory_space<vmem>>, %arg8: memref<1x256xf32, #tpu.memory_space<vmem>>, %arg9: memref<256x256xbf16, #tpu.memory_space<vmem>>, %arg10: memref<1x256xf32, #tpu.memory_space<vmem>>, %arg11: memref<256x256xbf16, #tpu.memory_space<vmem>>, %arg12: memref<1x256xf32, #tpu.memory_space<vmem>>, %arg13: memref<256x256xbf16, #tpu.memory_space<vmem>>, %arg14: memref<1x256xf32, #tpu.memory_space<vmem>>, %arg15: memref<1x128x256xf32, #tpu.memory_space<vmem>>) attributes {dimension_semantics = [#tpu.dimension_semantics<arbitrary>], iteration_bounds = array<i64: 8>, scalar_prefetch = 0 : i64, scratch_operands = 0 : i64, tpu.core_type = #tpu.core_type<tc>, window_params = [{transform_indices = @transform_0, window_bounds = array<i64: 1, 2048, 384>}, {transform_indices = @transform_1, window_bounds = array<i64: 1, 128, 256>}, {transform_indices = @transform_2, window_bounds = array<i64: 1, 128, 3>}, {transform_indices = @transform_3, window_bounds = array<i64: 1, 128, 256>}, {pipeline_mode = #tpu.pipeline_mode<synchronous>, transform_indices = @transform_4, window_bounds = array<i64: 3, 256>}, {pipeline_mode = #tpu.pipeline_mode<synchronous>, transform_indices = @transform_5, window_bounds = array<i64: 1, 256>}, {pipeline_mode = #tpu.pipeline_mode<synchronous>, transform_indices = @transform_6, window_bounds = array<i64: 256, 256>}, {pipeline_mode = #tpu.pipeline_mode<synchronous>, transform_indices = @transform_7, window_bounds = array<i64: 1, 256>}, {pipeline_mode = #tpu.pipeline_mode<synchronous>, transform_indices = @transform_8, window_bounds = array<i64: 256, 256>}, {pipeline_mode = #tpu.pipeline_mode<synchronous>, transform_indices = @transform_9, window_bounds = array<i64: 1, 256>}, {pipeline_mode = #tpu.pipeline_mode<synchronous>, transform_indices = @transform_10, window_bounds = array<i64: 256, 256>}, {pipeline_mode = #tpu.pipeline_mode<synchronous>, transform_indices = @transform_11, window_bounds = array<i64: 1, 256>}, {pipeline_mode = #tpu.pipeline_mode<synchronous>, transform_indices = @transform_12, window_bounds = array<i64: 256, 256>}, {pipeline_mode = #tpu.pipeline_mode<synchronous>, transform_indices = @transform_13, window_bounds = array<i64: 1, 256>}, {transform_indices = @transform_14, window_bounds = array<i64: 1, 128, 256>}]} {
    %get3A = arith.constant 0 : index
    %get3A_0 = arith.constant 0 : index
    %get3A_1 = arith.constant 0 : index
    %get3A_2 = vector.load %arg1[%get3A, %get3A_0, %get3A_1] : memref<1x2048x384xi32, #tpu.memory_space<vmem>>, vector<1x2048x384xi32>
    %get3A_3 = vector.shape_cast %get3A_2 : vector<1x2048x384xi32> to vector<2048x384xi32>
    %slice3A = vector.extract_strided_slice %get3A_3 {offsets = [0, 0], sizes = [2048, 256], strides = [1, 1]} : vector<2048x384xi32> to vector<2048x256xi32>
    %shift_left3A = arith.constant 16 : i32
    %shift_left3A_4 = vector.broadcast %shift_left3A : i32 to vector<2048x256xi32>
    %shift_left3A_5 = arith.shli %slice3A, %shift_left3A_4 : vector<2048x256xi32>
    %bitcast_convert_type3A = tpu.bitcast %shift_left3A_5 : vector<2048x256xi32> -> vector<2048x256xf32>
    %slice3A_6 = vector.extract_strided_slice %get3A_3 {offsets = [0, 0], sizes = [2048, 256], strides = [1, 1]} : vector<2048x384xi32> to vector<2048x256xi32>
    %and3A = arith.constant -65536 : i32
    %and3A_7 = vector.broadcast %and3A : i32 to vector<2048x256xi32>
    %and3A_8 = arith.andi %slice3A_6, %and3A_7 : vector<2048x256xi32>
    %bitcast_convert_type3A_9 = tpu.bitcast %and3A_8 : vector<2048x256xi32> -> vector<2048x256xf32>
    %slice3A_10 = vector.extract_strided_slice %get3A_3 {offsets = [0, 256], sizes = [2048, 3], strides = [1, 1]} : vector<2048x384xi32> to vector<2048x3xi32>
    %bitcast_convert_type3A_11 = tpu.bitcast %slice3A_10 : vector<2048x3xi32> -> vector<2048x3xf32>
    %get3A_12 = arith.constant 0 : index
    %get3A_13 = arith.constant 0 : index
    %get3A_14 = arith.constant 0 : index
    %get3A_15 = vector.load %arg3[%get3A_12, %get3A_13, %get3A_14] : memref<1x128x3xf32, #tpu.memory_space<vmem>>, vector<1x128x3xf32>
    %get3A_16 = vector.shape_cast %get3A_15 : vector<1x128x3xf32> to vector<128x3xf32>
    %broadcast_in_dim3A = vector.shape_cast %get3A_16 : vector<128x3xf32> to vector<128x1x3xf32>
    %broadcast_in_dim3A_17 = vector.shape_cast %broadcast_in_dim3A : vector<128x1x3xf32> to vector<128x1x3xf32>
    %broadcast_in_dim3A_18 = vector.broadcast %broadcast_in_dim3A_17 : vector<128x1x3xf32> to vector<128x16x3xf32>
    %reshape3A = vector.shape_cast %broadcast_in_dim3A_18 : vector<128x16x3xf32> to vector<2048x3xf32>
    %sub3A = arith.subf %bitcast_convert_type3A_11, %reshape3A : vector<2048x3xf32>
    %get3A_19 = arith.constant 0 : index
    %get3A_20 = arith.constant 0 : index
    %get3A_21 = vector.load %arg5[%get3A_19, %get3A_20] : memref<3x256xf32, #tpu.memory_space<vmem>>, vector<3x256xf32>
    %dot_general3A = arith.constant dense<0.000000e+00> : vector<2048x256xf32>
    %dot_general3A_22 = tpu.matmul %sub3A, %get3A_21, %dot_general3A {dimension_numbers = #tpu.dot_dimension_numbers<[1], [0], [0], [1], [0, 0, 1, 1], [], []>, transpose_lhs_hint = false} : vector<2048x3xf32>, vector<3x256xf32>, vector<2048x256xf32> -> vector<2048x256xf32>
    %get3A_23 = arith.constant 0 : index
    %get3A_24 = arith.constant 0 : index
    %get3A_25 = vector.load %arg6[%get3A_23, %get3A_24] : memref<1x256xf32, #tpu.memory_space<vmem>>, vector<1x256xf32>
    %add3A = vector.broadcast %get3A_25 : vector<1x256xf32> to vector<2048x256xf32>
    %add3A_26 = arith.addf %dot_general3A_22, %add3A : vector<2048x256xf32>
    %max3A = arith.constant 0.000000e+00 : f32
    %max3A_27 = vector.broadcast %max3A : f32 to vector<2048x256xf32>
    %max3A_28 = arith.maximumf %add3A_26, %max3A_27 : vector<2048x256xf32>
    %convert_element_type3A = arith.truncf %max3A_28 : vector<2048x256xf32> to vector<2048x256xbf16>
    %get3A_29 = arith.constant 0 : index
    %get3A_30 = arith.constant 0 : index
    %get3A_31 = vector.load %arg7[%get3A_29, %get3A_30] : memref<256x256xbf16, #tpu.memory_space<vmem>>, vector<256x256xbf16>
    %dot_general3A_32 = arith.constant dense<0.000000e+00> : vector<2048x256xf32>
    %dot_general3A_33 = tpu.matmul %convert_element_type3A, %get3A_31, %dot_general3A_32 {dimension_numbers = #tpu.dot_dimension_numbers<[1], [0], [0], [1], [0, 0, 1, 1], [], []>, transpose_lhs_hint = false} : vector<2048x256xbf16>, vector<256x256xbf16>, vector<2048x256xf32> -> vector<2048x256xf32>
    %get3A_34 = arith.constant 0 : index
    %get3A_35 = arith.constant 0 : index
    %get3A_36 = vector.load %arg8[%get3A_34, %get3A_35] : memref<1x256xf32, #tpu.memory_space<vmem>>, vector<1x256xf32>
    %add3A_37 = vector.broadcast %get3A_36 : vector<1x256xf32> to vector<2048x256xf32>
    %add3A_38 = arith.addf %dot_general3A_33, %add3A_37 : vector<2048x256xf32>
    %get3A_39 = arith.constant 0 : index
    %get3A_40 = arith.constant 0 : index
    %get3A_41 = arith.constant 0 : index
    %get3A_42 = vector.load %arg2[%get3A_39, %get3A_40, %get3A_41] : memref<1x128x256xf32, #tpu.memory_space<vmem>>, vector<1x128x256xf32>
    %get3A_43 = vector.shape_cast %get3A_42 : vector<1x128x256xf32> to vector<128x256xf32>
    %broadcast_in_dim3A_44 = vector.shape_cast %get3A_43 : vector<128x256xf32> to vector<128x1x256xf32>
    %broadcast_in_dim3A_45 = vector.shape_cast %broadcast_in_dim3A_44 : vector<128x1x256xf32> to vector<128x1x256xf32>
    %broadcast_in_dim3A_46 = vector.broadcast %broadcast_in_dim3A_45 : vector<128x1x256xf32> to vector<128x16x256xf32>
    %reshape3A_47 = vector.shape_cast %broadcast_in_dim3A_46 : vector<128x16x256xf32> to vector<2048x256xf32>
    %sub3A_48 = arith.subf %reshape3A_47, %bitcast_convert_type3A : vector<2048x256xf32>
    %add3A_49 = arith.addf %sub3A_48, %add3A_38 : vector<2048x256xf32>
    %convert_element_type3A_50 = arith.truncf %add3A_49 : vector<2048x256xf32> to vector<2048x256xbf16>
    %get3A_51 = arith.constant 0 : index
    %get3A_52 = arith.constant 0 : index
    %get3A_53 = vector.load %arg9[%get3A_51, %get3A_52] : memref<256x256xbf16, #tpu.memory_space<vmem>>, vector<256x256xbf16>
    %dot_general3A_54 = arith.constant dense<0.000000e+00> : vector<2048x256xf32>
    %dot_general3A_55 = tpu.matmul %convert_element_type3A_50, %get3A_53, %dot_general3A_54 {dimension_numbers = #tpu.dot_dimension_numbers<[1], [0], [0], [1], [0, 0, 1, 1], [], []>, transpose_lhs_hint = false} : vector<2048x256xbf16>, vector<256x256xbf16>, vector<2048x256xf32> -> vector<2048x256xf32>
    %get3A_56 = arith.constant 0 : index
    %get3A_57 = arith.constant 0 : index
    %get3A_58 = vector.load %arg10[%get3A_56, %get3A_57] : memref<1x256xf32, #tpu.memory_space<vmem>>, vector<1x256xf32>
    %add3A_59 = vector.broadcast %get3A_58 : vector<1x256xf32> to vector<2048x256xf32>
    %add3A_60 = arith.addf %dot_general3A_55, %add3A_59 : vector<2048x256xf32>
    %max3A_61 = arith.constant 0.000000e+00 : f32
    %max3A_62 = vector.broadcast %max3A_61 : f32 to vector<2048x256xf32>
    %max3A_63 = arith.maximumf %add3A_60, %max3A_62 : vector<2048x256xf32>
    %convert_element_type3A_64 = arith.truncf %max3A_63 : vector<2048x256xf32> to vector<2048x256xbf16>
    %get3A_65 = arith.constant 0 : index
    %get3A_66 = arith.constant 0 : index
    %get3A_67 = vector.load %arg11[%get3A_65, %get3A_66] : memref<256x256xbf16, #tpu.memory_space<vmem>>, vector<256x256xbf16>
    %dot_general3A_68 = arith.constant dense<0.000000e+00> : vector<2048x256xf32>
    %dot_general3A_69 = tpu.matmul %convert_element_type3A_64, %get3A_67, %dot_general3A_68 {dimension_numbers = #tpu.dot_dimension_numbers<[1], [0], [0], [1], [0, 0, 1, 1], [], []>, transpose_lhs_hint = false} : vector<2048x256xbf16>, vector<256x256xbf16>, vector<2048x256xf32> -> vector<2048x256xf32>
    %get3A_70 = arith.constant 0 : index
    %get3A_71 = arith.constant 0 : index
    %get3A_72 = vector.load %arg12[%get3A_70, %get3A_71] : memref<1x256xf32, #tpu.memory_space<vmem>>, vector<1x256xf32>
    %add3A_73 = vector.broadcast %get3A_72 : vector<1x256xf32> to vector<2048x256xf32>
    %add3A_74 = arith.addf %dot_general3A_69, %add3A_73 : vector<2048x256xf32>
    %mul3A = arith.constant 6.250000e-02 : f32
    %mul3A_75 = vector.broadcast %mul3A : f32 to vector<2048x256xf32>
    %mul3A_76 = arith.mulf %add3A_74, %mul3A_75 : vector<2048x256xf32>
    %reshape3A_77 = vector.shape_cast %mul3A_76 : vector<2048x256xf32> to vector<128x16x256xf32>
    %reduce_max3A = arith.constant dense<0xFF800000> : vector<128x256xf32>
    %reduce_max3A_78 = vector.multi_reduction <maximumf>, %reshape3A_77, %reduce_max3A [1] : vector<128x16x256xf32> to vector<128x256xf32>
    %broadcast_in_dim3A_79 = vector.shape_cast %reduce_max3A_78 : vector<128x256xf32> to vector<128x1x256xf32>
    %sub3A_80 = vector.broadcast %broadcast_in_dim3A_79 : vector<128x1x256xf32> to vector<128x16x256xf32>
    %sub3A_81 = arith.subf %reshape3A_77, %sub3A_80 : vector<128x16x256xf32>
    %exp3A = math.exp %sub3A_81 : vector<128x16x256xf32>
    %reduce_sum3A = arith.constant dense<0.000000e+00> : vector<128x256xf32>
    %reduce_sum3A_82 = vector.multi_reduction <add>, %exp3A, %reduce_sum3A [1] : vector<128x16x256xf32> to vector<128x256xf32>
    %broadcast_in_dim3A_83 = vector.shape_cast %reduce_sum3A_82 : vector<128x256xf32> to vector<128x1x256xf32>
    %div3A = vector.broadcast %broadcast_in_dim3A_83 : vector<128x1x256xf32> to vector<128x16x256xf32>
    %div3A_84 = arith.divf %exp3A, %div3A : vector<128x16x256xf32>
    %add3A_85 = arith.addf %bitcast_convert_type3A_9, %add3A_38 : vector<2048x256xf32>
    %reshape3A_86 = vector.shape_cast %add3A_85 : vector<2048x256xf32> to vector<128x16x256xf32>
    %mul3A_87 = arith.mulf %div3A_84, %reshape3A_86 : vector<128x16x256xf32>
    %reduce_sum3A_88 = arith.constant dense<0.000000e+00> : vector<128x256xf32>
    %reduce_sum3A_89 = vector.multi_reduction <add>, %mul3A_87, %reduce_sum3A_88 [1] : vector<128x16x256xf32> to vector<128x256xf32>
    %convert_element_type3A_90 = arith.truncf %reduce_sum3A_89 : vector<128x256xf32> to vector<128x256xbf16>
    %get3A_91 = arith.constant 0 : index
    %get3A_92 = arith.constant 0 : index
    %get3A_93 = vector.load %arg13[%get3A_91, %get3A_92] : memref<256x256xbf16, #tpu.memory_space<vmem>>, vector<256x256xbf16>
    %dot_general3A_94 = arith.constant dense<0.000000e+00> : vector<128x256xf32>
    %dot_general3A_95 = tpu.matmul %convert_element_type3A_90, %get3A_93, %dot_general3A_94 {dimension_numbers = #tpu.dot_dimension_numbers<[1], [0], [0], [1], [0, 0, 1, 1], [], []>, transpose_lhs_hint = false} : vector<128x256xbf16>, vector<256x256xbf16>, vector<128x256xf32> -> vector<128x256xf32>
    %get3A_96 = arith.constant 0 : index
    %get3A_97 = arith.constant 0 : index
    %get3A_98 = vector.load %arg14[%get3A_96, %get3A_97] : memref<1x256xf32, #tpu.memory_space<vmem>>, vector<1x256xf32>
    %add3A_99 = vector.broadcast %get3A_98 : vector<1x256xf32> to vector<128x256xf32>
    %add3A_100 = arith.addf %dot_general3A_95, %add3A_99 : vector<128x256xf32>
    %get3A_101 = arith.constant 0 : index
    %get3A_102 = arith.constant 0 : index
    %get3A_103 = arith.constant 0 : index
    %get3A_104 = vector.load %arg4[%get3A_101, %get3A_102, %get3A_103] : memref<1x128x256xf32, #tpu.memory_space<vmem>>, vector<1x128x256xf32>
    %get3A_105 = vector.shape_cast %get3A_104 : vector<1x128x256xf32> to vector<128x256xf32>
    %add3A_106 = arith.addf %add3A_100, %get3A_105 : vector<128x256xf32>
    %swap3A = arith.constant 0 : index
    %swap3A_107 = arith.constant 0 : index
    %swap3A_108 = arith.constant 0 : index
    %swap3A_109 = vector.load %arg15[%swap3A, %swap3A_107, %swap3A_108] : memref<1x128x256xf32, #tpu.memory_space<vmem>>, vector<1x128x256xf32>
    %swap3A_110 = vector.shape_cast %swap3A_109 : vector<1x128x256xf32> to vector<128x256xf32>
    %swap3A_111 = vector.shape_cast %add3A_106 : vector<128x256xf32> to vector<1x128x256xf32>
    tpu.vector_store %arg15[%swap3A, %swap3A_107, %swap3A_108], %swap3A_111 {strides = array<i32>} : memref<1x128x256xf32, #tpu.memory_space<vmem>>, vector<1x128x256xf32>,
    return
  }
  func.func @transform_0(%arg0: i32) -> (i32, i32, i32) {
    %c0_i32 = arith.constant 0 : i32
    %c0_i32_0 = arith.constant 0 : i32
    %c0_i32_1 = arith.constant 0 : i32
    return %c0_i32, %arg0, %c0_i32_0 : i32, i32, i32
  }
  func.func @transform_1(%arg0: i32) -> (i32, i32, i32) {
    %c0_i32 = arith.constant 0 : i32
    %c0_i32_0 = arith.constant 0 : i32
    %c0_i32_1 = arith.constant 0 : i32
    return %c0_i32, %arg0, %c0_i32_0 : i32, i32, i32
  }
  func.func @transform_2(%arg0: i32) -> (i32, i32, i32) {
    %c0_i32 = arith.constant 0 : i32
    %c0_i32_0 = arith.constant 0 : i32
    %c0_i32_1 = arith.constant 0 : i32
    return %c0_i32, %arg0, %c0_i32_0 : i32, i32, i32
  }
  func.func @transform_3(%arg0: i32) -> (i32, i32, i32) {
    %c0_i32 = arith.constant 0 : i32
    %c0_i32_0 = arith.constant 0 : i32
    %c0_i32_1 = arith.constant 0 : i32
    return %c0_i32, %arg0, %c0_i32_0 : i32, i32, i32
  }
  func.func @transform_4(%arg0: i32) -> (i32, i32) {
    %c0_i32 = arith.constant 0 : i32
    %c0_i32_0 = arith.constant 0 : i32
    %c0_i32_1 = arith.constant 0 : i32
    return %c0_i32, %c0_i32_0 : i32, i32
  }
  func.func @transform_5(%arg0: i32) -> (i32, i32) {
    %c0_i32 = arith.constant 0 : i32
    %c0_i32_0 = arith.constant 0 : i32
    %c0_i32_1 = arith.constant 0 : i32
    return %c0_i32, %c0_i32_0 : i32, i32
  }
  func.func @transform_6(%arg0: i32) -> (i32, i32) {
    %c0_i32 = arith.constant 0 : i32
    %c0_i32_0 = arith.constant 0 : i32
    %c0_i32_1 = arith.constant 0 : i32
    return %c0_i32, %c0_i32_0 : i32, i32
  }
  func.func @transform_7(%arg0: i32) -> (i32, i32) {
    %c0_i32 = arith.constant 0 : i32
    %c0_i32_0 = arith.constant 0 : i32
    %c0_i32_1 = arith.constant 0 : i32
    return %c0_i32, %c0_i32_0 : i32, i32
  }
  func.func @transform_8(%arg0: i32) -> (i32, i32) {
    %c0_i32 = arith.constant 0 : i32
    %c0_i32_0 = arith.constant 0 : i32
    %c0_i32_1 = arith.constant 0 : i32
    return %c0_i32, %c0_i32_0 : i32, i32
  }
  func.func @transform_9(%arg0: i32) -> (i32, i32) {
    %c0_i32 = arith.constant 0 : i32
    %c0_i32_0 = arith.constant 0 : i32
    %c0_i32_1 = arith.constant 0 : i32
    return %c0_i32, %c0_i32_0 : i32, i32
  }
  func.func @transform_10(%arg0: i32) -> (i32, i32) {
    %c0_i32 = arith.constant 0 : i32
    %c0_i32_0 = arith.constant 0 : i32
    %c0_i32_1 = arith.constant 0 : i32
    return %c0_i32, %c0_i32_0 : i32, i32
  }
  func.func @transform_11(%arg0: i32) -> (i32, i32) {
    %c0_i32 = arith.constant 0 : i32
    %c0_i32_0 = arith.constant 0 : i32
    %c0_i32_1 = arith.constant 0 : i32
    return %c0_i32, %c0_i32_0 : i32, i32
  }
  func.func @transform_12(%arg0: i32) -> (i32, i32) {
    %c0_i32 = arith.constant 0 : i32
    %c0_i32_0 = arith.constant 0 : i32
    %c0_i32_1 = arith.constant 0 : i32
    return %c0_i32, %c0_i32_0 : i32, i32
  }
  func.func @transform_13(%arg0: i32) -> (i32, i32) {
    %c0_i32 = arith.constant 0 : i32
    %c0_i32_0 = arith.constant 0 : i32
    %c0_i32_1 = arith.constant 0 : i32
    return %c0_i32, %c0_i32_0 : i32, i32
  }
  func.func @transform_14(%arg0: i32) -> (i32, i32, i32) {
    %c0_i32 = arith.constant 0 : i32
    %c0_i32_0 = arith.constant 0 : i32
    %c0_i32_1 = arith.constant 0 : i32
    return %c0_i32, %arg0, %c0_i32_0 : i32, i32, i32
  }
}

</mosaic_0001>

<sc_bundles>
// kernel: kernel.14.cloned.1.call-start
scs
__scs_entry_jumppad:
0x0: {  	(pc) =	sbr.rel $0x88, $3  }
0x1: {  	(tag) =	ssettag $0x0;
	lr =	simm.s32 $0x1  }
0x2: {  	[smem:$0x3F90] =	sst lr;
	_ =	strace $0xD0000000  }
0x3: {  	_ = 	snop  }
0x4: {  	_ = 	snop  }
0x5: {  	_ = 	snop  }
0x6: {  	_ = 	snop  }
0x7: {  	_ = 	snop  }
__scs_overlays_trampoline_lowered:
0x8: {  	[smem:$0x3F9F] =	sst s0  }
0x9: {  	[smem:$0x3FA0] =	sst s1  }
0xa: {  	[smem:$0x3FA1] =	sst s2  }
0xb: {  	[smem:$0x3FA2] =	sst s3  }
0xc: {  	[smem:$0x3FA3] =	sst s4  }
0xd: {  	[smem:$0x3FA4] =	sst s5  }
0xe: {  	[smem:$0x3FA5] =	sst s6  }
0xf: {  	[smem:$0x3FA6] =	sst s7  }
0x10: {  	[smem:$0x3FA7] =	sst s8  }
0x11: {  	[smem:$0x3FA8] =	sst s9;
	s0 =	simm.s32 @!p0 $0x0  }
0x12: {  	s1 =	sld [smem:$0x3F8E];
	s0 =	simm.s32 @p0 $0x1  }
0x13: {  	[smem:$0x3FA9] =	sst s0;
	s0 =	simm.s32 @!p1 $0x0  }
0x14: {  	s2 =	sld [smem:$0x3F8D];
	s0 =	simm.s32 @p1 $0x1  }
0x15: {  	[smem:$0x3FAA] =	sst s0;
	s0 =	simm.s32 @!p2 $0x0  }
0x16: {  	s3 =	sld [smem:$0x3FDB];
	s0 =	simm.s32 @p2 $0x1  }
0x17: {  	s4 =	simm.s32 $0x1BF5;
	[smem:$0x3FAC] =	sst s0  }
0x18: {  	s0 =	sld [smem:$0x3F8F];
	_ =	swait.ge [sflag:s4], $0x0  }
0x19: {  	s7 =	sld [smem:$0x3F90]  }
0x1a: {  	s8 =	sadd.s32 $0xFFFFE003, lr  }
0x1b: {  	s9 =	sadd.s32 $0xFFFFFEF7, lr;
	s5 =	simm.s32 $0xFFFFFFFF;
	p2 =	slt.u32 s8, $0xFFFFF086  }
0x1c: {  	p1 =	slt.u32 s9, $0xF7A;
	s5 =	simm.s32 @!p2 $0x0  }
0x1d: {  	s5 =	simm.s32 @p1 $0x1;
	p0 =	seq.s32 s7, s2  }
0x1e: {  	s7 =	smul.u32 @!p0 $0xF7A, s2;
	p2 =	seq.s32 @!p0 s5, $0x0  }
0x1f: {  	s9 =	smul.u32 $0xF7A, s1;
	s8 =	simm.s32 @!p0 $0x1BF5;
	p2 =	por !p2, p0  }
0x20: {  	[sflag:s8] =	ssyncset.s32 @!p0 $0xFFFFF086;
	s6 =	sadd.s32 @!p0 s3, s7;
	s7 =	simm.s32 @!p0 $0x108  }
0x21: {  	s3 =	sadd.s32 s3, s9;
	s6 =	sadd.s32 @!p0 $0x88, s6;
	s7 =	simm.s32 @p2 $0x1082  }
0x22: {  	[simem:s7], [sflag:s8] =	dma.local @!p0 [hbm:s6], $0xF7A  }
0x23: {  	s9 =	sor.u32 $0xD0000000, s2;
	s6 =	simm.s32 $0x108;
	_ =	swait.ge @!p0 [sflag:s8], $0x0  }
0x24: {  	s3 =	sadd.s32 $0x88, s3;
	s6 =	simm.s32 @!p1 $0x1082;
	[sflag:s4] =	ssyncset.s32 $0xFFFFF086  }
0x25: {  	[simem:s6], [sflag:s4] =	dma.local [hbm:s3], $0xF7A  }
0x26: {  	[smem:$0x3F90] =	sst s1;
	(tag) =	ssettag s2;
	_ =	strace s9  }
0x27: {  	s1 =	sld [smem:$0x3FA0]  }
0x28: {  	s2 =	sld [smem:$0x3FA1]  }
0x29: {  	s4 =	sld [smem:$0x3FA3]  }
0x2a: {  	p0 =	seq.s32 s5, $0x0;
	s5 =	sld [smem:$0x3FA4]  }
0x2b: {  	s6 =	sld [smem:$0x3FA5]  }
0x2c: {  	s7 =	sld [smem:$0x3FA6]  }
0x2d: {  	s3 =	simm.s32 $0x108;
	s8 =	sld [smem:$0x3FA7]  }
0x2e: {  	s3 =	simm.s32 @!p0 $0x1082;
	s9 =	sld [smem:$0x3FA8]  }
0x2f: {  	lr =	sadd.s32 s0, s3;
	s0 =	sld [smem:$0x3F9F]  }
0x30: {  	s3 =	sld [smem:$0x3FA2]  }
0x31: {  	[smem:$0x3FAB] =	sst s10  }
0x32: {  	s10 =	sld [smem:$0x3FA9];
	_ =	sdelay $0x3  }
0x33: {  	p0 =	seq.s32 s10, $0x1;
	s10 =	sld [smem:$0x3FAB];
	_ =	sdelay $0x3  }
0x34: {  	[smem:$0x3FAB] =	sst s10  }
0x35: {  	s10 =	sld [smem:$0x3FAA];
	_ =	sdelay $0x3  }
0x36: {  	p1 =	seq.s32 s10, $0x1;
	s10 =	sld [smem:$0x3FAB];
	_ =	sdelay $0x3  }
0x37: {  	[smem:$0x3FAB] =	sst s10  }
0x38: {  	s10 =	sld [smem:$0x3FAC]  }
0x39: {  	_ = 	snop;
	(pc) =	sbr.ind lr, $3  }
0x3a: {  	_ = 	snop  }
0x3b: {  	_ = 	snop  }
0x3c: {  	p2 =	seq.s32 s10, $0x1;
	s10 =	sld [smem:$0x3FAB]  }
0x3d: {  	_ =	shalt  }
0x3e: {  	_ =	shalt  }
0x3f: {  	_ =	shalt  }
0x40: {  	_ =	shalt  }
0x41: {  	_ =	shalt  }
0x42: {  	_ =	shalt  }
0x43: {  	_ =	shalt  }
0x44: {  	_ =	shalt  }
0x45: {  	_ =	shalt  }
0x46: {  	_ =	shalt  }
0x47: {  	_ =	shalt  }
0x48: {  	_ =	shalt  }
0x49: {  	_ =	shalt  }
0x4a: {  	_ =	shalt  }
0x4b: {  	_ =	shalt  }
0x4c: {  	_ =	shalt  }
0x4d: {  	_ =	shalt  }
0x4e: {  	_ =	shalt  }
0x4f: {  	_ =	shalt  }
0x50: {  	_ =	shalt  }
0x51: {  	_ =	shalt  }
0x52: {  	_ =	shalt  }
0x53: {  	_ =	shalt  }
0x54: {  	_ =	shalt  }
0x55: {  	_ =	shalt  }
0x56: {  	_ =	shalt  }
0x57: {  	_ =	shalt  }
0x58: {  	_ =	shalt  }
0x59: {  	_ =	shalt  }
0x5a: {  	_ =	shalt  }
0x5b: {  	_ =	shalt  }
0x5c: {  	_ =	shalt  }
0x5d: {  	_ =	shalt  }
0x5e: {  	_ =	shalt  }
0x5f: {  	_ =	shalt  }
0x60: {  	_ =	shalt  }
0x61: {  	_ =	shalt  }
0x62: {  	_ =	shalt  }
0x63: {  	_ =	shalt  }
0x64: {  	_ =	shalt  }
0x65: {  	_ =	shalt  }
0x66: {  	_ =	shalt  }
0x67: {  	_ =	shalt  }
0x68: {  	_ =	shalt  }
0x69: {  	_ =	shalt  }
0x6a: {  	_ =	shalt  }
0x6b: {  	_ =	shalt  }
0x6c: {  	_ =	shalt  }
0x6d: {  	_ =	shalt  }
0x6e: {  	_ =	shalt  }
0x6f: {  	_ =	shalt  }
0x70: {  	_ =	shalt  }
0x71: {  	_ =	shalt  }
0x72: {  	_ =	shalt  }
0x73: {  	_ =	shalt  }
0x74: {  	_ =	shalt  }
0x75: {  	_ =	shalt  }
0x76: {  	_ =	shalt  }
0x77: {  	_ =	shalt  }
0x78: {  	_ =	shalt  }
0x79: {  	_ =	shalt  }
0x7a: {  	_ =	shalt  }
0x7b: {  	_ =	shalt  }
0x7c: {  	_ =	shalt  }
0x7d: {  	_ =	shalt  }
0x7e: {  	_ =	shalt  }
0x7f: {  	_ =	shalt  }
0x80: {  	_ =	shalt  }
0x81: {  	_ =	shalt  }
0x82: {  	_ =	shalt  }
0x83: {  	_ =	shalt  }
0x84: {  	_ =	shalt  }
0x85: {  	_ =	shalt  }
0x86: {  	_ =	shalt  }
0x87: {  	_ =	shalt  }
.Lfunc_end0:
.L_simem_size_0:
called_computation_lowered:
.L_overlay_start_0:
0x88: {  	s2 =	sld [smem:$0x3FD9]  }
0x89: {  	s3 =	sld [smem:$0x3FFE];
	_ =	sdelay $0x1  }
0x8a: {  	s1 =	srdreg.scid  }
0x8b: {  	s0 =	sand.u32 $0x1, s1  }
0x8c: {  	s16 =	sshll.u32 s0, $0xA;
	s2 =	sadd.s32 s3, s2  }
0x8d: {  	s2 =	sadd.s32 s2, s16  }
0x8e: {  	[smem:$0x3FB7] =	sst s2  }
0x8f: {  	_ = 	snop  }
0x90: {  	(tm) =	ssettm $0x1  }
0x91: {  	s17 =	sld [smem:$0x3FFB];
	_ =	sdelay $0x3  }
0x92: {  	_ =	strace s17  }
0x93: {  	s2 =	sld [smem:$0x3FFC];
	_ =	sdelay $0x3  }
0x94: {  	_ =	strace s2  }
0x95: {  	s2 =	sld [smem:$0x3FFD];
	_ =	sdelay $0x3  }
0x96: {  	_ =	strace s2  }
0x97: {  	_ =	strace $0x8FFFFFFF  }
0x98: {  	s18 =	sld [smem:$0x3FDB];
	_ =	sdelay $0x1  }
0x99: {  	s19 =	simm.s32 $_scs_section_size  }
0x9a: {  	s4 =	simm.s32 $_size__tile_overlayer_lowered;
	s5 =	simm.s32 $_tile_overlayer_lowered  }
0x9b: {  	s22 =	simm.s32 $0x1BFF;
	s21 =	sshll.u32 s5, $0x1;
	s2 =	sadd.s32 s19, s18  }
0x9c: {  	s6 =	simm.s32 $0x0;
	s20 =	sshll.u32 s4, $0x1;
	s4 =	sadd.s32 s21, s2  }
0x9d: {  	[timem:s6], [sflag:s22] =	dma.local [hbm:s4], s20  }
0x9e: {  	_ =	swait.ge [sflag:s22], s20  }
0x9f: {  	s3 =	ssub.s32 $0x0, s20;
	[sflag:s22] =	ssyncset.done $0x0  }
0xa0: {  	[sflag:s22] =	ssyncadd.s32 s3;
	_ =	sdelay $0x1  }
0xa1: {  	s23 =	simm.s32 $0x1B8B  }
0xa2: {  	_ =	swait.ge [sflag:s23], $0x1  }
0xa3: {  	[sflag:s23] =	ssyncset.done $0x0  }
0xa4: {  	s25 =	simm.s32 $0x1B8E;
	s24 =	sld [smem:$0x3FFE];
	[sflag:s23] =	ssyncadd.s32 $0xFFFFFFFF  }
0xa5: {  	s26 =	simm.s32 $execute0_lowered;
	[smem:$0x3FD2] =	sst s25  }
0xa6: {  	s4 =	sshll.u32 s26, $0x1;
	_ =	strace $0x80000046;
	[dreg:$0x1] =	wrdreg $0xFFFFFFFF  }
0xa7: {  	s28 =	simm.s32 $_size_execute0_lowered;
	s2 =	sadd.s32 s2, s4;
	[dreg:$0x0] =	wrdreg $0x0  }
0xa8: {  	s4 =	sshll.u32 s28, $0x1;
	[dreg:$0x2] =	wrdreg s2  }
0xa9: {  	[dreg:$0x3] =	wrdreg s4  }
0xaa: {  	[dreg:$0x4] =	wrdreg $0xC0  }
0xab: {  	_ =	task [dreg:s6], $0x5FFFF  }
0xac: {  	[dreg:$0x1] =	wrdreg $0xFFFFFFFF  }
0xad: {  	[dreg:$0x0] =	wrdreg $0x60  }
0xae: {  	[dreg:$0x2] =	wrdreg s24  }
0xaf: {  	[dreg:$0x3] =	wrdreg $0x9  }
0xb0: {  	_ =	task.clear_ibuf [dreg:s6], $0x4FFFF;
	_ =	strace $0x90000046  }
0xb1: {  	s29 =	simm.s32 $0x9;
	_ =	strace $0x80000048  }
0xb2: {  	_ =	swait.ge [sflag:s29], $0x1  }
0xb3: {  	[sflag:s29] =	ssyncadd.s32 $0xFFFFFFFF  }
0xb4: {  	_ =	strace $0x90000048  }
0xb5: {  	_ =	sfence  }
0xb6: {  	s30 =	sld [smem:$0x0];
	_ =	sdelay $0x2  }
0xb7: {  	s31 =	sshll.u32 s1, $0xD;
	s1 =	sshrl.u32 s1, $0x2  }
0xb8: {  	s3 =	sand.u32 $0x4000, s31;
	s1 =	sadd.s32 s1, s30  }
0xb9: {  	s0 =	sor.u32 s3, s0;
	s1 =	sshll.u32 s1, $0x11  }
0xba: {  	s0 =	sor.u32 s1, s0  }
0xbb: {  	s0 =	sadd.s32 $0x8F2B, s0  }
0xbc: {  	[sflag:s0] =	ssyncadd.remote.s32 $0x1  }
0xbd: {  	_ =	sfence.sel $0xFFFF  }
0xbe: {  	[dreg:$0x0] =	wrdreg $0xFFFFFFFF;
	(pc) =	sbr.abs _section_cstart, $3  }
0xbf: {  	[dreg:$0x1] =	wrdreg $0xFFFFFFFF  }
0xc0: {  	_ =	task.clear_ibuf [dreg:s6], $0x2FFFF;
	_ =	strace $0x9FFFFFFF  }
0xc1: {  	(tm) =	ssettm $0x7FFFFFFF  }
tec
execute0_lowered:
.L_overlay_start_1:
0x0: {  	(tag) =	ssettag $0x1  }
0x1: {  	s0 =	rddreg [dreg:$0x0];
	s1 =	srdreg.scid  }
0x2: {  	s3 =	stileid.u32;
	s2 =	simm.s32 $0x0;
	s28 =	simm.s32 $0xE00  }
0x3: {  	s29 =	simm.s32 $0x1600;
	s30 =	simm.s32 $0x1A00;
	s31 =	simm.s32 $0x2200  }
0x4: {  	s10 =	simm.s32 $0x3A00;
	s11 =	simm.s32 $0x3E00;
	s12 =	simm.s32 $0x4600  }
0x5: {  	s13 =	simm.s32 $0x4A00;
	s14 =	simm.s32 $0x5200;
	s15 =	simm.s32 $0x5600  }
0x6: {  	s17 =	simm.s32 $0x5E00;
	s18 =	simm.s32 $0x6200;
	s19 =	simm.s32 $0x6A00  }
0x7: {  	s20 =	simm.s32 $0x7600;
	s21 =	simm.s32 $0x7A00;
	s22 =	simm.s32 $0x8200  }
0x8: {  	s16 =	simm.s32 $0x8E00;
	s1 =	sand.u32 $0x1, s1;
	s3 =	sshll.u32 s3, $0x7  }
0x9: {  	[smem:$0x7FF] =	sst s2;
	s7 =	sadd.s32 $0x10C00, s0;
	s4 =	sshll.u32 s1, $0x6  }
0xa: {  	_ =	strace $0x80000047;
	s1 =	ssub.s32 $0x2, s1;
	s4 =	sor.u32 s4, s3  }
0xb: {  	s3 =	sadd.s32 $0x4400, s0;
	s8 =	sshrl.u32 s1, $0x1;
	s5 =	smul.u32 $0x180, s4  }
0xc: {  	s6 =	smul.u32 $0xC00, s4;
	s4 =	sadd.s32 s4, s0;
	s1 =	ssub.s32 s1, s8  }
0xd: {  	s8 =	simm.s32 $0x8600;
	s4 =	sadd.s32 $0x10400, s4;
	s9 =	sadd.s32 s7, s5  }
0xe: {  	s23 =	sshrl.u32 s6, $0x3;
	[dreg:$0x2] =	wrdreg s4;
	s5 =	sadd.s32 $0x4500, s0  }
0xf: {  	s4 =	simm.s32 $0x2;
	[dreg:$0x6] =	wrdreg s9;
	s24 =	sadd.s32 $0x1800, s9  }
0x10: {  	s6 =	sadd.s32 s7, s23;
	s7 =	simm.s32 $0x3;
	s9 =	simm.s32 $0x3200  }
0x11: {  	v2 =	vlaneseq.u32;
	s23 =	simm.s32 $0x9200;
	[dreg:$0x3] =	wrdreg s24;
	s25 =	sadd.s32 $0x3000, s6  }
0x12: {  	vm0 =	vmmov $0xffff;
	vm1 =	vmmov $0xff;
	v1 =	vshrl.u32 v2, $0x3;
	s26 =	sadd.s32 $0x4800, s6;
	s6 =	smax.u32 s1, $0x1;
	[dreg:$0x4] =	wrdreg s25  }
0x13: {  	v0 =	vand.u32 $0x7, v2;
	v2 =	vor.u32 $0x8, v2;
	v1 =	vmul.u32 $0x8, v1;
	s24 =	simm.s32 $0x1;
	[dreg:$0x5] =	wrdreg s26;
	s26 =	simm.s32 $0xA00  }
.LBB2_1:
0x14: {  	s25 =	rddreg [dreg:$0x2]  }
0x15: {  	[tilespmem:s2], [sflag:$0x3] =	stream.linear.gather [hbm4b:s25+s2], $0x200, $0x38;
	[tilespmem:$0x18200] =	vst v63  }
0x16: {  	_ =	swait.ge [sflag:s7], $0x200  }
0x17: {  	[sflag:s7] =	ssyncset.done $0x0  }
0x18: {  	[sflag:s7] =	ssyncadd.s32 $0xFFFFFE00  }
0x19: {  	v3 =	vld [tilespmem:$0x0];
	_ =	sdelay $0x4  }
0x1a: {  	v4 =	vshrl.u32 v3, $0x3  }
0x1b: {  	v4 =	vmul.u32 $0x18, v4  }
0x1c: {  	v3 =	vand.u32 $0x7, v3  }
0x1d: {  	v3 =	vor.u32 v3, v4  }
0x1e: {  	v4 =	vperm.xlane v3, v0;
	_ =	sdelay $0x1  }
0x1f: {  	v4 =	vadd.s32 v1, v4;
	_ =	sdelay $0x1  }
0x20: {  	v3 =	vperm.xlane v3, v2;
	_ =	sdelay $0x1  }
0x21: {  	s0 =	simm.s32 $0x200;
	v3 =	vadd.s32 v1, v3  }
0x22: {  	[tilespmem:s0], [sflag:$0x1] =	stream.indirect_vreg.gather [hbm4b:s3+s2], $0x80, v4, vm0, $0xb8;
	[tilespmem:$0x18200] =	vst v63  }
0x23: {  	_ = 	snop  }
0x24: {  	[tilespmem:s26], [sflag:$0x1] =	stream.indirect_vreg.gather [hbm4b:s5+s2], $0x80, v4, vm1, $0xb8;
	[tilespmem:$0x18200] =	vst v63  }
0x25: {  	_ = 	snop  }
0x26: {  	[tilespmem:s28], [sflag:$0x1] =	stream.indirect_vreg.gather [hbm4b:s3+s2], $0x80, v3, vm0, $0xb8;
	[tilespmem:$0x18200] =	vst v63  }
0x27: {  	_ = 	snop  }
0x28: {  	[tilespmem:s29], [sflag:$0x1] =	stream.indirect_vreg.gather [hbm4b:s5+s2], $0x80, v3, vm1, $0xb8;
	[tilespmem:$0x18200] =	vst v63  }
0x29: {  	v3 =	vld [tilespmem:$0x10];
	_ =	sdelay $0x4  }
0x2a: {  	v33 =	vshrl.u32 v3, $0x3  }
0x2b: {  	v4 =	vmul.u32 $0x18, v33  }
0x2c: {  	v3 =	vand.u32 $0x7, v3  }
0x2d: {  	v3 =	vor.u32 v3, v4  }
0x2e: {  	v4 =	vperm.xlane v3, v0;
	_ =	sdelay $0x1  }
0x2f: {  	v4 =	vadd.s32 v1, v4;
	_ =	sdelay $0x1  }
0x30: {  	v3 =	vperm.xlane v3, v2;
	_ =	sdelay $0x1  }
0x31: {  	v3 =	vadd.s32 v1, v3  }
0x32: {  	[tilespmem:s30], [sflag:$0x1] =	stream.indirect_vreg.gather [hbm4b:s3+s2], $0x80, v4, vm0, $0xb8;
	[tilespmem:$0x18200] =	vst v63  }
0x33: {  	_ = 	snop  }
0x34: {  	[tilespmem:s31], [sflag:$0x1] =	stream.indirect_vreg.gather [hbm4b:s5+s2], $0x80, v4, vm1, $0xb8;
	[tilespmem:$0x18200] =	vst v63  }
0x35: {  	s25 =	simm.s32 $0x2600  }
0x36: {  	[tilespmem:s25], [sflag:$0x1] =	stream.indirect_vreg.gather [hbm4b:s3+s2], $0x80, v3, vm0, $0xb8;
	[tilespmem:$0x18200] =	vst v63  }
0x37: {  	s1 =	simm.s32 $0x2E00  }
0x38: {  	[tilespmem:s1], [sflag:$0x1] =	stream.indirect_vreg.gather [hbm4b:s5+s2], $0x80, v3, vm1, $0xb8;
	[tilespmem:$0x18200] =	vst v63  }
0x39: {  	v3 =	vld [tilespmem:$0x20];
	_ =	sdelay $0x4  }
0x3a: {  	v34 =	vshrl.u32 v3, $0x3  }
0x3b: {  	v4 =	vmul.u32 $0x18, v34  }
0x3c: {  	v3 =	vand.u32 $0x7, v3  }
0x3d: {  	v3 =	vor.u32 v3, v4  }
0x3e: {  	v4 =	vperm.xlane v3, v0;
	_ =	sdelay $0x1  }
0x3f: {  	v4 =	vadd.s32 v1, v4;
	_ =	sdelay $0x1  }
0x40: {  	v3 =	vperm.xlane v3, v2;
	_ =	sdelay $0x1  }
0x41: {  	v3 =	vadd.s32 v1, v3  }
0x42: {  	[tilespmem:s9], [sflag:$0x1] =	stream.indirect_vreg.gather [hbm4b:s3+s2], $0x80, v4, vm0, $0xb8;
	[tilespmem:$0x18200] =	vst v63  }
0x43: {  	_ = 	snop  }
0x44: {  	[tilespmem:s10], [sflag:$0x1] =	stream.indirect_vreg.gather [hbm4b:s5+s2], $0x80, v4, vm1, $0xb8;
	[tilespmem:$0x18200] =	vst v63  }
0x45: {  	_ = 	snop  }
0x46: {  	[tilespmem:s11], [sflag:$0x1] =	stream.indirect_vreg.gather [hbm4b:s3+s2], $0x80, v3, vm0, $0xb8;
	[tilespmem:$0x18200] =	vst v63  }
0x47: {  	_ = 	snop  }
0x48: {  	[tilespmem:s12], [sflag:$0x1] =	stream.indirect_vreg.gather [hbm4b:s5+s2], $0x80, v3, vm1, $0xb8;
	[tilespmem:$0x18200] =	vst v63  }
0x49: {  	v3 =	vld [tilespmem:$0x30];
	_ =	sdelay $0x4  }
0x4a: {  	v35 =	vshrl.u32 v3, $0x3  }
0x4b: {  	v4 =	vmul.u32 $0x18, v35  }
0x4c: {  	v3 =	vand.u32 $0x7, v3  }
0x4d: {  	v3 =	vor.u32 v3, v4  }
0x4e: {  	v4 =	vperm.xlane v3, v0;
	_ =	sdelay $0x1  }
0x4f: {  	v4 =	vadd.s32 v1, v4;
	_ =	sdelay $0x1  }
0x50: {  	v3 =	vperm.xlane v3, v2;
	_ =	sdelay $0x1  }
0x51: {  	v3 =	vadd.s32 v1, v3  }
0x52: {  	[tilespmem:s13], [sflag:$0x1] =	stream.indirect_vreg.gather [hbm4b:s3+s2], $0x80, v4, vm0, $0xb8;
	[tilespmem:$0x18200] =	vst v63  }
0x53: {  	_ = 	snop  }
0x54: {  	[tilespmem:s14], [sflag:$0x1] =	stream.indirect_vreg.gather [hbm4b:s5+s2], $0x80, v4, vm1, $0xb8;
	[tilespmem:$0x18200] =	vst v63  }
0x55: {  	_ = 	snop  }
0x56: {  	[tilespmem:s15], [sflag:$0x1] =	stream.indirect_vreg.gather [hbm4b:s3+s2], $0x80, v3, vm0, $0xb8;
	[tilespmem:$0x18200] =	vst v63  }
0x57: {  	_ = 	snop  }
0x58: {  	[tilespmem:s17], [sflag:$0x1] =	stream.indirect_vreg.gather [hbm4b:s5+s2], $0x80, v3, vm1, $0xb8;
	[tilespmem:$0x18200] =	vst v63  }
0x59: {  	v3 =	vld [tilespmem:$0x40];
	_ =	sdelay $0x4  }
0x5a: {  	v36 =	vshrl.u32 v3, $0x3  }
0x5b: {  	v4 =	vmul.u32 $0x18, v36  }
0x5c: {  	v3 =	vand.u32 $0x7, v3  }
0x5d: {  	v3 =	vor.u32 v3, v4  }
0x5e: {  	v4 =	vperm.xlane v3, v0;
	_ =	sdelay $0x1  }
0x5f: {  	v4 =	vadd.s32 v1, v4;
	_ =	sdelay $0x1  }
0x60: {  	v3 =	vperm.xlane v3, v2;
	_ =	sdelay $0x1  }
0x61: {  	v3 =	vadd.s32 v1, v3  }
0x62: {  	[tilespmem:s18], [sflag:$0x1] =	stream.indirect_vreg.gather [hbm4b:s3+s2], $0x80, v4, vm0, $0xb8;
	[tilespmem:$0x18200] =	vst v63  }
0x63: {  	_ = 	snop  }
0x64: {  	[tilespmem:s19], [sflag:$0x1] =	stream.indirect_vreg.gather [hbm4b:s5+s2], $0x80, v4, vm1, $0xb8;
	[tilespmem:$0x18200] =	vst v63  }
0x65: {  	s25 =	simm.s32 $0x6E00  }
0x66: {  	[tilespmem:s25], [sflag:$0x1] =	stream.indirect_vreg.gather [hbm4b:s3+s2], $0x80, v3, vm0, $0xb8;
	[tilespmem:$0x18200] =	vst v63  }
0x67: {  	_ = 	snop  }
0x68: {  	[tilespmem:s20], [sflag:$0x1] =	stream.indirect_vreg.gather [hbm4b:s5+s2], $0x80, v3, vm1, $0xb8;
	[tilespmem:$0x18200] =	vst v63  }
0x69: {  	v3 =	vld [tilespmem:$0x50];
	_ =	sdelay $0x4  }
0x6a: {  	v37 =	vshrl.u32 v3, $0x3  }
0x6b: {  	v4 =	vmul.u32 $0x18, v37  }
0x6c: {  	v3 =	vand.u32 $0x7, v3  }
0x6d: {  	v3 =	vor.u32 v3, v4  }
0x6e: {  	v4 =	vperm.xlane v3, v0;
	_ =	sdelay $0x1  }
0x6f: {  	v4 =	vadd.s32 v1, v4;
	_ =	sdelay $0x1  }
0x70: {  	v3 =	vperm.xlane v3, v2;
	_ =	sdelay $0x1  }
0x71: {  	v3 =	vadd.s32 v1, v3  }
0x72: {  	[tilespmem:s21], [sflag:$0x1] =	stream.indirect_vreg.gather [hbm4b:s3+s2], $0x80, v4, vm0, $0xb8;
	[tilespmem:$0x18200] =	vst v63  }
0x73: {  	_ = 	snop  }
0x74: {  	[tilespmem:s22], [sflag:$0x1] =	stream.indirect_vreg.gather [hbm4b:s5+s2], $0x80, v4, vm1, $0xb8;
	[tilespmem:$0x18200] =	vst v63  }
0x75: {  	_ = 	snop  }
0x76: {  	[tilespmem:s8], [sflag:$0x1] =	stream.indirect_vreg.gather [hbm4b:s3+s2], $0x80, v3, vm0, $0xb8;
	[tilespmem:$0x18200] =	vst v63  }
0x77: {  	_ = 	snop  }
0x78: {  	[tilespmem:s16], [sflag:$0x1] =	stream.indirect_vreg.gather [hbm4b:s5+s2], $0x80, v3, vm1, $0xb8;
	[tilespmem:$0x18200] =	vst v63  }
0x79: {  	v3 =	vld [tilespmem:$0x60];
	_ =	sdelay $0x4  }
0x7a: {  	v38 =	vshrl.u32 v3, $0x3  }
0x7b: {  	v4 =	vmul.u32 $0x18, v38  }
0x7c: {  	v3 =	vand.u32 $0x7, v3  }
0x7d: {  	v3 =	vor.u32 v3, v4  }
0x7e: {  	v4 =	vperm.xlane v3, v0;
	_ =	sdelay $0x1  }
0x7f: {  	v4 =	vadd.s32 v1, v4;
	_ =	sdelay $0x1  }
0x80: {  	v3 =	vperm.xlane v3, v2;
	_ =	sdelay $0x1  }
0x81: {  	v3 =	vadd.s32 v1, v3  }
0x82: {  	[tilespmem:s23], [sflag:$0x1] =	stream.indirect_vreg.gather [hbm4b:s3+s2], $0x80, v4, vm0, $0xb8;
	[tilespmem:$0x18200] =	vst v63  }
0x83: {  	s1 =	simm.s32 $0x9A00  }
0x84: {  	[tilespmem:s1], [sflag:$0x1] =	stream.indirect_vreg.gather [hbm4b:s5+s2], $0x80, v4, vm1, $0xb8;
	[tilespmem:$0x18200] =	vst v63  }
0x85: {  	s25 =	simm.s32 $0x9E00  }
0x86: {  	[tilespmem:s25], [sflag:$0x1] =	stream.indirect_vreg.gather [hbm4b:s3+s2], $0x80, v3, vm0, $0xb8;
	[tilespmem:$0x18200] =	vst v63  }
0x87: {  	s1 =	simm.s32 $0xA600  }
0x88: {  	[tilespmem:s1], [sflag:$0x1] =	stream.indirect_vreg.gather [hbm4b:s5+s2], $0x80, v3, vm1, $0xb8;
	[tilespmem:$0x18200] =	vst v63  }
0x89: {  	v3 =	vld [tilespmem:$0x70];
	_ =	sdelay $0x4  }
0x8a: {  	v39 =	vshrl.u32 v3, $0x3  }
0x8b: {  	v4 =	vmul.u32 $0x18, v39  }
0x8c: {  	v3 =	vand.u32 $0x7, v3  }
0x8d: {  	v3 =	vor.u32 v3, v4  }
0x8e: {  	v4 =	vperm.xlane v3, v0;
	_ =	sdelay $0x1  }
0x8f: {  	v4 =	vadd.s32 v1, v4;
	_ =	sdelay $0x1  }
0x90: {  	v3 =	vperm.xlane v3, v2;
	_ =	sdelay $0x1  }
0x91: {  	s25 =	simm.s32 $0xAA00;
	v3 =	vadd.s32 v1, v3  }
0x92: {  	[tilespmem:s25], [sflag:$0x1] =	stream.indirect_vreg.gather [hbm4b:s3+s2], $0x80, v4, vm0, $0xb8;
	[tilespmem:$0x18200] =	vst v63  }
0x93: {  	s1 =	simm.s32 $0xB200  }
0x94: {  	[tilespmem:s1], [sflag:$0x1] =	stream.indirect_vreg.gather [hbm4b:s5+s2], $0x80, v4, vm1, $0xb8;
	[tilespmem:$0x18200] =	vst v63  }
0x95: {  	s25 =	simm.s32 $0xB600  }
0x96: {  	[tilespmem:s25], [sflag:$0x1] =	stream.indirect_vreg.gather [hbm4b:s3+s2], $0x80, v3, vm0, $0xb8;
	[tilespmem:$0x18200] =	vst v63  }
0x97: {  	s1 =	simm.s32 $0xBE00  }
0x98: {  	[tilespmem:s1], [sflag:$0x1] =	stream.indirect_vreg.gather [hbm4b:s5+s2], $0x80, v3, vm1, $0xb8;
	[tilespmem:$0x18200] =	vst v63  }
0x99: {  	v3 =	vld [tilespmem:$0x80];
	_ =	sdelay $0x4  }
0x9a: {  	v40 =	vshrl.u32 v3, $0x3  }
0x9b: {  	v4 =	vmul.u32 $0x18, v40  }
0x9c: {  	v3 =	vand.u32 $0x7, v3  }
0x9d: {  	v3 =	vor.u32 v3, v4  }
0x9e: {  	v4 =	vperm.xlane v3, v0;
	_ =	sdelay $0x1  }
0x9f: {  	v4 =	vadd.s32 v1, v4;
	_ =	sdelay $0x1  }
0xa0: {  	v3 =	vperm.xlane v3, v2;
	_ =	sdelay $0x1  }
0xa1: {  	s0 =	simm.s32 $0xC200;
	v3 =	vadd.s32 v1, v3  }
0xa2: {  	[tilespmem:s0], [sflag:$0x2] =	stream.indirect_vreg.gather [hbm4b:s3+s2], $0x80, v4, vm0, $0xb8;
	[tilespmem:$0x18200] =	vst v63  }
0xa3: {  	s1 =	simm.s32 $0xCA00  }
0xa4: {  	[tilespmem:s1], [sflag:$0x2] =	stream.indirect_vreg.gather [hbm4b:s5+s2], $0x80, v4, vm1, $0xb8;
	[tilespmem:$0x18200] =	vst v63  }
0xa5: {  	s25 =	simm.s32 $0xCE00  }
0xa6: {  	[tilespmem:s25], [sflag:$0x2] =	stream.indirect_vreg.gather [hbm4b:s3+s2], $0x80, v3, vm0, $0xb8;
	[tilespmem:$0x18200] =	vst v63  }
0xa7: {  	s25 =	simm.s32 $0xD600  }
0xa8: {  	[tilespmem:s25], [sflag:$0x2] =	stream.indirect_vreg.gather [hbm4b:s5+s2], $0x80, v3, vm1, $0xb8;
	[tilespmem:$0x18200] =	vst v63  }
0xa9: {  	v3 =	vld [tilespmem:$0x90];
	_ =	sdelay $0x4  }
0xaa: {  	v41 =	vshrl.u32 v3, $0x3  }
0xab: {  	v4 =	vmul.u32 $0x18, v41  }
0xac: {  	v3 =	vand.u32 $0x7, v3  }
0xad: {  	v3 =	vor.u32 v3, v4  }
0xae: {  	v4 =	vperm.xlane v3, v0;
	_ =	sdelay $0x1  }
0xaf: {  	v4 =	vadd.s32 v1, v4;
	_ =	sdelay $0x1  }
0xb0: {  	v3 =	vperm.xlane v3, v2;
	_ =	sdelay $0x1  }
0xb1: {  	s25 =	simm.s32 $0xDA00;
	v3 =	vadd.s32 v1, v3  }
0xb2: {  	[tilespmem:s25], [sflag:$0x2] =	stream.indirect_vreg.gather [hbm4b:s3+s2], $0x80, v4, vm0, $0xb8;
	[tilespmem:$0x18200] =	vst v63  }
0xb3: {  	s25 =	simm.s32 $0xE200  }
0xb4: {  	[tilespmem:s25], [sflag:$0x2] =	stream.indirect_vreg.gather [hbm4b:s5+s2], $0x80, v4, vm1, $0xb8;
	[tilespmem:$0x18200] =	vst v63  }
0xb5: {  	s25 =	simm.s32 $0xE600  }
0xb6: {  	[tilespmem:s25], [sflag:$0x2] =	stream.indirect_vreg.gather [hbm4b:s3+s2], $0x80, v3, vm0, $0xb8;
	[tilespmem:$0x18200] =	vst v63  }
0xb7: {  	s25 =	simm.s32 $0xEE00  }
0xb8: {  	[tilespmem:s25], [sflag:$0x2] =	stream.indirect_vreg.gather [hbm4b:s5+s2], $0x80, v3, vm1, $0xb8;
	[tilespmem:$0x18200] =	vst v63  }
0xb9: {  	v3 =	vld [tilespmem:$0xA0];
	_ =	sdelay $0x4  }
0xba: {  	v42 =	vshrl.u32 v3, $0x3  }
0xbb: {  	v4 =	vmul.u32 $0x18, v42  }
0xbc: {  	v3 =	vand.u32 $0x7, v3  }
0xbd: {  	v3 =	vor.u32 v3, v4  }
0xbe: {  	v4 =	vperm.xlane v3, v0;
	_ =	sdelay $0x1  }
0xbf: {  	v4 =	vadd.s32 v1, v4;
	_ =	sdelay $0x1  }
0xc0: {  	v3 =	vperm.xlane v3, v2;
	_ =	sdelay $0x1  }
0xc1: {  	s25 =	simm.s32 $0xF200;
	v3 =	vadd.s32 v1, v3  }
0xc2: {  	[tilespmem:s25], [sflag:$0x2] =	stream.indirect_vreg.gather [hbm4b:s3+s2], $0x80, v4, vm0, $0xb8;
	[tilespmem:$0x18200] =	vst v63  }
0xc3: {  	s25 =	simm.s32 $0xFA00  }
0xc4: {  	[tilespmem:s25], [sflag:$0x2] =	stream.indirect_vreg.gather [hbm4b:s5+s2], $0x80, v4, vm1, $0xb8;
	[tilespmem:$0x18200] =	vst v63  }
0xc5: {  	s25 =	simm.s32 $0xFE00  }
0xc6: {  	[tilespmem:s25], [sflag:$0x2] =	stream.indirect_vreg.gather [hbm4b:s3+s2], $0x80, v3, vm0, $0xb8;
	[tilespmem:$0x18200] =	vst v63  }
0xc7: {  	s25 =	simm.s32 $0x10600  }
0xc8: {  	[tilespmem:s25], [sflag:$0x2] =	stream.indirect_vreg.gather [hbm4b:s5+s2], $0x80, v3, vm1, $0xb8;
	[tilespmem:$0x18200] =	vst v63  }
0xc9: {  	v3 =	vld [tilespmem:$0xB0];
	_ =	sdelay $0x4  }
0xca: {  	v43 =	vshrl.u32 v3, $0x3  }
0xcb: {  	v4 =	vmul.u32 $0x18, v43  }
0xcc: {  	v3 =	vand.u32 $0x7, v3  }
0xcd: {  	v3 =	vor.u32 v3, v4  }
0xce: {  	v4 =	vperm.xlane v3, v0;
	_ =	sdelay $0x1  }
0xcf: {  	v4 =	vadd.s32 v1, v4;
	_ =	sdelay $0x1  }
0xd0: {  	v3 =	vperm.xlane v3, v2;
	_ =	sdelay $0x1  }
0xd1: {  	s25 =	simm.s32 $0x10A00;
	v3 =	vadd.s32 v1, v3  }
0xd2: {  	[tilespmem:s25], [sflag:$0x2] =	stream.indirect_vreg.gather [hbm4b:s3+s2], $0x80, v4, vm0, $0xb8;
	[tilespmem:$0x18200] =	vst v63  }
0xd3: {  	s25 =	simm.s32 $0x11200  }
0xd4: {  	[tilespmem:s25], [sflag:$0x2] =	stream.indirect_vreg.gather [hbm4b:s5+s2], $0x80, v4, vm1, $0xb8;
	[tilespmem:$0x18200] =	vst v63  }
0xd5: {  	s25 =	simm.s32 $0x11600  }
0xd6: {  	[tilespmem:s25], [sflag:$0x2] =	stream.indirect_vreg.gather [hbm4b:s3+s2], $0x80, v3, vm0, $0xb8;
	[tilespmem:$0x18200] =	vst v63  }
0xd7: {  	s25 =	simm.s32 $0x11E00  }
0xd8: {  	[tilespmem:s25], [sflag:$0x2] =	stream.indirect_vreg.gather [hbm4b:s5+s2], $0x80, v3, vm1, $0xb8;
	[tilespmem:$0x18200] =	vst v63  }
0xd9: {  	v3 =	vld [tilespmem:$0xC0];
	_ =	sdelay $0x4  }
0xda: {  	v44 =	vshrl.u32 v3, $0x3  }
0xdb: {  	v4 =	vmul.u32 $0x18, v44  }
0xdc: {  	v3 =	vand.u32 $0x7, v3  }
0xdd: {  	v3 =	vor.u32 v3, v4  }
0xde: {  	v4 =	vperm.xlane v3, v0;
	_ =	sdelay $0x1  }
0xdf: {  	v4 =	vadd.s32 v1, v4;
	_ =	sdelay $0x1  }
0xe0: {  	v3 =	vperm.xlane v3, v2;
	_ =	sdelay $0x1  }
0xe1: {  	s25 =	simm.s32 $0x12200;
	v3 =	vadd.s32 v1, v3  }
0xe2: {  	[tilespmem:s25], [sflag:$0x2] =	stream.indirect_vreg.gather [hbm4b:s3+s2], $0x80, v4, vm0, $0xb8;
	[tilespmem:$0x18200] =	vst v63  }
0xe3: {  	s25 =	simm.s32 $0x12A00  }
0xe4: {  	[tilespmem:s25], [sflag:$0x2] =	stream.indirect_vreg.gather [hbm4b:s5+s2], $0x80, v4, vm1, $0xb8;
	[tilespmem:$0x18200] =	vst v63  }
0xe5: {  	s25 =	simm.s32 $0x12E00  }
0xe6: {  	[tilespmem:s25], [sflag:$0x2] =	stream.indirect_vreg.gather [hbm4b:s3+s2], $0x80, v3, vm0, $0xb8;
	[tilespmem:$0x18200] =	vst v63  }
0xe7: {  	s25 =	simm.s32 $0x13600  }
0xe8: {  	[tilespmem:s25], [sflag:$0x2] =	stream.indirect_vreg.gather [hbm4b:s5+s2], $0x80, v3, vm1, $0xb8;
	[tilespmem:$0x18200] =	vst v63  }
0xe9: {  	v3 =	vld [tilespmem:$0xD0];
	_ =	sdelay $0x4  }
0xea: {  	v45 =	vshrl.u32 v3, $0x3  }
0xeb: {  	v4 =	vmul.u32 $0x18, v45  }
0xec: {  	v3 =	vand.u32 $0x7, v3  }
0xed: {  	v3 =	vor.u32 v3, v4  }
0xee: {  	v4 =	vperm.xlane v3, v0;
	_ =	sdelay $0x1  }
0xef: {  	v4 =	vadd.s32 v1, v4;
	_ =	sdelay $0x1  }
0xf0: {  	v3 =	vperm.xlane v3, v2;
	_ =	sdelay $0x1  }
0xf1: {  	s25 =	simm.s32 $0x13A00;
	v3 =	vadd.s32 v1, v3  }
0xf2: {  	[tilespmem:s25], [sflag:$0x2] =	stream.indirect_vreg.gather [hbm4b:s3+s2], $0x80, v4, vm0, $0xb8;
	[tilespmem:$0x18200] =	vst v63  }
0xf3: {  	s25 =	simm.s32 $0x14200  }
0xf4: {  	[tilespmem:s25], [sflag:$0x2] =	stream.indirect_vreg.gather [hbm4b:s5+s2], $0x80, v4, vm1, $0xb8;
	[tilespmem:$0x18200] =	vst v63  }
0xf5: {  	s25 =	simm.s32 $0x14600  }
0xf6: {  	[tilespmem:s25], [sflag:$0x2] =	stream.indirect_vreg.gather [hbm4b:s3+s2], $0x80, v3, vm0, $0xb8;
	[tilespmem:$0x18200] =	vst v63  }
0xf7: {  	s25 =	simm.s32 $0x14E00  }
0xf8: {  	[tilespmem:s25], [sflag:$0x2] =	stream.indirect_vreg.gather [hbm4b:s5+s2], $0x80, v3, vm1, $0xb8;
	[tilespmem:$0x18200] =	vst v63  }
0xf9: {  	v3 =	vld [tilespmem:$0xE0];
	_ =	sdelay $0x4  }
0xfa: {  	v46 =	vshrl.u32 v3, $0x3  }
0xfb: {  	v4 =	vmul.u32 $0x18, v46  }
0xfc: {  	v3 =	vand.u32 $0x7, v3  }
0xfd: {  	v3 =	vor.u32 v3, v4  }
0xfe: {  	v4 =	vperm.xlane v3, v0;
	_ =	sdelay $0x1  }
0xff: {  	v4 =	vadd.s32 v1, v4;
	_ =	sdelay $0x1  }
0x100: {  	v3 =	vperm.xlane v3, v2;
	_ =	sdelay $0x1  }
0x101: {  	s25 =	simm.s32 $0x15200;
	v3 =	vadd.s32 v1, v3  }
0x102: {  	[tilespmem:s25], [sflag:$0x2] =	stream.indirect_vreg.gather [hbm4b:s3+s2], $0x80, v4, vm0, $0xb8;
	[tilespmem:$0x18200] =	vst v63  }
0x103: {  	s25 =	simm.s32 $0x15A00  }
0x104: {  	[tilespmem:s25], [sflag:$0x2] =	stream.indirect_vreg.gather [hbm4b:s5+s2], $0x80, v4, vm1, $0xb8;
	[tilespmem:$0x18200] =	vst v63  }
0x105: {  	s25 =	simm.s32 $0x15E00  }
0x106: {  	[tilespmem:s25], [sflag:$0x2] =	stream.indirect_vreg.gather [hbm4b:s3+s2], $0x80, v3, vm0, $0xb8;
	[tilespmem:$0x18200] =	vst v63  }
0x107: {  	s25 =	simm.s32 $0x16600  }
0x108: {  	[tilespmem:s25], [sflag:$0x2] =	stream.indirect_vreg.gather [hbm4b:s5+s2], $0x80, v3, vm1, $0xb8;
	[tilespmem:$0x18200] =	vst v63  }
0x109: {  	v3 =	vld [tilespmem:$0xF0];
	_ =	sdelay $0x4  }
0x10a: {  	v47 =	vshrl.u32 v3, $0x3  }
0x10b: {  	v4 =	vmul.u32 $0x18, v47  }
0x10c: {  	v3 =	vand.u32 $0x7, v3  }
0x10d: {  	v3 =	vor.u32 v3, v4  }
0x10e: {  	v4 =	vperm.xlane v3, v0;
	_ =	sdelay $0x1  }
0x10f: {  	v4 =	vadd.s32 v1, v4;
	_ =	sdelay $0x1  }
0x110: {  	v3 =	vperm.xlane v3, v2;
	_ =	sdelay $0x1  }
0x111: {  	s25 =	simm.s32 $0x16A00;
	v3 =	vadd.s32 v1, v3  }
0x112: {  	[tilespmem:s25], [sflag:$0x2] =	stream.indirect_vreg.gather [hbm4b:s3+s2], $0x80, v4, vm0, $0xb8;
	[tilespmem:$0x18200] =	vst v63  }
0x113: {  	s25 =	simm.s32 $0x17200  }
0x114: {  	[tilespmem:s25], [sflag:$0x2] =	stream.indirect_vreg.gather [hbm4b:s5+s2], $0x80, v4, vm1, $0xb8;
	[tilespmem:$0x18200] =	vst v63  }
0x115: {  	s25 =	simm.s32 $0x17600  }
0x116: {  	[tilespmem:s25], [sflag:$0x2] =	stream.indirect_vreg.gather [hbm4b:s3+s2], $0x80, v3, vm0, $0xb8;
	[tilespmem:$0x18200] =	vst v63  }
0x117: {  	s25 =	simm.s32 $0x17E00  }
0x118: {  	[tilespmem:s25], [sflag:$0x2] =	stream.indirect_vreg.gather [hbm4b:s5+s2], $0x80, v3, vm1, $0xb8;
	[tilespmem:$0x18200] =	vst v63  }
0x119: {  	_ =	swait.ge [sflag:s24], $0xC000  }
0x11a: {  	[sflag:s24] =	ssyncset.done $0x0  }
0x11b: {  	s1 =	simm.s32 $0x200;
	s25 =	rddreg [dreg:$0x6];
	[sflag:s24] =	ssyncadd.s32 $0xFFFF4000  }
0x11c: {  	[hbm4b:s25+s2] =	stream.linear.scatter [tilespmem:s1], [sflag:$0x3], $0xC000, $0x38;
	[tilespmem:$0x18200] =	vst v63  }
0x11d: {  	_ =	swait.ge [sflag:s7], $0xC000  }
0x11e: {  	[sflag:s7] =	ssyncset.done $0x0  }
0x11f: {  	[sflag:s7] =	ssyncadd.s32 $0xFFFF4000  }
0x120: {  	v3 =	vld [tilespmem:$0x100];
	_ =	sdelay $0x4  }
0x121: {  	v48 =	vshrl.u32 v3, $0x3  }
0x122: {  	v4 =	vmul.u32 $0x18, v48  }
0x123: {  	v3 =	vand.u32 $0x7, v3  }
0x124: {  	v3 =	vor.u32 v3, v4  }
0x125: {  	v4 =	vperm.xlane v3, v0;
	_ =	sdelay $0x1  }
0x126: {  	v4 =	vadd.s32 v1, v4;
	_ =	sdelay $0x1  }
0x127: {  	v3 =	vperm.xlane v3, v2;
	_ =	sdelay $0x1  }
0x128: {  	v3 =	vadd.s32 v1, v3  }
0x129: {  	[tilespmem:s1], [sflag:$0x1] =	stream.indirect_vreg.gather [hbm4b:s3+s2], $0x80, v4, vm0, $0xb8;
	[tilespmem:$0x18200] =	vst v63  }
0x12a: {  	_ = 	snop  }
0x12b: {  	[tilespmem:s26], [sflag:$0x1] =	stream.indirect_vreg.gather [hbm4b:s5+s2], $0x80, v4, vm1, $0xb8;
	[tilespmem:$0x18200] =	vst v63  }
0x12c: {  	_ = 	snop  }
0x12d: {  	[tilespmem:s28], [sflag:$0x1] =	stream.indirect_vreg.gather [hbm4b:s3+s2], $0x80, v3, vm0, $0xb8;
	[tilespmem:$0x18200] =	vst v63  }
0x12e: {  	_ = 	snop  }
0x12f: {  	[tilespmem:s29], [sflag:$0x1] =	stream.indirect_vreg.gather [hbm4b:s5+s2], $0x80, v3, vm1, $0xb8;
	[tilespmem:$0x18200] =	vst v63  }
0x130: {  	v3 =	vld [tilespmem:$0x110];
	_ =	sdelay $0x4  }
0x131: {  	v49 =	vshrl.u32 v3, $0x3  }
0x132: {  	v4 =	vmul.u32 $0x18, v49  }
0x133: {  	v3 =	vand.u32 $0x7, v3  }
0x134: {  	v3 =	vor.u32 v3, v4  }
0x135: {  	v4 =	vperm.xlane v3, v0;
	_ =	sdelay $0x1  }
0x136: {  	v4 =	vadd.s32 v1, v4;
	_ =	sdelay $0x1  }
0x137: {  	v3 =	vperm.xlane v3, v2;
	_ =	sdelay $0x1  }
0x138: {  	v3 =	vadd.s32 v1, v3  }
0x139: {  	[tilespmem:s30], [sflag:$0x1] =	stream.indirect_vreg.gather [hbm4b:s3+s2], $0x80, v4, vm0, $0xb8;
	[tilespmem:$0x18200] =	vst v63  }
0x13a: {  	_ = 	snop  }
0x13b: {  	[tilespmem:s31], [sflag:$0x1] =	stream.indirect_vreg.gather [hbm4b:s5+s2], $0x80, v4, vm1, $0xb8;
	[tilespmem:$0x18200] =	vst v63  }
0x13c: {  	s25 =	simm.s32 $0x2600  }
0x13d: {  	[tilespmem:s25], [sflag:$0x1] =	stream.indirect_vreg.gather [hbm4b:s3+s2], $0x80, v3, vm0, $0xb8;
	[tilespmem:$0x18200] =	vst v63  }
0x13e: {  	s25 =	simm.s32 $0x2E00  }
0x13f: {  	[tilespmem:s25], [sflag:$0x1] =	stream.indirect_vreg.gather [hbm4b:s5+s2], $0x80, v3, vm1, $0xb8;
	[tilespmem:$0x18200] =	vst v63  }
0x140: {  	v3 =	vld [tilespmem:$0x120];
	_ =	sdelay $0x4  }
0x141: {  	v50 =	vshrl.u32 v3, $0x3  }
0x142: {  	v4 =	vmul.u32 $0x18, v50  }
0x143: {  	v3 =	vand.u32 $0x7, v3  }
0x144: {  	v3 =	vor.u32 v3, v4  }
0x145: {  	v4 =	vperm.xlane v3, v0;
	_ =	sdelay $0x1  }
0x146: {  	v4 =	vadd.s32 v1, v4;
	_ =	sdelay $0x1  }
0x147: {  	v3 =	vperm.xlane v3, v2;
	_ =	sdelay $0x1  }
0x148: {  	v3 =	vadd.s32 v1, v3  }
0x149: {  	[tilespmem:s9], [sflag:$0x1] =	stream.indirect_vreg.gather [hbm4b:s3+s2], $0x80, v4, vm0, $0xb8;
	[tilespmem:$0x18200] =	vst v63  }
0x14a: {  	_ = 	snop  }
0x14b: {  	[tilespmem:s10], [sflag:$0x1] =	stream.indirect_vreg.gather [hbm4b:s5+s2], $0x80, v4, vm1, $0xb8;
	[tilespmem:$0x18200] =	vst v63  }
0x14c: {  	_ = 	snop  }
0x14d: {  	[tilespmem:s11], [sflag:$0x1] =	stream.indirect_vreg.gather [hbm4b:s3+s2], $0x80, v3, vm0, $0xb8;
	[tilespmem:$0x18200] =	vst v63  }
0x14e: {  	_ = 	snop  }
0x14f: {  	[tilespmem:s12], [sflag:$0x1] =	stream.indirect_vreg.gather [hbm4b:s5+s2], $0x80, v3, vm1, $0xb8;
	[tilespmem:$0x18200] =	vst v63  }
0x150: {  	v3 =	vld [tilespmem:$0x130];
	_ =	sdelay $0x4  }
0x151: {  	v51 =	vshrl.u32 v3, $0x3  }
0x152: {  	v4 =	vmul.u32 $0x18, v51  }
0x153: {  	v3 =	vand.u32 $0x7, v3  }
0x154: {  	v3 =	vor.u32 v3, v4  }
0x155: {  	v4 =	vperm.xlane v3, v0;
	_ =	sdelay $0x1  }
0x156: {  	v4 =	vadd.s32 v1, v4;
	_ =	sdelay $0x1  }
0x157: {  	v3 =	vperm.xlane v3, v2;
	_ =	sdelay $0x1  }
0x158: {  	v3 =	vadd.s32 v1, v3  }
0x159: {  	[tilespmem:s13], [sflag:$0x1] =	stream.indirect_vreg.gather [hbm4b:s3+s2], $0x80, v4, vm0, $0xb8;
	[tilespmem:$0x18200] =	vst v63  }
0x15a: {  	_ = 	snop  }
0x15b: {  	[tilespmem:s14], [sflag:$0x1] =	stream.indirect_vreg.gather [hbm4b:s5+s2], $0x80, v4, vm1, $0xb8;
	[tilespmem:$0x18200] =	vst v63  }
0x15c: {  	_ = 	snop  }
0x15d: {  	[tilespmem:s15], [sflag:$0x1] =	stream.indirect_vreg.gather [hbm4b:s3+s2], $0x80, v3, vm0, $0xb8;
	[tilespmem:$0x18200] =	vst v63  }
0x15e: {  	_ = 	snop  }
0x15f: {  	[tilespmem:s17], [sflag:$0x1] =	stream.indirect_vreg.gather [hbm4b:s5+s2], $0x80, v3, vm1, $0xb8;
	[tilespmem:$0x18200] =	vst v63  }
0x160: {  	v3 =	vld [tilespmem:$0x140];
	_ =	sdelay $0x4  }
0x161: {  	v52 =	vshrl.u32 v3, $0x3  }
0x162: {  	v4 =	vmul.u32 $0x18, v52  }
0x163: {  	v3 =	vand.u32 $0x7, v3  }
0x164: {  	v3 =	vor.u32 v3, v4  }
0x165: {  	v4 =	vperm.xlane v3, v0;
	_ =	sdelay $0x1  }
0x166: {  	v4 =	vadd.s32 v1, v4;
	_ =	sdelay $0x1  }
0x167: {  	v3 =	vperm.xlane v3, v2;
	_ =	sdelay $0x1  }
0x168: {  	v3 =	vadd.s32 v1, v3  }
0x169: {  	[tilespmem:s18], [sflag:$0x1] =	stream.indirect_vreg.gather [hbm4b:s3+s2], $0x80, v4, vm0, $0xb8;
	[tilespmem:$0x18200] =	vst v63  }
0x16a: {  	_ = 	snop  }
0x16b: {  	[tilespmem:s19], [sflag:$0x1] =	stream.indirect_vreg.gather [hbm4b:s5+s2], $0x80, v4, vm1, $0xb8;
	[tilespmem:$0x18200] =	vst v63  }
0x16c: {  	s25 =	simm.s32 $0x6E00  }
0x16d: {  	[tilespmem:s25], [sflag:$0x1] =	stream.indirect_vreg.gather [hbm4b:s3+s2], $0x80, v3, vm0, $0xb8;
	[tilespmem:$0x18200] =	vst v63  }
0x16e: {  	_ = 	snop  }
0x16f: {  	[tilespmem:s20], [sflag:$0x1] =	stream.indirect_vreg.gather [hbm4b:s5+s2], $0x80, v3, vm1, $0xb8;
	[tilespmem:$0x18200] =	vst v63  }
0x170: {  	v3 =	vld [tilespmem:$0x150];
	_ =	sdelay $0x4  }
0x171: {  	v53 =	vshrl.u32 v3, $0x3  }
0x172: {  	v4 =	vmul.u32 $0x18, v53  }
0x173: {  	v3 =	vand.u32 $0x7, v3  }
0x174: {  	v3 =	vor.u32 v3, v4  }
0x175: {  	v4 =	vperm.xlane v3, v0;
	_ =	sdelay $0x1  }
0x176: {  	v4 =	vadd.s32 v1, v4;
	_ =	sdelay $0x1  }
0x177: {  	v3 =	vperm.xlane v3, v2;
	_ =	sdelay $0x1  }
0x178: {  	v3 =	vadd.s32 v1, v3  }
0x179: {  	[tilespmem:s21], [sflag:$0x1] =	stream.indirect_vreg.gather [hbm4b:s3+s2], $0x80, v4, vm0, $0xb8;
	[tilespmem:$0x18200] =	vst v63  }
0x17a: {  	_ = 	snop  }
0x17b: {  	[tilespmem:s22], [sflag:$0x1] =	stream.indirect_vreg.gather [hbm4b:s5+s2], $0x80, v4, vm1, $0xb8;
	[tilespmem:$0x18200] =	vst v63  }
0x17c: {  	_ = 	snop  }
0x17d: {  	[tilespmem:s8], [sflag:$0x1] =	stream.indirect_vreg.gather [hbm4b:s3+s2], $0x80, v3, vm0, $0xb8;
	[tilespmem:$0x18200] =	vst v63  }
0x17e: {  	_ = 	snop  }
0x17f: {  	[tilespmem:s16], [sflag:$0x1] =	stream.indirect_vreg.gather [hbm4b:s5+s2], $0x80, v3, vm1, $0xb8;
	[tilespmem:$0x18200] =	vst v63  }
0x180: {  	v3 =	vld [tilespmem:$0x160];
	_ =	sdelay $0x4  }
0x181: {  	v54 =	vshrl.u32 v3, $0x3  }
0x182: {  	v4 =	vmul.u32 $0x18, v54  }
0x183: {  	v3 =	vand.u32 $0x7, v3  }
0x184: {  	v3 =	vor.u32 v3, v4  }
0x185: {  	v4 =	vperm.xlane v3, v0;
	_ =	sdelay $0x1  }
0x186: {  	v4 =	vadd.s32 v1, v4;
	_ =	sdelay $0x1  }
0x187: {  	v3 =	vperm.xlane v3, v2;
	_ =	sdelay $0x1  }
0x188: {  	v3 =	vadd.s32 v1, v3  }
0x189: {  	[tilespmem:s23], [sflag:$0x1] =	stream.indirect_vreg.gather [hbm4b:s3+s2], $0x80, v4, vm0, $0xb8;
	[tilespmem:$0x18200] =	vst v63  }
0x18a: {  	s25 =	simm.s32 $0x9A00  }
0x18b: {  	[tilespmem:s25], [sflag:$0x1] =	stream.indirect_vreg.gather [hbm4b:s5+s2], $0x80, v4, vm1, $0xb8;
	[tilespmem:$0x18200] =	vst v63  }
0x18c: {  	s25 =	simm.s32 $0x9E00  }
0x18d: {  	[tilespmem:s25], [sflag:$0x1] =	stream.indirect_vreg.gather [hbm4b:s3+s2], $0x80, v3, vm0, $0xb8;
	[tilespmem:$0x18200] =	vst v63  }
0x18e: {  	s25 =	simm.s32 $0xA600  }
0x18f: {  	[tilespmem:s25], [sflag:$0x1] =	stream.indirect_vreg.gather [hbm4b:s5+s2], $0x80, v3, vm1, $0xb8;
	[tilespmem:$0x18200] =	vst v63  }
0x190: {  	v3 =	vld [tilespmem:$0x170];
	_ =	sdelay $0x4  }
0x191: {  	v55 =	vshrl.u32 v3, $0x3  }
0x192: {  	v4 =	vmul.u32 $0x18, v55  }
0x193: {  	v3 =	vand.u32 $0x7, v3  }
0x194: {  	v3 =	vor.u32 v3, v4  }
0x195: {  	v4 =	vperm.xlane v3, v0;
	_ =	sdelay $0x1  }
0x196: {  	v4 =	vadd.s32 v1, v4;
	_ =	sdelay $0x1  }
0x197: {  	v3 =	vperm.xlane v3, v2;
	_ =	sdelay $0x1  }
0x198: {  	s25 =	simm.s32 $0xAA00;
	v3 =	vadd.s32 v1, v3  }
0x199: {  	[tilespmem:s25], [sflag:$0x1] =	stream.indirect_vreg.gather [hbm4b:s3+s2], $0x80, v4, vm0, $0xb8;
	[tilespmem:$0x18200] =	vst v63  }
0x19a: {  	s25 =	simm.s32 $0xB200  }
0x19b: {  	[tilespmem:s25], [sflag:$0x1] =	stream.indirect_vreg.gather [hbm4b:s5+s2], $0x80, v4, vm1, $0xb8;
	[tilespmem:$0x18200] =	vst v63  }
0x19c: {  	s25 =	simm.s32 $0xB600  }
0x19d: {  	[tilespmem:s25], [sflag:$0x1] =	stream.indirect_vreg.gather [hbm4b:s3+s2], $0x80, v3, vm0, $0xb8;
	[tilespmem:$0x18200] =	vst v63  }
0x19e: {  	s25 =	simm.s32 $0xBE00  }
0x19f: {  	[tilespmem:s25], [sflag:$0x1] =	stream.indirect_vreg.gather [hbm4b:s5+s2], $0x80, v3, vm1, $0xb8;
	[tilespmem:$0x18200] =	vst v63  }
0x1a0: {  	_ =	swait.ge [sflag:s4], $0xC000  }
0x1a1: {  	[sflag:s4] =	ssyncset.done $0x0  }
0x1a2: {  	s1 =	rddreg [dreg:$0x3];
	[sflag:s4] =	ssyncadd.s32 $0xFFFF4000  }
0x1a3: {  	[hbm4b:s1+s2] =	stream.linear.scatter [tilespmem:s0], [sflag:$0x3], $0xC000, $0x38;
	[tilespmem:$0x18200] =	vst v63  }
0x1a4: {  	_ =	swait.ge [sflag:s7], $0xC000  }
0x1a5: {  	[sflag:s7] =	ssyncset.done $0x0  }
0x1a6: {  	[sflag:s7] =	ssyncadd.s32 $0xFFFF4000  }
0x1a7: {  	v3 =	vld [tilespmem:$0x180];
	_ =	sdelay $0x4  }
0x1a8: {  	v56 =	vshrl.u32 v3, $0x3  }
0x1a9: {  	v4 =	vmul.u32 $0x18, v56  }
0x1aa: {  	v3 =	vand.u32 $0x7, v3  }
0x1ab: {  	v3 =	vor.u32 v3, v4  }
0x1ac: {  	v4 =	vperm.xlane v3, v0;
	_ =	sdelay $0x1  }
0x1ad: {  	v4 =	vadd.s32 v1, v4;
	_ =	sdelay $0x1  }
0x1ae: {  	v3 =	vperm.xlane v3, v2;
	_ =	sdelay $0x1  }
0x1af: {  	v3 =	vadd.s32 v1, v3  }
0x1b0: {  	[tilespmem:s0], [sflag:$0x2] =	stream.indirect_vreg.gather [hbm4b:s3+s2], $0x80, v4, vm0, $0xb8;
	[tilespmem:$0x18200] =	vst v63  }
0x1b1: {  	s25 =	simm.s32 $0xCA00  }
0x1b2: {  	[tilespmem:s25], [sflag:$0x2] =	stream.indirect_vreg.gather [hbm4b:s5+s2], $0x80, v4, vm1, $0xb8;
	[tilespmem:$0x18200] =	vst v63  }
0x1b3: {  	s25 =	simm.s32 $0xCE00  }
0x1b4: {  	[tilespmem:s25], [sflag:$0x2] =	stream.indirect_vreg.gather [hbm4b:s3+s2], $0x80, v3, vm0, $0xb8;
	[tilespmem:$0x18200] =	vst v63  }
0x1b5: {  	s25 =	simm.s32 $0xD600  }
0x1b6: {  	[tilespmem:s25], [sflag:$0x2] =	stream.indirect_vreg.gather [hbm4b:s5+s2], $0x80, v3, vm1, $0xb8;
	[tilespmem:$0x18200] =	vst v63  }
0x1b7: {  	v3 =	vld [tilespmem:$0x190];
	_ =	sdelay $0x4  }
0x1b8: {  	v57 =	vshrl.u32 v3, $0x3  }
0x1b9: {  	v4 =	vmul.u32 $0x18, v57  }
0x1ba: {  	v3 =	vand.u32 $0x7, v3  }
0x1bb: {  	v3 =	vor.u32 v3, v4  }
0x1bc: {  	v4 =	vperm.xlane v3, v0;
	_ =	sdelay $0x1  }
0x1bd: {  	v4 =	vadd.s32 v1, v4;
	_ =	sdelay $0x1  }
0x1be: {  	v3 =	vperm.xlane v3, v2;
	_ =	sdelay $0x1  }
0x1bf: {  	s25 =	simm.s32 $0xDA00;
	v3 =	vadd.s32 v1, v3  }
0x1c0: {  	[tilespmem:s25], [sflag:$0x2] =	stream.indirect_vreg.gather [hbm4b:s3+s2], $0x80, v4, vm0, $0xb8;
	[tilespmem:$0x18200] =	vst v63  }
0x1c1: {  	s25 =	simm.s32 $0xE200  }
0x1c2: {  	[tilespmem:s25], [sflag:$0x2] =	stream.indirect_vreg.gather [hbm4b:s5+s2], $0x80, v4, vm1, $0xb8;
	[tilespmem:$0x18200] =	vst v63  }
0x1c3: {  	s25 =	simm.s32 $0xE600  }
0x1c4: {  	[tilespmem:s25], [sflag:$0x2] =	stream.indirect_vreg.gather [hbm4b:s3+s2], $0x80, v3, vm0, $0xb8;
	[tilespmem:$0x18200] =	vst v63  }
0x1c5: {  	s25 =	simm.s32 $0xEE00  }
0x1c6: {  	[tilespmem:s25], [sflag:$0x2] =	stream.indirect_vreg.gather [hbm4b:s5+s2], $0x80, v3, vm1, $0xb8;
	[tilespmem:$0x18200] =	vst v63  }
0x1c7: {  	v3 =	vld [tilespmem:$0x1A0];
	_ =	sdelay $0x4  }
0x1c8: {  	v58 =	vshrl.u32 v3, $0x3  }
0x1c9: {  	v4 =	vmul.u32 $0x18, v58  }
0x1ca: {  	v3 =	vand.u32 $0x7, v3  }
0x1cb: {  	v3 =	vor.u32 v3, v4  }
0x1cc: {  	v4 =	vperm.xlane v3, v0;
	_ =	sdelay $0x1  }
0x1cd: {  	v4 =	vadd.s32 v1, v4;
	_ =	sdelay $0x1  }
0x1ce: {  	v3 =	vperm.xlane v3, v2;
	_ =	sdelay $0x1  }
0x1cf: {  	s25 =	simm.s32 $0xF200;
	v3 =	vadd.s32 v1, v3  }
0x1d0: {  	[tilespmem:s25], [sflag:$0x2] =	stream.indirect_vreg.gather [hbm4b:s3+s2], $0x80, v4, vm0, $0xb8;
	[tilespmem:$0x18200] =	vst v63  }
0x1d1: {  	s25 =	simm.s32 $0xFA00  }
0x1d2: {  	[tilespmem:s25], [sflag:$0x2] =	stream.indirect_vreg.gather [hbm4b:s5+s2], $0x80, v4, vm1, $0xb8;
	[tilespmem:$0x18200] =	vst v63  }
0x1d3: {  	s25 =	simm.s32 $0xFE00  }
0x1d4: {  	[tilespmem:s25], [sflag:$0x2] =	stream.indirect_vreg.gather [hbm4b:s3+s2], $0x80, v3, vm0, $0xb8;
	[tilespmem:$0x18200] =	vst v63  }
0x1d5: {  	s25 =	simm.s32 $0x10600  }
0x1d6: {  	[tilespmem:s25], [sflag:$0x2] =	stream.indirect_vreg.gather [hbm4b:s5+s2], $0x80, v3, vm1, $0xb8;
	[tilespmem:$0x18200] =	vst v63  }
0x1d7: {  	v3 =	vld [tilespmem:$0x1B0];
	_ =	sdelay $0x4  }
0x1d8: {  	v59 =	vshrl.u32 v3, $0x3  }
0x1d9: {  	v4 =	vmul.u32 $0x18, v59  }
0x1da: {  	v3 =	vand.u32 $0x7, v3  }
0x1db: {  	v3 =	vor.u32 v3, v4  }
0x1dc: {  	v4 =	vperm.xlane v3, v0;
	_ =	sdelay $0x1  }
0x1dd: {  	v4 =	vadd.s32 v1, v4;
	_ =	sdelay $0x1  }
0x1de: {  	v3 =	vperm.xlane v3, v2;
	_ =	sdelay $0x1  }
0x1df: {  	s25 =	simm.s32 $0x10A00;
	v3 =	vadd.s32 v1, v3  }
0x1e0: {  	[tilespmem:s25], [sflag:$0x2] =	stream.indirect_vreg.gather [hbm4b:s3+s2], $0x80, v4, vm0, $0xb8;
	[tilespmem:$0x18200] =	vst v63  }
0x1e1: {  	s25 =	simm.s32 $0x11200  }
0x1e2: {  	[tilespmem:s25], [sflag:$0x2] =	stream.indirect_vreg.gather [hbm4b:s5+s2], $0x80, v4, vm1, $0xb8;
	[tilespmem:$0x18200] =	vst v63  }
0x1e3: {  	s25 =	simm.s32 $0x11600  }
0x1e4: {  	[tilespmem:s25], [sflag:$0x2] =	stream.indirect_vreg.gather [hbm4b:s3+s2], $0x80, v3, vm0, $0xb8;
	[tilespmem:$0x18200] =	vst v63  }
0x1e5: {  	s25 =	simm.s32 $0x11E00  }
0x1e6: {  	[tilespmem:s25], [sflag:$0x2] =	stream.indirect_vreg.gather [hbm4b:s5+s2], $0x80, v3, vm1, $0xb8;
	[tilespmem:$0x18200] =	vst v63  }
0x1e7: {  	v3 =	vld [tilespmem:$0x1C0];
	_ =	sdelay $0x4  }
0x1e8: {  	v60 =	vshrl.u32 v3, $0x3  }
0x1e9: {  	v4 =	vmul.u32 $0x18, v60  }
0x1ea: {  	v3 =	vand.u32 $0x7, v3  }
0x1eb: {  	v3 =	vor.u32 v3, v4  }
0x1ec: {  	v4 =	vperm.xlane v3, v0;
	_ =	sdelay $0x1  }
0x1ed: {  	v4 =	vadd.s32 v1, v4;
	_ =	sdelay $0x1  }
0x1ee: {  	v3 =	vperm.xlane v3, v2;
	_ =	sdelay $0x1  }
0x1ef: {  	s25 =	simm.s32 $0x12200;
	v3 =	vadd.s32 v1, v3  }
0x1f0: {  	[tilespmem:s25], [sflag:$0x2] =	stream.indirect_vreg.gather [hbm4b:s3+s2], $0x80, v4, vm0, $0xb8;
	[tilespmem:$0x18200] =	vst v63  }
0x1f1: {  	s25 =	simm.s32 $0x12A00  }
0x1f2: {  	[tilespmem:s25], [sflag:$0x2] =	stream.indirect_vreg.gather [hbm4b:s5+s2], $0x80, v4, vm1, $0xb8;
	[tilespmem:$0x18200] =	vst v63  }
0x1f3: {  	s25 =	simm.s32 $0x12E00  }
0x1f4: {  	[tilespmem:s25], [sflag:$0x2] =	stream.indirect_vreg.gather [hbm4b:s3+s2], $0x80, v3, vm0, $0xb8;
	[tilespmem:$0x18200] =	vst v63  }
0x1f5: {  	s25 =	simm.s32 $0x13600  }
0x1f6: {  	[tilespmem:s25], [sflag:$0x2] =	stream.indirect_vreg.gather [hbm4b:s5+s2], $0x80, v3, vm1, $0xb8;
	[tilespmem:$0x18200] =	vst v63  }
0x1f7: {  	v3 =	vld [tilespmem:$0x1D0];
	_ =	sdelay $0x4  }
0x1f8: {  	v61 =	vshrl.u32 v3, $0x3  }
0x1f9: {  	v4 =	vmul.u32 $0x18, v61  }
0x1fa: {  	v3 =	vand.u32 $0x7, v3  }
0x1fb: {  	v3 =	vor.u32 v3, v4  }
0x1fc: {  	v4 =	vperm.xlane v3, v0;
	_ =	sdelay $0x1  }
0x1fd: {  	v4 =	vadd.s32 v1, v4;
	_ =	sdelay $0x1  }
0x1fe: {  	v3 =	vperm.xlane v3, v2;
	_ =	sdelay $0x1  }
0x1ff: {  	s25 =	simm.s32 $0x13A00;
	v3 =	vadd.s32 v1, v3  }
0x200: {  	[tilespmem:s25], [sflag:$0x2] =	stream.indirect_vreg.gather [hbm4b:s3+s2], $0x80, v4, vm0, $0xb8;
	[tilespmem:$0x18200] =	vst v63  }
0x201: {  	s25 =	simm.s32 $0x14200  }
0x202: {  	[tilespmem:s25], [sflag:$0x2] =	stream.indirect_vreg.gather [hbm4b:s5+s2], $0x80, v4, vm1, $0xb8;
	[tilespmem:$0x18200] =	vst v63  }
0x203: {  	s25 =	simm.s32 $0x14600  }
0x204: {  	[tilespmem:s25], [sflag:$0x2] =	stream.indirect_vreg.gather [hbm4b:s3+s2], $0x80, v3, vm0, $0xb8;
	[tilespmem:$0x18200] =	vst v63  }
0x205: {  	s25 =	simm.s32 $0x14E00  }
0x206: {  	[tilespmem:s25], [sflag:$0x2] =	stream.indirect_vreg.gather [hbm4b:s5+s2], $0x80, v3, vm1, $0xb8;
	[tilespmem:$0x18200] =	vst v63  }
0x207: {  	v3 =	vld [tilespmem:$0x1E0];
	_ =	sdelay $0x4  }
0x208: {  	v62 =	vshrl.u32 v3, $0x3  }
0x209: {  	v4 =	vmul.u32 $0x18, v62  }
0x20a: {  	v3 =	vand.u32 $0x7, v3  }
0x20b: {  	v3 =	vor.u32 v3, v4  }
0x20c: {  	v4 =	vperm.xlane v3, v0;
	_ =	sdelay $0x1  }
0x20d: {  	v4 =	vadd.s32 v1, v4;
	_ =	sdelay $0x1  }
0x20e: {  	v3 =	vperm.xlane v3, v2;
	_ =	sdelay $0x1  }
0x20f: {  	s25 =	simm.s32 $0x15200;
	v3 =	vadd.s32 v1, v3  }
0x210: {  	[tilespmem:s25], [sflag:$0x2] =	stream.indirect_vreg.gather [hbm4b:s3+s2], $0x80, v4, vm0, $0xb8;
	[tilespmem:$0x18200] =	vst v63  }
0x211: {  	s25 =	simm.s32 $0x15A00  }
0x212: {  	[tilespmem:s25], [sflag:$0x2] =	stream.indirect_vreg.gather [hbm4b:s5+s2], $0x80, v4, vm1, $0xb8;
	[tilespmem:$0x18200] =	vst v63  }
0x213: {  	s25 =	simm.s32 $0x15E00  }
0x214: {  	[tilespmem:s25], [sflag:$0x2] =	stream.indirect_vreg.gather [hbm4b:s3+s2], $0x80, v3, vm0, $0xb8;
	[tilespmem:$0x18200] =	vst v63  }
0x215: {  	s25 =	simm.s32 $0x16600  }
0x216: {  	[tilespmem:s25], [sflag:$0x2] =	stream.indirect_vreg.gather [hbm4b:s5+s2], $0x80, v3, vm1, $0xb8;
	[tilespmem:$0x18200] =	vst v63  }
0x217: {  	v3 =	vld [tilespmem:$0x1F0];
	_ =	sdelay $0x4  }
0x218: {  	v63 =	vshrl.u32 v3, $0x3  }
0x219: {  	v4 =	vmul.u32 $0x18, v63  }
0x21a: {  	v3 =	vand.u32 $0x7, v3  }
0x21b: {  	v3 =	vor.u32 v3, v4  }
0x21c: {  	v4 =	vperm.xlane v3, v0;
	_ =	sdelay $0x1  }
0x21d: {  	v4 =	vadd.s32 v1, v4;
	_ =	sdelay $0x1  }
0x21e: {  	v3 =	vperm.xlane v3, v2;
	_ =	sdelay $0x1  }
0x21f: {  	s25 =	simm.s32 $0x16A00;
	v3 =	vadd.s32 v1, v3  }
0x220: {  	[tilespmem:s25], [sflag:$0x2] =	stream.indirect_vreg.gather [hbm4b:s3+s2], $0x80, v4, vm0, $0xb8;
	[tilespmem:$0x18200] =	vst v63  }
0x221: {  	s25 =	simm.s32 $0x17200  }
0x222: {  	[tilespmem:s25], [sflag:$0x2] =	stream.indirect_vreg.gather [hbm4b:s5+s2], $0x80, v4, vm1, $0xb8;
	[tilespmem:$0x18200] =	vst v63  }
0x223: {  	s25 =	simm.s32 $0x17600  }
0x224: {  	[tilespmem:s25], [sflag:$0x2] =	stream.indirect_vreg.gather [hbm4b:s3+s2], $0x80, v3, vm0, $0xb8;
	[tilespmem:$0x18200] =	vst v63  }
0x225: {  	s25 =	simm.s32 $0x17E00  }
0x226: {  	[tilespmem:s25], [sflag:$0x2] =	stream.indirect_vreg.gather [hbm4b:s5+s2], $0x80, v3, vm1, $0xb8;
	[tilespmem:$0x18200] =	vst v63  }
0x227: {  	_ =	swait.ge [sflag:s24], $0xC000  }
0x228: {  	[sflag:s24] =	ssyncset.done $0x0  }
0x229: {  	s1 =	simm.s32 $0x200;
	s25 =	rddreg [dreg:$0x4];
	[sflag:s24] =	ssyncadd.s32 $0xFFFF4000  }
0x22a: {  	[hbm4b:s25+s2] =	stream.linear.scatter [tilespmem:s1], [sflag:$0x3], $0xC000, $0x38;
	[tilespmem:$0x18200] =	vst v63  }
0x22b: {  	_ =	swait.ge [sflag:s7], $0xC000  }
0x22c: {  	[sflag:s7] =	ssyncset.done $0x0  }
0x22d: {  	[sflag:s7] =	ssyncadd.s32 $0xFFFF4000  }
0x22e: {  	_ =	swait.ge [sflag:s4], $0xC000  }
0x22f: {  	p0 =	sne.s32 s6, $0x1;
	[sflag:s4] =	ssyncset.done $0x0  }
.Ltmp0:
0x230: {  	s1 =	rddreg [dreg:$0x5];
	[sflag:s4] =	ssyncadd.s32 $0xFFFF4000;
	(pc) =	sbr.rel @p0 .LBB2_1-.Ltmp0, $4  }
0x231: {  	[hbm4b:s1+s2] =	stream.linear.scatter [tilespmem:s0], [sflag:$0x3], $0xC000, $0x38;
	[tilespmem:$0x18200] =	vst v63  }
0x232: {  	_ =	swait.ge [sflag:s7], $0xC000  }
0x233: {  	[sflag:s7] =	ssyncset.done $0x0  }
0x234: {  	s6 =	sadd.s32 $0xFFFFFFFF, s6;
	[sflag:s7] =	ssyncadd.s32 $0xFFFF4000  }
0x235: {  	_ =	sfence.sel $0x180000  }
0x236: {  	[bflag:$0x0] =	sbarrier.arrive $0xFFFF  }
0x237: {  	_ =	strace $0x90000047  }
0x238: {  	s0 =	stileid.u32;
	[bflag:$0x2] =	sbarrier.arrive $0xFFFF  }
0x239: {  	p0 =	sne.s32 s0, $0x0;
	s0 =	rddreg [dreg:$0x1]  }
0x23a: {  	s0 =	sadd.s32 @!p0 $0x100000, s0  }
0x23b: {  	[sflag:s0] =	ssyncadd.tile.s32 @!p0 $0x1;
	_ =	shalt  }
.Lfunc_end2:
_tile_overlayer_lowered:
.L_overlay_start_2:
0x23c: {  	(tag) =	ssettag $0x2  }
0x23d: {  	s0 =	rddreg [dreg:$0x0];
	s2 =	stileid.u32  }
0x23e: {  	s1 =	rddreg [dreg:$0x1];
	p0 =	sne.s32 s2, $0x0  }
0x23f: {  	s3 =	rddreg [dreg:$0x2];
	[bflag:$0x3] =	sbarrier.arrive $0xFFFF;
	s2 =	simm.s32 @!p0 $0x1C03  }
0x240: {  	[timem:s3], [sflag:s2] =	dma.local @!p0 [hbm:s0], s1  }
0x241: {  	s0 =	simm.s32 @!p0 $0x3  }
0x242: {  	_ =	swait.ge @!p0 [sflag:s0], s1  }
0x243: {  	s1 =	ssub.s32 @!p0 $0x0, s1;
	[sflag:s0] =	ssyncset.done @!p0 $0x0  }
0x244: {  	[sflag:s0] =	ssyncadd.s32 @!p0 s1  }
0x245: {  	[bflag:$0x3] =	sbarrier.arrive $0xFFFF  }
0x246: {  	_ =	shalt  }

// kernel: kernel.17.cloned.1.call-start
scs
__scs_entry_jumppad:
0x0: {  	(pc) =	sbr.rel $0x88, $3  }
0x1: {  	(tag) =	ssettag $0x0;
	lr =	simm.s32 $0x1  }
0x2: {  	[smem:$0x3F90] =	sst lr;
	_ =	strace $0xD0000000  }
0x3: {  	_ = 	snop  }
0x4: {  	_ = 	snop  }
0x5: {  	_ = 	snop  }
0x6: {  	_ = 	snop  }
0x7: {  	_ = 	snop  }
__scs_overlays_trampoline_lowered:
0x8: {  	[smem:$0x3F9F] =	sst s0  }
0x9: {  	[smem:$0x3FA0] =	sst s1  }
0xa: {  	[smem:$0x3FA1] =	sst s2  }
0xb: {  	[smem:$0x3FA2] =	sst s3  }
0xc: {  	[smem:$0x3FA3] =	sst s4  }
0xd: {  	[smem:$0x3FA4] =	sst s5  }
0xe: {  	[smem:$0x3FA5] =	sst s6  }
0xf: {  	[smem:$0x3FA6] =	sst s7  }
0x10: {  	[smem:$0x3FA7] =	sst s8  }
0x11: {  	[smem:$0x3FA8] =	sst s9;
	s0 =	simm.s32 @!p0 $0x0  }
0x12: {  	s1 =	sld [smem:$0x3F8E];
	s0 =	simm.s32 @p0 $0x1  }
0x13: {  	[smem:$0x3FA9] =	sst s0;
	s0 =	simm.s32 @!p1 $0x0  }
0x14: {  	s2 =	sld [smem:$0x3F8D];
	s0 =	simm.s32 @p1 $0x1  }
0x15: {  	[smem:$0x3FAA] =	sst s0;
	s0 =	simm.s32 @!p2 $0x0  }
0x16: {  	s3 =	sld [smem:$0x3FDB];
	s0 =	simm.s32 @p2 $0x1  }
0x17: {  	s4 =	simm.s32 $0x1BF5;
	[smem:$0x3FAC] =	sst s0  }
0x18: {  	s0 =	sld [smem:$0x3F8F];
	_ =	swait.ge [sflag:s4], $0x0  }
0x19: {  	s7 =	sld [smem:$0x3F90]  }
0x1a: {  	s8 =	sadd.s32 $0xFFFFE003, lr  }
0x1b: {  	s9 =	sadd.s32 $0xFFFFFEF7, lr;
	s5 =	simm.s32 $0xFFFFFFFF;
	p2 =	slt.u32 s8, $0xFFFFF086  }
0x1c: {  	p1 =	slt.u32 s9, $0xF7A;
	s5 =	simm.s32 @!p2 $0x0  }
0x1d: {  	s5 =	simm.s32 @p1 $0x1;
	p0 =	seq.s32 s7, s2  }
0x1e: {  	s7 =	smul.u32 @!p0 $0xF7A, s2;
	p2 =	seq.s32 @!p0 s5, $0x0  }
0x1f: {  	s9 =	smul.u32 $0xF7A, s1;
	s8 =	simm.s32 @!p0 $0x1BF5;
	p2 =	por !p2, p0  }
0x20: {  	[sflag:s8] =	ssyncset.s32 @!p0 $0xFFFFF086;
	s6 =	sadd.s32 @!p0 s3, s7;
	s7 =	simm.s32 @!p0 $0x108  }
0x21: {  	s3 =	sadd.s32 s3, s9;
	s6 =	sadd.s32 @!p0 $0x88, s6;
	s7 =	simm.s32 @p2 $0x1082  }
0x22: {  	[simem:s7], [sflag:s8] =	dma.local @!p0 [hbm:s6], $0xF7A  }
0x23: {  	s9 =	sor.u32 $0xD0000000, s2;
	s6 =	simm.s32 $0x108;
	_ =	swait.ge @!p0 [sflag:s8], $0x0  }
0x24: {  	s3 =	sadd.s32 $0x88, s3;
	s6 =	simm.s32 @!p1 $0x1082;
	[sflag:s4] =	ssyncset.s32 $0xFFFFF086  }
0x25: {  	[simem:s6], [sflag:s4] =	dma.local [hbm:s3], $0xF7A  }
0x26: {  	[smem:$0x3F90] =	sst s1;
	(tag) =	ssettag s2;
	_ =	strace s9  }
0x27: {  	s1 =	sld [smem:$0x3FA0]  }
0x28: {  	s2 =	sld [smem:$0x3FA1]  }
0x29: {  	s4 =	sld [smem:$0x3FA3]  }
0x2a: {  	p0 =	seq.s32 s5, $0x0;
	s5 =	sld [smem:$0x3FA4]  }
0x2b: {  	s6 =	sld [smem:$0x3FA5]  }
0x2c: {  	s7 =	sld [smem:$0x3FA6]  }
0x2d: {  	s3 =	simm.s32 $0x108;
	s8 =	sld [smem:$0x3FA7]  }
0x2e: {  	s3 =	simm.s32 @!p0 $0x1082;
	s9 =	sld [smem:$0x3FA8]  }
0x2f: {  	lr =	sadd.s32 s0, s3;
	s0 =	sld [smem:$0x3F9F]  }
0x30: {  	s3 =	sld [smem:$0x3FA2]  }
0x31: {  	[smem:$0x3FAB] =	sst s10  }
0x32: {  	s10 =	sld [smem:$0x3FA9];
	_ =	sdelay $0x3  }
0x33: {  	p0 =	seq.s32 s10, $0x1;
	s10 =	sld [smem:$0x3FAB];
	_ =	sdelay $0x3  }
0x34: {  	[smem:$0x3FAB] =	sst s10  }
0x35: {  	s10 =	sld [smem:$0x3FAA];
	_ =	sdelay $0x3  }
0x36: {  	p1 =	seq.s32 s10, $0x1;
	s10 =	sld [smem:$0x3FAB];
	_ =	sdelay $0x3  }
0x37: {  	[smem:$0x3FAB] =	sst s10  }
0x38: {  	s10 =	sld [smem:$0x3FAC]  }
0x39: {  	_ = 	snop;
	(pc) =	sbr.ind lr, $3  }
0x3a: {  	_ = 	snop  }
0x3b: {  	_ = 	snop  }
0x3c: {  	p2 =	seq.s32 s10, $0x1;
	s10 =	sld [smem:$0x3FAB]  }
0x3d: {  	_ =	shalt  }
0x3e: {  	_ =	shalt  }
0x3f: {  	_ =	shalt  }
0x40: {  	_ =	shalt  }
0x41: {  	_ =	shalt  }
0x42: {  	_ =	shalt  }
0x43: {  	_ =	shalt  }
0x44: {  	_ =	shalt  }
0x45: {  	_ =	shalt  }
0x46: {  	_ =	shalt  }
0x47: {  	_ =	shalt  }
0x48: {  	_ =	shalt  }
0x49: {  	_ =	shalt  }
0x4a: {  	_ =	shalt  }
0x4b: {  	_ =	shalt  }
0x4c: {  	_ =	shalt  }
0x4d: {  	_ =	shalt  }
0x4e: {  	_ =	shalt  }
0x4f: {  	_ =	shalt  }
0x50: {  	_ =	shalt  }
0x51: {  	_ =	shalt  }
0x52: {  	_ =	shalt  }
0x53: {  	_ =	shalt  }
0x54: {  	_ =	shalt  }
0x55: {  	_ =	shalt  }
0x56: {  	_ =	shalt  }
0x57: {  	_ =	shalt  }
0x58: {  	_ =	shalt  }
0x59: {  	_ =	shalt  }
0x5a: {  	_ =	shalt  }
0x5b: {  	_ =	shalt  }
0x5c: {  	_ =	shalt  }
0x5d: {  	_ =	shalt  }
0x5e: {  	_ =	shalt  }
0x5f: {  	_ =	shalt  }
0x60: {  	_ =	shalt  }
0x61: {  	_ =	shalt  }
0x62: {  	_ =	shalt  }
0x63: {  	_ =	shalt  }
0x64: {  	_ =	shalt  }
0x65: {  	_ =	shalt  }
0x66: {  	_ =	shalt  }
0x67: {  	_ =	shalt  }
0x68: {  	_ =	shalt  }
0x69: {  	_ =	shalt  }
0x6a: {  	_ =	shalt  }
0x6b: {  	_ =	shalt  }
0x6c: {  	_ =	shalt  }
0x6d: {  	_ =	shalt  }
0x6e: {  	_ =	shalt  }
0x6f: {  	_ =	shalt  }
0x70: {  	_ =	shalt  }
0x71: {  	_ =	shalt  }
0x72: {  	_ =	shalt  }
0x73: {  	_ =	shalt  }
0x74: {  	_ =	shalt  }
0x75: {  	_ =	shalt  }
0x76: {  	_ =	shalt  }
0x77: {  	_ =	shalt  }
0x78: {  	_ =	shalt  }
0x79: {  	_ =	shalt  }
0x7a: {  	_ =	shalt  }
0x7b: {  	_ =	shalt  }
0x7c: {  	_ =	shalt  }
0x7d: {  	_ =	shalt  }
0x7e: {  	_ =	shalt  }
0x7f: {  	_ =	shalt  }
0x80: {  	_ =	shalt  }
0x81: {  	_ =	shalt  }
0x82: {  	_ =	shalt  }
0x83: {  	_ =	shalt  }
0x84: {  	_ =	shalt  }
0x85: {  	_ =	shalt  }
0x86: {  	_ =	shalt  }
0x87: {  	_ =	shalt  }
.Lfunc_end0:
.L_simem_size_0:
called_computation.1_lowered:
.L_overlay_start_0:
0x88: {  	s2 =	sld [smem:$0x3FD9]  }
0x89: {  	s3 =	sld [smem:$0x3FFE];
	_ =	sdelay $0x1  }
0x8a: {  	s1 =	srdreg.scid  }
0x8b: {  	s0 =	sand.u32 $0x1, s1  }
0x8c: {  	s17 =	sshll.u32 s0, $0xA;
	s2 =	sadd.s32 s3, s2  }
0x8d: {  	s2 =	sadd.s32 s2, s17  }
0x8e: {  	[smem:$0x3FB7] =	sst s2  }
0x8f: {  	_ = 	snop  }
0x90: {  	(tm) =	ssettm $0x1  }
0x91: {  	s18 =	sld [smem:$0x3FFB];
	_ =	sdelay $0x3  }
0x92: {  	_ =	strace s18  }
0x93: {  	s2 =	sld [smem:$0x3FFC];
	_ =	sdelay $0x3  }
0x94: {  	_ =	strace s2  }
0x95: {  	s2 =	sld [smem:$0x3FFD];
	_ =	sdelay $0x3  }
0x96: {  	_ =	strace s2  }
0x97: {  	_ =	strace $0x8FFFFFFF  }
0x98: {  	s19 =	sld [smem:$0x3FDB];
	_ =	sdelay $0x1  }
0x99: {  	s20 =	simm.s32 $_scs_section_size  }
0x9a: {  	s4 =	simm.s32 $_size__tile_overlayer_lowered;
	s5 =	simm.s32 $_tile_overlayer_lowered  }
0x9b: {  	s6 =	simm.s32 $0x1BFF;
	s21 =	sshll.u32 s5, $0x1;
	s3 =	sadd.s32 s20, s19  }
0x9c: {  	s22 =	simm.s32 $0x0;
	s4 =	sshll.u32 s4, $0x1;
	s5 =	sadd.s32 s21, s3  }
0x9d: {  	[timem:s22], [sflag:s6] =	dma.local [hbm:s5], s4  }
0x9e: {  	_ =	swait.ge [sflag:s6], s4  }
0x9f: {  	s4 =	ssub.s32 $0x0, s4;
	[sflag:s6] =	ssyncset.done $0x0  }
0xa0: {  	[sflag:s6] =	ssyncadd.s32 s4;
	_ =	sdelay $0x1  }
0xa1: {  	s23 =	simm.s32 $0x1B8B  }
0xa2: {  	_ =	swait.ge [sflag:s23], $0x1  }
0xa3: {  	[sflag:s23] =	ssyncset.done $0x0  }
0xa4: {  	[sflag:s23] =	ssyncadd.s32 $0xFFFFFFFF  }
0xa5: {  	s4 =	sld [smem:$0x0]  }
0xa6: {  	s5 =	sand.u32 $0xFFFFFFFE, s1  }
0xa7: {  	p0 =	sne.s32 s1, s5  }
0xa8: {  	s5 =	sshll.u32 @p0 s5, $0xE  }
0xa9: {  	s5 =	sadd.s32 @p0 $0x11B8D, s5;
	s6 =	sshll.u32 @p0 s4, $0x11  }
0xaa: {  	s5 =	sor.u32 @p0 s6, s5  }
0xab: {  	[sflag:s5] =	ssyncadd.remote.s32 @p0 $0x1;
	_ =	sdelay $0x1  }
0xac: {  	s5 =	simm.s32 @p0 $0x1B8D  }
0xad: {  	_ =	swait.eq @p0 [sflag:s5], $0x1  }
0xae: {  	[sflag:s5] =	ssyncadd.s32 @p0 $0xFFFFFFFF  }
0xaf: {  	s6 =	sshll.u32 @!p0 s1, $0xE  }
0xb0: {  	s6 =	sor.u32 @!p0 $0x4000, s6;
	s5 =	simm.s32 @!p0 $0x1B8D  }
0xb1: {  	s4 =	sshll.u32 @!p0 s4, $0x11;
	s6 =	sadd.s32 @!p0 $0x11B8D, s6;
	_ =	swait.eq @!p0 [sflag:s5], $0x1  }
0xb2: {  	s4 =	sor.u32 @!p0 s4, s6;
	[sflag:s5] =	ssyncadd.s32 @!p0 $0xFFFFFFFF  }
0xb3: {  	s25 =	simm.s32 $0x1B8E;
	s24 =	sld [smem:$0x3FFE];
	[sflag:s4] =	ssyncadd.remote.s32 @!p0 $0x1  }
0xb4: {  	s26 =	simm.s32 $execute0_lowered;
	[smem:$0x3FD2] =	sst s25  }
0xb5: {  	s5 =	sshll.u32 s26, $0x1;
	_ =	strace $0x80000049;
	[dreg:$0x1] =	wrdreg $0xFFFFFFFF  }
0xb6: {  	s28 =	simm.s32 $_size_execute0_lowered;
	s3 =	sadd.s32 s3, s5;
	[dreg:$0x0] =	wrdreg $0x0  }
0xb7: {  	s5 =	sshll.u32 s28, $0x1;
	[dreg:$0x2] =	wrdreg s3  }
0xb8: {  	[dreg:$0x3] =	wrdreg s5  }
0xb9: {  	[dreg:$0x4] =	wrdreg $0xC0  }
0xba: {  	_ =	task [dreg:s22], $0x5FFFF  }
0xbb: {  	[dreg:$0x1] =	wrdreg $0xFFFFFFFF  }
0xbc: {  	[dreg:$0x0] =	wrdreg $0x60  }
0xbd: {  	[dreg:$0x2] =	wrdreg s24  }
0xbe: {  	[dreg:$0x3] =	wrdreg $0xA  }
0xbf: {  	_ =	task.clear_ibuf [dreg:s22], $0x4FFFF;
	_ =	strace $0x90000049  }
0xc0: {  	s29 =	simm.s32 $0xA;
	_ =	strace $0x8000004B  }
0xc1: {  	_ =	swait.ge [sflag:s29], $0x1  }
0xc2: {  	[sflag:s29] =	ssyncadd.s32 $0xFFFFFFFF  }
0xc3: {  	_ =	strace $0x9000004B  }
0xc4: {  	_ =	sfence  }
0xc5: {  	s30 =	sld [smem:$0x0];
	_ =	sdelay $0x2  }
0xc6: {  	s31 =	sshll.u32 s1, $0xD;
	s1 =	sshrl.u32 s1, $0x2  }
0xc7: {  	s4 =	sand.u32 $0x4000, s31;
	s1 =	sadd.s32 s1, s30  }
0xc8: {  	s0 =	sor.u32 s4, s0;
	s1 =	sshll.u32 s1, $0x11  }
0xc9: {  	s0 =	sor.u32 s1, s0  }
0xca: {  	s0 =	sadd.s32 $0x8F2B, s0  }
0xcb: {  	[sflag:s0] =	ssyncadd.remote.s32 $0x1  }
0xcc: {  	_ =	sfence.sel $0xFFFF  }
0xcd: {  	[dreg:$0x0] =	wrdreg $0xFFFFFFFF;
	(pc) =	sbr.abs _section_cstart, $3  }
0xce: {  	[dreg:$0x1] =	wrdreg $0xFFFFFFFF  }
0xcf: {  	_ =	task.clear_ibuf [dreg:s22], $0x2FFFF;
	_ =	strace $0x9FFFFFFF  }
0xd0: {  	(tm) =	ssettm $0x7FFFFFFF  }
0xd1: {  	_ =	shalt  }
tec
execute0_lowered:
.L_overlay_start_1:
0x0: {  	(tag) =	ssettag $0x1  }
0x1: {  	s0 =	rddreg [dreg:$0x0];
	s1 =	srdreg.scid  }
0x2: {  	s3 =	stileid.u32;
	s2 =	simm.s32 $0x0;
	s28 =	simm.s32 $0xE00  }
0x3: {  	s29 =	simm.s32 $0x1600;
	s30 =	simm.s32 $0x1A00;
	s31 =	simm.s32 $0x2200  }
0x4: {  	s10 =	simm.s32 $0x3A00;
	s11 =	simm.s32 $0x3E00;
	s12 =	simm.s32 $0x4600  }
0x5: {  	s13 =	simm.s32 $0x4A00;
	s14 =	simm.s32 $0x5200;
	s15 =	simm.s32 $0x5600  }
0x6: {  	s17 =	simm.s32 $0x5E00;
	s18 =	simm.s32 $0x6200;
	s19 =	simm.s32 $0x6A00  }
0x7: {  	s20 =	simm.s32 $0x7600;
	s21 =	simm.s32 $0x7A00;
	s22 =	simm.s32 $0x8200  }
0x8: {  	s16 =	simm.s32 $0x8E00;
	s1 =	sand.u32 $0x1, s1;
	s3 =	sshll.u32 s3, $0x7  }
0x9: {  	[smem:$0x7FF] =	sst s2;
	s7 =	sadd.s32 $0xDD400, s0;
	s4 =	sshll.u32 s1, $0x6  }
0xa: {  	_ =	strace $0x8000004A;
	s1 =	ssub.s32 $0x2, s1;
	s4 =	sor.u32 s4, s3  }
0xb: {  	s3 =	sadd.s32 $0xD0C00, s0;
	s8 =	sshrl.u32 s1, $0x1;
	s5 =	smul.u32 $0x180, s4  }
0xc: {  	s6 =	smul.u32 $0xC00, s4;
	s4 =	sadd.s32 s4, s0;
	s1 =	ssub.s32 s1, s8  }
0xd: {  	s8 =	simm.s32 $0x8600;
	s4 =	sadd.s32 $0xDCC00, s4;
	s9 =	sadd.s32 s7, s5  }
0xe: {  	s23 =	sshrl.u32 s6, $0x3;
	[dreg:$0x2] =	wrdreg s4;
	s5 =	sadd.s32 $0xD0D00, s0  }
0xf: {  	s4 =	simm.s32 $0x2;
	[dreg:$0x6] =	wrdreg s9;
	s24 =	sadd.s32 $0x1800, s9  }
0x10: {  	s6 =	sadd.s32 s7, s23;
	s7 =	simm.s32 $0x3;
	s9 =	simm.s32 $0x3200  }
0x11: {  	v2 =	vlaneseq.u32;
	s23 =	simm.s32 $0x9200;
	[dreg:$0x3] =	wrdreg s24;
	s25 =	sadd.s32 $0x3000, s6  }
0x12: {  	vm0 =	vmmov $0xffff;
	vm1 =	vmmov $0xff;
	v1 =	vshrl.u32 v2, $0x3;
	s26 =	sadd.s32 $0x4800, s6;
	s6 =	smax.u32 s1, $0x1;
	[dreg:$0x4] =	wrdreg s25  }
0x13: {  	v0 =	vand.u32 $0x7, v2;
	v2 =	vor.u32 $0x8, v2;
	v1 =	vmul.u32 $0x8, v1;
	s24 =	simm.s32 $0x1;
	[dreg:$0x5] =	wrdreg s26;
	s26 =	simm.s32 $0xA00  }
.LBB2_1:
0x14: {  	s25 =	rddreg [dreg:$0x2]  }
0x15: {  	[tilespmem:s2], [sflag:$0x3] =	stream.linear.gather [hbm4b:s25+s2], $0x200, $0x38;
	[tilespmem:$0x18200] =	vst v63  }
0x16: {  	_ =	swait.ge [sflag:s7], $0x200  }
0x17: {  	[sflag:s7] =	ssyncset.done $0x0  }
0x18: {  	[sflag:s7] =	ssyncadd.s32 $0xFFFFFE00  }
0x19: {  	v3 =	vld [tilespmem:$0x0];
	_ =	sdelay $0x4  }
0x1a: {  	v4 =	vshrl.u32 v3, $0x3  }
0x1b: {  	v4 =	vmul.u32 $0x18, v4  }
0x1c: {  	v3 =	vand.u32 $0x7, v3  }
0x1d: {  	v3 =	vor.u32 v3, v4  }
0x1e: {  	v4 =	vperm.xlane v3, v0;
	_ =	sdelay $0x1  }
0x1f: {  	v4 =	vadd.s32 v1, v4;
	_ =	sdelay $0x1  }
0x20: {  	v3 =	vperm.xlane v3, v2;
	_ =	sdelay $0x1  }
0x21: {  	s0 =	simm.s32 $0x200;
	v3 =	vadd.s32 v1, v3  }
0x22: {  	[tilespmem:s0], [sflag:$0x1] =	stream.indirect_vreg.gather [hbm4b:s3+s2], $0x80, v4, vm0, $0xb8;
	[tilespmem:$0x18200] =	vst v63  }
0x23: {  	_ = 	snop  }
0x24: {  	[tilespmem:s26], [sflag:$0x1] =	stream.indirect_vreg.gather [hbm4b:s5+s2], $0x80, v4, vm1, $0xb8;
	[tilespmem:$0x18200] =	vst v63  }
0x25: {  	_ = 	snop  }
0x26: {  	[tilespmem:s28], [sflag:$0x1] =	stream.indirect_vreg.gather [hbm4b:s3+s2], $0x80, v3, vm0, $0xb8;
	[tilespmem:$0x18200] =	vst v63  }
0x27: {  	_ = 	snop  }
0x28: {  	[tilespmem:s29], [sflag:$0x1] =	stream.indirect_vreg.gather [hbm4b:s5+s2], $0x80, v3, vm1, $0xb8;
	[tilespmem:$0x18200] =	vst v63  }
0x29: {  	v3 =	vld [tilespmem:$0x10];
	_ =	sdelay $0x4  }
0x2a: {  	v33 =	vshrl.u32 v3, $0x3  }
0x2b: {  	v4 =	vmul.u32 $0x18, v33  }
0x2c: {  	v3 =	vand.u32 $0x7, v3  }
0x2d: {  	v3 =	vor.u32 v3, v4  }
0x2e: {  	v4 =	vperm.xlane v3, v0;
	_ =	sdelay $0x1  }
0x2f: {  	v4 =	vadd.s32 v1, v4;
	_ =	sdelay $0x1  }
0x30: {  	v3 =	vperm.xlane v3, v2;
	_ =	sdelay $0x1  }
0x31: {  	v3 =	vadd.s32 v1, v3  }
0x32: {  	[tilespmem:s30], [sflag:$0x1] =	stream.indirect_vreg.gather [hbm4b:s3+s2], $0x80, v4, vm0, $0xb8;
	[tilespmem:$0x18200] =	vst v63  }
0x33: {  	_ = 	snop  }
0x34: {  	[tilespmem:s31], [sflag:$0x1] =	stream.indirect_vreg.gather [hbm4b:s5+s2], $0x80, v4, vm1, $0xb8;
	[tilespmem:$0x18200] =	vst v63  }
0x35: {  	s25 =	simm.s32 $0x2600  }
0x36: {  	[tilespmem:s25], [sflag:$0x1] =	stream.indirect_vreg.gather [hbm4b:s3+s2], $0x80, v3, vm0, $0xb8;
	[tilespmem:$0x18200] =	vst v63  }
0x37: {  	s1 =	simm.s32 $0x2E00  }
0x38: {  	[tilespmem:s1], [sflag:$0x1] =	stream.indirect_vreg.gather [hbm4b:s5+s2], $0x80, v3, vm1, $0xb8;
	[tilespmem:$0x18200] =	vst v63  }
0x39: {  	v3 =	vld [tilespmem:$0x20];
	_ =	sdelay $0x4  }
0x3a: {  	v34 =	vshrl.u32 v3, $0x3  }
0x3b: {  	v4 =	vmul.u32 $0x18, v34  }
0x3c: {  	v3 =	vand.u32 $0x7, v3  }
0x3d: {  	v3 =	vor.u32 v3, v4  }
0x3e: {  	v4 =	vperm.xlane v3, v0;
	_ =	sdelay $0x1  }
0x3f: {  	v4 =	vadd.s32 v1, v4;
	_ =	sdelay $0x1  }
0x40: {  	v3 =	vperm.xlane v3, v2;
	_ =	sdelay $0x1  }
0x41: {  	v3 =	vadd.s32 v1, v3  }
0x42: {  	[tilespmem:s9], [sflag:$0x1] =	stream.indirect_vreg.gather [hbm4b:s3+s2], $0x80, v4, vm0, $0xb8;
	[tilespmem:$0x18200] =	vst v63  }
0x43: {  	_ = 	snop  }
0x44: {  	[tilespmem:s10], [sflag:$0x1] =	stream.indirect_vreg.gather [hbm4b:s5+s2], $0x80, v4, vm1, $0xb8;
	[tilespmem:$0x18200] =	vst v63  }
0x45: {  	_ = 	snop  }
0x46: {  	[tilespmem:s11], [sflag:$0x1] =	stream.indirect_vreg.gather [hbm4b:s3+s2], $0x80, v3, vm0, $0xb8;
	[tilespmem:$0x18200] =	vst v63  }
0x47: {  	_ = 	snop  }
0x48: {  	[tilespmem:s12], [sflag:$0x1] =	stream.indirect_vreg.gather [hbm4b:s5+s2], $0x80, v3, vm1, $0xb8;
	[tilespmem:$0x18200] =	vst v63  }
0x49: {  	v3 =	vld [tilespmem:$0x30];
	_ =	sdelay $0x4  }
0x4a: {  	v35 =	vshrl.u32 v3, $0x3  }
0x4b: {  	v4 =	vmul.u32 $0x18, v35  }
0x4c: {  	v3 =	vand.u32 $0x7, v3  }
0x4d: {  	v3 =	vor.u32 v3, v4  }
0x4e: {  	v4 =	vperm.xlane v3, v0;
	_ =	sdelay $0x1  }
0x4f: {  	v4 =	vadd.s32 v1, v4;
	_ =	sdelay $0x1  }
0x50: {  	v3 =	vperm.xlane v3, v2;
	_ =	sdelay $0x1  }
0x51: {  	v3 =	vadd.s32 v1, v3  }
0x52: {  	[tilespmem:s13], [sflag:$0x1] =	stream.indirect_vreg.gather [hbm4b:s3+s2], $0x80, v4, vm0, $0xb8;
	[tilespmem:$0x18200] =	vst v63  }
0x53: {  	_ = 	snop  }
0x54: {  	[tilespmem:s14], [sflag:$0x1] =	stream.indirect_vreg.gather [hbm4b:s5+s2], $0x80, v4, vm1, $0xb8;
	[tilespmem:$0x18200] =	vst v63  }
0x55: {  	_ = 	snop  }
0x56: {  	[tilespmem:s15], [sflag:$0x1] =	stream.indirect_vreg.gather [hbm4b:s3+s2], $0x80, v3, vm0, $0xb8;
	[tilespmem:$0x18200] =	vst v63  }
0x57: {  	_ = 	snop  }
0x58: {  	[tilespmem:s17], [sflag:$0x1] =	stream.indirect_vreg.gather [hbm4b:s5+s2], $0x80, v3, vm1, $0xb8;
	[tilespmem:$0x18200] =	vst v63  }
0x59: {  	v3 =	vld [tilespmem:$0x40];
	_ =	sdelay $0x4  }
0x5a: {  	v36 =	vshrl.u32 v3, $0x3  }
0x5b: {  	v4 =	vmul.u32 $0x18, v36  }
0x5c: {  	v3 =	vand.u32 $0x7, v3  }
0x5d: {  	v3 =	vor.u32 v3, v4  }
0x5e: {  	v4 =	vperm.xlane v3, v0;
	_ =	sdelay $0x1  }
0x5f: {  	v4 =	vadd.s32 v1, v4;
	_ =	sdelay $0x1  }
0x60: {  	v3 =	vperm.xlane v3, v2;
	_ =	sdelay $0x1  }
0x61: {  	v3 =	vadd.s32 v1, v3  }
0x62: {  	[tilespmem:s18], [sflag:$0x1] =	stream.indirect_vreg.gather [hbm4b:s3+s2], $0x80, v4, vm0, $0xb8;
	[tilespmem:$0x18200] =	vst v63  }
0x63: {  	_ = 	snop  }
0x64: {  	[tilespmem:s19], [sflag:$0x1] =	stream.indirect_vreg.gather [hbm4b:s5+s2], $0x80, v4, vm1, $0xb8;
	[tilespmem:$0x18200] =	vst v63  }
0x65: {  	s25 =	simm.s32 $0x6E00  }
0x66: {  	[tilespmem:s25], [sflag:$0x1] =	stream.indirect_vreg.gather [hbm4b:s3+s2], $0x80, v3, vm0, $0xb8;
	[tilespmem:$0x18200] =	vst v63  }
0x67: {  	_ = 	snop  }
0x68: {  	[tilespmem:s20], [sflag:$0x1] =	stream.indirect_vreg.gather [hbm4b:s5+s2], $0x80, v3, vm1, $0xb8;
	[tilespmem:$0x18200] =	vst v63  }
0x69: {  	v3 =	vld [tilespmem:$0x50];
	_ =	sdelay $0x4  }
0x6a: {  	v37 =	vshrl.u32 v3, $0x3  }
0x6b: {  	v4 =	vmul.u32 $0x18, v37  }
0x6c: {  	v3 =	vand.u32 $0x7, v3  }
0x6d: {  	v3 =	vor.u32 v3, v4  }
0x6e: {  	v4 =	vperm.xlane v3, v0;
	_ =	sdelay $0x1  }
0x6f: {  	v4 =	vadd.s32 v1, v4;
	_ =	sdelay $0x1  }
0x70: {  	v3 =	vperm.xlane v3, v2;
	_ =	sdelay $0x1  }
0x71: {  	v3 =	vadd.s32 v1, v3  }
0x72: {  	[tilespmem:s21], [sflag:$0x1] =	stream.indirect_vreg.gather [hbm4b:s3+s2], $0x80, v4, vm0, $0xb8;
	[tilespmem:$0x18200] =	vst v63  }
0x73: {  	_ = 	snop  }
0x74: {  	[tilespmem:s22], [sflag:$0x1] =	stream.indirect_vreg.gather [hbm4b:s5+s2], $0x80, v4, vm1, $0xb8;
	[tilespmem:$0x18200] =	vst v63  }
0x75: {  	_ = 	snop  }
0x76: {  	[tilespmem:s8], [sflag:$0x1] =	stream.indirect_vreg.gather [hbm4b:s3+s2], $0x80, v3, vm0, $0xb8;
	[tilespmem:$0x18200] =	vst v63  }
0x77: {  	_ = 	snop  }
0x78: {  	[tilespmem:s16], [sflag:$0x1] =	stream.indirect_vreg.gather [hbm4b:s5+s2], $0x80, v3, vm1, $0xb8;
	[tilespmem:$0x18200] =	vst v63  }
0x79: {  	v3 =	vld [tilespmem:$0x60];
	_ =	sdelay $0x4  }
0x7a: {  	v38 =	vshrl.u32 v3, $0x3  }
0x7b: {  	v4 =	vmul.u32 $0x18, v38  }
0x7c: {  	v3 =	vand.u32 $0x7, v3  }
0x7d: {  	v3 =	vor.u32 v3, v4  }
0x7e: {  	v4 =	vperm.xlane v3, v0;
	_ =	sdelay $0x1  }
0x7f: {  	v4 =	vadd.s32 v1, v4;
	_ =	sdelay $0x1  }
0x80: {  	v3 =	vperm.xlane v3, v2;
	_ =	sdelay $0x1  }
0x81: {  	v3 =	vadd.s32 v1, v3  }
0x82: {  	[tilespmem:s23], [sflag:$0x1] =	stream.indirect_vreg.gather [hbm4b:s3+s2], $0x80, v4, vm0, $0xb8;
	[tilespmem:$0x18200] =	vst v63  }
0x83: {  	s1 =	simm.s32 $0x9A00  }
0x84: {  	[tilespmem:s1], [sflag:$0x1] =	stream.indirect_vreg.gather [hbm4b:s5+s2], $0x80, v4, vm1, $0xb8;
	[tilespmem:$0x18200] =	vst v63  }
0x85: {  	s25 =	simm.s32 $0x9E00  }
0x86: {  	[tilespmem:s25], [sflag:$0x1] =	stream.indirect_vreg.gather [hbm4b:s3+s2], $0x80, v3, vm0, $0xb8;
	[tilespmem:$0x18200] =	vst v63  }
0x87: {  	s1 =	simm.s32 $0xA600  }
0x88: {  	[tilespmem:s1], [sflag:$0x1] =	stream.indirect_vreg.gather [hbm4b:s5+s2], $0x80, v3, vm1, $0xb8;
	[tilespmem:$0x18200] =	vst v63  }
0x89: {  	v3 =	vld [tilespmem:$0x70];
	_ =	sdelay $0x4  }
0x8a: {  	v39 =	vshrl.u32 v3, $0x3  }
0x8b: {  	v4 =	vmul.u32 $0x18, v39  }
0x8c: {  	v3 =	vand.u32 $0x7, v3  }
0x8d: {  	v3 =	vor.u32 v3, v4  }
0x8e: {  	v4 =	vperm.xlane v3, v0;
	_ =	sdelay $0x1  }
0x8f: {  	v4 =	vadd.s32 v1, v4;
	_ =	sdelay $0x1  }
0x90: {  	v3 =	vperm.xlane v3, v2;
	_ =	sdelay $0x1  }
0x91: {  	s25 =	simm.s32 $0xAA00;
	v3 =	vadd.s32 v1, v3  }
0x92: {  	[tilespmem:s25], [sflag:$0x1] =	stream.indirect_vreg.gather [hbm4b:s3+s2], $0x80, v4, vm0, $0xb8;
	[tilespmem:$0x18200] =	vst v63  }
0x93: {  	s1 =	simm.s32 $0xB200  }
0x94: {  	[tilespmem:s1], [sflag:$0x1] =	stream.indirect_vreg.gather [hbm4b:s5+s2], $0x80, v4, vm1, $0xb8;
	[tilespmem:$0x18200] =	vst v63  }
0x95: {  	s25 =	simm.s32 $0xB600  }
0x96: {  	[tilespmem:s25], [sflag:$0x1] =	stream.indirect_vreg.gather [hbm4b:s3+s2], $0x80, v3, vm0, $0xb8;
	[tilespmem:$0x18200] =	vst v63  }
0x97: {  	s1 =	simm.s32 $0xBE00  }
0x98: {  	[tilespmem:s1], [sflag:$0x1] =	stream.indirect_vreg.gather [hbm4b:s5+s2], $0x80, v3, vm1, $0xb8;
	[tilespmem:$0x18200] =	vst v63  }
0x99: {  	v3 =	vld [tilespmem:$0x80];
	_ =	sdelay $0x4  }
0x9a: {  	v40 =	vshrl.u32 v3, $0x3  }
0x9b: {  	v4 =	vmul.u32 $0x18, v40  }
0x9c: {  	v3 =	vand.u32 $0x7, v3  }
0x9d: {  	v3 =	vor.u32 v3, v4  }
0x9e: {  	v4 =	vperm.xlane v3, v0;
	_ =	sdelay $0x1  }
0x9f: {  	v4 =	vadd.s32 v1, v4;
	_ =	sdelay $0x1  }
0xa0: {  	v3 =	vperm.xlane v3, v2;
	_ =	sdelay $0x1  }
0xa1: {  	s0 =	simm.s32 $0xC200;
	v3 =	vadd.s32 v1, v3  }
0xa2: {  	[tilespmem:s0], [sflag:$0x2] =	stream.indirect_vreg.gather [hbm4b:s3+s2], $0x80, v4, vm0, $0xb8;
	[tilespmem:$0x18200] =	vst v63  }
0xa3: {  	s1 =	simm.s32 $0xCA00  }
0xa4: {  	[tilespmem:s1], [sflag:$0x2] =	stream.indirect_vreg.gather [hbm4b:s5+s2], $0x80, v4, vm1, $0xb8;
	[tilespmem:$0x18200] =	vst v63  }
0xa5: {  	s25 =	simm.s32 $0xCE00  }
0xa6: {  	[tilespmem:s25], [sflag:$0x2] =	stream.indirect_vreg.gather [hbm4b:s3+s2], $0x80, v3, vm0, $0xb8;
	[tilespmem:$0x18200] =	vst v63  }
0xa7: {  	s25 =	simm.s32 $0xD600  }
0xa8: {  	[tilespmem:s25], [sflag:$0x2] =	stream.indirect_vreg.gather [hbm4b:s5+s2], $0x80, v3, vm1, $0xb8;
	[tilespmem:$0x18200] =	vst v63  }
0xa9: {  	v3 =	vld [tilespmem:$0x90];
	_ =	sdelay $0x4  }
0xaa: {  	v41 =	vshrl.u32 v3, $0x3  }
0xab: {  	v4 =	vmul.u32 $0x18, v41  }
0xac: {  	v3 =	vand.u32 $0x7, v3  }
0xad: {  	v3 =	vor.u32 v3, v4  }
0xae: {  	v4 =	vperm.xlane v3, v0;
	_ =	sdelay $0x1  }
0xaf: {  	v4 =	vadd.s32 v1, v4;
	_ =	sdelay $0x1  }
0xb0: {  	v3 =	vperm.xlane v3, v2;
	_ =	sdelay $0x1  }
0xb1: {  	s25 =	simm.s32 $0xDA00;
	v3 =	vadd.s32 v1, v3  }
0xb2: {  	[tilespmem:s25], [sflag:$0x2] =	stream.indirect_vreg.gather [hbm4b:s3+s2], $0x80, v4, vm0, $0xb8;
	[tilespmem:$0x18200] =	vst v63  }
0xb3: {  	s25 =	simm.s32 $0xE200  }
0xb4: {  	[tilespmem:s25], [sflag:$0x2] =	stream.indirect_vreg.gather [hbm4b:s5+s2], $0x80, v4, vm1, $0xb8;
	[tilespmem:$0x18200] =	vst v63  }
0xb5: {  	s25 =	simm.s32 $0xE600  }
0xb6: {  	[tilespmem:s25], [sflag:$0x2] =	stream.indirect_vreg.gather [hbm4b:s3+s2], $0x80, v3, vm0, $0xb8;
	[tilespmem:$0x18200] =	vst v63  }
0xb7: {  	s25 =	simm.s32 $0xEE00  }
0xb8: {  	[tilespmem:s25], [sflag:$0x2] =	stream.indirect_vreg.gather [hbm4b:s5+s2], $0x80, v3, vm1, $0xb8;
	[tilespmem:$0x18200] =	vst v63  }
0xb9: {  	v3 =	vld [tilespmem:$0xA0];
	_ =	sdelay $0x4  }
0xba: {  	v42 =	vshrl.u32 v3, $0x3  }
0xbb: {  	v4 =	vmul.u32 $0x18, v42  }
0xbc: {  	v3 =	vand.u32 $0x7, v3  }
0xbd: {  	v3 =	vor.u32 v3, v4  }
0xbe: {  	v4 =	vperm.xlane v3, v0;
	_ =	sdelay $0x1  }
0xbf: {  	v4 =	vadd.s32 v1, v4;
	_ =	sdelay $0x1  }
0xc0: {  	v3 =	vperm.xlane v3, v2;
	_ =	sdelay $0x1  }
0xc1: {  	s25 =	simm.s32 $0xF200;
	v3 =	vadd.s32 v1, v3  }
0xc2: {  	[tilespmem:s25], [sflag:$0x2] =	stream.indirect_vreg.gather [hbm4b:s3+s2], $0x80, v4, vm0, $0xb8;
	[tilespmem:$0x18200] =	vst v63  }
0xc3: {  	s25 =	simm.s32 $0xFA00  }
0xc4: {  	[tilespmem:s25], [sflag:$0x2] =	stream.indirect_vreg.gather [hbm4b:s5+s2], $0x80, v4, vm1, $0xb8;
	[tilespmem:$0x18200] =	vst v63  }
0xc5: {  	s25 =	simm.s32 $0xFE00  }
0xc6: {  	[tilespmem:s25], [sflag:$0x2] =	stream.indirect_vreg.gather [hbm4b:s3+s2], $0x80, v3, vm0, $0xb8;
	[tilespmem:$0x18200] =	vst v63  }
0xc7: {  	s25 =	simm.s32 $0x10600  }
0xc8: {  	[tilespmem:s25], [sflag:$0x2] =	stream.indirect_vreg.gather [hbm4b:s5+s2], $0x80, v3, vm1, $0xb8;
	[tilespmem:$0x18200] =	vst v63  }
0xc9: {  	v3 =	vld [tilespmem:$0xB0];
	_ =	sdelay $0x4  }
0xca: {  	v43 =	vshrl.u32 v3, $0x3  }
0xcb: {  	v4 =	vmul.u32 $0x18, v43  }
0xcc: {  	v3 =	vand.u32 $0x7, v3  }
0xcd: {  	v3 =	vor.u32 v3, v4  }
0xce: {  	v4 =	vperm.xlane v3, v0;
	_ =	sdelay $0x1  }
0xcf: {  	v4 =	vadd.s32 v1, v4;
	_ =	sdelay $0x1  }
0xd0: {  	v3 =	vperm.xlane v3, v2;
	_ =	sdelay $0x1  }
0xd1: {  	s25 =	simm.s32 $0x10A00;
	v3 =	vadd.s32 v1, v3  }
0xd2: {  	[tilespmem:s25], [sflag:$0x2] =	stream.indirect_vreg.gather [hbm4b:s3+s2], $0x80, v4, vm0, $0xb8;
	[tilespmem:$0x18200] =	vst v63  }
0xd3: {  	s25 =	simm.s32 $0x11200  }
0xd4: {  	[tilespmem:s25], [sflag:$0x2] =	stream.indirect_vreg.gather [hbm4b:s5+s2], $0x80, v4, vm1, $0xb8;
	[tilespmem:$0x18200] =	vst v63  }
0xd5: {  	s25 =	simm.s32 $0x11600  }
0xd6: {  	[tilespmem:s25], [sflag:$0x2] =	stream.indirect_vreg.gather [hbm4b:s3+s2], $0x80, v3, vm0, $0xb8;
	[tilespmem:$0x18200] =	vst v63  }
0xd7: {  	s25 =	simm.s32 $0x11E00  }
0xd8: {  	[tilespmem:s25], [sflag:$0x2] =	stream.indirect_vreg.gather [hbm4b:s5+s2], $0x80, v3, vm1, $0xb8;
	[tilespmem:$0x18200] =	vst v63  }
0xd9: {  	v3 =	vld [tilespmem:$0xC0];
	_ =	sdelay $0x4  }
0xda: {  	v44 =	vshrl.u32 v3, $0x3  }
0xdb: {  	v4 =	vmul.u32 $0x18, v44  }
0xdc: {  	v3 =	vand.u32 $0x7, v3  }
0xdd: {  	v3 =	vor.u32 v3, v4  }
0xde: {  	v4 =	vperm.xlane v3, v0;
	_ =	sdelay $0x1  }
0xdf: {  	v4 =	vadd.s32 v1, v4;
	_ =	sdelay $0x1  }
0xe0: {  	v3 =	vperm.xlane v3, v2;
	_ =	sdelay $0x1  }
0xe1: {  	s25 =	simm.s32 $0x12200;
	v3 =	vadd.s32 v1, v3  }
0xe2: {  	[tilespmem:s25], [sflag:$0x2] =	stream.indirect_vreg.gather [hbm4b:s3+s2], $0x80, v4, vm0, $0xb8;
	[tilespmem:$0x18200] =	vst v63  }
0xe3: {  	s25 =	simm.s32 $0x12A00  }
0xe4: {  	[tilespmem:s25], [sflag:$0x2] =	stream.indirect_vreg.gather [hbm4b:s5+s2], $0x80, v4, vm1, $0xb8;
	[tilespmem:$0x18200] =	vst v63  }
0xe5: {  	s25 =	simm.s32 $0x12E00  }
0xe6: {  	[tilespmem:s25], [sflag:$0x2] =	stream.indirect_vreg.gather [hbm4b:s3+s2], $0x80, v3, vm0, $0xb8;
	[tilespmem:$0x18200] =	vst v63  }
0xe7: {  	s25 =	simm.s32 $0x13600  }
0xe8: {  	[tilespmem:s25], [sflag:$0x2] =	stream.indirect_vreg.gather [hbm4b:s5+s2], $0x80, v3, vm1, $0xb8;
	[tilespmem:$0x18200] =	vst v63  }
0xe9: {  	v3 =	vld [tilespmem:$0xD0];
	_ =	sdelay $0x4  }
0xea: {  	v45 =	vshrl.u32 v3, $0x3  }
0xeb: {  	v4 =	vmul.u32 $0x18, v45  }
0xec: {  	v3 =	vand.u32 $0x7, v3  }
0xed: {  	v3 =	vor.u32 v3, v4  }
0xee: {  	v4 =	vperm.xlane v3, v0;
	_ =	sdelay $0x1  }
0xef: {  	v4 =	vadd.s32 v1, v4;
	_ =	sdelay $0x1  }
0xf0: {  	v3 =	vperm.xlane v3, v2;
	_ =	sdelay $0x1  }
0xf1: {  	s25 =	simm.s32 $0x13A00;
	v3 =	vadd.s32 v1, v3  }
0xf2: {  	[tilespmem:s25], [sflag:$0x2] =	stream.indirect_vreg.gather [hbm4b:s3+s2], $0x80, v4, vm0, $0xb8;
	[tilespmem:$0x18200] =	vst v63  }
0xf3: {  	s25 =	simm.s32 $0x14200  }
0xf4: {  	[tilespmem:s25], [sflag:$0x2] =	stream.indirect_vreg.gather [hbm4b:s5+s2], $0x80, v4, vm1, $0xb8;
	[tilespmem:$0x18200] =	vst v63  }
0xf5: {  	s25 =	simm.s32 $0x14600  }
0xf6: {  	[tilespmem:s25], [sflag:$0x2] =	stream.indirect_vreg.gather [hbm4b:s3+s2], $0x80, v3, vm0, $0xb8;
	[tilespmem:$0x18200] =	vst v63  }
0xf7: {  	s25 =	simm.s32 $0x14E00  }
0xf8: {  	[tilespmem:s25], [sflag:$0x2] =	stream.indirect_vreg.gather [hbm4b:s5+s2], $0x80, v3, vm1, $0xb8;
	[tilespmem:$0x18200] =	vst v63  }
0xf9: {  	v3 =	vld [tilespmem:$0xE0];
	_ =	sdelay $0x4  }
0xfa: {  	v46 =	vshrl.u32 v3, $0x3  }
0xfb: {  	v4 =	vmul.u32 $0x18, v46  }
0xfc: {  	v3 =	vand.u32 $0x7, v3  }
0xfd: {  	v3 =	vor.u32 v3, v4  }
0xfe: {  	v4 =	vperm.xlane v3, v0;
	_ =	sdelay $0x1  }
0xff: {  	v4 =	vadd.s32 v1, v4;
	_ =	sdelay $0x1  }
0x100: {  	v3 =	vperm.xlane v3, v2;
	_ =	sdelay $0x1  }
0x101: {  	s25 =	simm.s32 $0x15200;
	v3 =	vadd.s32 v1, v3  }
0x102: {  	[tilespmem:s25], [sflag:$0x2] =	stream.indirect_vreg.gather [hbm4b:s3+s2], $0x80, v4, vm0, $0xb8;
	[tilespmem:$0x18200] =	vst v63  }
0x103: {  	s25 =	simm.s32 $0x15A00  }
0x104: {  	[tilespmem:s25], [sflag:$0x2] =	stream.indirect_vreg.gather [hbm4b:s5+s2], $0x80, v4, vm1, $0xb8;
	[tilespmem:$0x18200] =	vst v63  }
0x105: {  	s25 =	simm.s32 $0x15E00  }
0x106: {  	[tilespmem:s25], [sflag:$0x2] =	stream.indirect_vreg.gather [hbm4b:s3+s2], $0x80, v3, vm0, $0xb8;
	[tilespmem:$0x18200] =	vst v63  }
0x107: {  	s25 =	simm.s32 $0x16600  }
0x108: {  	[tilespmem:s25], [sflag:$0x2] =	stream.indirect_vreg.gather [hbm4b:s5+s2], $0x80, v3, vm1, $0xb8;
	[tilespmem:$0x18200] =	vst v63  }
0x109: {  	v3 =	vld [tilespmem:$0xF0];
	_ =	sdelay $0x4  }
0x10a: {  	v47 =	vshrl.u32 v3, $0x3  }
0x10b: {  	v4 =	vmul.u32 $0x18, v47  }
0x10c: {  	v3 =	vand.u32 $0x7, v3  }
0x10d: {  	v3 =	vor.u32 v3, v4  }
0x10e: {  	v4 =	vperm.xlane v3, v0;
	_ =	sdelay $0x1  }
0x10f: {  	v4 =	vadd.s32 v1, v4;
	_ =	sdelay $0x1  }
0x110: {  	v3 =	vperm.xlane v3, v2;
	_ =	sdelay $0x1  }
0x111: {  	s25 =	simm.s32 $0x16A00;
	v3 =	vadd.s32 v1, v3  }
0x112: {  	[tilespmem:s25], [sflag:$0x2] =	stream.indirect_vreg.gather [hbm4b:s3+s2], $0x80, v4, vm0, $0xb8;
	[tilespmem:$0x18200] =	vst v63  }
0x113: {  	s25 =	simm.s32 $0x17200  }
0x114: {  	[tilespmem:s25], [sflag:$0x2] =	stream.indirect_vreg.gather [hbm4b:s5+s2], $0x80, v4, vm1, $0xb8;
	[tilespmem:$0x18200] =	vst v63  }
0x115: {  	s25 =	simm.s32 $0x17600  }
0x116: {  	[tilespmem:s25], [sflag:$0x2] =	stream.indirect_vreg.gather [hbm4b:s3+s2], $0x80, v3, vm0, $0xb8;
	[tilespmem:$0x18200] =	vst v63  }
0x117: {  	s25 =	simm.s32 $0x17E00  }
0x118: {  	[tilespmem:s25], [sflag:$0x2] =	stream.indirect_vreg.gather [hbm4b:s5+s2], $0x80, v3, vm1, $0xb8;
	[tilespmem:$0x18200] =	vst v63  }
0x119: {  	_ =	swait.ge [sflag:s24], $0xC000  }
0x11a: {  	[sflag:s24] =	ssyncset.done $0x0  }
0x11b: {  	s1 =	simm.s32 $0x200;
	s25 =	rddreg [dreg:$0x6];
	[sflag:s24] =	ssyncadd.s32 $0xFFFF4000  }
0x11c: {  	[hbm4b:s25+s2] =	stream.linear.scatter [tilespmem:s1], [sflag:$0x3], $0xC000, $0x38;
	[tilespmem:$0x18200] =	vst v63  }
0x11d: {  	_ =	swait.ge [sflag:s7], $0xC000  }
0x11e: {  	[sflag:s7] =	ssyncset.done $0x0  }
0x11f: {  	[sflag:s7] =	ssyncadd.s32 $0xFFFF4000  }
0x120: {  	v3 =	vld [tilespmem:$0x100];
	_ =	sdelay $0x4  }
0x121: {  	v48 =	vshrl.u32 v3, $0x3  }
0x122: {  	v4 =	vmul.u32 $0x18, v48  }
0x123: {  	v3 =	vand.u32 $0x7, v3  }
0x124: {  	v3 =	vor.u32 v3, v4  }
0x125: {  	v4 =	vperm.xlane v3, v0;
	_ =	sdelay $0x1  }
0x126: {  	v4 =	vadd.s32 v1, v4;
	_ =	sdelay $0x1  }
0x127: {  	v3 =	vperm.xlane v3, v2;
	_ =	sdelay $0x1  }
0x128: {  	v3 =	vadd.s32 v1, v3  }
0x129: {  	[tilespmem:s1], [sflag:$0x1] =	stream.indirect_vreg.gather [hbm4b:s3+s2], $0x80, v4, vm0, $0xb8;
	[tilespmem:$0x18200] =	vst v63  }
0x12a: {  	_ = 	snop  }
0x12b: {  	[tilespmem:s26], [sflag:$0x1] =	stream.indirect_vreg.gather [hbm4b:s5+s2], $0x80, v4, vm1, $0xb8;
	[tilespmem:$0x18200] =	vst v63  }
0x12c: {  	_ = 	snop  }
0x12d: {  	[tilespmem:s28], [sflag:$0x1] =	stream.indirect_vreg.gather [hbm4b:s3+s2], $0x80, v3, vm0, $0xb8;
	[tilespmem:$0x18200] =	vst v63  }
0x12e: {  	_ = 	snop  }
0x12f: {  	[tilespmem:s29], [sflag:$0x1] =	stream.indirect_vreg.gather [hbm4b:s5+s2], $0x80, v3, vm1, $0xb8;
	[tilespmem:$0x18200] =	vst v63  }
0x130: {  	v3 =	vld [tilespmem:$0x110];
	_ =	sdelay $0x4  }
0x131: {  	v49 =	vshrl.u32 v3, $0x3  }
0x132: {  	v4 =	vmul.u32 $0x18, v49  }
0x133: {  	v3 =	vand.u32 $0x7, v3  }
0x134: {  	v3 =	vor.u32 v3, v4  }
0x135: {  	v4 =	vperm.xlane v3, v0;
	_ =	sdelay $0x1  }
0x136: {  	v4 =	vadd.s32 v1, v4;
	_ =	sdelay $0x1  }
0x137: {  	v3 =	vperm.xlane v3, v2;
	_ =	sdelay $0x1  }
0x138: {  	v3 =	vadd.s32 v1, v3  }
0x139: {  	[tilespmem:s30], [sflag:$0x1] =	stream.indirect_vreg.gather [hbm4b:s3+s2], $0x80, v4, vm0, $0xb8;
	[tilespmem:$0x18200] =	vst v63  }
0x13a: {  	_ = 	snop  }
0x13b: {  	[tilespmem:s31], [sflag:$0x1] =	stream.indirect_vreg.gather [hbm4b:s5+s2], $0x80, v4, vm1, $0xb8;
	[tilespmem:$0x18200] =	vst v63  }
0x13c: {  	s25 =	simm.s32 $0x2600  }
0x13d: {  	[tilespmem:s25], [sflag:$0x1] =	stream.indirect_vreg.gather [hbm4b:s3+s2], $0x80, v3, vm0, $0xb8;
	[tilespmem:$0x18200] =	vst v63  }
0x13e: {  	s25 =	simm.s32 $0x2E00  }
0x13f: {  	[tilespmem:s25], [sflag:$0x1] =	stream.indirect_vreg.gather [hbm4b:s5+s2], $0x80, v3, vm1, $0xb8;
	[tilespmem:$0x18200] =	vst v63  }
0x140: {  	v3 =	vld [tilespmem:$0x120];
	_ =	sdelay $0x4  }
0x141: {  	v50 =	vshrl.u32 v3, $0x3  }
0x142: {  	v4 =	vmul.u32 $0x18, v50  }
0x143: {  	v3 =	vand.u32 $0x7, v3  }
0x144: {  	v3 =	vor.u32 v3, v4  }
0x145: {  	v4 =	vperm.xlane v3, v0;
	_ =	sdelay $0x1  }
0x146: {  	v4 =	vadd.s32 v1, v4;
	_ =	sdelay $0x1  }
0x147: {  	v3 =	vperm.xlane v3, v2;
	_ =	sdelay $0x1  }
0x148: {  	v3 =	vadd.s32 v1, v3  }
0x149: {  	[tilespmem:s9], [sflag:$0x1] =	stream.indirect_vreg.gather [hbm4b:s3+s2], $0x80, v4, vm0, $0xb8;
	[tilespmem:$0x18200] =	vst v63  }
0x14a: {  	_ = 	snop  }
0x14b: {  	[tilespmem:s10], [sflag:$0x1] =	stream.indirect_vreg.gather [hbm4b:s5+s2], $0x80, v4, vm1, $0xb8;
	[tilespmem:$0x18200] =	vst v63  }
0x14c: {  	_ = 	snop  }
0x14d: {  	[tilespmem:s11], [sflag:$0x1] =	stream.indirect_vreg.gather [hbm4b:s3+s2], $0x80, v3, vm0, $0xb8;
	[tilespmem:$0x18200] =	vst v63  }
0x14e: {  	_ = 	snop  }
0x14f: {  	[tilespmem:s12], [sflag:$0x1] =	stream.indirect_vreg.gather [hbm4b:s5+s2], $0x80, v3, vm1, $0xb8;
	[tilespmem:$0x18200] =	vst v63  }
0x150: {  	v3 =	vld [tilespmem:$0x130];
	_ =	sdelay $0x4  }
0x151: {  	v51 =	vshrl.u32 v3, $0x3  }
0x152: {  	v4 =	vmul.u32 $0x18, v51  }
0x153: {  	v3 =	vand.u32 $0x7, v3  }
0x154: {  	v3 =	vor.u32 v3, v4  }
0x155: {  	v4 =	vperm.xlane v3, v0;
	_ =	sdelay $0x1  }
0x156: {  	v4 =	vadd.s32 v1, v4;
	_ =	sdelay $0x1  }
0x157: {  	v3 =	vperm.xlane v3, v2;
	_ =	sdelay $0x1  }
0x158: {  	v3 =	vadd.s32 v1, v3  }
0x159: {  	[tilespmem:s13], [sflag:$0x1] =	stream.indirect_vreg.gather [hbm4b:s3+s2], $0x80, v4, vm0, $0xb8;
	[tilespmem:$0x18200] =	vst v63  }
0x15a: {  	_ = 	snop  }
0x15b: {  	[tilespmem:s14], [sflag:$0x1] =	stream.indirect_vreg.gather [hbm4b:s5+s2], $0x80, v4, vm1, $0xb8;
	[tilespmem:$0x18200] =	vst v63  }
0x15c: {  	_ = 	snop  }
0x15d: {  	[tilespmem:s15], [sflag:$0x1] =	stream.indirect_vreg.gather [hbm4b:s3+s2], $0x80, v3, vm0, $0xb8;
	[tilespmem:$0x18200] =	vst v63  }
0x15e: {  	_ = 	snop  }
0x15f: {  	[tilespmem:s17], [sflag:$0x1] =	stream.indirect_vreg.gather [hbm4b:s5+s2], $0x80, v3, vm1, $0xb8;
	[tilespmem:$0x18200] =	vst v63  }
0x160: {  	v3 =	vld [tilespmem:$0x140];
	_ =	sdelay $0x4  }
0x161: {  	v52 =	vshrl.u32 v3, $0x3  }
0x162: {  	v4 =	vmul.u32 $0x18, v52  }
0x163: {  	v3 =	vand.u32 $0x7, v3  }
0x164: {  	v3 =	vor.u32 v3, v4  }
0x165: {  	v4 =	vperm.xlane v3, v0;
	_ =	sdelay $0x1  }
0x166: {  	v4 =	vadd.s32 v1, v4;
	_ =	sdelay $0x1  }
0x167: {  	v3 =	vperm.xlane v3, v2;
	_ =	sdelay $0x1  }
0x168: {  	v3 =	vadd.s32 v1, v3  }
0x169: {  	[tilespmem:s18], [sflag:$0x1] =	stream.indirect_vreg.gather [hbm4b:s3+s2], $0x80, v4, vm0, $0xb8;
	[tilespmem:$0x18200] =	vst v63  }
0x16a: {  	_ = 	snop  }
0x16b: {  	[tilespmem:s19], [sflag:$0x1] =	stream.indirect_vreg.gather [hbm4b:s5+s2], $0x80, v4, vm1, $0xb8;
	[tilespmem:$0x18200] =	vst v63  }
0x16c: {  	s25 =	simm.s32 $0x6E00  }
0x16d: {  	[tilespmem:s25], [sflag:$0x1] =	stream.indirect_vreg.gather [hbm4b:s3+s2], $0x80, v3, vm0, $0xb8;
	[tilespmem:$0x18200] =	vst v63  }
0x16e: {  	_ = 	snop  }
0x16f: {  	[tilespmem:s20], [sflag:$0x1] =	stream.indirect_vreg.gather [hbm4b:s5+s2], $0x80, v3, vm1, $0xb8;
	[tilespmem:$0x18200] =	vst v63  }
0x170: {  	v3 =	vld [tilespmem:$0x150];
	_ =	sdelay $0x4  }
0x171: {  	v53 =	vshrl.u32 v3, $0x3  }
0x172: {  	v4 =	vmul.u32 $0x18, v53  }
0x173: {  	v3 =	vand.u32 $0x7, v3  }
0x174: {  	v3 =	vor.u32 v3, v4  }
0x175: {  	v4 =	vperm.xlane v3, v0;
	_ =	sdelay $0x1  }
0x176: {  	v4 =	vadd.s32 v1, v4;
	_ =	sdelay $0x1  }
0x177: {  	v3 =	vperm.xlane v3, v2;
	_ =	sdelay $0x1  }
0x178: {  	v3 =	vadd.s32 v1, v3  }
0x179: {  	[tilespmem:s21], [sflag:$0x1] =	stream.indirect_vreg.gather [hbm4b:s3+s2], $0x80, v4, vm0, $0xb8;
	[tilespmem:$0x18200] =	vst v63  }
0x17a: {  	_ = 	snop  }
0x17b: {  	[tilespmem:s22], [sflag:$0x1] =	stream.indirect_vreg.gather [hbm4b:s5+s2], $0x80, v4, vm1, $0xb8;
	[tilespmem:$0x18200] =	vst v63  }
0x17c: {  	_ = 	snop  }
0x17d: {  	[tilespmem:s8], [sflag:$0x1] =	stream.indirect_vreg.gather [hbm4b:s3+s2], $0x80, v3, vm0, $0xb8;
	[tilespmem:$0x18200] =	vst v63  }
0x17e: {  	_ = 	snop  }
0x17f: {  	[tilespmem:s16], [sflag:$0x1] =	stream.indirect_vreg.gather [hbm4b:s5+s2], $0x80, v3, vm1, $0xb8;
	[tilespmem:$0x18200] =	vst v63  }
0x180: {  	v3 =	vld [tilespmem:$0x160];
	_ =	sdelay $0x4  }
0x181: {  	v54 =	vshrl.u32 v3, $0x3  }
0x182: {  	v4 =	vmul.u32 $0x18, v54  }
0x183: {  	v3 =	vand.u32 $0x7, v3  }
0x184: {  	v3 =	vor.u32 v3, v4  }
0x185: {  	v4 =	vperm.xlane v3, v0;
	_ =	sdelay $0x1  }
0x186: {  	v4 =	vadd.s32 v1, v4;
	_ =	sdelay $0x1  }
0x187: {  	v3 =	vperm.xlane v3, v2;
	_ =	sdelay $0x1  }
0x188: {  	v3 =	vadd.s32 v1, v3  }
0x189: {  	[tilespmem:s23], [sflag:$0x1] =	stream.indirect_vreg.gather [hbm4b:s3+s2], $0x80, v4, vm0, $0xb8;
	[tilespmem:$0x18200] =	vst v63  }
0x18a: {  	s25 =	simm.s32 $0x9A00  }
0x18b: {  	[tilespmem:s25], [sflag:$0x1] =	stream.indirect_vreg.gather [hbm4b:s5+s2], $0x80, v4, vm1, $0xb8;
	[tilespmem:$0x18200] =	vst v63  }
0x18c: {  	s25 =	simm.s32 $0x9E00  }
0x18d: {  	[tilespmem:s25], [sflag:$0x1] =	stream.indirect_vreg.gather [hbm4b:s3+s2], $0x80, v3, vm0, $0xb8;
	[tilespmem:$0x18200] =	vst v63  }
0x18e: {  	s25 =	simm.s32 $0xA600  }
0x18f: {  	[tilespmem:s25], [sflag:$0x1] =	stream.indirect_vreg.gather [hbm4b:s5+s2], $0x80, v3, vm1, $0xb8;
	[tilespmem:$0x18200] =	vst v63  }
0x190: {  	v3 =	vld [tilespmem:$0x170];
	_ =	sdelay $0x4  }
0x191: {  	v55 =	vshrl.u32 v3, $0x3  }
0x192: {  	v4 =	vmul.u32 $0x18, v55  }
0x193: {  	v3 =	vand.u32 $0x7, v3  }
0x194: {  	v3 =	vor.u32 v3, v4  }
0x195: {  	v4 =	vperm.xlane v3, v0;
	_ =	sdelay $0x1  }
0x196: {  	v4 =	vadd.s32 v1, v4;
	_ =	sdelay $0x1  }
0x197: {  	v3 =	vperm.xlane v3, v2;
	_ =	sdelay $0x1  }
0x198: {  	s25 =	simm.s32 $0xAA00;
	v3 =	vadd.s32 v1, v3  }
0x199: {  	[tilespmem:s25], [sflag:$0x1] =	stream.indirect_vreg.gather [hbm4b:s3+s2], $0x80, v4, vm0, $0xb8;
	[tilespmem:$0x18200] =	vst v63  }
0x19a: {  	s25 =	simm.s32 $0xB200  }
0x19b: {  	[tilespmem:s25], [sflag:$0x1] =	stream.indirect_vreg.gather [hbm4b:s5+s2], $0x80, v4, vm1, $0xb8;
	[tilespmem:$0x18200] =	vst v63  }
0x19c: {  	s25 =	simm.s32 $0xB600  }
0x19d: {  	[tilespmem:s25], [sflag:$0x1] =	stream.indirect_vreg.gather [hbm4b:s3+s2], $0x80, v3, vm0, $0xb8;
	[tilespmem:$0x18200] =	vst v63  }
0x19e: {  	s25 =	simm.s32 $0xBE00  }
0x19f: {  	[tilespmem:s25], [sflag:$0x1] =	stream.indirect_vreg.gather [hbm4b:s5+s2], $0x80, v3, vm1, $0xb8;
	[tilespmem:$0x18200] =	vst v63  }
0x1a0: {  	_ =	swait.ge [sflag:s4], $0xC000  }
0x1a1: {  	[sflag:s4] =	ssyncset.done $0x0  }
0x1a2: {  	s1 =	rddreg [dreg:$0x3];
	[sflag:s4] =	ssyncadd.s32 $0xFFFF4000  }
0x1a3: {  	[hbm4b:s1+s2] =	stream.linear.scatter [tilespmem:s0], [sflag:$0x3], $0xC000, $0x38;
	[tilespmem:$0x18200] =	vst v63  }
0x1a4: {  	_ =	swait.ge [sflag:s7], $0xC000  }
0x1a5: {  	[sflag:s7] =	ssyncset.done $0x0  }
0x1a6: {  	[sflag:s7] =	ssyncadd.s32 $0xFFFF4000  }
0x1a7: {  	v3 =	vld [tilespmem:$0x180];
	_ =	sdelay $0x4  }
0x1a8: {  	v56 =	vshrl.u32 v3, $0x3  }
0x1a9: {  	v4 =	vmul.u32 $0x18, v56  }
0x1aa: {  	v3 =	vand.u32 $0x7, v3  }
0x1ab: {  	v3 =	vor.u32 v3, v4  }
0x1ac: {  	v4 =	vperm.xlane v3, v0;
	_ =	sdelay $0x1  }
0x1ad: {  	v4 =	vadd.s32 v1, v4;
	_ =	sdelay $0x1  }
0x1ae: {  	v3 =	vperm.xlane v3, v2;
	_ =	sdelay $0x1  }
0x1af: {  	v3 =	vadd.s32 v1, v3  }
0x1b0: {  	[tilespmem:s0], [sflag:$0x2] =	stream.indirect_vreg.gather [hbm4b:s3+s2], $0x80, v4, vm0, $0xb8;
	[tilespmem:$0x18200] =	vst v63  }
0x1b1: {  	s25 =	simm.s32 $0xCA00  }
0x1b2: {  	[tilespmem:s25], [sflag:$0x2] =	stream.indirect_vreg.gather [hbm4b:s5+s2], $0x80, v4, vm1, $0xb8;
	[tilespmem:$0x18200] =	vst v63  }
0x1b3: {  	s25 =	simm.s32 $0xCE00  }
0x1b4: {  	[tilespmem:s25], [sflag:$0x2] =	stream.indirect_vreg.gather [hbm4b:s3+s2], $0x80, v3, vm0, $0xb8;
	[tilespmem:$0x18200] =	vst v63  }
0x1b5: {  	s25 =	simm.s32 $0xD600  }
0x1b6: {  	[tilespmem:s25], [sflag:$0x2] =	stream.indirect_vreg.gather [hbm4b:s5+s2], $0x80, v3, vm1, $0xb8;
	[tilespmem:$0x18200] =	vst v63  }
0x1b7: {  	v3 =	vld [tilespmem:$0x190];
	_ =	sdelay $0x4  }
0x1b8: {  	v57 =	vshrl.u32 v3, $0x3  }
0x1b9: {  	v4 =	vmul.u32 $0x18, v57  }
0x1ba: {  	v3 =	vand.u32 $0x7, v3  }
0x1bb: {  	v3 =	vor.u32 v3, v4  }
0x1bc: {  	v4 =	vperm.xlane v3, v0;
	_ =	sdelay $0x1  }
0x1bd: {  	v4 =	vadd.s32 v1, v4;
	_ =	sdelay $0x1  }
0x1be: {  	v3 =	vperm.xlane v3, v2;
	_ =	sdelay $0x1  }
0x1bf: {  	s25 =	simm.s32 $0xDA00;
	v3 =	vadd.s32 v1, v3  }
0x1c0: {  	[tilespmem:s25], [sflag:$0x2] =	stream.indirect_vreg.gather [hbm4b:s3+s2], $0x80, v4, vm0, $0xb8;
	[tilespmem:$0x18200] =	vst v63  }
0x1c1: {  	s25 =	simm.s32 $0xE200  }
0x1c2: {  	[tilespmem:s25], [sflag:$0x2] =	stream.indirect_vreg.gather [hbm4b:s5+s2], $0x80, v4, vm1, $0xb8;
	[tilespmem:$0x18200] =	vst v63  }
0x1c3: {  	s25 =	simm.s32 $0xE600  }
0x1c4: {  	[tilespmem:s25], [sflag:$0x2] =	stream.indirect_vreg.gather [hbm4b:s3+s2], $0x80, v3, vm0, $0xb8;
	[tilespmem:$0x18200] =	vst v63  }
0x1c5: {  	s25 =	simm.s32 $0xEE00  }
0x1c6: {  	[tilespmem:s25], [sflag:$0x2] =	stream.indirect_vreg.gather [hbm4b:s5+s2], $0x80, v3, vm1, $0xb8;
	[tilespmem:$0x18200] =	vst v63  }
0x1c7: {  	v3 =	vld [tilespmem:$0x1A0];
	_ =	sdelay $0x4  }
0x1c8: {  	v58 =	vshrl.u32 v3, $0x3  }
0x1c9: {  	v4 =	vmul.u32 $0x18, v58  }
0x1ca: {  	v3 =	vand.u32 $0x7, v3  }
0x1cb: {  	v3 =	vor.u32 v3, v4  }
0x1cc: {  	v4 =	vperm.xlane v3, v0;
	_ =	sdelay $0x1  }
0x1cd: {  	v4 =	vadd.s32 v1, v4;
	_ =	sdelay $0x1  }
0x1ce: {  	v3 =	vperm.xlane v3, v2;
	_ =	sdelay $0x1  }
0x1cf: {  	s25 =	simm.s32 $0xF200;
	v3 =	vadd.s32 v1, v3  }
0x1d0: {  	[tilespmem:s25], [sflag:$0x2] =	stream.indirect_vreg.gather [hbm4b:s3+s2], $0x80, v4, vm0, $0xb8;
	[tilespmem:$0x18200] =	vst v63  }
0x1d1: {  	s25 =	simm.s32 $0xFA00  }
0x1d2: {  	[tilespmem:s25], [sflag:$0x2] =	stream.indirect_vreg.gather [hbm4b:s5+s2], $0x80, v4, vm1, $0xb8;
	[tilespmem:$0x18200] =	vst v63  }
0x1d3: {  	s25 =	simm.s32 $0xFE00  }
0x1d4: {  	[tilespmem:s25], [sflag:$0x2] =	stream.indirect_vreg.gather [hbm4b:s3+s2], $0x80, v3, vm0, $0xb8;
	[tilespmem:$0x18200] =	vst v63  }
0x1d5: {  	s25 =	simm.s32 $0x10600  }
0x1d6: {  	[tilespmem:s25], [sflag:$0x2] =	stream.indirect_vreg.gather [hbm4b:s5+s2], $0x80, v3, vm1, $0xb8;
	[tilespmem:$0x18200] =	vst v63  }
0x1d7: {  	v3 =	vld [tilespmem:$0x1B0];
	_ =	sdelay $0x4  }
0x1d8: {  	v59 =	vshrl.u32 v3, $0x3  }
0x1d9: {  	v4 =	vmul.u32 $0x18, v59  }
0x1da: {  	v3 =	vand.u32 $0x7, v3  }
0x1db: {  	v3 =	vor.u32 v3, v4  }
0x1dc: {  	v4 =	vperm.xlane v3, v0;
	_ =	sdelay $0x1  }
0x1dd: {  	v4 =	vadd.s32 v1, v4;
	_ =	sdelay $0x1  }
0x1de: {  	v3 =	vperm.xlane v3, v2;
	_ =	sdelay $0x1  }
0x1df: {  	s25 =	simm.s32 $0x10A00;
	v3 =	vadd.s32 v1, v3  }
0x1e0: {  	[tilespmem:s25], [sflag:$0x2] =	stream.indirect_vreg.gather [hbm4b:s3+s2], $0x80, v4, vm0, $0xb8;
	[tilespmem:$0x18200] =	vst v63  }
0x1e1: {  	s25 =	simm.s32 $0x11200  }
0x1e2: {  	[tilespmem:s25], [sflag:$0x2] =	stream.indirect_vreg.gather [hbm4b:s5+s2], $0x80, v4, vm1, $0xb8;
	[tilespmem:$0x18200] =	vst v63  }
0x1e3: {  	s25 =	simm.s32 $0x11600  }
0x1e4: {  	[tilespmem:s25], [sflag:$0x2] =	stream.indirect_vreg.gather [hbm4b:s3+s2], $0x80, v3, vm0, $0xb8;
	[tilespmem:$0x18200] =	vst v63  }
0x1e5: {  	s25 =	simm.s32 $0x11E00  }
0x1e6: {  	[tilespmem:s25], [sflag:$0x2] =	stream.indirect_vreg.gather [hbm4b:s5+s2], $0x80, v3, vm1, $0xb8;
	[tilespmem:$0x18200] =	vst v63  }
0x1e7: {  	v3 =	vld [tilespmem:$0x1C0];
	_ =	sdelay $0x4  }
0x1e8: {  	v60 =	vshrl.u32 v3, $0x3  }
0x1e9: {  	v4 =	vmul.u32 $0x18, v60  }
0x1ea: {  	v3 =	vand.u32 $0x7, v3  }
0x1eb: {  	v3 =	vor.u32 v3, v4  }
0x1ec: {  	v4 =	vperm.xlane v3, v0;
	_ =	sdelay $0x1  }
0x1ed: {  	v4 =	vadd.s32 v1, v4;
	_ =	sdelay $0x1  }
0x1ee: {  	v3 =	vperm.xlane v3, v2;
	_ =	sdelay $0x1  }
0x1ef: {  	s25 =	simm.s32 $0x12200;
	v3 =	vadd.s32 v1, v3  }
0x1f0: {  	[tilespmem:s25], [sflag:$0x2] =	stream.indirect_vreg.gather [hbm4b:s3+s2], $0x80, v4, vm0, $0xb8;
	[tilespmem:$0x18200] =	vst v63  }
0x1f1: {  	s25 =	simm.s32 $0x12A00  }
0x1f2: {  	[tilespmem:s25], [sflag:$0x2] =	stream.indirect_vreg.gather [hbm4b:s5+s2], $0x80, v4, vm1, $0xb8;
	[tilespmem:$0x18200] =	vst v63  }
0x1f3: {  	s25 =	simm.s32 $0x12E00  }
0x1f4: {  	[tilespmem:s25], [sflag:$0x2] =	stream.indirect_vreg.gather [hbm4b:s3+s2], $0x80, v3, vm0, $0xb8;
	[tilespmem:$0x18200] =	vst v63  }
0x1f5: {  	s25 =	simm.s32 $0x13600  }
0x1f6: {  	[tilespmem:s25], [sflag:$0x2] =	stream.indirect_vreg.gather [hbm4b:s5+s2], $0x80, v3, vm1, $0xb8;
	[tilespmem:$0x18200] =	vst v63  }
0x1f7: {  	v3 =	vld [tilespmem:$0x1D0];
	_ =	sdelay $0x4  }
0x1f8: {  	v61 =	vshrl.u32 v3, $0x3  }
0x1f9: {  	v4 =	vmul.u32 $0x18, v61  }
0x1fa: {  	v3 =	vand.u32 $0x7, v3  }
0x1fb: {  	v3 =	vor.u32 v3, v4  }
0x1fc: {  	v4 =	vperm.xlane v3, v0;
	_ =	sdelay $0x1  }
0x1fd: {  	v4 =	vadd.s32 v1, v4;
	_ =	sdelay $0x1  }
0x1fe: {  	v3 =	vperm.xlane v3, v2;
	_ =	sdelay $0x1  }
0x1ff: {  	s25 =	simm.s32 $0x13A00;
	v3 =	vadd.s32 v1, v3  }
0x200: {  	[tilespmem:s25], [sflag:$0x2] =	stream.indirect_vreg.gather [hbm4b:s3+s2], $0x80, v4, vm0, $0xb8;
	[tilespmem:$0x18200] =	vst v63  }
0x201: {  	s25 =	simm.s32 $0x14200  }
0x202: {  	[tilespmem:s25], [sflag:$0x2] =	stream.indirect_vreg.gather [hbm4b:s5+s2], $0x80, v4, vm1, $0xb8;
	[tilespmem:$0x18200] =	vst v63  }
0x203: {  	s25 =	simm.s32 $0x14600  }
0x204: {  	[tilespmem:s25], [sflag:$0x2] =	stream.indirect_vreg.gather [hbm4b:s3+s2], $0x80, v3, vm0, $0xb8;
	[tilespmem:$0x18200] =	vst v63  }
0x205: {  	s25 =	simm.s32 $0x14E00  }
0x206: {  	[tilespmem:s25], [sflag:$0x2] =	stream.indirect_vreg.gather [hbm4b:s5+s2], $0x80, v3, vm1, $0xb8;
	[tilespmem:$0x18200] =	vst v63  }
0x207: {  	v3 =	vld [tilespmem:$0x1E0];
	_ =	sdelay $0x4  }
0x208: {  	v62 =	vshrl.u32 v3, $0x3  }
0x209: {  	v4 =	vmul.u32 $0x18, v62  }
0x20a: {  	v3 =	vand.u32 $0x7, v3  }
0x20b: {  	v3 =	vor.u32 v3, v4  }
0x20c: {  	v4 =	vperm.xlane v3, v0;
	_ =	sdelay $0x1  }
0x20d: {  	v4 =	vadd.s32 v1, v4;
	_ =	sdelay $0x1  }
0x20e: {  	v3 =	vperm.xlane v3, v2;
	_ =	sdelay $0x1  }
0x20f: {  	s25 =	simm.s32 $0x15200;
	v3 =	vadd.s32 v1, v3  }
0x210: {  	[tilespmem:s25], [sflag:$0x2] =	stream.indirect_vreg.gather [hbm4b:s3+s2], $0x80, v4, vm0, $0xb8;
	[tilespmem:$0x18200] =	vst v63  }
0x211: {  	s25 =	simm.s32 $0x15A00  }
0x212: {  	[tilespmem:s25], [sflag:$0x2] =	stream.indirect_vreg.gather [hbm4b:s5+s2], $0x80, v4, vm1, $0xb8;
	[tilespmem:$0x18200] =	vst v63  }
0x213: {  	s25 =	simm.s32 $0x15E00  }
0x214: {  	[tilespmem:s25], [sflag:$0x2] =	stream.indirect_vreg.gather [hbm4b:s3+s2], $0x80, v3, vm0, $0xb8;
	[tilespmem:$0x18200] =	vst v63  }
0x215: {  	s25 =	simm.s32 $0x16600  }
0x216: {  	[tilespmem:s25], [sflag:$0x2] =	stream.indirect_vreg.gather [hbm4b:s5+s2], $0x80, v3, vm1, $0xb8;
	[tilespmem:$0x18200] =	vst v63  }
0x217: {  	v3 =	vld [tilespmem:$0x1F0];
	_ =	sdelay $0x4  }
0x218: {  	v63 =	vshrl.u32 v3, $0x3  }
0x219: {  	v4 =	vmul.u32 $0x18, v63  }
0x21a: {  	v3 =	vand.u32 $0x7, v3  }
0x21b: {  	v3 =	vor.u32 v3, v4  }
0x21c: {  	v4 =	vperm.xlane v3, v0;
	_ =	sdelay $0x1  }
0x21d: {  	v4 =	vadd.s32 v1, v4;
	_ =	sdelay $0x1  }
0x21e: {  	v3 =	vperm.xlane v3, v2;
	_ =	sdelay $0x1  }
0x21f: {  	s25 =	simm.s32 $0x16A00;
	v3 =	vadd.s32 v1, v3  }
0x220: {  	[tilespmem:s25], [sflag:$0x2] =	stream.indirect_vreg.gather [hbm4b:s3+s2], $0x80, v4, vm0, $0xb8;
	[tilespmem:$0x18200] =	vst v63  }
0x221: {  	s25 =	simm.s32 $0x17200  }
0x222: {  	[tilespmem:s25], [sflag:$0x2] =	stream.indirect_vreg.gather [hbm4b:s5+s2], $0x80, v4, vm1, $0xb8;
	[tilespmem:$0x18200] =	vst v63  }
0x223: {  	s25 =	simm.s32 $0x17600  }
0x224: {  	[tilespmem:s25], [sflag:$0x2] =	stream.indirect_vreg.gather [hbm4b:s3+s2], $0x80, v3, vm0, $0xb8;
	[tilespmem:$0x18200] =	vst v63  }
0x225: {  	s25 =	simm.s32 $0x17E00  }
0x226: {  	[tilespmem:s25], [sflag:$0x2] =	stream.indirect_vreg.gather [hbm4b:s5+s2], $0x80, v3, vm1, $0xb8;
	[tilespmem:$0x18200] =	vst v63  }
0x227: {  	_ =	swait.ge [sflag:s24], $0xC000  }
0x228: {  	[sflag:s24] =	ssyncset.done $0x0  }
0x229: {  	s1 =	simm.s32 $0x200;
	s25 =	rddreg [dreg:$0x4];
	[sflag:s24] =	ssyncadd.s32 $0xFFFF4000  }
0x22a: {  	[hbm4b:s25+s2] =	stream.linear.scatter [tilespmem:s1], [sflag:$0x3], $0xC000, $0x38;
	[tilespmem:$0x18200] =	vst v63  }
0x22b: {  	_ =	swait.ge [sflag:s7], $0xC000  }
0x22c: {  	[sflag:s7] =	ssyncset.done $0x0  }
0x22d: {  	[sflag:s7] =	ssyncadd.s32 $0xFFFF4000  }
0x22e: {  	_ =	swait.ge [sflag:s4], $0xC000  }
0x22f: {  	p0 =	sne.s32 s6, $0x1;
	[sflag:s4] =	ssyncset.done $0x0  }
.Ltmp0:
0x230: {  	s1 =	rddreg [dreg:$0x5];
	[sflag:s4] =	ssyncadd.s32 $0xFFFF4000;
	(pc) =	sbr.rel @p0 .LBB2_1-.Ltmp0, $4  }
0x231: {  	[hbm4b:s1+s2] =	stream.linear.scatter [tilespmem:s0], [sflag:$0x3], $0xC000, $0x38;
	[tilespmem:$0x18200] =	vst v63  }
0x232: {  	_ =	swait.ge [sflag:s7], $0xC000  }
0x233: {  	[sflag:s7] =	ssyncset.done $0x0  }
0x234: {  	s6 =	sadd.s32 $0xFFFFFFFF, s6;
	[sflag:s7] =	ssyncadd.s32 $0xFFFF4000  }
0x235: {  	_ =	sfence.sel $0x180000  }
0x236: {  	[bflag:$0x0] =	sbarrier.arrive $0xFFFF  }
0x237: {  	_ =	strace $0x9000004A  }
0x238: {  	s0 =	stileid.u32;
	[bflag:$0x2] =	sbarrier.arrive $0xFFFF  }
0x239: {  	p0 =	sne.s32 s0, $0x0;
	s0 =	rddreg [dreg:$0x1]  }
0x23a: {  	s0 =	sadd.s32 @!p0 $0x100000, s0  }
0x23b: {  	[sflag:s0] =	ssyncadd.tile.s32 @!p0 $0x1;
	_ =	shalt  }
.Lfunc_end2:
_tile_overlayer_lowered:
.L_overlay_start_2:
0x23c: {  	(tag) =	ssettag $0x2  }
0x23d: {  	s0 =	rddreg [dreg:$0x0];
	s2 =	stileid.u32  }
0x23e: {  	s1 =	rddreg [dreg:$0x1];
	p0 =	sne.s32 s2, $0x0  }
0x23f: {  	s3 =	rddreg [dreg:$0x2];
	[bflag:$0x3] =	sbarrier.arrive $0xFFFF;
	s2 =	simm.s32 @!p0 $0x1C03  }
0x240: {  	[timem:s3], [sflag:s2] =	dma.local @!p0 [hbm:s0], s1  }
0x241: {  	s0 =	simm.s32 @!p0 $0x3  }
0x242: {  	_ =	swait.ge @!p0 [sflag:s0], s1  }
0x243: {  	s1 =	ssub.s32 @!p0 $0x0, s1;
	[sflag:s0] =	ssyncset.done @!p0 $0x0  }
0x244: {  	[sflag:s0] =	ssyncadd.s32 @!p0 s1  }
0x245: {  	[bflag:$0x3] =	sbarrier.arrive $0xFFFF  }
0x246: {  	_ =	shalt  }

// kernel: kernel.20.cloned.1.call-start
scs
__scs_entry_jumppad:
0x0: {  	(pc) =	sbr.rel $0x88, $3  }
0x1: {  	(tag) =	ssettag $0x0;
	lr =	simm.s32 $0x1  }
0x2: {  	[smem:$0x3F90] =	sst lr;
	_ =	strace $0xD0000000  }
0x3: {  	_ = 	snop  }
0x4: {  	_ = 	snop  }
0x5: {  	_ = 	snop  }
0x6: {  	_ = 	snop  }
0x7: {  	_ = 	snop  }
__scs_overlays_trampoline_lowered:
0x8: {  	[smem:$0x3F9F] =	sst s0  }
0x9: {  	[smem:$0x3FA0] =	sst s1  }
0xa: {  	[smem:$0x3FA1] =	sst s2  }
0xb: {  	[smem:$0x3FA2] =	sst s3  }
0xc: {  	[smem:$0x3FA3] =	sst s4  }
0xd: {  	[smem:$0x3FA4] =	sst s5  }
0xe: {  	[smem:$0x3FA5] =	sst s6  }
0xf: {  	[smem:$0x3FA6] =	sst s7  }
0x10: {  	[smem:$0x3FA7] =	sst s8  }
0x11: {  	[smem:$0x3FA8] =	sst s9;
	s0 =	simm.s32 @!p0 $0x0  }
0x12: {  	s1 =	sld [smem:$0x3F8E];
	s0 =	simm.s32 @p0 $0x1  }
0x13: {  	[smem:$0x3FA9] =	sst s0;
	s0 =	simm.s32 @!p1 $0x0  }
0x14: {  	s2 =	sld [smem:$0x3F8D];
	s0 =	simm.s32 @p1 $0x1  }
0x15: {  	[smem:$0x3FAA] =	sst s0;
	s0 =	simm.s32 @!p2 $0x0  }
0x16: {  	s3 =	sld [smem:$0x3FDB];
	s0 =	simm.s32 @p2 $0x1  }
0x17: {  	s4 =	simm.s32 $0x1BF5;
	[smem:$0x3FAC] =	sst s0  }
0x18: {  	s0 =	sld [smem:$0x3F8F];
	_ =	swait.ge [sflag:s4], $0x0  }
0x19: {  	s7 =	sld [smem:$0x3F90]  }
0x1a: {  	s8 =	sadd.s32 $0xFFFFE003, lr  }
0x1b: {  	s9 =	sadd.s32 $0xFFFFFEF7, lr;
	s5 =	simm.s32 $0xFFFFFFFF;
	p2 =	slt.u32 s8, $0xFFFFF086  }
0x1c: {  	p1 =	slt.u32 s9, $0xF7A;
	s5 =	simm.s32 @!p2 $0x0  }
0x1d: {  	s5 =	simm.s32 @p1 $0x1;
	p0 =	seq.s32 s7, s2  }
0x1e: {  	s7 =	smul.u32 @!p0 $0xF7A, s2;
	p2 =	seq.s32 @!p0 s5, $0x0  }
0x1f: {  	s9 =	smul.u32 $0xF7A, s1;
	s8 =	simm.s32 @!p0 $0x1BF5;
	p2 =	por !p2, p0  }
0x20: {  	[sflag:s8] =	ssyncset.s32 @!p0 $0xFFFFF086;
	s6 =	sadd.s32 @!p0 s3, s7;
	s7 =	simm.s32 @!p0 $0x108  }
0x21: {  	s3 =	sadd.s32 s3, s9;
	s6 =	sadd.s32 @!p0 $0x88, s6;
	s7 =	simm.s32 @p2 $0x1082  }
0x22: {  	[simem:s7], [sflag:s8] =	dma.local @!p0 [hbm:s6], $0xF7A  }
0x23: {  	s9 =	sor.u32 $0xD0000000, s2;
	s6 =	simm.s32 $0x108;
	_ =	swait.ge @!p0 [sflag:s8], $0x0  }
0x24: {  	s3 =	sadd.s32 $0x88, s3;
	s6 =	simm.s32 @!p1 $0x1082;
	[sflag:s4] =	ssyncset.s32 $0xFFFFF086  }
0x25: {  	[simem:s6], [sflag:s4] =	dma.local [hbm:s3], $0xF7A  }
0x26: {  	[smem:$0x3F90] =	sst s1;
	(tag) =	ssettag s2;
	_ =	strace s9  }
0x27: {  	s1 =	sld [smem:$0x3FA0]  }
0x28: {  	s2 =	sld [smem:$0x3FA1]  }
0x29: {  	s4 =	sld [smem:$0x3FA3]  }
0x2a: {  	p0 =	seq.s32 s5, $0x0;
	s5 =	sld [smem:$0x3FA4]  }
0x2b: {  	s6 =	sld [smem:$0x3FA5]  }
0x2c: {  	s7 =	sld [smem:$0x3FA6]  }
0x2d: {  	s3 =	simm.s32 $0x108;
	s8 =	sld [smem:$0x3FA7]  }
0x2e: {  	s3 =	simm.s32 @!p0 $0x1082;
	s9 =	sld [smem:$0x3FA8]  }
0x2f: {  	lr =	sadd.s32 s0, s3;
	s0 =	sld [smem:$0x3F9F]  }
0x30: {  	s3 =	sld [smem:$0x3FA2]  }
0x31: {  	[smem:$0x3FAB] =	sst s10  }
0x32: {  	s10 =	sld [smem:$0x3FA9];
	_ =	sdelay $0x3  }
0x33: {  	p0 =	seq.s32 s10, $0x1;
	s10 =	sld [smem:$0x3FAB];
	_ =	sdelay $0x3  }
0x34: {  	[smem:$0x3FAB] =	sst s10  }
0x35: {  	s10 =	sld [smem:$0x3FAA];
	_ =	sdelay $0x3  }
0x36: {  	p1 =	seq.s32 s10, $0x1;
	s10 =	sld [smem:$0x3FAB];
	_ =	sdelay $0x3  }
0x37: {  	[smem:$0x3FAB] =	sst s10  }
0x38: {  	s10 =	sld [smem:$0x3FAC]  }
0x39: {  	_ = 	snop;
	(pc) =	sbr.ind lr, $3  }
0x3a: {  	_ = 	snop  }
0x3b: {  	_ = 	snop  }
0x3c: {  	p2 =	seq.s32 s10, $0x1;
	s10 =	sld [smem:$0x3FAB]  }
0x3d: {  	_ =	shalt  }
0x3e: {  	_ =	shalt  }
0x3f: {  	_ =	shalt  }
0x40: {  	_ =	shalt  }
0x41: {  	_ =	shalt  }
0x42: {  	_ =	shalt  }
0x43: {  	_ =	shalt  }
0x44: {  	_ =	shalt  }
0x45: {  	_ =	shalt  }
0x46: {  	_ =	shalt  }
0x47: {  	_ =	shalt  }
0x48: {  	_ =	shalt  }
0x49: {  	_ =	shalt  }
0x4a: {  	_ =	shalt  }
0x4b: {  	_ =	shalt  }
0x4c: {  	_ =	shalt  }
0x4d: {  	_ =	shalt  }
0x4e: {  	_ =	shalt  }
0x4f: {  	_ =	shalt  }
0x50: {  	_ =	shalt  }
0x51: {  	_ =	shalt  }
0x52: {  	_ =	shalt  }
0x53: {  	_ =	shalt  }
0x54: {  	_ =	shalt  }
0x55: {  	_ =	shalt  }
0x56: {  	_ =	shalt  }
0x57: {  	_ =	shalt  }
0x58: {  	_ =	shalt  }
0x59: {  	_ =	shalt  }
0x5a: {  	_ =	shalt  }
0x5b: {  	_ =	shalt  }
0x5c: {  	_ =	shalt  }
0x5d: {  	_ =	shalt  }
0x5e: {  	_ =	shalt  }
0x5f: {  	_ =	shalt  }
0x60: {  	_ =	shalt  }
0x61: {  	_ =	shalt  }
0x62: {  	_ =	shalt  }
0x63: {  	_ =	shalt  }
0x64: {  	_ =	shalt  }
0x65: {  	_ =	shalt  }
0x66: {  	_ =	shalt  }
0x67: {  	_ =	shalt  }
0x68: {  	_ =	shalt  }
0x69: {  	_ =	shalt  }
0x6a: {  	_ =	shalt  }
0x6b: {  	_ =	shalt  }
0x6c: {  	_ =	shalt  }
0x6d: {  	_ =	shalt  }
0x6e: {  	_ =	shalt  }
0x6f: {  	_ =	shalt  }
0x70: {  	_ =	shalt  }
0x71: {  	_ =	shalt  }
0x72: {  	_ =	shalt  }
0x73: {  	_ =	shalt  }
0x74: {  	_ =	shalt  }
0x75: {  	_ =	shalt  }
0x76: {  	_ =	shalt  }
0x77: {  	_ =	shalt  }
0x78: {  	_ =	shalt  }
0x79: {  	_ =	shalt  }
0x7a: {  	_ =	shalt  }
0x7b: {  	_ =	shalt  }
0x7c: {  	_ =	shalt  }
0x7d: {  	_ =	shalt  }
0x7e: {  	_ =	shalt  }
0x7f: {  	_ =	shalt  }
0x80: {  	_ =	shalt  }
0x81: {  	_ =	shalt  }
0x82: {  	_ =	shalt  }
0x83: {  	_ =	shalt  }
0x84: {  	_ =	shalt  }
0x85: {  	_ =	shalt  }
0x86: {  	_ =	shalt  }
0x87: {  	_ =	shalt  }
.Lfunc_end0:
.L_simem_size_0:
called_computation.2_lowered:
.L_overlay_start_0:
0x88: {  	s2 =	sld [smem:$0x3FD9]  }
0x89: {  	s3 =	sld [smem:$0x3FFE];
	_ =	sdelay $0x1  }
0x8a: {  	s1 =	srdreg.scid  }
0x8b: {  	s0 =	sand.u32 $0x1, s1  }
0x8c: {  	s17 =	sshll.u32 s0, $0xA;
	s2 =	sadd.s32 s3, s2  }
0x8d: {  	s2 =	sadd.s32 s2, s17  }
0x8e: {  	[smem:$0x3FB7] =	sst s2  }
0x8f: {  	_ = 	snop  }
0x90: {  	(tm) =	ssettm $0x1  }
0x91: {  	s18 =	sld [smem:$0x3FFB];
	_ =	sdelay $0x3  }
0x92: {  	_ =	strace s18  }
0x93: {  	s2 =	sld [smem:$0x3FFC];
	_ =	sdelay $0x3  }
0x94: {  	_ =	strace s2  }
0x95: {  	s2 =	sld [smem:$0x3FFD];
	_ =	sdelay $0x3  }
0x96: {  	_ =	strace s2  }
0x97: {  	_ =	strace $0x8FFFFFFF  }
0x98: {  	s19 =	sld [smem:$0x3FDB];
	_ =	sdelay $0x1  }
0x99: {  	s20 =	simm.s32 $_scs_section_size  }
0x9a: {  	s4 =	simm.s32 $_size__tile_overlayer_lowered;
	s5 =	simm.s32 $_tile_overlayer_lowered  }
0x9b: {  	s6 =	simm.s32 $0x1BFF;
	s21 =	sshll.u32 s5, $0x1;
	s3 =	sadd.s32 s20, s19  }
0x9c: {  	s22 =	simm.s32 $0x0;
	s4 =	sshll.u32 s4, $0x1;
	s5 =	sadd.s32 s21, s3  }
0x9d: {  	[timem:s22], [sflag:s6] =	dma.local [hbm:s5], s4  }
0x9e: {  	_ =	swait.ge [sflag:s6], s4  }
0x9f: {  	s4 =	ssub.s32 $0x0, s4;
	[sflag:s6] =	ssyncset.done $0x0  }
0xa0: {  	[sflag:s6] =	ssyncadd.s32 s4;
	_ =	sdelay $0x1  }
0xa1: {  	s23 =	simm.s32 $0x1B8B  }
0xa2: {  	_ =	swait.ge [sflag:s23], $0x1  }
0xa3: {  	[sflag:s23] =	ssyncset.done $0x0  }
0xa4: {  	[sflag:s23] =	ssyncadd.s32 $0xFFFFFFFF  }
0xa5: {  	s4 =	sld [smem:$0x0]  }
0xa6: {  	s5 =	sand.u32 $0xFFFFFFFE, s1  }
0xa7: {  	p0 =	sne.s32 s1, s5  }
0xa8: {  	s5 =	sshll.u32 @p0 s5, $0xE  }
0xa9: {  	s5 =	sadd.s32 @p0 $0x11B8D, s5;
	s6 =	sshll.u32 @p0 s4, $0x11  }
0xaa: {  	s5 =	sor.u32 @p0 s6, s5  }
0xab: {  	[sflag:s5] =	ssyncadd.remote.s32 @p0 $0x1;
	_ =	sdelay $0x1  }
0xac: {  	s5 =	simm.s32 @p0 $0x1B8D  }
0xad: {  	_ =	swait.eq @p0 [sflag:s5], $0x1  }
0xae: {  	[sflag:s5] =	ssyncadd.s32 @p0 $0xFFFFFFFF  }
0xaf: {  	s6 =	sshll.u32 @!p0 s1, $0xE  }
0xb0: {  	s6 =	sor.u32 @!p0 $0x4000, s6;
	s5 =	simm.s32 @!p0 $0x1B8D  }
0xb1: {  	s4 =	sshll.u32 @!p0 s4, $0x11;
	s6 =	sadd.s32 @!p0 $0x11B8D, s6;
	_ =	swait.eq @!p0 [sflag:s5], $0x1  }
0xb2: {  	s4 =	sor.u32 @!p0 s4, s6;
	[sflag:s5] =	ssyncadd.s32 @!p0 $0xFFFFFFFF  }
0xb3: {  	s25 =	simm.s32 $0x1B8E;
	s24 =	sld [smem:$0x3FFE];
	[sflag:s4] =	ssyncadd.remote.s32 @!p0 $0x1  }
0xb4: {  	s26 =	simm.s32 $execute0_lowered;
	[smem:$0x3FD2] =	sst s25  }
0xb5: {  	s5 =	sshll.u32 s26, $0x1;
	_ =	strace $0x8000004C;
	[dreg:$0x1] =	wrdreg $0xFFFFFFFF  }
0xb6: {  	s28 =	simm.s32 $_size_execute0_lowered;
	s3 =	sadd.s32 s3, s5;
	[dreg:$0x0] =	wrdreg $0x0  }
0xb7: {  	s5 =	sshll.u32 s28, $0x1;
	[dreg:$0x2] =	wrdreg s3  }
0xb8: {  	[dreg:$0x3] =	wrdreg s5  }
0xb9: {  	[dreg:$0x4] =	wrdreg $0xC0  }
0xba: {  	_ =	task [dreg:s22], $0x5FFFF  }
0xbb: {  	[dreg:$0x1] =	wrdreg $0xFFFFFFFF  }
0xbc: {  	[dreg:$0x0] =	wrdreg $0x60  }
0xbd: {  	[dreg:$0x2] =	wrdreg s24  }
0xbe: {  	[dreg:$0x3] =	wrdreg $0xB  }
0xbf: {  	_ =	task.clear_ibuf [dreg:s22], $0x4FFFF;
	_ =	strace $0x9000004C  }
0xc0: {  	s29 =	simm.s32 $0xB;
	_ =	strace $0x8000004E  }
0xc1: {  	_ =	swait.ge [sflag:s29], $0x1  }
0xc2: {  	[sflag:s29] =	ssyncadd.s32 $0xFFFFFFFF  }
0xc3: {  	_ =	strace $0x9000004E  }
0xc4: {  	_ =	sfence  }
0xc5: {  	s30 =	sld [smem:$0x0];
	_ =	sdelay $0x2  }
0xc6: {  	s31 =	sshll.u32 s1, $0xD;
	s1 =	sshrl.u32 s1, $0x2  }
0xc7: {  	s4 =	sand.u32 $0x4000, s31;
	s1 =	sadd.s32 s1, s30  }
0xc8: {  	s0 =	sor.u32 s4, s0;
	s1 =	sshll.u32 s1, $0x11  }
0xc9: {  	s0 =	sor.u32 s1, s0  }
0xca: {  	s0 =	sadd.s32 $0x8F2B, s0  }
0xcb: {  	[sflag:s0] =	ssyncadd.remote.s32 $0x1  }
0xcc: {  	_ =	sfence.sel $0xFFFF  }
0xcd: {  	[dreg:$0x0] =	wrdreg $0xFFFFFFFF;
	(pc) =	sbr.abs _section_cstart, $3  }
0xce: {  	[dreg:$0x1] =	wrdreg $0xFFFFFFFF  }
0xcf: {  	_ =	task.clear_ibuf [dreg:s22], $0x2FFFF;
	_ =	strace $0x9FFFFFFF  }
0xd0: {  	(tm) =	ssettm $0x7FFFFFFF  }
0xd1: {  	_ =	shalt  }
tec
execute0_lowered:
.L_overlay_start_1:
0x0: {  	(tag) =	ssettag $0x1  }
0x1: {  	s0 =	rddreg [dreg:$0x0];
	s1 =	srdreg.scid  }
0x2: {  	s3 =	stileid.u32;
	s2 =	simm.s32 $0x0;
	s28 =	simm.s32 $0xE00  }
0x3: {  	s29 =	simm.s32 $0x1600;
	s30 =	simm.s32 $0x1A00;
	s31 =	simm.s32 $0x2200  }
0x4: {  	s10 =	simm.s32 $0x3A00;
	s11 =	simm.s32 $0x3E00;
	s12 =	simm.s32 $0x4600  }
0x5: {  	s13 =	simm.s32 $0x4A00;
	s14 =	simm.s32 $0x5200;
	s15 =	simm.s32 $0x5600  }
0x6: {  	s17 =	simm.s32 $0x5E00;
	s18 =	simm.s32 $0x6200;
	s19 =	simm.s32 $0x6A00  }
0x7: {  	s20 =	simm.s32 $0x7600;
	s21 =	simm.s32 $0x7A00;
	s22 =	simm.s32 $0x8200  }
0x8: {  	s16 =	simm.s32 $0x8E00;
	s1 =	sand.u32 $0x1, s1;
	s3 =	sshll.u32 s3, $0x7  }
0x9: {  	[smem:$0x7FF] =	sst s2;
	s7 =	sadd.s32 $0x1A9C00, s0;
	s4 =	sshll.u32 s1, $0x6  }
0xa: {  	_ =	strace $0x8000004D;
	s1 =	ssub.s32 $0x2, s1;
	s4 =	sor.u32 s4, s3  }
0xb: {  	s3 =	sadd.s32 $0x19D400, s0;
	s8 =	sshrl.u32 s1, $0x1;
	s5 =	smul.u32 $0x180, s4  }
0xc: {  	s6 =	smul.u32 $0xC00, s4;
	s4 =	sadd.s32 s4, s0;
	s1 =	ssub.s32 s1, s8  }
0xd: {  	s8 =	simm.s32 $0x8600;
	s4 =	sadd.s32 $0x1A9400, s4;
	s9 =	sadd.s32 s7, s5  }
0xe: {  	s23 =	sshrl.u32 s6, $0x3;
	[dreg:$0x2] =	wrdreg s4;
	s5 =	sadd.s32 $0x19D500, s0  }
0xf: {  	s4 =	simm.s32 $0x2;
	[dreg:$0x6] =	wrdreg s9;
	s24 =	sadd.s32 $0x1800, s9  }
0x10: {  	s6 =	sadd.s32 s7, s23;
	s7 =	simm.s32 $0x3;
	s9 =	simm.s32 $0x3200  }
0x11: {  	v2 =	vlaneseq.u32;
	s23 =	simm.s32 $0x9200;
	[dreg:$0x3] =	wrdreg s24;
	s25 =	sadd.s32 $0x3000, s6  }
0x12: {  	vm0 =	vmmov $0xffff;
	vm1 =	vmmov $0xff;
	v1 =	vshrl.u32 v2, $0x3;
	s26 =	sadd.s32 $0x4800, s6;
	s6 =	smax.u32 s1, $0x1;
	[dreg:$0x4] =	wrdreg s25  }
0x13: {  	v0 =	vand.u32 $0x7, v2;
	v2 =	vor.u32 $0x8, v2;
	v1 =	vmul.u32 $0x8, v1;
	s24 =	simm.s32 $0x1;
	[dreg:$0x5] =	wrdreg s26;
	s26 =	simm.s32 $0xA00  }
.LBB2_1:
0x14: {  	s25 =	rddreg [dreg:$0x2]  }
0x15: {  	[tilespmem:s2], [sflag:$0x3] =	stream.linear.gather [hbm4b:s25+s2], $0x200, $0x38;
	[tilespmem:$0x18200] =	vst v63  }
0x16: {  	_ =	swait.ge [sflag:s7], $0x200  }
0x17: {  	[sflag:s7] =	ssyncset.done $0x0  }
0x18: {  	[sflag:s7] =	ssyncadd.s32 $0xFFFFFE00  }
0x19: {  	v3 =	vld [tilespmem:$0x0];
	_ =	sdelay $0x4  }
0x1a: {  	v4 =	vshrl.u32 v3, $0x3  }
0x1b: {  	v4 =	vmul.u32 $0x18, v4  }
0x1c: {  	v3 =	vand.u32 $0x7, v3  }
0x1d: {  	v3 =	vor.u32 v3, v4  }
0x1e: {  	v4 =	vperm.xlane v3, v0;
	_ =	sdelay $0x1  }
0x1f: {  	v4 =	vadd.s32 v1, v4;
	_ =	sdelay $0x1  }
0x20: {  	v3 =	vperm.xlane v3, v2;
	_ =	sdelay $0x1  }
0x21: {  	s0 =	simm.s32 $0x200;
	v3 =	vadd.s32 v1, v3  }
0x22: {  	[tilespmem:s0], [sflag:$0x1] =	stream.indirect_vreg.gather [hbm4b:s3+s2], $0x80, v4, vm0, $0xb8;
	[tilespmem:$0x18200] =	vst v63  }
0x23: {  	_ = 	snop  }
0x24: {  	[tilespmem:s26], [sflag:$0x1] =	stream.indirect_vreg.gather [hbm4b:s5+s2], $0x80, v4, vm1, $0xb8;
	[tilespmem:$0x18200] =	vst v63  }
0x25: {  	_ = 	snop  }
0x26: {  	[tilespmem:s28], [sflag:$0x1] =	stream.indirect_vreg.gather [hbm4b:s3+s2], $0x80, v3, vm0, $0xb8;
	[tilespmem:$0x18200] =	vst v63  }
0x27: {  	_ = 	snop  }
0x28: {  	[tilespmem:s29], [sflag:$0x1] =	stream.indirect_vreg.gather [hbm4b:s5+s2], $0x80, v3, vm1, $0xb8;
	[tilespmem:$0x18200] =	vst v63  }
0x29: {  	v3 =	vld [tilespmem:$0x10];
	_ =	sdelay $0x4  }
0x2a: {  	v33 =	vshrl.u32 v3, $0x3  }
0x2b: {  	v4 =	vmul.u32 $0x18, v33  }
0x2c: {  	v3 =	vand.u32 $0x7, v3  }
0x2d: {  	v3 =	vor.u32 v3, v4  }
0x2e: {  	v4 =	vperm.xlane v3, v0;
	_ =	sdelay $0x1  }
0x2f: {  	v4 =	vadd.s32 v1, v4;
	_ =	sdelay $0x1  }
0x30: {  	v3 =	vperm.xlane v3, v2;
	_ =	sdelay $0x1  }
0x31: {  	v3 =	vadd.s32 v1, v3  }
0x32: {  	[tilespmem:s30], [sflag:$0x1] =	stream.indirect_vreg.gather [hbm4b:s3+s2], $0x80, v4, vm0, $0xb8;
	[tilespmem:$0x18200] =	vst v63  }
0x33: {  	_ = 	snop  }
0x34: {  	[tilespmem:s31], [sflag:$0x1] =	stream.indirect_vreg.gather [hbm4b:s5+s2], $0x80, v4, vm1, $0xb8;
	[tilespmem:$0x18200] =	vst v63  }
0x35: {  	s25 =	simm.s32 $0x2600  }
0x36: {  	[tilespmem:s25], [sflag:$0x1] =	stream.indirect_vreg.gather [hbm4b:s3+s2], $0x80, v3, vm0, $0xb8;
	[tilespmem:$0x18200] =	vst v63  }
0x37: {  	s1 =	simm.s32 $0x2E00  }
0x38: {  	[tilespmem:s1], [sflag:$0x1] =	stream.indirect_vreg.gather [hbm4b:s5+s2], $0x80, v3, vm1, $0xb8;
	[tilespmem:$0x18200] =	vst v63  }
0x39: {  	v3 =	vld [tilespmem:$0x20];
	_ =	sdelay $0x4  }
0x3a: {  	v34 =	vshrl.u32 v3, $0x3  }
0x3b: {  	v4 =	vmul.u32 $0x18, v34  }
0x3c: {  	v3 =	vand.u32 $0x7, v3  }
0x3d: {  	v3 =	vor.u32 v3, v4  }
0x3e: {  	v4 =	vperm.xlane v3, v0;
	_ =	sdelay $0x1  }
0x3f: {  	v4 =	vadd.s32 v1, v4;
	_ =	sdelay $0x1  }
0x40: {  	v3 =	vperm.xlane v3, v2;
	_ =	sdelay $0x1  }
0x41: {  	v3 =	vadd.s32 v1, v3  }
0x42: {  	[tilespmem:s9], [sflag:$0x1] =	stream.indirect_vreg.gather [hbm4b:s3+s2], $0x80, v4, vm0, $0xb8;
	[tilespmem:$0x18200] =	vst v63  }
0x43: {  	_ = 	snop  }
0x44: {  	[tilespmem:s10], [sflag:$0x1] =	stream.indirect_vreg.gather [hbm4b:s5+s2], $0x80, v4, vm1, $0xb8;
	[tilespmem:$0x18200] =	vst v63  }
0x45: {  	_ = 	snop  }
0x46: {  	[tilespmem:s11], [sflag:$0x1] =	stream.indirect_vreg.gather [hbm4b:s3+s2], $0x80, v3, vm0, $0xb8;
	[tilespmem:$0x18200] =	vst v63  }
0x47: {  	_ = 	snop  }
0x48: {  	[tilespmem:s12], [sflag:$0x1] =	stream.indirect_vreg.gather [hbm4b:s5+s2], $0x80, v3, vm1, $0xb8;
	[tilespmem:$0x18200] =	vst v63  }
0x49: {  	v3 =	vld [tilespmem:$0x30];
	_ =	sdelay $0x4  }
0x4a: {  	v35 =	vshrl.u32 v3, $0x3  }
0x4b: {  	v4 =	vmul.u32 $0x18, v35  }
0x4c: {  	v3 =	vand.u32 $0x7, v3  }
0x4d: {  	v3 =	vor.u32 v3, v4  }
0x4e: {  	v4 =	vperm.xlane v3, v0;
	_ =	sdelay $0x1  }
0x4f: {  	v4 =	vadd.s32 v1, v4;
	_ =	sdelay $0x1  }
0x50: {  	v3 =	vperm.xlane v3, v2;
	_ =	sdelay $0x1  }
0x51: {  	v3 =	vadd.s32 v1, v3  }
0x52: {  	[tilespmem:s13], [sflag:$0x1] =	stream.indirect_vreg.gather [hbm4b:s3+s2], $0x80, v4, vm0, $0xb8;
	[tilespmem:$0x18200] =	vst v63  }
0x53: {  	_ = 	snop  }
0x54: {  	[tilespmem:s14], [sflag:$0x1] =	stream.indirect_vreg.gather [hbm4b:s5+s2], $0x80, v4, vm1, $0xb8;
	[tilespmem:$0x18200] =	vst v63  }
0x55: {  	_ = 	snop  }
0x56: {  	[tilespmem:s15], [sflag:$0x1] =	stream.indirect_vreg.gather [hbm4b:s3+s2], $0x80, v3, vm0, $0xb8;
	[tilespmem:$0x18200] =	vst v63  }
0x57: {  	_ = 	snop  }
0x58: {  	[tilespmem:s17], [sflag:$0x1] =	stream.indirect_vreg.gather [hbm4b:s5+s2], $0x80, v3, vm1, $0xb8;
	[tilespmem:$0x18200] =	vst v63  }
0x59: {  	v3 =	vld [tilespmem:$0x40];
	_ =	sdelay $0x4  }
0x5a: {  	v36 =	vshrl.u32 v3, $0x3  }
0x5b: {  	v4 =	vmul.u32 $0x18, v36  }
0x5c: {  	v3 =	vand.u32 $0x7, v3  }
0x5d: {  	v3 =	vor.u32 v3, v4  }
0x5e: {  	v4 =	vperm.xlane v3, v0;
	_ =	sdelay $0x1  }
0x5f: {  	v4 =	vadd.s32 v1, v4;
	_ =	sdelay $0x1  }
0x60: {  	v3 =	vperm.xlane v3, v2;
	_ =	sdelay $0x1  }
0x61: {  	v3 =	vadd.s32 v1, v3  }
0x62: {  	[tilespmem:s18], [sflag:$0x1] =	stream.indirect_vreg.gather [hbm4b:s3+s2], $0x80, v4, vm0, $0xb8;
	[tilespmem:$0x18200] =	vst v63  }
0x63: {  	_ = 	snop  }
0x64: {  	[tilespmem:s19], [sflag:$0x1] =	stream.indirect_vreg.gather [hbm4b:s5+s2], $0x80, v4, vm1, $0xb8;
	[tilespmem:$0x18200] =	vst v63  }
0x65: {  	s25 =	simm.s32 $0x6E00  }
0x66: {  	[tilespmem:s25], [sflag:$0x1] =	stream.indirect_vreg.gather [hbm4b:s3+s2], $0x80, v3, vm0, $0xb8;
	[tilespmem:$0x18200] =	vst v63  }
0x67: {  	_ = 	snop  }
0x68: {  	[tilespmem:s20], [sflag:$0x1] =	stream.indirect_vreg.gather [hbm4b:s5+s2], $0x80, v3, vm1, $0xb8;
	[tilespmem:$0x18200] =	vst v63  }
0x69: {  	v3 =	vld [tilespmem:$0x50];
	_ =	sdelay $0x4  }
0x6a: {  	v37 =	vshrl.u32 v3, $0x3  }
0x6b: {  	v4 =	vmul.u32 $0x18, v37  }
0x6c: {  	v3 =	vand.u32 $0x7, v3  }
0x6d: {  	v3 =	vor.u32 v3, v4  }
0x6e: {  	v4 =	vperm.xlane v3, v0;
	_ =	sdelay $0x1  }
0x6f: {  	v4 =	vadd.s32 v1, v4;
	_ =	sdelay $0x1  }
0x70: {  	v3 =	vperm.xlane v3, v2;
	_ =	sdelay $0x1  }
0x71: {  	v3 =	vadd.s32 v1, v3  }
0x72: {  	[tilespmem:s21], [sflag:$0x1] =	stream.indirect_vreg.gather [hbm4b:s3+s2], $0x80, v4, vm0, $0xb8;
	[tilespmem:$0x18200] =	vst v63  }
0x73: {  	_ = 	snop  }
0x74: {  	[tilespmem:s22], [sflag:$0x1] =	stream.indirect_vreg.gather [hbm4b:s5+s2], $0x80, v4, vm1, $0xb8;
	[tilespmem:$0x18200] =	vst v63  }
0x75: {  	_ = 	snop  }
0x76: {  	[tilespmem:s8], [sflag:$0x1] =	stream.indirect_vreg.gather [hbm4b:s3+s2], $0x80, v3, vm0, $0xb8;
	[tilespmem:$0x18200] =	vst v63  }
0x77: {  	_ = 	snop  }
0x78: {  	[tilespmem:s16], [sflag:$0x1] =	stream.indirect_vreg.gather [hbm4b:s5+s2], $0x80, v3, vm1, $0xb8;
	[tilespmem:$0x18200] =	vst v63  }
0x79: {  	v3 =	vld [tilespmem:$0x60];
	_ =	sdelay $0x4  }
0x7a: {  	v38 =	vshrl.u32 v3, $0x3  }
0x7b: {  	v4 =	vmul.u32 $0x18, v38  }
0x7c: {  	v3 =	vand.u32 $0x7, v3  }
0x7d: {  	v3 =	vor.u32 v3, v4  }
0x7e: {  	v4 =	vperm.xlane v3, v0;
	_ =	sdelay $0x1  }
0x7f: {  	v4 =	vadd.s32 v1, v4;
	_ =	sdelay $0x1  }
0x80: {  	v3 =	vperm.xlane v3, v2;
	_ =	sdelay $0x1  }
0x81: {  	v3 =	vadd.s32 v1, v3  }
0x82: {  	[tilespmem:s23], [sflag:$0x1] =	stream.indirect_vreg.gather [hbm4b:s3+s2], $0x80, v4, vm0, $0xb8;
	[tilespmem:$0x18200] =	vst v63  }
0x83: {  	s1 =	simm.s32 $0x9A00  }
0x84: {  	[tilespmem:s1], [sflag:$0x1] =	stream.indirect_vreg.gather [hbm4b:s5+s2], $0x80, v4, vm1, $0xb8;
	[tilespmem:$0x18200] =	vst v63  }
0x85: {  	s25 =	simm.s32 $0x9E00  }
0x86: {  	[tilespmem:s25], [sflag:$0x1] =	stream.indirect_vreg.gather [hbm4b:s3+s2], $0x80, v3, vm0, $0xb8;
	[tilespmem:$0x18200] =	vst v63  }
0x87: {  	s1 =	simm.s32 $0xA600  }
0x88: {  	[tilespmem:s1], [sflag:$0x1] =	stream.indirect_vreg.gather [hbm4b:s5+s2], $0x80, v3, vm1, $0xb8;
	[tilespmem:$0x18200] =	vst v63  }
0x89: {  	v3 =	vld [tilespmem:$0x70];
	_ =	sdelay $0x4  }
0x8a: {  	v39 =	vshrl.u32 v3, $0x3  }
0x8b: {  	v4 =	vmul.u32 $0x18, v39  }
0x8c: {  	v3 =	vand.u32 $0x7, v3  }
0x8d: {  	v3 =	vor.u32 v3, v4  }
0x8e: {  	v4 =	vperm.xlane v3, v0;
	_ =	sdelay $0x1  }
0x8f: {  	v4 =	vadd.s32 v1, v4;
	_ =	sdelay $0x1  }
0x90: {  	v3 =	vperm.xlane v3, v2;
	_ =	sdelay $0x1  }
0x91: {  	s25 =	simm.s32 $0xAA00;
	v3 =	vadd.s32 v1, v3  }
0x92: {  	[tilespmem:s25], [sflag:$0x1] =	stream.indirect_vreg.gather [hbm4b:s3+s2], $0x80, v4, vm0, $0xb8;
	[tilespmem:$0x18200] =	vst v63  }
0x93: {  	s1 =	simm.s32 $0xB200  }
0x94: {  	[tilespmem:s1], [sflag:$0x1] =	stream.indirect_vreg.gather [hbm4b:s5+s2], $0x80, v4, vm1, $0xb8;
	[tilespmem:$0x18200] =	vst v63  }
0x95: {  	s25 =	simm.s32 $0xB600  }
0x96: {  	[tilespmem:s25], [sflag:$0x1] =	stream.indirect_vreg.gather [hbm4b:s3+s2], $0x80, v3, vm0, $0xb8;
	[tilespmem:$0x18200] =	vst v63  }
0x97: {  	s1 =	simm.s32 $0xBE00  }
0x98: {  	[tilespmem:s1], [sflag:$0x1] =	stream.indirect_vreg.gather [hbm4b:s5+s2], $0x80, v3, vm1, $0xb8;
	[tilespmem:$0x18200] =	vst v63  }
0x99: {  	v3 =	vld [tilespmem:$0x80];
	_ =	sdelay $0x4  }
0x9a: {  	v40 =	vshrl.u32 v3, $0x3  }
0x9b: {  	v4 =	vmul.u32 $0x18, v40  }
0x9c: {  	v3 =	vand.u32 $0x7, v3  }
0x9d: {  	v3 =	vor.u32 v3, v4  }
0x9e: {  	v4 =	vperm.xlane v3, v0;
	_ =	sdelay $0x1  }
0x9f: {  	v4 =	vadd.s32 v1, v4;
	_ =	sdelay $0x1  }
0xa0: {  	v3 =	vperm.xlane v3, v2;
	_ =	sdelay $0x1  }
0xa1: {  	s0 =	simm.s32 $0xC200;
	v3 =	vadd.s32 v1, v3  }
0xa2: {  	[tilespmem:s0], [sflag:$0x2] =	stream.indirect_vreg.gather [hbm4b:s3+s2], $0x80, v4, vm0, $0xb8;
	[tilespmem:$0x18200] =	vst v63  }
0xa3: {  	s1 =	simm.s32 $0xCA00  }
0xa4: {  	[tilespmem:s1], [sflag:$0x2] =	stream.indirect_vreg.gather [hbm4b:s5+s2], $0x80, v4, vm1, $0xb8;
	[tilespmem:$0x18200] =	vst v63  }
0xa5: {  	s25 =	simm.s32 $0xCE00  }
0xa6: {  	[tilespmem:s25], [sflag:$0x2] =	stream.indirect_vreg.gather [hbm4b:s3+s2], $0x80, v3, vm0, $0xb8;
	[tilespmem:$0x18200] =	vst v63  }
0xa7: {  	s25 =	simm.s32 $0xD600  }
0xa8: {  	[tilespmem:s25], [sflag:$0x2] =	stream.indirect_vreg.gather [hbm4b:s5+s2], $0x80, v3, vm1, $0xb8;
	[tilespmem:$0x18200] =	vst v63  }
0xa9: {  	v3 =	vld [tilespmem:$0x90];
	_ =	sdelay $0x4  }
0xaa: {  	v41 =	vshrl.u32 v3, $0x3  }
0xab: {  	v4 =	vmul.u32 $0x18, v41  }
0xac: {  	v3 =	vand.u32 $0x7, v3  }
0xad: {  	v3 =	vor.u32 v3, v4  }
0xae: {  	v4 =	vperm.xlane v3, v0;
	_ =	sdelay $0x1  }
0xaf: {  	v4 =	vadd.s32 v1, v4;
	_ =	sdelay $0x1  }
0xb0: {  	v3 =	vperm.xlane v3, v2;
	_ =	sdelay $0x1  }
0xb1: {  	s25 =	simm.s32 $0xDA00;
	v3 =	vadd.s32 v1, v3  }
0xb2: {  	[tilespmem:s25], [sflag:$0x2] =	stream.indirect_vreg.gather [hbm4b:s3+s2], $0x80, v4, vm0, $0xb8;
	[tilespmem:$0x18200] =	vst v63  }
0xb3: {  	s25 =	simm.s32 $0xE200  }
0xb4: {  	[tilespmem:s25], [sflag:$0x2] =	stream.indirect_vreg.gather [hbm4b:s5+s2], $0x80, v4, vm1, $0xb8;
	[tilespmem:$0x18200] =	vst v63  }
0xb5: {  	s25 =	simm.s32 $0xE600  }
0xb6: {  	[tilespmem:s25], [sflag:$0x2] =	stream.indirect_vreg.gather [hbm4b:s3+s2], $0x80, v3, vm0, $0xb8;
	[tilespmem:$0x18200] =	vst v63  }
0xb7: {  	s25 =	simm.s32 $0xEE00  }
0xb8: {  	[tilespmem:s25], [sflag:$0x2] =	stream.indirect_vreg.gather [hbm4b:s5+s2], $0x80, v3, vm1, $0xb8;
	[tilespmem:$0x18200] =	vst v63  }
0xb9: {  	v3 =	vld [tilespmem:$0xA0];
	_ =	sdelay $0x4  }
0xba: {  	v42 =	vshrl.u32 v3, $0x3  }
0xbb: {  	v4 =	vmul.u32 $0x18, v42  }
0xbc: {  	v3 =	vand.u32 $0x7, v3  }
0xbd: {  	v3 =	vor.u32 v3, v4  }
0xbe: {  	v4 =	vperm.xlane v3, v0;
	_ =	sdelay $0x1  }
0xbf: {  	v4 =	vadd.s32 v1, v4;
	_ =	sdelay $0x1  }
0xc0: {  	v3 =	vperm.xlane v3, v2;
	_ =	sdelay $0x1  }
0xc1: {  	s25 =	simm.s32 $0xF200;
	v3 =	vadd.s32 v1, v3  }
0xc2: {  	[tilespmem:s25], [sflag:$0x2] =	stream.indirect_vreg.gather [hbm4b:s3+s2], $0x80, v4, vm0, $0xb8;
	[tilespmem:$0x18200] =	vst v63  }
0xc3: {  	s25 =	simm.s32 $0xFA00  }
0xc4: {  	[tilespmem:s25], [sflag:$0x2] =	stream.indirect_vreg.gather [hbm4b:s5+s2], $0x80, v4, vm1, $0xb8;
	[tilespmem:$0x18200] =	vst v63  }
0xc5: {  	s25 =	simm.s32 $0xFE00  }
0xc6: {  	[tilespmem:s25], [sflag:$0x2] =	stream.indirect_vreg.gather [hbm4b:s3+s2], $0x80, v3, vm0, $0xb8;
	[tilespmem:$0x18200] =	vst v63  }
0xc7: {  	s25 =	simm.s32 $0x10600  }
0xc8: {  	[tilespmem:s25], [sflag:$0x2] =	stream.indirect_vreg.gather [hbm4b:s5+s2], $0x80, v3, vm1, $0xb8;
	[tilespmem:$0x18200] =	vst v63  }
0xc9: {  	v3 =	vld [tilespmem:$0xB0];
	_ =	sdelay $0x4  }
0xca: {  	v43 =	vshrl.u32 v3, $0x3  }
0xcb: {  	v4 =	vmul.u32 $0x18, v43  }
0xcc: {  	v3 =	vand.u32 $0x7, v3  }
0xcd: {  	v3 =	vor.u32 v3, v4  }
0xce: {  	v4 =	vperm.xlane v3, v0;
	_ =	sdelay $0x1  }
0xcf: {  	v4 =	vadd.s32 v1, v4;
	_ =	sdelay $0x1  }
0xd0: {  	v3 =	vperm.xlane v3, v2;
	_ =	sdelay $0x1  }
0xd1: {  	s25 =	simm.s32 $0x10A00;
	v3 =	vadd.s32 v1, v3  }
0xd2: {  	[tilespmem:s25], [sflag:$0x2] =	stream.indirect_vreg.gather [hbm4b:s3+s2], $0x80, v4, vm0, $0xb8;
	[tilespmem:$0x18200] =	vst v63  }
0xd3: {  	s25 =	simm.s32 $0x11200  }
0xd4: {  	[tilespmem:s25], [sflag:$0x2] =	stream.indirect_vreg.gather [hbm4b:s5+s2], $0x80, v4, vm1, $0xb8;
	[tilespmem:$0x18200] =	vst v63  }
0xd5: {  	s25 =	simm.s32 $0x11600  }
0xd6: {  	[tilespmem:s25], [sflag:$0x2] =	stream.indirect_vreg.gather [hbm4b:s3+s2], $0x80, v3, vm0, $0xb8;
	[tilespmem:$0x18200] =	vst v63  }
0xd7: {  	s25 =	simm.s32 $0x11E00  }
0xd8: {  	[tilespmem:s25], [sflag:$0x2] =	stream.indirect_vreg.gather [hbm4b:s5+s2], $0x80, v3, vm1, $0xb8;
	[tilespmem:$0x18200] =	vst v63  }
0xd9: {  	v3 =	vld [tilespmem:$0xC0];
	_ =	sdelay $0x4  }
0xda: {  	v44 =	vshrl.u32 v3, $0x3  }
0xdb: {  	v4 =	vmul.u32 $0x18, v44  }
0xdc: {  	v3 =	vand.u32 $0x7, v3  }
0xdd: {  	v3 =	vor.u32 v3, v4  }
0xde: {  	v4 =	vperm.xlane v3, v0;
	_ =	sdelay $0x1  }
0xdf: {  	v4 =	vadd.s32 v1, v4;
	_ =	sdelay $0x1  }
0xe0: {  	v3 =	vperm.xlane v3, v2;
	_ =	sdelay $0x1  }
0xe1: {  	s25 =	simm.s32 $0x12200;
	v3 =	vadd.s32 v1, v3  }
0xe2: {  	[tilespmem:s25], [sflag:$0x2] =	stream.indirect_vreg.gather [hbm4b:s3+s2], $0x80, v4, vm0, $0xb8;
	[tilespmem:$0x18200] =	vst v63  }
0xe3: {  	s25 =	simm.s32 $0x12A00  }
0xe4: {  	[tilespmem:s25], [sflag:$0x2] =	stream.indirect_vreg.gather [hbm4b:s5+s2], $0x80, v4, vm1, $0xb8;
	[tilespmem:$0x18200] =	vst v63  }
0xe5: {  	s25 =	simm.s32 $0x12E00  }
0xe6: {  	[tilespmem:s25], [sflag:$0x2] =	stream.indirect_vreg.gather [hbm4b:s3+s2], $0x80, v3, vm0, $0xb8;
	[tilespmem:$0x18200] =	vst v63  }
0xe7: {  	s25 =	simm.s32 $0x13600  }
0xe8: {  	[tilespmem:s25], [sflag:$0x2] =	stream.indirect_vreg.gather [hbm4b:s5+s2], $0x80, v3, vm1, $0xb8;
	[tilespmem:$0x18200] =	vst v63  }
0xe9: {  	v3 =	vld [tilespmem:$0xD0];
	_ =	sdelay $0x4  }
0xea: {  	v45 =	vshrl.u32 v3, $0x3  }
0xeb: {  	v4 =	vmul.u32 $0x18, v45  }
0xec: {  	v3 =	vand.u32 $0x7, v3  }
0xed: {  	v3 =	vor.u32 v3, v4  }
0xee: {  	v4 =	vperm.xlane v3, v0;
	_ =	sdelay $0x1  }
0xef: {  	v4 =	vadd.s32 v1, v4;
	_ =	sdelay $0x1  }
0xf0: {  	v3 =	vperm.xlane v3, v2;
	_ =	sdelay $0x1  }
0xf1: {  	s25 =	simm.s32 $0x13A00;
	v3 =	vadd.s32 v1, v3  }
0xf2: {  	[tilespmem:s25], [sflag:$0x2] =	stream.indirect_vreg.gather [hbm4b:s3+s2], $0x80, v4, vm0, $0xb8;
	[tilespmem:$0x18200] =	vst v63  }
0xf3: {  	s25 =	simm.s32 $0x14200  }
0xf4: {  	[tilespmem:s25], [sflag:$0x2] =	stream.indirect_vreg.gather [hbm4b:s5+s2], $0x80, v4, vm1, $0xb8;
	[tilespmem:$0x18200] =	vst v63  }
0xf5: {  	s25 =	simm.s32 $0x14600  }
0xf6: {  	[tilespmem:s25], [sflag:$0x2] =	stream.indirect_vreg.gather [hbm4b:s3+s2], $0x80, v3, vm0, $0xb8;
	[tilespmem:$0x18200] =	vst v63  }
0xf7: {  	s25 =	simm.s32 $0x14E00  }
0xf8: {  	[tilespmem:s25], [sflag:$0x2] =	stream.indirect_vreg.gather [hbm4b:s5+s2], $0x80, v3, vm1, $0xb8;
	[tilespmem:$0x18200] =	vst v63  }
0xf9: {  	v3 =	vld [tilespmem:$0xE0];
	_ =	sdelay $0x4  }
0xfa: {  	v46 =	vshrl.u32 v3, $0x3  }
0xfb: {  	v4 =	vmul.u32 $0x18, v46  }
0xfc: {  	v3 =	vand.u32 $0x7, v3  }
0xfd: {  	v3 =	vor.u32 v3, v4  }
0xfe: {  	v4 =	vperm.xlane v3, v0;
	_ =	sdelay $0x1  }
0xff: {  	v4 =	vadd.s32 v1, v4;
	_ =	sdelay $0x1  }
0x100: {  	v3 =	vperm.xlane v3, v2;
	_ =	sdelay $0x1  }
0x101: {  	s25 =	simm.s32 $0x15200;
	v3 =	vadd.s32 v1, v3  }
0x102: {  	[tilespmem:s25], [sflag:$0x2] =	stream.indirect_vreg.gather [hbm4b:s3+s2], $0x80, v4, vm0, $0xb8;
	[tilespmem:$0x18200] =	vst v63  }
0x103: {  	s25 =	simm.s32 $0x15A00  }
0x104: {  	[tilespmem:s25], [sflag:$0x2] =	stream.indirect_vreg.gather [hbm4b:s5+s2], $0x80, v4, vm1, $0xb8;
	[tilespmem:$0x18200] =	vst v63  }
0x105: {  	s25 =	simm.s32 $0x15E00  }
0x106: {  	[tilespmem:s25], [sflag:$0x2] =	stream.indirect_vreg.gather [hbm4b:s3+s2], $0x80, v3, vm0, $0xb8;
	[tilespmem:$0x18200] =	vst v63  }
0x107: {  	s25 =	simm.s32 $0x16600  }
0x108: {  	[tilespmem:s25], [sflag:$0x2] =	stream.indirect_vreg.gather [hbm4b:s5+s2], $0x80, v3, vm1, $0xb8;
	[tilespmem:$0x18200] =	vst v63  }
0x109: {  	v3 =	vld [tilespmem:$0xF0];
	_ =	sdelay $0x4  }
0x10a: {  	v47 =	vshrl.u32 v3, $0x3  }
0x10b: {  	v4 =	vmul.u32 $0x18, v47  }
0x10c: {  	v3 =	vand.u32 $0x7, v3  }
0x10d: {  	v3 =	vor.u32 v3, v4  }
0x10e: {  	v4 =	vperm.xlane v3, v0;
	_ =	sdelay $0x1  }
0x10f: {  	v4 =	vadd.s32 v1, v4;
	_ =	sdelay $0x1  }
0x110: {  	v3 =	vperm.xlane v3, v2;
	_ =	sdelay $0x1  }
0x111: {  	s25 =	simm.s32 $0x16A00;
	v3 =	vadd.s32 v1, v3  }
0x112: {  	[tilespmem:s25], [sflag:$0x2] =	stream.indirect_vreg.gather [hbm4b:s3+s2], $0x80, v4, vm0, $0xb8;
	[tilespmem:$0x18200] =	vst v63  }
0x113: {  	s25 =	simm.s32 $0x17200  }
0x114: {  	[tilespmem:s25], [sflag:$0x2] =	stream.indirect_vreg.gather [hbm4b:s5+s2], $0x80, v4, vm1, $0xb8;
	[tilespmem:$0x18200] =	vst v63  }
0x115: {  	s25 =	simm.s32 $0x17600  }
0x116: {  	[tilespmem:s25], [sflag:$0x2] =	stream.indirect_vreg.gather [hbm4b:s3+s2], $0x80, v3, vm0, $0xb8;
	[tilespmem:$0x18200] =	vst v63  }
0x117: {  	s25 =	simm.s32 $0x17E00  }
0x118: {  	[tilespmem:s25], [sflag:$0x2] =	stream.indirect_vreg.gather [hbm4b:s5+s2], $0x80, v3, vm1, $0xb8;
	[tilespmem:$0x18200] =	vst v63  }
0x119: {  	_ =	swait.ge [sflag:s24], $0xC000  }
0x11a: {  	[sflag:s24] =	ssyncset.done $0x0  }
0x11b: {  	s1 =	simm.s32 $0x200;
	s25 =	rddreg [dreg:$0x6];
	[sflag:s24] =	ssyncadd.s32 $0xFFFF4000  }
0x11c: {  	[hbm4b:s25+s2] =	stream.linear.scatter [tilespmem:s1], [sflag:$0x3], $0xC000, $0x38;
	[tilespmem:$0x18200] =	vst v63  }
0x11d: {  	_ =	swait.ge [sflag:s7], $0xC000  }
0x11e: {  	[sflag:s7] =	ssyncset.done $0x0  }
0x11f: {  	[sflag:s7] =	ssyncadd.s32 $0xFFFF4000  }
0x120: {  	v3 =	vld [tilespmem:$0x100];
	_ =	sdelay $0x4  }
0x121: {  	v48 =	vshrl.u32 v3, $0x3  }
0x122: {  	v4 =	vmul.u32 $0x18, v48  }
0x123: {  	v3 =	vand.u32 $0x7, v3  }
0x124: {  	v3 =	vor.u32 v3, v4  }
0x125: {  	v4 =	vperm.xlane v3, v0;
	_ =	sdelay $0x1  }
0x126: {  	v4 =	vadd.s32 v1, v4;
	_ =	sdelay $0x1  }
0x127: {  	v3 =	vperm.xlane v3, v2;
	_ =	sdelay $0x1  }
0x128: {  	v3 =	vadd.s32 v1, v3  }
0x129: {  	[tilespmem:s1], [sflag:$0x1] =	stream.indirect_vreg.gather [hbm4b:s3+s2], $0x80, v4, vm0, $0xb8;
	[tilespmem:$0x18200] =	vst v63  }
0x12a: {  	_ = 	snop  }
0x12b: {  	[tilespmem:s26], [sflag:$0x1] =	stream.indirect_vreg.gather [hbm4b:s5+s2], $0x80, v4, vm1, $0xb8;
	[tilespmem:$0x18200] =	vst v63  }
0x12c: {  	_ = 	snop  }
0x12d: {  	[tilespmem:s28], [sflag:$0x1] =	stream.indirect_vreg.gather [hbm4b:s3+s2], $0x80, v3, vm0, $0xb8;
	[tilespmem:$0x18200] =	vst v63  }
0x12e: {  	_ = 	snop  }
0x12f: {  	[tilespmem:s29], [sflag:$0x1] =	stream.indirect_vreg.gather [hbm4b:s5+s2], $0x80, v3, vm1, $0xb8;
	[tilespmem:$0x18200] =	vst v63  }
0x130: {  	v3 =	vld [tilespmem:$0x110];
	_ =	sdelay $0x4  }
0x131: {  	v49 =	vshrl.u32 v3, $0x3  }
0x132: {  	v4 =	vmul.u32 $0x18, v49  }
0x133: {  	v3 =	vand.u32 $0x7, v3  }
0x134: {  	v3 =	vor.u32 v3, v4  }
0x135: {  	v4 =	vperm.xlane v3, v0;
	_ =	sdelay $0x1  }
0x136: {  	v4 =	vadd.s32 v1, v4;
	_ =	sdelay $0x1  }
0x137: {  	v3 =	vperm.xlane v3, v2;
	_ =	sdelay $0x1  }
0x138: {  	v3 =	vadd.s32 v1, v3  }
0x139: {  	[tilespmem:s30], [sflag:$0x1] =	stream.indirect_vreg.gather [hbm4b:s3+s2], $0x80, v4, vm0, $0xb8;
	[tilespmem:$0x18200] =	vst v63  }
0x13a: {  	_ = 	snop  }
0x13b: {  	[tilespmem:s31], [sflag:$0x1] =	stream.indirect_vreg.gather [hbm4b:s5+s2], $0x80, v4, vm1, $0xb8;
	[tilespmem:$0x18200] =	vst v63  }
0x13c: {  	s25 =	simm.s32 $0x2600  }
0x13d: {  	[tilespmem:s25], [sflag:$0x1] =	stream.indirect_vreg.gather [hbm4b:s3+s2], $0x80, v3, vm0, $0xb8;
	[tilespmem:$0x18200] =	vst v63  }
0x13e: {  	s25 =	simm.s32 $0x2E00  }
0x13f: {  	[tilespmem:s25], [sflag:$0x1] =	stream.indirect_vreg.gather [hbm4b:s5+s2], $0x80, v3, vm1, $0xb8;
	[tilespmem:$0x18200] =	vst v63  }
0x140: {  	v3 =	vld [tilespmem:$0x120];
	_ =	sdelay $0x4  }
0x141: {  	v50 =	vshrl.u32 v3, $0x3  }
0x142: {  	v4 =	vmul.u32 $0x18, v50  }
0x143: {  	v3 =	vand.u32 $0x7, v3  }
0x144: {  	v3 =	vor.u32 v3, v4  }
0x145: {  	v4 =	vperm.xlane v3, v0;
	_ =	sdelay $0x1  }
0x146: {  	v4 =	vadd.s32 v1, v4;
	_ =	sdelay $0x1  }
0x147: {  	v3 =	vperm.xlane v3, v2;
	_ =	sdelay $0x1  }
0x148: {  	v3 =	vadd.s32 v1, v3  }
0x149: {  	[tilespmem:s9], [sflag:$0x1] =	stream.indirect_vreg.gather [hbm4b:s3+s2], $0x80, v4, vm0, $0xb8;
	[tilespmem:$0x18200] =	vst v63  }
0x14a: {  	_ = 	snop  }
0x14b: {  	[tilespmem:s10], [sflag:$0x1] =	stream.indirect_vreg.gather [hbm4b:s5+s2], $0x80, v4, vm1, $0xb8;
	[tilespmem:$0x18200] =	vst v63  }
0x14c: {  	_ = 	snop  }
0x14d: {  	[tilespmem:s11], [sflag:$0x1] =	stream.indirect_vreg.gather [hbm4b:s3+s2], $0x80, v3, vm0, $0xb8;
	[tilespmem:$0x18200] =	vst v63  }
0x14e: {  	_ = 	snop  }
0x14f: {  	[tilespmem:s12], [sflag:$0x1] =	stream.indirect_vreg.gather [hbm4b:s5+s2], $0x80, v3, vm1, $0xb8;
	[tilespmem:$0x18200] =	vst v63  }
0x150: {  	v3 =	vld [tilespmem:$0x130];
	_ =	sdelay $0x4  }
0x151: {  	v51 =	vshrl.u32 v3, $0x3  }
0x152: {  	v4 =	vmul.u32 $0x18, v51  }
0x153: {  	v3 =	vand.u32 $0x7, v3  }
0x154: {  	v3 =	vor.u32 v3, v4  }
0x155: {  	v4 =	vperm.xlane v3, v0;
	_ =	sdelay $0x1  }
0x156: {  	v4 =	vadd.s32 v1, v4;
	_ =	sdelay $0x1  }
0x157: {  	v3 =	vperm.xlane v3, v2;
	_ =	sdelay $0x1  }
0x158: {  	v3 =	vadd.s32 v1, v3  }
0x159: {  	[tilespmem:s13], [sflag:$0x1] =	stream.indirect_vreg.gather [hbm4b:s3+s2], $0x80, v4, vm0, $0xb8;
	[tilespmem:$0x18200] =	vst v63  }
0x15a: {  	_ = 	snop  }
0x15b: {  	[tilespmem:s14], [sflag:$0x1] =	stream.indirect_vreg.gather [hbm4b:s5+s2], $0x80, v4, vm1, $0xb8;
	[tilespmem:$0x18200] =	vst v63  }
0x15c: {  	_ = 	snop  }
0x15d: {  	[tilespmem:s15], [sflag:$0x1] =	stream.indirect_vreg.gather [hbm4b:s3+s2], $0x80, v3, vm0, $0xb8;
	[tilespmem:$0x18200] =	vst v63  }
0x15e: {  	_ = 	snop  }
0x15f: {  	[tilespmem:s17], [sflag:$0x1] =	stream.indirect_vreg.gather [hbm4b:s5+s2], $0x80, v3, vm1, $0xb8;
	[tilespmem:$0x18200] =	vst v63  }
0x160: {  	v3 =	vld [tilespmem:$0x140];
	_ =	sdelay $0x4  }
0x161: {  	v52 =	vshrl.u32 v3, $0x3  }
0x162: {  	v4 =	vmul.u32 $0x18, v52  }
0x163: {  	v3 =	vand.u32 $0x7, v3  }
0x164: {  	v3 =	vor.u32 v3, v4  }
0x165: {  	v4 =	vperm.xlane v3, v0;
	_ =	sdelay $0x1  }
0x166: {  	v4 =	vadd.s32 v1, v4;
	_ =	sdelay $0x1  }
0x167: {  	v3 =	vperm.xlane v3, v2;
	_ =	sdelay $0x1  }
0x168: {  	v3 =	vadd.s32 v1, v3  }
0x169: {  	[tilespmem:s18], [sflag:$0x1] =	stream.indirect_vreg.gather [hbm4b:s3+s2], $0x80, v4, vm0, $0xb8;
	[tilespmem:$0x18200] =	vst v63  }
0x16a: {  	_ = 	snop  }
0x16b: {  	[tilespmem:s19], [sflag:$0x1] =	stream.indirect_vreg.gather [hbm4b:s5+s2], $0x80, v4, vm1, $0xb8;
	[tilespmem:$0x18200] =	vst v63  }
0x16c: {  	s25 =	simm.s32 $0x6E00  }
0x16d: {  	[tilespmem:s25], [sflag:$0x1] =	stream.indirect_vreg.gather [hbm4b:s3+s2], $0x80, v3, vm0, $0xb8;
	[tilespmem:$0x18200] =	vst v63  }
0x16e: {  	_ = 	snop  }
0x16f: {  	[tilespmem:s20], [sflag:$0x1] =	stream.indirect_vreg.gather [hbm4b:s5+s2], $0x80, v3, vm1, $0xb8;
	[tilespmem:$0x18200] =	vst v63  }
0x170: {  	v3 =	vld [tilespmem:$0x150];
	_ =	sdelay $0x4  }
0x171: {  	v53 =	vshrl.u32 v3, $0x3  }
0x172: {  	v4 =	vmul.u32 $0x18, v53  }
0x173: {  	v3 =	vand.u32 $0x7, v3  }
0x174: {  	v3 =	vor.u32 v3, v4  }
0x175: {  	v4 =	vperm.xlane v3, v0;
	_ =	sdelay $0x1  }
0x176: {  	v4 =	vadd.s32 v1, v4;
	_ =	sdelay $0x1  }
0x177: {  	v3 =	vperm.xlane v3, v2;
	_ =	sdelay $0x1  }
0x178: {  	v3 =	vadd.s32 v1, v3  }
0x179: {  	[tilespmem:s21], [sflag:$0x1] =	stream.indirect_vreg.gather [hbm4b:s3+s2], $0x80, v4, vm0, $0xb8;
	[tilespmem:$0x18200] =	vst v63  }
0x17a: {  	_ = 	snop  }
0x17b: {  	[tilespmem:s22], [sflag:$0x1] =	stream.indirect_vreg.gather [hbm4b:s5+s2], $0x80, v4, vm1, $0xb8;
	[tilespmem:$0x18200] =	vst v63  }
0x17c: {  	_ = 	snop  }
0x17d: {  	[tilespmem:s8], [sflag:$0x1] =	stream.indirect_vreg.gather [hbm4b:s3+s2], $0x80, v3, vm0, $0xb8;
	[tilespmem:$0x18200] =	vst v63  }
0x17e: {  	_ = 	snop  }
0x17f: {  	[tilespmem:s16], [sflag:$0x1] =	stream.indirect_vreg.gather [hbm4b:s5+s2], $0x80, v3, vm1, $0xb8;
	[tilespmem:$0x18200] =	vst v63  }
0x180: {  	v3 =	vld [tilespmem:$0x160];
	_ =	sdelay $0x4  }
0x181: {  	v54 =	vshrl.u32 v3, $0x3  }
0x182: {  	v4 =	vmul.u32 $0x18, v54  }
0x183: {  	v3 =	vand.u32 $0x7, v3  }
0x184: {  	v3 =	vor.u32 v3, v4  }
0x185: {  	v4 =	vperm.xlane v3, v0;
	_ =	sdelay $0x1  }
0x186: {  	v4 =	vadd.s32 v1, v4;
	_ =	sdelay $0x1  }
0x187: {  	v3 =	vperm.xlane v3, v2;
	_ =	sdelay $0x1  }
0x188: {  	v3 =	vadd.s32 v1, v3  }
0x189: {  	[tilespmem:s23], [sflag:$0x1] =	stream.indirect_vreg.gather [hbm4b:s3+s2], $0x80, v4, vm0, $0xb8;
	[tilespmem:$0x18200] =	vst v63  }
0x18a: {  	s25 =	simm.s32 $0x9A00  }
0x18b: {  	[tilespmem:s25], [sflag:$0x1] =	stream.indirect_vreg.gather [hbm4b:s5+s2], $0x80, v4, vm1, $0xb8;
	[tilespmem:$0x18200] =	vst v63  }
0x18c: {  	s25 =	simm.s32 $0x9E00  }
0x18d: {  	[tilespmem:s25], [sflag:$0x1] =	stream.indirect_vreg.gather [hbm4b:s3+s2], $0x80, v3, vm0, $0xb8;
	[tilespmem:$0x18200] =	vst v63  }
0x18e: {  	s25 =	simm.s32 $0xA600  }
0x18f: {  	[tilespmem:s25], [sflag:$0x1] =	stream.indirect_vreg.gather [hbm4b:s5+s2], $0x80, v3, vm1, $0xb8;
	[tilespmem:$0x18200] =	vst v63  }
0x190: {  	v3 =	vld [tilespmem:$0x170];
	_ =	sdelay $0x4  }
0x191: {  	v55 =	vshrl.u32 v3, $0x3  }
0x192: {  	v4 =	vmul.u32 $0x18, v55  }
0x193: {  	v3 =	vand.u32 $0x7, v3  }
0x194: {  	v3 =	vor.u32 v3, v4  }
0x195: {  	v4 =	vperm.xlane v3, v0;
	_ =	sdelay $0x1  }
0x196: {  	v4 =	vadd.s32 v1, v4;
	_ =	sdelay $0x1  }
0x197: {  	v3 =	vperm.xlane v3, v2;
	_ =	sdelay $0x1  }
0x198: {  	s25 =	simm.s32 $0xAA00;
	v3 =	vadd.s32 v1, v3  }
0x199: {  	[tilespmem:s25], [sflag:$0x1] =	stream.indirect_vreg.gather [hbm4b:s3+s2], $0x80, v4, vm0, $0xb8;
	[tilespmem:$0x18200] =	vst v63  }
0x19a: {  	s25 =	simm.s32 $0xB200  }
0x19b: {  	[tilespmem:s25], [sflag:$0x1] =	stream.indirect_vreg.gather [hbm4b:s5+s2], $0x80, v4, vm1, $0xb8;
	[tilespmem:$0x18200] =	vst v63  }
0x19c: {  	s25 =	simm.s32 $0xB600  }
0x19d: {  	[tilespmem:s25], [sflag:$0x1] =	stream.indirect_vreg.gather [hbm4b:s3+s2], $0x80, v3, vm0, $0xb8;
	[tilespmem:$0x18200] =	vst v63  }
0x19e: {  	s25 =	simm.s32 $0xBE00  }
0x19f: {  	[tilespmem:s25], [sflag:$0x1] =	stream.indirect_vreg.gather [hbm4b:s5+s2], $0x80, v3, vm1, $0xb8;
	[tilespmem:$0x18200] =	vst v63  }
0x1a0: {  	_ =	swait.ge [sflag:s4], $0xC000  }
0x1a1: {  	[sflag:s4] =	ssyncset.done $0x0  }
0x1a2: {  	s1 =	rddreg [dreg:$0x3];
	[sflag:s4] =	ssyncadd.s32 $0xFFFF4000  }
0x1a3: {  	[hbm4b:s1+s2] =	stream.linear.scatter [tilespmem:s0], [sflag:$0x3], $0xC000, $0x38;
	[tilespmem:$0x18200] =	vst v63  }
0x1a4: {  	_ =	swait.ge [sflag:s7], $0xC000  }
0x1a5: {  	[sflag:s7] =	ssyncset.done $0x0  }
0x1a6: {  	[sflag:s7] =	ssyncadd.s32 $0xFFFF4000  }
0x1a7: {  	v3 =	vld [tilespmem:$0x180];
	_ =	sdelay $0x4  }
0x1a8: {  	v56 =	vshrl.u32 v3, $0x3  }
0x1a9: {  	v4 =	vmul.u32 $0x18, v56  }
0x1aa: {  	v3 =	vand.u32 $0x7, v3  }
0x1ab: {  	v3 =	vor.u32 v3, v4  }
0x1ac: {  	v4 =	vperm.xlane v3, v0;
	_ =	sdelay $0x1  }
0x1ad: {  	v4 =	vadd.s32 v1, v4;
	_ =	sdelay $0x1  }
0x1ae: {  	v3 =	vperm.xlane v3, v2;
	_ =	sdelay $0x1  }
0x1af: {  	v3 =	vadd.s32 v1, v3  }
0x1b0: {  	[tilespmem:s0], [sflag:$0x2] =	stream.indirect_vreg.gather [hbm4b:s3+s2], $0x80, v4, vm0, $0xb8;
	[tilespmem:$0x18200] =	vst v63  }
0x1b1: {  	s25 =	simm.s32 $0xCA00  }
0x1b2: {  	[tilespmem:s25], [sflag:$0x2] =	stream.indirect_vreg.gather [hbm4b:s5+s2], $0x80, v4, vm1, $0xb8;
	[tilespmem:$0x18200] =	vst v63  }
0x1b3: {  	s25 =	simm.s32 $0xCE00  }
0x1b4: {  	[tilespmem:s25], [sflag:$0x2] =	stream.indirect_vreg.gather [hbm4b:s3+s2], $0x80, v3, vm0, $0xb8;
	[tilespmem:$0x18200] =	vst v63  }
0x1b5: {  	s25 =	simm.s32 $0xD600  }
0x1b6: {  	[tilespmem:s25], [sflag:$0x2] =	stream.indirect_vreg.gather [hbm4b:s5+s2], $0x80, v3, vm1, $0xb8;
	[tilespmem:$0x18200] =	vst v63  }
0x1b7: {  	v3 =	vld [tilespmem:$0x190];
	_ =	sdelay $0x4  }
0x1b8: {  	v57 =	vshrl.u32 v3, $0x3  }
0x1b9: {  	v4 =	vmul.u32 $0x18, v57  }
0x1ba: {  	v3 =	vand.u32 $0x7, v3  }
0x1bb: {  	v3 =	vor.u32 v3, v4  }
0x1bc: {  	v4 =	vperm.xlane v3, v0;
	_ =	sdelay $0x1  }
0x1bd: {  	v4 =	vadd.s32 v1, v4;
	_ =	sdelay $0x1  }
0x1be: {  	v3 =	vperm.xlane v3, v2;
	_ =	sdelay $0x1  }
0x1bf: {  	s25 =	simm.s32 $0xDA00;
	v3 =	vadd.s32 v1, v3  }
0x1c0: {  	[tilespmem:s25], [sflag:$0x2] =	stream.indirect_vreg.gather [hbm4b:s3+s2], $0x80, v4, vm0, $0xb8;
	[tilespmem:$0x18200] =	vst v63  }
0x1c1: {  	s25 =	simm.s32 $0xE200  }
0x1c2: {  	[tilespmem:s25], [sflag:$0x2] =	stream.indirect_vreg.gather [hbm4b:s5+s2], $0x80, v4, vm1, $0xb8;
	[tilespmem:$0x18200] =	vst v63  }
0x1c3: {  	s25 =	simm.s32 $0xE600  }
0x1c4: {  	[tilespmem:s25], [sflag:$0x2] =	stream.indirect_vreg.gather [hbm4b:s3+s2], $0x80, v3, vm0, $0xb8;
	[tilespmem:$0x18200] =	vst v63  }
0x1c5: {  	s25 =	simm.s32 $0xEE00  }
0x1c6: {  	[tilespmem:s25], [sflag:$0x2] =	stream.indirect_vreg.gather [hbm4b:s5+s2], $0x80, v3, vm1, $0xb8;
	[tilespmem:$0x18200] =	vst v63  }
0x1c7: {  	v3 =	vld [tilespmem:$0x1A0];
	_ =	sdelay $0x4  }
0x1c8: {  	v58 =	vshrl.u32 v3, $0x3  }
0x1c9: {  	v4 =	vmul.u32 $0x18, v58  }
0x1ca: {  	v3 =	vand.u32 $0x7, v3  }
0x1cb: {  	v3 =	vor.u32 v3, v4  }
0x1cc: {  	v4 =	vperm.xlane v3, v0;
	_ =	sdelay $0x1  }
0x1cd: {  	v4 =	vadd.s32 v1, v4;
	_ =	sdelay $0x1  }
0x1ce: {  	v3 =	vperm.xlane v3, v2;
	_ =	sdelay $0x1  }
0x1cf: {  	s25 =	simm.s32 $0xF200;
	v3 =	vadd.s32 v1, v3  }
0x1d0: {  	[tilespmem:s25], [sflag:$0x2] =	stream.indirect_vreg.gather [hbm4b:s3+s2], $0x80, v4, vm0, $0xb8;
	[tilespmem:$0x18200] =	vst v63  }
0x1d1: {  	s25 =	simm.s32 $0xFA00  }
0x1d2: {  	[tilespmem:s25], [sflag:$0x2] =	stream.indirect_vreg.gather [hbm4b:s5+s2], $0x80, v4, vm1, $0xb8;
	[tilespmem:$0x18200] =	vst v63  }
0x1d3: {  	s25 =	simm.s32 $0xFE00  }
0x1d4: {  	[tilespmem:s25], [sflag:$0x2] =	stream.indirect_vreg.gather [hbm4b:s3+s2], $0x80, v3, vm0, $0xb8;
	[tilespmem:$0x18200] =	vst v63  }
0x1d5: {  	s25 =	simm.s32 $0x10600  }
0x1d6: {  	[tilespmem:s25], [sflag:$0x2] =	stream.indirect_vreg.gather [hbm4b:s5+s2], $0x80, v3, vm1, $0xb8;
	[tilespmem:$0x18200] =	vst v63  }
0x1d7: {  	v3 =	vld [tilespmem:$0x1B0];
	_ =	sdelay $0x4  }
0x1d8: {  	v59 =	vshrl.u32 v3, $0x3  }
0x1d9: {  	v4 =	vmul.u32 $0x18, v59  }
0x1da: {  	v3 =	vand.u32 $0x7, v3  }
0x1db: {  	v3 =	vor.u32 v3, v4  }
0x1dc: {  	v4 =	vperm.xlane v3, v0;
	_ =	sdelay $0x1  }
0x1dd: {  	v4 =	vadd.s32 v1, v4;
	_ =	sdelay $0x1  }
0x1de: {  	v3 =	vperm.xlane v3, v2;
	_ =	sdelay $0x1  }
0x1df: {  	s25 =	simm.s32 $0x10A00;
	v3 =	vadd.s32 v1, v3  }
0x1e0: {  	[tilespmem:s25], [sflag:$0x2] =	stream.indirect_vreg.gather [hbm4b:s3+s2], $0x80, v4, vm0, $0xb8;
	[tilespmem:$0x18200] =	vst v63  }
0x1e1: {  	s25 =	simm.s32 $0x11200  }
0x1e2: {  	[tilespmem:s25], [sflag:$0x2] =	stream.indirect_vreg.gather [hbm4b:s5+s2], $0x80, v4, vm1, $0xb8;
	[tilespmem:$0x18200] =	vst v63  }
0x1e3: {  	s25 =	simm.s32 $0x11600  }
0x1e4: {  	[tilespmem:s25], [sflag:$0x2] =	stream.indirect_vreg.gather [hbm4b:s3+s2], $0x80, v3, vm0, $0xb8;
	[tilespmem:$0x18200] =	vst v63  }
0x1e5: {  	s25 =	simm.s32 $0x11E00  }
0x1e6: {  	[tilespmem:s25], [sflag:$0x2] =	stream.indirect_vreg.gather [hbm4b:s5+s2], $0x80, v3, vm1, $0xb8;
	[tilespmem:$0x18200] =	vst v63  }
0x1e7: {  	v3 =	vld [tilespmem:$0x1C0];
	_ =	sdelay $0x4  }
0x1e8: {  	v60 =	vshrl.u32 v3, $0x3  }
0x1e9: {  	v4 =	vmul.u32 $0x18, v60  }
0x1ea: {  	v3 =	vand.u32 $0x7, v3  }
0x1eb: {  	v3 =	vor.u32 v3, v4  }
0x1ec: {  	v4 =	vperm.xlane v3, v0;
	_ =	sdelay $0x1  }
0x1ed: {  	v4 =	vadd.s32 v1, v4;
	_ =	sdelay $0x1  }
0x1ee: {  	v3 =	vperm.xlane v3, v2;
	_ =	sdelay $0x1  }
0x1ef: {  	s25 =	simm.s32 $0x12200;
	v3 =	vadd.s32 v1, v3  }
0x1f0: {  	[tilespmem:s25], [sflag:$0x2] =	stream.indirect_vreg.gather [hbm4b:s3+s2], $0x80, v4, vm0, $0xb8;
	[tilespmem:$0x18200] =	vst v63  }
0x1f1: {  	s25 =	simm.s32 $0x12A00  }
0x1f2: {  	[tilespmem:s25], [sflag:$0x2] =	stream.indirect_vreg.gather [hbm4b:s5+s2], $0x80, v4, vm1, $0xb8;
	[tilespmem:$0x18200] =	vst v63  }
0x1f3: {  	s25 =	simm.s32 $0x12E00  }
0x1f4: {  	[tilespmem:s25], [sflag:$0x2] =	stream.indirect_vreg.gather [hbm4b:s3+s2], $0x80, v3, vm0, $0xb8;
	[tilespmem:$0x18200] =	vst v63  }
0x1f5: {  	s25 =	simm.s32 $0x13600  }
0x1f6: {  	[tilespmem:s25], [sflag:$0x2] =	stream.indirect_vreg.gather [hbm4b:s5+s2], $0x80, v3, vm1, $0xb8;
	[tilespmem:$0x18200] =	vst v63  }
0x1f7: {  	v3 =	vld [tilespmem:$0x1D0];
	_ =	sdelay $0x4  }
0x1f8: {  	v61 =	vshrl.u32 v3, $0x3  }
0x1f9: {  	v4 =	vmul.u32 $0x18, v61  }
0x1fa: {  	v3 =	vand.u32 $0x7, v3  }
0x1fb: {  	v3 =	vor.u32 v3, v4  }
0x1fc: {  	v4 =	vperm.xlane v3, v0;
	_ =	sdelay $0x1  }
0x1fd: {  	v4 =	vadd.s32 v1, v4;
	_ =	sdelay $0x1  }
0x1fe: {  	v3 =	vperm.xlane v3, v2;
	_ =	sdelay $0x1  }
0x1ff: {  	s25 =	simm.s32 $0x13A00;
	v3 =	vadd.s32 v1, v3  }
0x200: {  	[tilespmem:s25], [sflag:$0x2] =	stream.indirect_vreg.gather [hbm4b:s3+s2], $0x80, v4, vm0, $0xb8;
	[tilespmem:$0x18200] =	vst v63  }
0x201: {  	s25 =	simm.s32 $0x14200  }
0x202: {  	[tilespmem:s25], [sflag:$0x2] =	stream.indirect_vreg.gather [hbm4b:s5+s2], $0x80, v4, vm1, $0xb8;
	[tilespmem:$0x18200] =	vst v63  }
0x203: {  	s25 =	simm.s32 $0x14600  }
0x204: {  	[tilespmem:s25], [sflag:$0x2] =	stream.indirect_vreg.gather [hbm4b:s3+s2], $0x80, v3, vm0, $0xb8;
	[tilespmem:$0x18200] =	vst v63  }
0x205: {  	s25 =	simm.s32 $0x14E00  }
0x206: {  	[tilespmem:s25], [sflag:$0x2] =	stream.indirect_vreg.gather [hbm4b:s5+s2], $0x80, v3, vm1, $0xb8;
	[tilespmem:$0x18200] =	vst v63  }
0x207: {  	v3 =	vld [tilespmem:$0x1E0];
	_ =	sdelay $0x4  }
0x208: {  	v62 =	vshrl.u32 v3, $0x3  }
0x209: {  	v4 =	vmul.u32 $0x18, v62  }
0x20a: {  	v3 =	vand.u32 $0x7, v3  }
0x20b: {  	v3 =	vor.u32 v3, v4  }
0x20c: {  	v4 =	vperm.xlane v3, v0;
	_ =	sdelay $0x1  }
0x20d: {  	v4 =	vadd.s32 v1, v4;
	_ =	sdelay $0x1  }
0x20e: {  	v3 =	vperm.xlane v3, v2;
	_ =	sdelay $0x1  }
0x20f: {  	s25 =	simm.s32 $0x15200;
	v3 =	vadd.s32 v1, v3  }
0x210: {  	[tilespmem:s25], [sflag:$0x2] =	stream.indirect_vreg.gather [hbm4b:s3+s2], $0x80, v4, vm0, $0xb8;
	[tilespmem:$0x18200] =	vst v63  }
0x211: {  	s25 =	simm.s32 $0x15A00  }
0x212: {  	[tilespmem:s25], [sflag:$0x2] =	stream.indirect_vreg.gather [hbm4b:s5+s2], $0x80, v4, vm1, $0xb8;
	[tilespmem:$0x18200] =	vst v63  }
0x213: {  	s25 =	simm.s32 $0x15E00  }
0x214: {  	[tilespmem:s25], [sflag:$0x2] =	stream.indirect_vreg.gather [hbm4b:s3+s2], $0x80, v3, vm0, $0xb8;
	[tilespmem:$0x18200] =	vst v63  }
0x215: {  	s25 =	simm.s32 $0x16600  }
0x216: {  	[tilespmem:s25], [sflag:$0x2] =	stream.indirect_vreg.gather [hbm4b:s5+s2], $0x80, v3, vm1, $0xb8;
	[tilespmem:$0x18200] =	vst v63  }
0x217: {  	v3 =	vld [tilespmem:$0x1F0];
	_ =	sdelay $0x4  }
0x218: {  	v63 =	vshrl.u32 v3, $0x3  }
0x219: {  	v4 =	vmul.u32 $0x18, v63  }
0x21a: {  	v3 =	vand.u32 $0x7, v3  }
0x21b: {  	v3 =	vor.u32 v3, v4  }
0x21c: {  	v4 =	vperm.xlane v3, v0;
	_ =	sdelay $0x1  }
0x21d: {  	v4 =	vadd.s32 v1, v4;
	_ =	sdelay $0x1  }
0x21e: {  	v3 =	vperm.xlane v3, v2;
	_ =	sdelay $0x1  }
0x21f: {  	s25 =	simm.s32 $0x16A00;
	v3 =	vadd.s32 v1, v3  }
0x220: {  	[tilespmem:s25], [sflag:$0x2] =	stream.indirect_vreg.gather [hbm4b:s3+s2], $0x80, v4, vm0, $0xb8;
	[tilespmem:$0x18200] =	vst v63  }
0x221: {  	s25 =	simm.s32 $0x17200  }
0x222: {  	[tilespmem:s25], [sflag:$0x2] =	stream.indirect_vreg.gather [hbm4b:s5+s2], $0x80, v4, vm1, $0xb8;
	[tilespmem:$0x18200] =	vst v63  }
0x223: {  	s25 =	simm.s32 $0x17600  }
0x224: {  	[tilespmem:s25], [sflag:$0x2] =	stream.indirect_vreg.gather [hbm4b:s3+s2], $0x80, v3, vm0, $0xb8;
	[tilespmem:$0x18200] =	vst v63  }
0x225: {  	s25 =	simm.s32 $0x17E00  }
0x226: {  	[tilespmem:s25], [sflag:$0x2] =	stream.indirect_vreg.gather [hbm4b:s5+s2], $0x80, v3, vm1, $0xb8;
	[tilespmem:$0x18200] =	vst v63  }
0x227: {  	_ =	swait.ge [sflag:s24], $0xC000  }
0x228: {  	[sflag:s24] =	ssyncset.done $0x0  }
0x229: {  	s1 =	simm.s32 $0x200;
	s25 =	rddreg [dreg:$0x4];
	[sflag:s24] =	ssyncadd.s32 $0xFFFF4000  }
0x22a: {  	[hbm4b:s25+s2] =	stream.linear.scatter [tilespmem:s1], [sflag:$0x3], $0xC000, $0x38;
	[tilespmem:$0x18200] =	vst v63  }
0x22b: {  	_ =	swait.ge [sflag:s7], $0xC000  }
0x22c: {  	[sflag:s7] =	ssyncset.done $0x0  }
0x22d: {  	[sflag:s7] =	ssyncadd.s32 $0xFFFF4000  }
0x22e: {  	_ =	swait.ge [sflag:s4], $0xC000  }
0x22f: {  	p0 =	sne.s32 s6, $0x1;
	[sflag:s4] =	ssyncset.done $0x0  }
.Ltmp0:
0x230: {  	s1 =	rddreg [dreg:$0x5];
	[sflag:s4] =	ssyncadd.s32 $0xFFFF4000;
	(pc) =	sbr.rel @p0 .LBB2_1-.Ltmp0, $4  }
0x231: {  	[hbm4b:s1+s2] =	stream.linear.scatter [tilespmem:s0], [sflag:$0x3], $0xC000, $0x38;
	[tilespmem:$0x18200] =	vst v63  }
0x232: {  	_ =	swait.ge [sflag:s7], $0xC000  }
0x233: {  	[sflag:s7] =	ssyncset.done $0x0  }
0x234: {  	s6 =	sadd.s32 $0xFFFFFFFF, s6;
	[sflag:s7] =	ssyncadd.s32 $0xFFFF4000  }
0x235: {  	_ =	sfence.sel $0x180000  }
0x236: {  	[bflag:$0x0] =	sbarrier.arrive $0xFFFF  }
0x237: {  	_ =	strace $0x9000004D  }
0x238: {  	s0 =	stileid.u32;
	[bflag:$0x2] =	sbarrier.arrive $0xFFFF  }
0x239: {  	p0 =	sne.s32 s0, $0x0;
	s0 =	rddreg [dreg:$0x1]  }
0x23a: {  	s0 =	sadd.s32 @!p0 $0x100000, s0  }
0x23b: {  	[sflag:s0] =	ssyncadd.tile.s32 @!p0 $0x1;
	_ =	shalt  }
.Lfunc_end2:
_tile_overlayer_lowered:
.L_overlay_start_2:
0x23c: {  	(tag) =	ssettag $0x2  }
0x23d: {  	s0 =	rddreg [dreg:$0x0];
	s2 =	stileid.u32  }
0x23e: {  	s1 =	rddreg [dreg:$0x1];
	p0 =	sne.s32 s2, $0x0  }
0x23f: {  	s3 =	rddreg [dreg:$0x2];
	[bflag:$0x3] =	sbarrier.arrive $0xFFFF;
	s2 =	simm.s32 @!p0 $0x1C03  }
0x240: {  	[timem:s3], [sflag:s2] =	dma.local @!p0 [hbm:s0], s1  }
0x241: {  	s0 =	simm.s32 @!p0 $0x3  }
0x242: {  	_ =	swait.ge @!p0 [sflag:s0], s1  }
0x243: {  	s1 =	ssub.s32 @!p0 $0x0, s1;
	[sflag:s0] =	ssyncset.done @!p0 $0x0  }
0x244: {  	[sflag:s0] =	ssyncadd.s32 @!p0 s1  }
0x245: {  	[bflag:$0x3] =	sbarrier.arrive $0xFFFF  }
0x246: {  	_ =	shalt  }

// kernel: kernel.23.cloned.1.call-start
scs
__scs_entry_jumppad:
0x0: {  	(pc) =	sbr.rel $0x88, $3  }
0x1: {  	(tag) =	ssettag $0x0;
	lr =	simm.s32 $0x1  }
0x2: {  	[smem:$0x3F90] =	sst lr;
	_ =	strace $0xD0000000  }
0x3: {  	_ = 	snop  }
0x4: {  	_ = 	snop  }
0x5: {  	_ = 	snop  }
0x6: {  	_ = 	snop  }
0x7: {  	_ = 	snop  }
__scs_overlays_trampoline_lowered:
0x8: {  	[smem:$0x3F9F] =	sst s0  }
0x9: {  	[smem:$0x3FA0] =	sst s1  }
0xa: {  	[smem:$0x3FA1] =	sst s2  }
0xb: {  	[smem:$0x3FA2] =	sst s3  }
0xc: {  	[smem:$0x3FA3] =	sst s4  }
0xd: {  	[smem:$0x3FA4] =	sst s5  }
0xe: {  	[smem:$0x3FA5] =	sst s6  }
0xf: {  	[smem:$0x3FA6] =	sst s7  }
0x10: {  	[smem:$0x3FA7] =	sst s8  }
0x11: {  	[smem:$0x3FA8] =	sst s9;
	s0 =	simm.s32 @!p0 $0x0  }
0x12: {  	s1 =	sld [smem:$0x3F8E];
	s0 =	simm.s32 @p0 $0x1  }
0x13: {  	[smem:$0x3FA9] =	sst s0;
	s0 =	simm.s32 @!p1 $0x0  }
0x14: {  	s2 =	sld [smem:$0x3F8D];
	s0 =	simm.s32 @p1 $0x1  }
0x15: {  	[smem:$0x3FAA] =	sst s0;
	s0 =	simm.s32 @!p2 $0x0  }
0x16: {  	s3 =	sld [smem:$0x3FDB];
	s0 =	simm.s32 @p2 $0x1  }
0x17: {  	s4 =	simm.s32 $0x1BF5;
	[smem:$0x3FAC] =	sst s0  }
0x18: {  	s0 =	sld [smem:$0x3F8F];
	_ =	swait.ge [sflag:s4], $0x0  }
0x19: {  	s7 =	sld [smem:$0x3F90]  }
0x1a: {  	s8 =	sadd.s32 $0xFFFFE003, lr  }
0x1b: {  	s9 =	sadd.s32 $0xFFFFFEF7, lr;
	s5 =	simm.s32 $0xFFFFFFFF;
	p2 =	slt.u32 s8, $0xFFFFF086  }
0x1c: {  	p1 =	slt.u32 s9, $0xF7A;
	s5 =	simm.s32 @!p2 $0x0  }
0x1d: {  	s5 =	simm.s32 @p1 $0x1;
	p0 =	seq.s32 s7, s2  }
0x1e: {  	s7 =	smul.u32 @!p0 $0xF7A, s2;
	p2 =	seq.s32 @!p0 s5, $0x0  }
0x1f: {  	s9 =	smul.u32 $0xF7A, s1;
	s8 =	simm.s32 @!p0 $0x1BF5;
	p2 =	por !p2, p0  }
0x20: {  	[sflag:s8] =	ssyncset.s32 @!p0 $0xFFFFF086;
	s6 =	sadd.s32 @!p0 s3, s7;
	s7 =	simm.s32 @!p0 $0x108  }
0x21: {  	s3 =	sadd.s32 s3, s9;
	s6 =	sadd.s32 @!p0 $0x88, s6;
	s7 =	simm.s32 @p2 $0x1082  }
0x22: {  	[simem:s7], [sflag:s8] =	dma.local @!p0 [hbm:s6], $0xF7A  }
0x23: {  	s9 =	sor.u32 $0xD0000000, s2;
	s6 =	simm.s32 $0x108;
	_ =	swait.ge @!p0 [sflag:s8], $0x0  }
0x24: {  	s3 =	sadd.s32 $0x88, s3;
	s6 =	simm.s32 @!p1 $0x1082;
	[sflag:s4] =	ssyncset.s32 $0xFFFFF086  }
0x25: {  	[simem:s6], [sflag:s4] =	dma.local [hbm:s3], $0xF7A  }
0x26: {  	[smem:$0x3F90] =	sst s1;
	(tag) =	ssettag s2;
	_ =	strace s9  }
0x27: {  	s1 =	sld [smem:$0x3FA0]  }
0x28: {  	s2 =	sld [smem:$0x3FA1]  }
0x29: {  	s4 =	sld [smem:$0x3FA3]  }
0x2a: {  	p0 =	seq.s32 s5, $0x0;
	s5 =	sld [smem:$0x3FA4]  }
0x2b: {  	s6 =	sld [smem:$0x3FA5]  }
0x2c: {  	s7 =	sld [smem:$0x3FA6]  }
0x2d: {  	s3 =	simm.s32 $0x108;
	s8 =	sld [smem:$0x3FA7]  }
0x2e: {  	s3 =	simm.s32 @!p0 $0x1082;
	s9 =	sld [smem:$0x3FA8]  }
0x2f: {  	lr =	sadd.s32 s0, s3;
	s0 =	sld [smem:$0x3F9F]  }
0x30: {  	s3 =	sld [smem:$0x3FA2]  }
0x31: {  	[smem:$0x3FAB] =	sst s10  }
0x32: {  	s10 =	sld [smem:$0x3FA9];
	_ =	sdelay $0x3  }
0x33: {  	p0 =	seq.s32 s10, $0x1;
	s10 =	sld [smem:$0x3FAB];
	_ =	sdelay $0x3  }
0x34: {  	[smem:$0x3FAB] =	sst s10  }
0x35: {  	s10 =	sld [smem:$0x3FAA];
	_ =	sdelay $0x3  }
0x36: {  	p1 =	seq.s32 s10, $0x1;
	s10 =	sld [smem:$0x3FAB];
	_ =	sdelay $0x3  }
0x37: {  	[smem:$0x3FAB] =	sst s10  }
0x38: {  	s10 =	sld [smem:$0x3FAC]  }
0x39: {  	_ = 	snop;
	(pc) =	sbr.ind lr, $3  }
0x3a: {  	_ = 	snop  }
0x3b: {  	_ = 	snop  }
0x3c: {  	p2 =	seq.s32 s10, $0x1;
	s10 =	sld [smem:$0x3FAB]  }
0x3d: {  	_ =	shalt  }
0x3e: {  	_ =	shalt  }
0x3f: {  	_ =	shalt  }
0x40: {  	_ =	shalt  }
0x41: {  	_ =	shalt  }
0x42: {  	_ =	shalt  }
0x43: {  	_ =	shalt  }
0x44: {  	_ =	shalt  }
0x45: {  	_ =	shalt  }
0x46: {  	_ =	shalt  }
0x47: {  	_ =	shalt  }
0x48: {  	_ =	shalt  }
0x49: {  	_ =	shalt  }
0x4a: {  	_ =	shalt  }
0x4b: {  	_ =	shalt  }
0x4c: {  	_ =	shalt  }
0x4d: {  	_ =	shalt  }
0x4e: {  	_ =	shalt  }
0x4f: {  	_ =	shalt  }
0x50: {  	_ =	shalt  }
0x51: {  	_ =	shalt  }
0x52: {  	_ =	shalt  }
0x53: {  	_ =	shalt  }
0x54: {  	_ =	shalt  }
0x55: {  	_ =	shalt  }
0x56: {  	_ =	shalt  }
0x57: {  	_ =	shalt  }
0x58: {  	_ =	shalt  }
0x59: {  	_ =	shalt  }
0x5a: {  	_ =	shalt  }
0x5b: {  	_ =	shalt  }
0x5c: {  	_ =	shalt  }
0x5d: {  	_ =	shalt  }
0x5e: {  	_ =	shalt  }
0x5f: {  	_ =	shalt  }
0x60: {  	_ =	shalt  }
0x61: {  	_ =	shalt  }
0x62: {  	_ =	shalt  }
0x63: {  	_ =	shalt  }
0x64: {  	_ =	shalt  }
0x65: {  	_ =	shalt  }
0x66: {  	_ =	shalt  }
0x67: {  	_ =	shalt  }
0x68: {  	_ =	shalt  }
0x69: {  	_ =	shalt  }
0x6a: {  	_ =	shalt  }
0x6b: {  	_ =	shalt  }
0x6c: {  	_ =	shalt  }
0x6d: {  	_ =	shalt  }
0x6e: {  	_ =	shalt  }
0x6f: {  	_ =	shalt  }
0x70: {  	_ =	shalt  }
0x71: {  	_ =	shalt  }
0x72: {  	_ =	shalt  }
0x73: {  	_ =	shalt  }
0x74: {  	_ =	shalt  }
0x75: {  	_ =	shalt  }
0x76: {  	_ =	shalt  }
0x77: {  	_ =	shalt  }
0x78: {  	_ =	shalt  }
0x79: {  	_ =	shalt  }
0x7a: {  	_ =	shalt  }
0x7b: {  	_ =	shalt  }
0x7c: {  	_ =	shalt  }
0x7d: {  	_ =	shalt  }
0x7e: {  	_ =	shalt  }
0x7f: {  	_ =	shalt  }
0x80: {  	_ =	shalt  }
0x81: {  	_ =	shalt  }
0x82: {  	_ =	shalt  }
0x83: {  	_ =	shalt  }
0x84: {  	_ =	shalt  }
0x85: {  	_ =	shalt  }
0x86: {  	_ =	shalt  }
0x87: {  	_ =	shalt  }
.Lfunc_end0:
.L_simem_size_0:
called_computation.3_lowered:
.L_overlay_start_0:
0x88: {  	s2 =	sld [smem:$0x3FD9]  }
0x89: {  	s3 =	sld [smem:$0x3FFE];
	_ =	sdelay $0x1  }
0x8a: {  	s1 =	srdreg.scid  }
0x8b: {  	s0 =	sand.u32 $0x1, s1  }
0x8c: {  	s17 =	sshll.u32 s0, $0xA;
	s2 =	sadd.s32 s3, s2  }
0x8d: {  	s2 =	sadd.s32 s2, s17  }
0x8e: {  	[smem:$0x3FB7] =	sst s2  }
0x8f: {  	_ = 	snop  }
0x90: {  	s18 =	sld [smem:$0x3FD0];
	(tm) =	ssettm $0x1  }
0x91: {  	s19 =	sld [smem:$0x3FFB];
	_ =	sdelay $0x3  }
0x92: {  	_ =	strace s19  }
0x93: {  	s2 =	sld [smem:$0x3FFC];
	_ =	sdelay $0x3  }
0x94: {  	_ =	strace s2  }
0x95: {  	s2 =	sld [smem:$0x3FFD];
	_ =	sdelay $0x3  }
0x96: {  	_ =	strace s2  }
0x97: {  	_ =	strace $0x8FFFFFFF  }
0x98: {  	s20 =	sld [smem:$0x3FDB];
	_ =	sdelay $0x1  }
0x99: {  	s4 =	simm.s32 $_scs_section_size  }
0x9a: {  	s5 =	simm.s32 $_size__tile_overlayer_lowered;
	s6 =	simm.s32 $_tile_overlayer_lowered  }
0x9b: {  	s7 =	simm.s32 $0x1BFF;
	s21 =	sshll.u32 s6, $0x1;
	s4 =	sadd.s32 s4, s20  }
0x9c: {  	s22 =	simm.s32 $0x0;
	s5 =	sshll.u32 s5, $0x1;
	s6 =	sadd.s32 s21, s4  }
0x9d: {  	[timem:s22], [sflag:s7] =	dma.local [hbm:s6], s5  }
0x9e: {  	_ =	swait.ge [sflag:s7], s5  }
0x9f: {  	s5 =	ssub.s32 $0x0, s5;
	[sflag:s7] =	ssyncset.done $0x0  }
0xa0: {  	[sflag:s7] =	ssyncadd.s32 s5;
	_ =	sdelay $0x1  }
0xa1: {  	s23 =	simm.s32 $0x1B8B  }
0xa2: {  	_ =	swait.ge [sflag:s23], $0x1  }
0xa3: {  	[sflag:s23] =	ssyncset.done $0x0  }
0xa4: {  	[sflag:s23] =	ssyncadd.s32 $0xFFFFFFFF  }
0xa5: {  	s5 =	sld [smem:$0x0]  }
0xa6: {  	s6 =	sand.u32 $0xFFFFFFFE, s1  }
0xa7: {  	p0 =	sne.s32 s1, s6  }
0xa8: {  	s6 =	sshll.u32 @p0 s6, $0xE  }
0xa9: {  	s6 =	sadd.s32 @p0 $0x11B8D, s6;
	s7 =	sshll.u32 @p0 s5, $0x11  }
0xaa: {  	s6 =	sor.u32 @p0 s7, s6  }
0xab: {  	[sflag:s6] =	ssyncadd.remote.s32 @p0 $0x1;
	_ =	sdelay $0x1  }
0xac: {  	s6 =	simm.s32 @p0 $0x1B8D  }
0xad: {  	_ =	swait.eq @p0 [sflag:s6], $0x1  }
0xae: {  	[sflag:s6] =	ssyncadd.s32 @p0 $0xFFFFFFFF  }
0xaf: {  	s7 =	sshll.u32 @!p0 s1, $0xE  }
0xb0: {  	s7 =	sor.u32 @!p0 $0x4000, s7;
	s6 =	simm.s32 @!p0 $0x1B8D  }
0xb1: {  	s5 =	sshll.u32 @!p0 s5, $0x11;
	s7 =	sadd.s32 @!p0 $0x11B8D, s7;
	_ =	swait.eq @!p0 [sflag:s6], $0x1  }
0xb2: {  	s5 =	sor.u32 @!p0 s5, s7;
	[sflag:s6] =	ssyncadd.s32 @!p0 $0xFFFFFFFF  }
0xb3: {  	s25 =	simm.s32 $0x1B8E;
	s24 =	sld [smem:$0x3FFE];
	[sflag:s5] =	ssyncadd.remote.s32 @!p0 $0x1  }
0xb4: {  	s26 =	simm.s32 $execute0_lowered;
	[smem:$0x3FD2] =	sst s25  }
0xb5: {  	s6 =	sshll.u32 s26, $0x1;
	_ =	strace $0x8000004F;
	[dreg:$0x1] =	wrdreg $0xFFFFFFFF  }
0xb6: {  	s28 =	simm.s32 $_size_execute0_lowered;
	s4 =	sadd.s32 s4, s6;
	[dreg:$0x0] =	wrdreg $0x0  }
0xb7: {  	s6 =	sshll.u32 s28, $0x1;
	[dreg:$0x2] =	wrdreg s4  }
0xb8: {  	[dreg:$0x3] =	wrdreg s6  }
0xb9: {  	[dreg:$0x4] =	wrdreg $0xC0  }
0xba: {  	_ =	task [dreg:s22], $0x5FFFF  }
0xbb: {  	[dreg:$0x1] =	wrdreg $0xFFFFFFFF  }
0xbc: {  	[dreg:$0x0] =	wrdreg $0x60  }
0xbd: {  	[dreg:$0x2] =	wrdreg s18  }
0xbe: {  	[dreg:$0x3] =	wrdreg s24  }
0xbf: {  	[dreg:$0x4] =	wrdreg $0xC  }
0xc0: {  	_ =	task.clear_ibuf [dreg:s22], $0x5FFFF;
	_ =	strace $0x9000004F  }
0xc1: {  	s29 =	simm.s32 $0xC;
	_ =	strace $0x80000051  }
0xc2: {  	_ =	swait.ge [sflag:s29], $0x1  }
0xc3: {  	[sflag:s29] =	ssyncadd.s32 $0xFFFFFFFF  }
0xc4: {  	_ =	strace $0x90000051  }
0xc5: {  	_ =	sfence  }
0xc6: {  	s30 =	sld [smem:$0x0];
	_ =	sdelay $0x2  }
0xc7: {  	s31 =	sshll.u32 s1, $0xD;
	s1 =	sshrl.u32 s1, $0x2  }
0xc8: {  	s4 =	sand.u32 $0x4000, s31;
	s1 =	sadd.s32 s1, s30  }
0xc9: {  	s0 =	sor.u32 s4, s0;
	s1 =	sshll.u32 s1, $0x11  }
0xca: {  	s0 =	sor.u32 s1, s0  }
0xcb: {  	s0 =	sadd.s32 $0x8F2B, s0  }
0xcc: {  	[sflag:s0] =	ssyncadd.remote.s32 $0x1  }
0xcd: {  	_ =	sfence.sel $0xFFFF  }
0xce: {  	[dreg:$0x0] =	wrdreg $0xFFFFFFFF;
	(pc) =	sbr.abs _section_cstart, $3  }
0xcf: {  	[dreg:$0x1] =	wrdreg $0xFFFFFFFF  }
0xd0: {  	_ =	task.clear_ibuf [dreg:s22], $0x2FFFF;
	_ =	strace $0x9FFFFFFF  }
0xd1: {  	(tm) =	ssettm $0x7FFFFFFF  }
tec
execute0_lowered:
.L_overlay_start_1:
0x0: {  	(tag) =	ssettag $0x1  }
0x1: {  	s0 =	srdreg.scid;
	s2 =	rddreg [dreg:$0x0]  }
0x2: {  	s3 =	stileid.u32;
	s1 =	rddreg [dreg:$0x1];
	s28 =	simm.s32 $0xE00  }
0x3: {  	s29 =	simm.s32 $0x1600;
	s30 =	simm.s32 $0x1A00;
	s31 =	simm.s32 $0x2200  }
0x4: {  	s9 =	simm.s32 $0x3200;
	s10 =	simm.s32 $0x3A00;
	s11 =	simm.s32 $0x3E00  }
0x5: {  	s12 =	simm.s32 $0x4600;
	s13 =	simm.s32 $0x4A00;
	s14 =	simm.s32 $0x5200  }
0x6: {  	s15 =	simm.s32 $0x5600;
	s17 =	simm.s32 $0x5E00;
	s18 =	simm.s32 $0x6200  }
0x7: {  	s19 =	simm.s32 $0x6A00;
	s20 =	simm.s32 $0x7600;
	s21 =	simm.s32 $0x7A00  }
0x8: {  	s22 =	simm.s32 $0x8200;
	s16 =	simm.s32 $0x8E00;
	s0 =	sand.u32 $0x1, s0  }
0x9: {  	s4 =	sshll.u32 s3, $0x7;
	s3 =	simm.s32 $0x0;
	s5 =	sshll.u32 s0, $0x6  }
0xa: {  	s23 =	simm.s32 $0x9200;
	[smem:$0x7FF] =	sst s3;
	s4 =	sor.u32 s5, s4  }
0xb: {  	s0 =	ssub.s32 $0x2, s0;
	_ =	strace $0x80000050;
	s5 =	smul.u32 $0x180, s4  }
0xc: {  	s7 =	sshrl.u32 s0, $0x1;
	s6 =	smul.u32 $0xC00, s4;
	s4 =	sadd.s32 s4, s1  }
0xd: {  	s1 =	sadd.s32 $0x26A400, s1;
	s0 =	ssub.s32 s0, s7;
	s7 =	simm.s32 $0x3  }
0xe: {  	s4 =	sadd.s32 $0x269C00, s4;
	s8 =	sadd.s32 s1, s5;
	s24 =	sshrl.u32 s6, $0x3  }
0xf: {  	[dreg:$0x3] =	wrdreg s4;
	s5 =	sadd.s32 $0x100, s2;
	s6 =	smax.u32 s0, $0x1  }
0x10: {  	[dreg:$0x7] =	wrdreg s8;
	s25 =	sadd.s32 $0x1800, s8;
	s1 =	sadd.s32 s1, s24  }
0x11: {  	v2 =	vlaneseq.u32;
	s4 =	simm.s32 $0x2;
	[dreg:$0x4] =	wrdreg s25;
	s26 =	sadd.s32 $0x3000, s1  }
0x12: {  	vm0 =	vmmov $0xffff;
	vm1 =	vmmov $0xff;
	v1 =	vshrl.u32 v2, $0x3;
	s8 =	simm.s32 $0x8600;
	s1 =	sadd.s32 $0x4800, s1;
	[dreg:$0x5] =	wrdreg s26  }
0x13: {  	v0 =	vand.u32 $0x7, v2;
	v2 =	vor.u32 $0x8, v2;
	v1 =	vmul.u32 $0x8, v1;
	s24 =	simm.s32 $0x1;
	[dreg:$0x6] =	wrdreg s1;
	s26 =	simm.s32 $0xA00  }
.LBB2_1:
0x14: {  	s25 =	rddreg [dreg:$0x3]  }
0x15: {  	[tilespmem:s3], [sflag:$0x3] =	stream.linear.gather [hbm4b:s25+s3], $0x200, $0x38;
	[tilespmem:$0x18200] =	vst v63  }
0x16: {  	_ =	swait.ge [sflag:s7], $0x200  }
0x17: {  	[sflag:s7] =	ssyncset.done $0x0  }
0x18: {  	[sflag:s7] =	ssyncadd.s32 $0xFFFFFE00  }
0x19: {  	v3 =	vld [tilespmem:$0x0];
	_ =	sdelay $0x4  }
0x1a: {  	v4 =	vshrl.u32 v3, $0x3  }
0x1b: {  	v4 =	vmul.u32 $0x18, v4  }
0x1c: {  	v3 =	vand.u32 $0x7, v3  }
0x1d: {  	v3 =	vor.u32 v3, v4  }
0x1e: {  	v4 =	vperm.xlane v3, v0;
	_ =	sdelay $0x1  }
0x1f: {  	v4 =	vadd.s32 v1, v4;
	_ =	sdelay $0x1  }
0x20: {  	v3 =	vperm.xlane v3, v2;
	_ =	sdelay $0x1  }
0x21: {  	s0 =	simm.s32 $0x200;
	v3 =	vadd.s32 v1, v3  }
0x22: {  	[tilespmem:s0], [sflag:$0x1] =	stream.indirect_vreg.gather [hbm4b:s2+s3], $0x80, v4, vm0, $0xb8;
	[tilespmem:$0x18200] =	vst v63  }
0x23: {  	_ = 	snop  }
0x24: {  	[tilespmem:s26], [sflag:$0x1] =	stream.indirect_vreg.gather [hbm4b:s5+s3], $0x80, v4, vm1, $0xb8;
	[tilespmem:$0x18200] =	vst v63  }
0x25: {  	_ = 	snop  }
0x26: {  	[tilespmem:s28], [sflag:$0x1] =	stream.indirect_vreg.gather [hbm4b:s2+s3], $0x80, v3, vm0, $0xb8;
	[tilespmem:$0x18200] =	vst v63  }
0x27: {  	_ = 	snop  }
0x28: {  	[tilespmem:s29], [sflag:$0x1] =	stream.indirect_vreg.gather [hbm4b:s5+s3], $0x80, v3, vm1, $0xb8;
	[tilespmem:$0x18200] =	vst v63  }
0x29: {  	v3 =	vld [tilespmem:$0x10];
	_ =	sdelay $0x4  }
0x2a: {  	v33 =	vshrl.u32 v3, $0x3  }
0x2b: {  	v4 =	vmul.u32 $0x18, v33  }
0x2c: {  	v3 =	vand.u32 $0x7, v3  }
0x2d: {  	v3 =	vor.u32 v3, v4  }
0x2e: {  	v4 =	vperm.xlane v3, v0;
	_ =	sdelay $0x1  }
0x2f: {  	v4 =	vadd.s32 v1, v4;
	_ =	sdelay $0x1  }
0x30: {  	v3 =	vperm.xlane v3, v2;
	_ =	sdelay $0x1  }
0x31: {  	v3 =	vadd.s32 v1, v3  }
0x32: {  	[tilespmem:s30], [sflag:$0x1] =	stream.indirect_vreg.gather [hbm4b:s2+s3], $0x80, v4, vm0, $0xb8;
	[tilespmem:$0x18200] =	vst v63  }
0x33: {  	_ = 	snop  }
0x34: {  	[tilespmem:s31], [sflag:$0x1] =	stream.indirect_vreg.gather [hbm4b:s5+s3], $0x80, v4, vm1, $0xb8;
	[tilespmem:$0x18200] =	vst v63  }
0x35: {  	s25 =	simm.s32 $0x2600  }
0x36: {  	[tilespmem:s25], [sflag:$0x1] =	stream.indirect_vreg.gather [hbm4b:s2+s3], $0x80, v3, vm0, $0xb8;
	[tilespmem:$0x18200] =	vst v63  }
0x37: {  	s1 =	simm.s32 $0x2E00  }
0x38: {  	[tilespmem:s1], [sflag:$0x1] =	stream.indirect_vreg.gather [hbm4b:s5+s3], $0x80, v3, vm1, $0xb8;
	[tilespmem:$0x18200] =	vst v63  }
0x39: {  	v3 =	vld [tilespmem:$0x20];
	_ =	sdelay $0x4  }
0x3a: {  	v34 =	vshrl.u32 v3, $0x3  }
0x3b: {  	v4 =	vmul.u32 $0x18, v34  }
0x3c: {  	v3 =	vand.u32 $0x7, v3  }
0x3d: {  	v3 =	vor.u32 v3, v4  }
0x3e: {  	v4 =	vperm.xlane v3, v0;
	_ =	sdelay $0x1  }
0x3f: {  	v4 =	vadd.s32 v1, v4;
	_ =	sdelay $0x1  }
0x40: {  	v3 =	vperm.xlane v3, v2;
	_ =	sdelay $0x1  }
0x41: {  	v3 =	vadd.s32 v1, v3  }
0x42: {  	[tilespmem:s9], [sflag:$0x1] =	stream.indirect_vreg.gather [hbm4b:s2+s3], $0x80, v4, vm0, $0xb8;
	[tilespmem:$0x18200] =	vst v63  }
0x43: {  	_ = 	snop  }
0x44: {  	[tilespmem:s10], [sflag:$0x1] =	stream.indirect_vreg.gather [hbm4b:s5+s3], $0x80, v4, vm1, $0xb8;
	[tilespmem:$0x18200] =	vst v63  }
0x45: {  	_ = 	snop  }
0x46: {  	[tilespmem:s11], [sflag:$0x1] =	stream.indirect_vreg.gather [hbm4b:s2+s3], $0x80, v3, vm0, $0xb8;
	[tilespmem:$0x18200] =	vst v63  }
0x47: {  	_ = 	snop  }
0x48: {  	[tilespmem:s12], [sflag:$0x1] =	stream.indirect_vreg.gather [hbm4b:s5+s3], $0x80, v3, vm1, $0xb8;
	[tilespmem:$0x18200] =	vst v63  }
0x49: {  	v3 =	vld [tilespmem:$0x30];
	_ =	sdelay $0x4  }
0x4a: {  	v35 =	vshrl.u32 v3, $0x3  }
0x4b: {  	v4 =	vmul.u32 $0x18, v35  }
0x4c: {  	v3 =	vand.u32 $0x7, v3  }
0x4d: {  	v3 =	vor.u32 v3, v4  }
0x4e: {  	v4 =	vperm.xlane v3, v0;
	_ =	sdelay $0x1  }
0x4f: {  	v4 =	vadd.s32 v1, v4;
	_ =	sdelay $0x1  }
0x50: {  	v3 =	vperm.xlane v3, v2;
	_ =	sdelay $0x1  }
0x51: {  	v3 =	vadd.s32 v1, v3  }
0x52: {  	[tilespmem:s13], [sflag:$0x1] =	stream.indirect_vreg.gather [hbm4b:s2+s3], $0x80, v4, vm0, $0xb8;
	[tilespmem:$0x18200] =	vst v63  }
0x53: {  	_ = 	snop  }
0x54: {  	[tilespmem:s14], [sflag:$0x1] =	stream.indirect_vreg.gather [hbm4b:s5+s3], $0x80, v4, vm1, $0xb8;
	[tilespmem:$0x18200] =	vst v63  }
0x55: {  	_ = 	snop  }
0x56: {  	[tilespmem:s15], [sflag:$0x1] =	stream.indirect_vreg.gather [hbm4b:s2+s3], $0x80, v3, vm0, $0xb8;
	[tilespmem:$0x18200] =	vst v63  }
0x57: {  	_ = 	snop  }
0x58: {  	[tilespmem:s17], [sflag:$0x1] =	stream.indirect_vreg.gather [hbm4b:s5+s3], $0x80, v3, vm1, $0xb8;
	[tilespmem:$0x18200] =	vst v63  }
0x59: {  	v3 =	vld [tilespmem:$0x40];
	_ =	sdelay $0x4  }
0x5a: {  	v36 =	vshrl.u32 v3, $0x3  }
0x5b: {  	v4 =	vmul.u32 $0x18, v36  }
0x5c: {  	v3 =	vand.u32 $0x7, v3  }
0x5d: {  	v3 =	vor.u32 v3, v4  }
0x5e: {  	v4 =	vperm.xlane v3, v0;
	_ =	sdelay $0x1  }
0x5f: {  	v4 =	vadd.s32 v1, v4;
	_ =	sdelay $0x1  }
0x60: {  	v3 =	vperm.xlane v3, v2;
	_ =	sdelay $0x1  }
0x61: {  	v3 =	vadd.s32 v1, v3  }
0x62: {  	[tilespmem:s18], [sflag:$0x1] =	stream.indirect_vreg.gather [hbm4b:s2+s3], $0x80, v4, vm0, $0xb8;
	[tilespmem:$0x18200] =	vst v63  }
0x63: {  	_ = 	snop  }
0x64: {  	[tilespmem:s19], [sflag:$0x1] =	stream.indirect_vreg.gather [hbm4b:s5+s3], $0x80, v4, vm1, $0xb8;
	[tilespmem:$0x18200] =	vst v63  }
0x65: {  	s25 =	simm.s32 $0x6E00  }
0x66: {  	[tilespmem:s25], [sflag:$0x1] =	stream.indirect_vreg.gather [hbm4b:s2+s3], $0x80, v3, vm0, $0xb8;
	[tilespmem:$0x18200] =	vst v63  }
0x67: {  	_ = 	snop  }
0x68: {  	[tilespmem:s20], [sflag:$0x1] =	stream.indirect_vreg.gather [hbm4b:s5+s3], $0x80, v3, vm1, $0xb8;
	[tilespmem:$0x18200] =	vst v63  }
0x69: {  	v3 =	vld [tilespmem:$0x50];
	_ =	sdelay $0x4  }
0x6a: {  	v37 =	vshrl.u32 v3, $0x3  }
0x6b: {  	v4 =	vmul.u32 $0x18, v37  }
0x6c: {  	v3 =	vand.u32 $0x7, v3  }
0x6d: {  	v3 =	vor.u32 v3, v4  }
0x6e: {  	v4 =	vperm.xlane v3, v0;
	_ =	sdelay $0x1  }
0x6f: {  	v4 =	vadd.s32 v1, v4;
	_ =	sdelay $0x1  }
0x70: {  	v3 =	vperm.xlane v3, v2;
	_ =	sdelay $0x1  }
0x71: {  	v3 =	vadd.s32 v1, v3  }
0x72: {  	[tilespmem:s21], [sflag:$0x1] =	stream.indirect_vreg.gather [hbm4b:s2+s3], $0x80, v4, vm0, $0xb8;
	[tilespmem:$0x18200] =	vst v63  }
0x73: {  	_ = 	snop  }
0x74: {  	[tilespmem:s22], [sflag:$0x1] =	stream.indirect_vreg.gather [hbm4b:s5+s3], $0x80, v4, vm1, $0xb8;
	[tilespmem:$0x18200] =	vst v63  }
0x75: {  	_ = 	snop  }
0x76: {  	[tilespmem:s8], [sflag:$0x1] =	stream.indirect_vreg.gather [hbm4b:s2+s3], $0x80, v3, vm0, $0xb8;
	[tilespmem:$0x18200] =	vst v63  }
0x77: {  	_ = 	snop  }
0x78: {  	[tilespmem:s16], [sflag:$0x1] =	stream.indirect_vreg.gather [hbm4b:s5+s3], $0x80, v3, vm1, $0xb8;
	[tilespmem:$0x18200] =	vst v63  }
0x79: {  	v3 =	vld [tilespmem:$0x60];
	_ =	sdelay $0x4  }
0x7a: {  	v38 =	vshrl.u32 v3, $0x3  }
0x7b: {  	v4 =	vmul.u32 $0x18, v38  }
0x7c: {  	v3 =	vand.u32 $0x7, v3  }
0x7d: {  	v3 =	vor.u32 v3, v4  }
0x7e: {  	v4 =	vperm.xlane v3, v0;
	_ =	sdelay $0x1  }
0x7f: {  	v4 =	vadd.s32 v1, v4;
	_ =	sdelay $0x1  }
0x80: {  	v3 =	vperm.xlane v3, v2;
	_ =	sdelay $0x1  }
0x81: {  	v3 =	vadd.s32 v1, v3  }
0x82: {  	[tilespmem:s23], [sflag:$0x1] =	stream.indirect_vreg.gather [hbm4b:s2+s3], $0x80, v4, vm0, $0xb8;
	[tilespmem:$0x18200] =	vst v63  }
0x83: {  	s1 =	simm.s32 $0x9A00  }
0x84: {  	[tilespmem:s1], [sflag:$0x1] =	stream.indirect_vreg.gather [hbm4b:s5+s3], $0x80, v4, vm1, $0xb8;
	[tilespmem:$0x18200] =	vst v63  }
0x85: {  	s25 =	simm.s32 $0x9E00  }
0x86: {  	[tilespmem:s25], [sflag:$0x1] =	stream.indirect_vreg.gather [hbm4b:s2+s3], $0x80, v3, vm0, $0xb8;
	[tilespmem:$0x18200] =	vst v63  }
0x87: {  	s1 =	simm.s32 $0xA600  }
0x88: {  	[tilespmem:s1], [sflag:$0x1] =	stream.indirect_vreg.gather [hbm4b:s5+s3], $0x80, v3, vm1, $0xb8;
	[tilespmem:$0x18200] =	vst v63  }
0x89: {  	v3 =	vld [tilespmem:$0x70];
	_ =	sdelay $0x4  }
0x8a: {  	v39 =	vshrl.u32 v3, $0x3  }
0x8b: {  	v4 =	vmul.u32 $0x18, v39  }
0x8c: {  	v3 =	vand.u32 $0x7, v3  }
0x8d: {  	v3 =	vor.u32 v3, v4  }
0x8e: {  	v4 =	vperm.xlane v3, v0;
	_ =	sdelay $0x1  }
0x8f: {  	v4 =	vadd.s32 v1, v4;
	_ =	sdelay $0x1  }
0x90: {  	v3 =	vperm.xlane v3, v2;
	_ =	sdelay $0x1  }
0x91: {  	s25 =	simm.s32 $0xAA00;
	v3 =	vadd.s32 v1, v3  }
0x92: {  	[tilespmem:s25], [sflag:$0x1] =	stream.indirect_vreg.gather [hbm4b:s2+s3], $0x80, v4, vm0, $0xb8;
	[tilespmem:$0x18200] =	vst v63  }
0x93: {  	s1 =	simm.s32 $0xB200  }
0x94: {  	[tilespmem:s1], [sflag:$0x1] =	stream.indirect_vreg.gather [hbm4b:s5+s3], $0x80, v4, vm1, $0xb8;
	[tilespmem:$0x18200] =	vst v63  }
0x95: {  	s25 =	simm.s32 $0xB600  }
0x96: {  	[tilespmem:s25], [sflag:$0x1] =	stream.indirect_vreg.gather [hbm4b:s2+s3], $0x80, v3, vm0, $0xb8;
	[tilespmem:$0x18200] =	vst v63  }
0x97: {  	s1 =	simm.s32 $0xBE00  }
0x98: {  	[tilespmem:s1], [sflag:$0x1] =	stream.indirect_vreg.gather [hbm4b:s5+s3], $0x80, v3, vm1, $0xb8;
	[tilespmem:$0x18200] =	vst v63  }
0x99: {  	v3 =	vld [tilespmem:$0x80];
	_ =	sdelay $0x4  }
0x9a: {  	v40 =	vshrl.u32 v3, $0x3  }
0x9b: {  	v4 =	vmul.u32 $0x18, v40  }
0x9c: {  	v3 =	vand.u32 $0x7, v3  }
0x9d: {  	v3 =	vor.u32 v3, v4  }
0x9e: {  	v4 =	vperm.xlane v3, v0;
	_ =	sdelay $0x1  }
0x9f: {  	v4 =	vadd.s32 v1, v4;
	_ =	sdelay $0x1  }
0xa0: {  	v3 =	vperm.xlane v3, v2;
	_ =	sdelay $0x1  }
0xa1: {  	s0 =	simm.s32 $0xC200;
	v3 =	vadd.s32 v1, v3  }
0xa2: {  	[tilespmem:s0], [sflag:$0x2] =	stream.indirect_vreg.gather [hbm4b:s2+s3], $0x80, v4, vm0, $0xb8;
	[tilespmem:$0x18200] =	vst v63  }
0xa3: {  	s1 =	simm.s32 $0xCA00  }
0xa4: {  	[tilespmem:s1], [sflag:$0x2] =	stream.indirect_vreg.gather [hbm4b:s5+s3], $0x80, v4, vm1, $0xb8;
	[tilespmem:$0x18200] =	vst v63  }
0xa5: {  	s25 =	simm.s32 $0xCE00  }
0xa6: {  	[tilespmem:s25], [sflag:$0x2] =	stream.indirect_vreg.gather [hbm4b:s2+s3], $0x80, v3, vm0, $0xb8;
	[tilespmem:$0x18200] =	vst v63  }
0xa7: {  	s25 =	simm.s32 $0xD600  }
0xa8: {  	[tilespmem:s25], [sflag:$0x2] =	stream.indirect_vreg.gather [hbm4b:s5+s3], $0x80, v3, vm1, $0xb8;
	[tilespmem:$0x18200] =	vst v63  }
0xa9: {  	v3 =	vld [tilespmem:$0x90];
	_ =	sdelay $0x4  }
0xaa: {  	v41 =	vshrl.u32 v3, $0x3  }
0xab: {  	v4 =	vmul.u32 $0x18, v41  }
0xac: {  	v3 =	vand.u32 $0x7, v3  }
0xad: {  	v3 =	vor.u32 v3, v4  }
0xae: {  	v4 =	vperm.xlane v3, v0;
	_ =	sdelay $0x1  }
0xaf: {  	v4 =	vadd.s32 v1, v4;
	_ =	sdelay $0x1  }
0xb0: {  	v3 =	vperm.xlane v3, v2;
	_ =	sdelay $0x1  }
0xb1: {  	s25 =	simm.s32 $0xDA00;
	v3 =	vadd.s32 v1, v3  }
0xb2: {  	[tilespmem:s25], [sflag:$0x2] =	stream.indirect_vreg.gather [hbm4b:s2+s3], $0x80, v4, vm0, $0xb8;
	[tilespmem:$0x18200] =	vst v63  }
0xb3: {  	s25 =	simm.s32 $0xE200  }
0xb4: {  	[tilespmem:s25], [sflag:$0x2] =	stream.indirect_vreg.gather [hbm4b:s5+s3], $0x80, v4, vm1, $0xb8;
	[tilespmem:$0x18200] =	vst v63  }
0xb5: {  	s25 =	simm.s32 $0xE600  }
0xb6: {  	[tilespmem:s25], [sflag:$0x2] =	stream.indirect_vreg.gather [hbm4b:s2+s3], $0x80, v3, vm0, $0xb8;
	[tilespmem:$0x18200] =	vst v63  }
0xb7: {  	s25 =	simm.s32 $0xEE00  }
0xb8: {  	[tilespmem:s25], [sflag:$0x2] =	stream.indirect_vreg.gather [hbm4b:s5+s3], $0x80, v3, vm1, $0xb8;
	[tilespmem:$0x18200] =	vst v63  }
0xb9: {  	v3 =	vld [tilespmem:$0xA0];
	_ =	sdelay $0x4  }
0xba: {  	v42 =	vshrl.u32 v3, $0x3  }
0xbb: {  	v4 =	vmul.u32 $0x18, v42  }
0xbc: {  	v3 =	vand.u32 $0x7, v3  }
0xbd: {  	v3 =	vor.u32 v3, v4  }
0xbe: {  	v4 =	vperm.xlane v3, v0;
	_ =	sdelay $0x1  }
0xbf: {  	v4 =	vadd.s32 v1, v4;
	_ =	sdelay $0x1  }
0xc0: {  	v3 =	vperm.xlane v3, v2;
	_ =	sdelay $0x1  }
0xc1: {  	s25 =	simm.s32 $0xF200;
	v3 =	vadd.s32 v1, v3  }
0xc2: {  	[tilespmem:s25], [sflag:$0x2] =	stream.indirect_vreg.gather [hbm4b:s2+s3], $0x80, v4, vm0, $0xb8;
	[tilespmem:$0x18200] =	vst v63  }
0xc3: {  	s25 =	simm.s32 $0xFA00  }
0xc4: {  	[tilespmem:s25], [sflag:$0x2] =	stream.indirect_vreg.gather [hbm4b:s5+s3], $0x80, v4, vm1, $0xb8;
	[tilespmem:$0x18200] =	vst v63  }
0xc5: {  	s25 =	simm.s32 $0xFE00  }
0xc6: {  	[tilespmem:s25], [sflag:$0x2] =	stream.indirect_vreg.gather [hbm4b:s2+s3], $0x80, v3, vm0, $0xb8;
	[tilespmem:$0x18200] =	vst v63  }
0xc7: {  	s25 =	simm.s32 $0x10600  }
0xc8: {  	[tilespmem:s25], [sflag:$0x2] =	stream.indirect_vreg.gather [hbm4b:s5+s3], $0x80, v3, vm1, $0xb8;
	[tilespmem:$0x18200] =	vst v63  }
0xc9: {  	v3 =	vld [tilespmem:$0xB0];
	_ =	sdelay $0x4  }
0xca: {  	v43 =	vshrl.u32 v3, $0x3  }
0xcb: {  	v4 =	vmul.u32 $0x18, v43  }
0xcc: {  	v3 =	vand.u32 $0x7, v3  }
0xcd: {  	v3 =	vor.u32 v3, v4  }
0xce: {  	v4 =	vperm.xlane v3, v0;
	_ =	sdelay $0x1  }
0xcf: {  	v4 =	vadd.s32 v1, v4;
	_ =	sdelay $0x1  }
0xd0: {  	v3 =	vperm.xlane v3, v2;
	_ =	sdelay $0x1  }
0xd1: {  	s25 =	simm.s32 $0x10A00;
	v3 =	vadd.s32 v1, v3  }
0xd2: {  	[tilespmem:s25], [sflag:$0x2] =	stream.indirect_vreg.gather [hbm4b:s2+s3], $0x80, v4, vm0, $0xb8;
	[tilespmem:$0x18200] =	vst v63  }
0xd3: {  	s25 =	simm.s32 $0x11200  }
0xd4: {  	[tilespmem:s25], [sflag:$0x2] =	stream.indirect_vreg.gather [hbm4b:s5+s3], $0x80, v4, vm1, $0xb8;
	[tilespmem:$0x18200] =	vst v63  }
0xd5: {  	s25 =	simm.s32 $0x11600  }
0xd6: {  	[tilespmem:s25], [sflag:$0x2] =	stream.indirect_vreg.gather [hbm4b:s2+s3], $0x80, v3, vm0, $0xb8;
	[tilespmem:$0x18200] =	vst v63  }
0xd7: {  	s25 =	simm.s32 $0x11E00  }
0xd8: {  	[tilespmem:s25], [sflag:$0x2] =	stream.indirect_vreg.gather [hbm4b:s5+s3], $0x80, v3, vm1, $0xb8;
	[tilespmem:$0x18200] =	vst v63  }
0xd9: {  	v3 =	vld [tilespmem:$0xC0];
	_ =	sdelay $0x4  }
0xda: {  	v44 =	vshrl.u32 v3, $0x3  }
0xdb: {  	v4 =	vmul.u32 $0x18, v44  }
0xdc: {  	v3 =	vand.u32 $0x7, v3  }
0xdd: {  	v3 =	vor.u32 v3, v4  }
0xde: {  	v4 =	vperm.xlane v3, v0;
	_ =	sdelay $0x1  }
0xdf: {  	v4 =	vadd.s32 v1, v4;
	_ =	sdelay $0x1  }
0xe0: {  	v3 =	vperm.xlane v3, v2;
	_ =	sdelay $0x1  }
0xe1: {  	s25 =	simm.s32 $0x12200;
	v3 =	vadd.s32 v1, v3  }
0xe2: {  	[tilespmem:s25], [sflag:$0x2] =	stream.indirect_vreg.gather [hbm4b:s2+s3], $0x80, v4, vm0, $0xb8;
	[tilespmem:$0x18200] =	vst v63  }
0xe3: {  	s25 =	simm.s32 $0x12A00  }
0xe4: {  	[tilespmem:s25], [sflag:$0x2] =	stream.indirect_vreg.gather [hbm4b:s5+s3], $0x80, v4, vm1, $0xb8;
	[tilespmem:$0x18200] =	vst v63  }
0xe5: {  	s25 =	simm.s32 $0x12E00  }
0xe6: {  	[tilespmem:s25], [sflag:$0x2] =	stream.indirect_vreg.gather [hbm4b:s2+s3], $0x80, v3, vm0, $0xb8;
	[tilespmem:$0x18200] =	vst v63  }
0xe7: {  	s25 =	simm.s32 $0x13600  }
0xe8: {  	[tilespmem:s25], [sflag:$0x2] =	stream.indirect_vreg.gather [hbm4b:s5+s3], $0x80, v3, vm1, $0xb8;
	[tilespmem:$0x18200] =	vst v63  }
0xe9: {  	v3 =	vld [tilespmem:$0xD0];
	_ =	sdelay $0x4  }
0xea: {  	v45 =	vshrl.u32 v3, $0x3  }
0xeb: {  	v4 =	vmul.u32 $0x18, v45  }
0xec: {  	v3 =	vand.u32 $0x7, v3  }
0xed: {  	v3 =	vor.u32 v3, v4  }
0xee: {  	v4 =	vperm.xlane v3, v0;
	_ =	sdelay $0x1  }
0xef: {  	v4 =	vadd.s32 v1, v4;
	_ =	sdelay $0x1  }
0xf0: {  	v3 =	vperm.xlane v3, v2;
	_ =	sdelay $0x1  }
0xf1: {  	s25 =	simm.s32 $0x13A00;
	v3 =	vadd.s32 v1, v3  }
0xf2: {  	[tilespmem:s25], [sflag:$0x2] =	stream.indirect_vreg.gather [hbm4b:s2+s3], $0x80, v4, vm0, $0xb8;
	[tilespmem:$0x18200] =	vst v63  }
0xf3: {  	s25 =	simm.s32 $0x14200  }
0xf4: {  	[tilespmem:s25], [sflag:$0x2] =	stream.indirect_vreg.gather [hbm4b:s5+s3], $0x80, v4, vm1, $0xb8;
	[tilespmem:$0x18200] =	vst v63  }
0xf5: {  	s25 =	simm.s32 $0x14600  }
0xf6: {  	[tilespmem:s25], [sflag:$0x2] =	stream.indirect_vreg.gather [hbm4b:s2+s3], $0x80, v3, vm0, $0xb8;
	[tilespmem:$0x18200] =	vst v63  }
0xf7: {  	s25 =	simm.s32 $0x14E00  }
0xf8: {  	[tilespmem:s25], [sflag:$0x2] =	stream.indirect_vreg.gather [hbm4b:s5+s3], $0x80, v3, vm1, $0xb8;
	[tilespmem:$0x18200] =	vst v63  }
0xf9: {  	v3 =	vld [tilespmem:$0xE0];
	_ =	sdelay $0x4  }
0xfa: {  	v46 =	vshrl.u32 v3, $0x3  }
0xfb: {  	v4 =	vmul.u32 $0x18, v46  }
0xfc: {  	v3 =	vand.u32 $0x7, v3  }
0xfd: {  	v3 =	vor.u32 v3, v4  }
0xfe: {  	v4 =	vperm.xlane v3, v0;
	_ =	sdelay $0x1  }
0xff: {  	v4 =	vadd.s32 v1, v4;
	_ =	sdelay $0x1  }
0x100: {  	v3 =	vperm.xlane v3, v2;
	_ =	sdelay $0x1  }
0x101: {  	s25 =	simm.s32 $0x15200;
	v3 =	vadd.s32 v1, v3  }
0x102: {  	[tilespmem:s25], [sflag:$0x2] =	stream.indirect_vreg.gather [hbm4b:s2+s3], $0x80, v4, vm0, $0xb8;
	[tilespmem:$0x18200] =	vst v63  }
0x103: {  	s25 =	simm.s32 $0x15A00  }
0x104: {  	[tilespmem:s25], [sflag:$0x2] =	stream.indirect_vreg.gather [hbm4b:s5+s3], $0x80, v4, vm1, $0xb8;
	[tilespmem:$0x18200] =	vst v63  }
0x105: {  	s25 =	simm.s32 $0x15E00  }
0x106: {  	[tilespmem:s25], [sflag:$0x2] =	stream.indirect_vreg.gather [hbm4b:s2+s3], $0x80, v3, vm0, $0xb8;
	[tilespmem:$0x18200] =	vst v63  }
0x107: {  	s25 =	simm.s32 $0x16600  }
0x108: {  	[tilespmem:s25], [sflag:$0x2] =	stream.indirect_vreg.gather [hbm4b:s5+s3], $0x80, v3, vm1, $0xb8;
	[tilespmem:$0x18200] =	vst v63  }
0x109: {  	v3 =	vld [tilespmem:$0xF0];
	_ =	sdelay $0x4  }
0x10a: {  	v47 =	vshrl.u32 v3, $0x3  }
0x10b: {  	v4 =	vmul.u32 $0x18, v47  }
0x10c: {  	v3 =	vand.u32 $0x7, v3  }
0x10d: {  	v3 =	vor.u32 v3, v4  }
0x10e: {  	v4 =	vperm.xlane v3, v0;
	_ =	sdelay $0x1  }
0x10f: {  	v4 =	vadd.s32 v1, v4;
	_ =	sdelay $0x1  }
0x110: {  	v3 =	vperm.xlane v3, v2;
	_ =	sdelay $0x1  }
0x111: {  	s25 =	simm.s32 $0x16A00;
	v3 =	vadd.s32 v1, v3  }
0x112: {  	[tilespmem:s25], [sflag:$0x2] =	stream.indirect_vreg.gather [hbm4b:s2+s3], $0x80, v4, vm0, $0xb8;
	[tilespmem:$0x18200] =	vst v63  }
0x113: {  	s25 =	simm.s32 $0x17200  }
0x114: {  	[tilespmem:s25], [sflag:$0x2] =	stream.indirect_vreg.gather [hbm4b:s5+s3], $0x80, v4, vm1, $0xb8;
	[tilespmem:$0x18200] =	vst v63  }
0x115: {  	s25 =	simm.s32 $0x17600  }
0x116: {  	[tilespmem:s25], [sflag:$0x2] =	stream.indirect_vreg.gather [hbm4b:s2+s3], $0x80, v3, vm0, $0xb8;
	[tilespmem:$0x18200] =	vst v63  }
0x117: {  	s25 =	simm.s32 $0x17E00  }
0x118: {  	[tilespmem:s25], [sflag:$0x2] =	stream.indirect_vreg.gather [hbm4b:s5+s3], $0x80, v3, vm1, $0xb8;
	[tilespmem:$0x18200] =	vst v63  }
0x119: {  	_ =	swait.ge [sflag:s24], $0xC000  }
0x11a: {  	[sflag:s24] =	ssyncset.done $0x0  }
0x11b: {  	s1 =	simm.s32 $0x200;
	s25 =	rddreg [dreg:$0x7];
	[sflag:s24] =	ssyncadd.s32 $0xFFFF4000  }
0x11c: {  	[hbm4b:s25+s3] =	stream.linear.scatter [tilespmem:s1], [sflag:$0x3], $0xC000, $0x38;
	[tilespmem:$0x18200] =	vst v63  }
0x11d: {  	_ =	swait.ge [sflag:s7], $0xC000  }
0x11e: {  	[sflag:s7] =	ssyncset.done $0x0  }
0x11f: {  	[sflag:s7] =	ssyncadd.s32 $0xFFFF4000  }
0x120: {  	v3 =	vld [tilespmem:$0x100];
	_ =	sdelay $0x4  }
0x121: {  	v48 =	vshrl.u32 v3, $0x3  }
0x122: {  	v4 =	vmul.u32 $0x18, v48  }
0x123: {  	v3 =	vand.u32 $0x7, v3  }
0x124: {  	v3 =	vor.u32 v3, v4  }
0x125: {  	v4 =	vperm.xlane v3, v0;
	_ =	sdelay $0x1  }
0x126: {  	v4 =	vadd.s32 v1, v4;
	_ =	sdelay $0x1  }
0x127: {  	v3 =	vperm.xlane v3, v2;
	_ =	sdelay $0x1  }
0x128: {  	v3 =	vadd.s32 v1, v3  }
0x129: {  	[tilespmem:s1], [sflag:$0x1] =	stream.indirect_vreg.gather [hbm4b:s2+s3], $0x80, v4, vm0, $0xb8;
	[tilespmem:$0x18200] =	vst v63  }
0x12a: {  	_ = 	snop  }
0x12b: {  	[tilespmem:s26], [sflag:$0x1] =	stream.indirect_vreg.gather [hbm4b:s5+s3], $0x80, v4, vm1, $0xb8;
	[tilespmem:$0x18200] =	vst v63  }
0x12c: {  	_ = 	snop  }
0x12d: {  	[tilespmem:s28], [sflag:$0x1] =	stream.indirect_vreg.gather [hbm4b:s2+s3], $0x80, v3, vm0, $0xb8;
	[tilespmem:$0x18200] =	vst v63  }
0x12e: {  	_ = 	snop  }
0x12f: {  	[tilespmem:s29], [sflag:$0x1] =	stream.indirect_vreg.gather [hbm4b:s5+s3], $0x80, v3, vm1, $0xb8;
	[tilespmem:$0x18200] =	vst v63  }
0x130: {  	v3 =	vld [tilespmem:$0x110];
	_ =	sdelay $0x4  }
0x131: {  	v49 =	vshrl.u32 v3, $0x3  }
0x132: {  	v4 =	vmul.u32 $0x18, v49  }
0x133: {  	v3 =	vand.u32 $0x7, v3  }
0x134: {  	v3 =	vor.u32 v3, v4  }
0x135: {  	v4 =	vperm.xlane v3, v0;
	_ =	sdelay $0x1  }
0x136: {  	v4 =	vadd.s32 v1, v4;
	_ =	sdelay $0x1  }
0x137: {  	v3 =	vperm.xlane v3, v2;
	_ =	sdelay $0x1  }
0x138: {  	v3 =	vadd.s32 v1, v3  }
0x139: {  	[tilespmem:s30], [sflag:$0x1] =	stream.indirect_vreg.gather [hbm4b:s2+s3], $0x80, v4, vm0, $0xb8;
	[tilespmem:$0x18200] =	vst v63  }
0x13a: {  	_ = 	snop  }
0x13b: {  	[tilespmem:s31], [sflag:$0x1] =	stream.indirect_vreg.gather [hbm4b:s5+s3], $0x80, v4, vm1, $0xb8;
	[tilespmem:$0x18200] =	vst v63  }
0x13c: {  	s25 =	simm.s32 $0x2600  }
0x13d: {  	[tilespmem:s25], [sflag:$0x1] =	stream.indirect_vreg.gather [hbm4b:s2+s3], $0x80, v3, vm0, $0xb8;
	[tilespmem:$0x18200] =	vst v63  }
0x13e: {  	s25 =	simm.s32 $0x2E00  }
0x13f: {  	[tilespmem:s25], [sflag:$0x1] =	stream.indirect_vreg.gather [hbm4b:s5+s3], $0x80, v3, vm1, $0xb8;
	[tilespmem:$0x18200] =	vst v63  }
0x140: {  	v3 =	vld [tilespmem:$0x120];
	_ =	sdelay $0x4  }
0x141: {  	v50 =	vshrl.u32 v3, $0x3  }
0x142: {  	v4 =	vmul.u32 $0x18, v50  }
0x143: {  	v3 =	vand.u32 $0x7, v3  }
0x144: {  	v3 =	vor.u32 v3, v4  }
0x145: {  	v4 =	vperm.xlane v3, v0;
	_ =	sdelay $0x1  }
0x146: {  	v4 =	vadd.s32 v1, v4;
	_ =	sdelay $0x1  }
0x147: {  	v3 =	vperm.xlane v3, v2;
	_ =	sdelay $0x1  }
0x148: {  	v3 =	vadd.s32 v1, v3  }
0x149: {  	[tilespmem:s9], [sflag:$0x1] =	stream.indirect_vreg.gather [hbm4b:s2+s3], $0x80, v4, vm0, $0xb8;
	[tilespmem:$0x18200] =	vst v63  }
0x14a: {  	_ = 	snop  }
0x14b: {  	[tilespmem:s10], [sflag:$0x1] =	stream.indirect_vreg.gather [hbm4b:s5+s3], $0x80, v4, vm1, $0xb8;
	[tilespmem:$0x18200] =	vst v63  }
0x14c: {  	_ = 	snop  }
0x14d: {  	[tilespmem:s11], [sflag:$0x1] =	stream.indirect_vreg.gather [hbm4b:s2+s3], $0x80, v3, vm0, $0xb8;
	[tilespmem:$0x18200] =	vst v63  }
0x14e: {  	_ = 	snop  }
0x14f: {  	[tilespmem:s12], [sflag:$0x1] =	stream.indirect_vreg.gather [hbm4b:s5+s3], $0x80, v3, vm1, $0xb8;
	[tilespmem:$0x18200] =	vst v63  }
0x150: {  	v3 =	vld [tilespmem:$0x130];
	_ =	sdelay $0x4  }
0x151: {  	v51 =	vshrl.u32 v3, $0x3  }
0x152: {  	v4 =	vmul.u32 $0x18, v51  }
0x153: {  	v3 =	vand.u32 $0x7, v3  }
0x154: {  	v3 =	vor.u32 v3, v4  }
0x155: {  	v4 =	vperm.xlane v3, v0;
	_ =	sdelay $0x1  }
0x156: {  	v4 =	vadd.s32 v1, v4;
	_ =	sdelay $0x1  }
0x157: {  	v3 =	vperm.xlane v3, v2;
	_ =	sdelay $0x1  }
0x158: {  	v3 =	vadd.s32 v1, v3  }
0x159: {  	[tilespmem:s13], [sflag:$0x1] =	stream.indirect_vreg.gather [hbm4b:s2+s3], $0x80, v4, vm0, $0xb8;
	[tilespmem:$0x18200] =	vst v63  }
0x15a: {  	_ = 	snop  }
0x15b: {  	[tilespmem:s14], [sflag:$0x1] =	stream.indirect_vreg.gather [hbm4b:s5+s3], $0x80, v4, vm1, $0xb8;
	[tilespmem:$0x18200] =	vst v63  }
0x15c: {  	_ = 	snop  }
0x15d: {  	[tilespmem:s15], [sflag:$0x1] =	stream.indirect_vreg.gather [hbm4b:s2+s3], $0x80, v3, vm0, $0xb8;
	[tilespmem:$0x18200] =	vst v63  }
0x15e: {  	_ = 	snop  }
0x15f: {  	[tilespmem:s17], [sflag:$0x1] =	stream.indirect_vreg.gather [hbm4b:s5+s3], $0x80, v3, vm1, $0xb8;
	[tilespmem:$0x18200] =	vst v63  }
0x160: {  	v3 =	vld [tilespmem:$0x140];
	_ =	sdelay $0x4  }
0x161: {  	v52 =	vshrl.u32 v3, $0x3  }
0x162: {  	v4 =	vmul.u32 $0x18, v52  }
0x163: {  	v3 =	vand.u32 $0x7, v3  }
0x164: {  	v3 =	vor.u32 v3, v4  }
0x165: {  	v4 =	vperm.xlane v3, v0;
	_ =	sdelay $0x1  }
0x166: {  	v4 =	vadd.s32 v1, v4;
	_ =	sdelay $0x1  }
0x167: {  	v3 =	vperm.xlane v3, v2;
	_ =	sdelay $0x1  }
0x168: {  	v3 =	vadd.s32 v1, v3  }
0x169: {  	[tilespmem:s18], [sflag:$0x1] =	stream.indirect_vreg.gather [hbm4b:s2+s3], $0x80, v4, vm0, $0xb8;
	[tilespmem:$0x18200] =	vst v63  }
0x16a: {  	_ = 	snop  }
0x16b: {  	[tilespmem:s19], [sflag:$0x1] =	stream.indirect_vreg.gather [hbm4b:s5+s3], $0x80, v4, vm1, $0xb8;
	[tilespmem:$0x18200] =	vst v63  }
0x16c: {  	s25 =	simm.s32 $0x6E00  }
0x16d: {  	[tilespmem:s25], [sflag:$0x1] =	stream.indirect_vreg.gather [hbm4b:s2+s3], $0x80, v3, vm0, $0xb8;
	[tilespmem:$0x18200] =	vst v63  }
0x16e: {  	_ = 	snop  }
0x16f: {  	[tilespmem:s20], [sflag:$0x1] =	stream.indirect_vreg.gather [hbm4b:s5+s3], $0x80, v3, vm1, $0xb8;
	[tilespmem:$0x18200] =	vst v63  }
0x170: {  	v3 =	vld [tilespmem:$0x150];
	_ =	sdelay $0x4  }
0x171: {  	v53 =	vshrl.u32 v3, $0x3  }
0x172: {  	v4 =	vmul.u32 $0x18, v53  }
0x173: {  	v3 =	vand.u32 $0x7, v3  }
0x174: {  	v3 =	vor.u32 v3, v4  }
0x175: {  	v4 =	vperm.xlane v3, v0;
	_ =	sdelay $0x1  }
0x176: {  	v4 =	vadd.s32 v1, v4;
	_ =	sdelay $0x1  }
0x177: {  	v3 =	vperm.xlane v3, v2;
	_ =	sdelay $0x1  }
0x178: {  	v3 =	vadd.s32 v1, v3  }
0x179: {  	[tilespmem:s21], [sflag:$0x1] =	stream.indirect_vreg.gather [hbm4b:s2+s3], $0x80, v4, vm0, $0xb8;
	[tilespmem:$0x18200] =	vst v63  }
0x17a: {  	_ = 	snop  }
0x17b: {  	[tilespmem:s22], [sflag:$0x1] =	stream.indirect_vreg.gather [hbm4b:s5+s3], $0x80, v4, vm1, $0xb8;
	[tilespmem:$0x18200] =	vst v63  }
0x17c: {  	_ = 	snop  }
0x17d: {  	[tilespmem:s8], [sflag:$0x1] =	stream.indirect_vreg.gather [hbm4b:s2+s3], $0x80, v3, vm0, $0xb8;
	[tilespmem:$0x18200] =	vst v63  }
0x17e: {  	_ = 	snop  }
0x17f: {  	[tilespmem:s16], [sflag:$0x1] =	stream.indirect_vreg.gather [hbm4b:s5+s3], $0x80, v3, vm1, $0xb8;
	[tilespmem:$0x18200] =	vst v63  }
0x180: {  	v3 =	vld [tilespmem:$0x160];
	_ =	sdelay $0x4  }
0x181: {  	v54 =	vshrl.u32 v3, $0x3  }
0x182: {  	v4 =	vmul.u32 $0x18, v54  }
0x183: {  	v3 =	vand.u32 $0x7, v3  }
0x184: {  	v3 =	vor.u32 v3, v4  }
0x185: {  	v4 =	vperm.xlane v3, v0;
	_ =	sdelay $0x1  }
0x186: {  	v4 =	vadd.s32 v1, v4;
	_ =	sdelay $0x1  }
0x187: {  	v3 =	vperm.xlane v3, v2;
	_ =	sdelay $0x1  }
0x188: {  	v3 =	vadd.s32 v1, v3  }
0x189: {  	[tilespmem:s23], [sflag:$0x1] =	stream.indirect_vreg.gather [hbm4b:s2+s3], $0x80, v4, vm0, $0xb8;
	[tilespmem:$0x18200] =	vst v63  }
0x18a: {  	s25 =	simm.s32 $0x9A00  }
0x18b: {  	[tilespmem:s25], [sflag:$0x1] =	stream.indirect_vreg.gather [hbm4b:s5+s3], $0x80, v4, vm1, $0xb8;
	[tilespmem:$0x18200] =	vst v63  }
0x18c: {  	s25 =	simm.s32 $0x9E00  }
0x18d: {  	[tilespmem:s25], [sflag:$0x1] =	stream.indirect_vreg.gather [hbm4b:s2+s3], $0x80, v3, vm0, $0xb8;
	[tilespmem:$0x18200] =	vst v63  }
0x18e: {  	s25 =	simm.s32 $0xA600  }
0x18f: {  	[tilespmem:s25], [sflag:$0x1] =	stream.indirect_vreg.gather [hbm4b:s5+s3], $0x80, v3, vm1, $0xb8;
	[tilespmem:$0x18200] =	vst v63  }
0x190: {  	v3 =	vld [tilespmem:$0x170];
	_ =	sdelay $0x4  }
0x191: {  	v55 =	vshrl.u32 v3, $0x3  }
0x192: {  	v4 =	vmul.u32 $0x18, v55  }
0x193: {  	v3 =	vand.u32 $0x7, v3  }
0x194: {  	v3 =	vor.u32 v3, v4  }
0x195: {  	v4 =	vperm.xlane v3, v0;
	_ =	sdelay $0x1  }
0x196: {  	v4 =	vadd.s32 v1, v4;
	_ =	sdelay $0x1  }
0x197: {  	v3 =	vperm.xlane v3, v2;
	_ =	sdelay $0x1  }
0x198: {  	s25 =	simm.s32 $0xAA00;
	v3 =	vadd.s32 v1, v3  }
0x199: {  	[tilespmem:s25], [sflag:$0x1] =	stream.indirect_vreg.gather [hbm4b:s2+s3], $0x80, v4, vm0, $0xb8;
	[tilespmem:$0x18200] =	vst v63  }
0x19a: {  	s25 =	simm.s32 $0xB200  }
0x19b: {  	[tilespmem:s25], [sflag:$0x1] =	stream.indirect_vreg.gather [hbm4b:s5+s3], $0x80, v4, vm1, $0xb8;
	[tilespmem:$0x18200] =	vst v63  }
0x19c: {  	s25 =	simm.s32 $0xB600  }
0x19d: {  	[tilespmem:s25], [sflag:$0x1] =	stream.indirect_vreg.gather [hbm4b:s2+s3], $0x80, v3, vm0, $0xb8;
	[tilespmem:$0x18200] =	vst v63  }
0x19e: {  	s25 =	simm.s32 $0xBE00  }
0x19f: {  	[tilespmem:s25], [sflag:$0x1] =	stream.indirect_vreg.gather [hbm4b:s5+s3], $0x80, v3, vm1, $0xb8;
	[tilespmem:$0x18200] =	vst v63  }
0x1a0: {  	_ =	swait.ge [sflag:s4], $0xC000  }
0x1a1: {  	[sflag:s4] =	ssyncset.done $0x0  }
0x1a2: {  	s1 =	rddreg [dreg:$0x4];
	[sflag:s4] =	ssyncadd.s32 $0xFFFF4000  }
0x1a3: {  	[hbm4b:s1+s3] =	stream.linear.scatter [tilespmem:s0], [sflag:$0x3], $0xC000, $0x38;
	[tilespmem:$0x18200] =	vst v63  }
0x1a4: {  	_ =	swait.ge [sflag:s7], $0xC000  }
0x1a5: {  	[sflag:s7] =	ssyncset.done $0x0  }
0x1a6: {  	[sflag:s7] =	ssyncadd.s32 $0xFFFF4000  }
0x1a7: {  	v3 =	vld [tilespmem:$0x180];
	_ =	sdelay $0x4  }
0x1a8: {  	v56 =	vshrl.u32 v3, $0x3  }
0x1a9: {  	v4 =	vmul.u32 $0x18, v56  }
0x1aa: {  	v3 =	vand.u32 $0x7, v3  }
0x1ab: {  	v3 =	vor.u32 v3, v4  }
0x1ac: {  	v4 =	vperm.xlane v3, v0;
	_ =	sdelay $0x1  }
0x1ad: {  	v4 =	vadd.s32 v1, v4;
	_ =	sdelay $0x1  }
0x1ae: {  	v3 =	vperm.xlane v3, v2;
	_ =	sdelay $0x1  }
0x1af: {  	v3 =	vadd.s32 v1, v3  }
0x1b0: {  	[tilespmem:s0], [sflag:$0x2] =	stream.indirect_vreg.gather [hbm4b:s2+s3], $0x80, v4, vm0, $0xb8;
	[tilespmem:$0x18200] =	vst v63  }
0x1b1: {  	s25 =	simm.s32 $0xCA00  }
0x1b2: {  	[tilespmem:s25], [sflag:$0x2] =	stream.indirect_vreg.gather [hbm4b:s5+s3], $0x80, v4, vm1, $0xb8;
	[tilespmem:$0x18200] =	vst v63  }
0x1b3: {  	s25 =	simm.s32 $0xCE00  }
0x1b4: {  	[tilespmem:s25], [sflag:$0x2] =	stream.indirect_vreg.gather [hbm4b:s2+s3], $0x80, v3, vm0, $0xb8;
	[tilespmem:$0x18200] =	vst v63  }
0x1b5: {  	s25 =	simm.s32 $0xD600  }
0x1b6: {  	[tilespmem:s25], [sflag:$0x2] =	stream.indirect_vreg.gather [hbm4b:s5+s3], $0x80, v3, vm1, $0xb8;
	[tilespmem:$0x18200] =	vst v63  }
0x1b7: {  	v3 =	vld [tilespmem:$0x190];
	_ =	sdelay $0x4  }
0x1b8: {  	v57 =	vshrl.u32 v3, $0x3  }
0x1b9: {  	v4 =	vmul.u32 $0x18, v57  }
0x1ba: {  	v3 =	vand.u32 $0x7, v3  }
0x1bb: {  	v3 =	vor.u32 v3, v4  }
0x1bc: {  	v4 =	vperm.xlane v3, v0;
	_ =	sdelay $0x1  }
0x1bd: {  	v4 =	vadd.s32 v1, v4;
	_ =	sdelay $0x1  }
0x1be: {  	v3 =	vperm.xlane v3, v2;
	_ =	sdelay $0x1  }
0x1bf: {  	s25 =	simm.s32 $0xDA00;
	v3 =	vadd.s32 v1, v3  }
0x1c0: {  	[tilespmem:s25], [sflag:$0x2] =	stream.indirect_vreg.gather [hbm4b:s2+s3], $0x80, v4, vm0, $0xb8;
	[tilespmem:$0x18200] =	vst v63  }
0x1c1: {  	s25 =	simm.s32 $0xE200  }
0x1c2: {  	[tilespmem:s25], [sflag:$0x2] =	stream.indirect_vreg.gather [hbm4b:s5+s3], $0x80, v4, vm1, $0xb8;
	[tilespmem:$0x18200] =	vst v63  }
0x1c3: {  	s25 =	simm.s32 $0xE600  }
0x1c4: {  	[tilespmem:s25], [sflag:$0x2] =	stream.indirect_vreg.gather [hbm4b:s2+s3], $0x80, v3, vm0, $0xb8;
	[tilespmem:$0x18200] =	vst v63  }
0x1c5: {  	s25 =	simm.s32 $0xEE00  }
0x1c6: {  	[tilespmem:s25], [sflag:$0x2] =	stream.indirect_vreg.gather [hbm4b:s5+s3], $0x80, v3, vm1, $0xb8;
	[tilespmem:$0x18200] =	vst v63  }
0x1c7: {  	v3 =	vld [tilespmem:$0x1A0];
	_ =	sdelay $0x4  }
0x1c8: {  	v58 =	vshrl.u32 v3, $0x3  }
0x1c9: {  	v4 =	vmul.u32 $0x18, v58  }
0x1ca: {  	v3 =	vand.u32 $0x7, v3  }
0x1cb: {  	v3 =	vor.u32 v3, v4  }
0x1cc: {  	v4 =	vperm.xlane v3, v0;
	_ =	sdelay $0x1  }
0x1cd: {  	v4 =	vadd.s32 v1, v4;
	_ =	sdelay $0x1  }
0x1ce: {  	v3 =	vperm.xlane v3, v2;
	_ =	sdelay $0x1  }
0x1cf: {  	s25 =	simm.s32 $0xF200;
	v3 =	vadd.s32 v1, v3  }
0x1d0: {  	[tilespmem:s25], [sflag:$0x2] =	stream.indirect_vreg.gather [hbm4b:s2+s3], $0x80, v4, vm0, $0xb8;
	[tilespmem:$0x18200] =	vst v63  }
0x1d1: {  	s25 =	simm.s32 $0xFA00  }
0x1d2: {  	[tilespmem:s25], [sflag:$0x2] =	stream.indirect_vreg.gather [hbm4b:s5+s3], $0x80, v4, vm1, $0xb8;
	[tilespmem:$0x18200] =	vst v63  }
0x1d3: {  	s25 =	simm.s32 $0xFE00  }
0x1d4: {  	[tilespmem:s25], [sflag:$0x2] =	stream.indirect_vreg.gather [hbm4b:s2+s3], $0x80, v3, vm0, $0xb8;
	[tilespmem:$0x18200] =	vst v63  }
0x1d5: {  	s25 =	simm.s32 $0x10600  }
0x1d6: {  	[tilespmem:s25], [sflag:$0x2] =	stream.indirect_vreg.gather [hbm4b:s5+s3], $0x80, v3, vm1, $0xb8;
	[tilespmem:$0x18200] =	vst v63  }
0x1d7: {  	v3 =	vld [tilespmem:$0x1B0];
	_ =	sdelay $0x4  }
0x1d8: {  	v59 =	vshrl.u32 v3, $0x3  }
0x1d9: {  	v4 =	vmul.u32 $0x18, v59  }
0x1da: {  	v3 =	vand.u32 $0x7, v3  }
0x1db: {  	v3 =	vor.u32 v3, v4  }
0x1dc: {  	v4 =	vperm.xlane v3, v0;
	_ =	sdelay $0x1  }
0x1dd: {  	v4 =	vadd.s32 v1, v4;
	_ =	sdelay $0x1  }
0x1de: {  	v3 =	vperm.xlane v3, v2;
	_ =	sdelay $0x1  }
0x1df: {  	s25 =	simm.s32 $0x10A00;
	v3 =	vadd.s32 v1, v3  }
0x1e0: {  	[tilespmem:s25], [sflag:$0x2] =	stream.indirect_vreg.gather [hbm4b:s2+s3], $0x80, v4, vm0, $0xb8;
	[tilespmem:$0x18200] =	vst v63  }
0x1e1: {  	s25 =	simm.s32 $0x11200  }
0x1e2: {  	[tilespmem:s25], [sflag:$0x2] =	stream.indirect_vreg.gather [hbm4b:s5+s3], $0x80, v4, vm1, $0xb8;
	[tilespmem:$0x18200] =	vst v63  }
0x1e3: {  	s25 =	simm.s32 $0x11600  }
0x1e4: {  	[tilespmem:s25], [sflag:$0x2] =	stream.indirect_vreg.gather [hbm4b:s2+s3], $0x80, v3, vm0, $0xb8;
	[tilespmem:$0x18200] =	vst v63  }
0x1e5: {  	s25 =	simm.s32 $0x11E00  }
0x1e6: {  	[tilespmem:s25], [sflag:$0x2] =	stream.indirect_vreg.gather [hbm4b:s5+s3], $0x80, v3, vm1, $0xb8;
	[tilespmem:$0x18200] =	vst v63  }
0x1e7: {  	v3 =	vld [tilespmem:$0x1C0];
	_ =	sdelay $0x4  }
0x1e8: {  	v60 =	vshrl.u32 v3, $0x3  }
0x1e9: {  	v4 =	vmul.u32 $0x18, v60  }
0x1ea: {  	v3 =	vand.u32 $0x7, v3  }
0x1eb: {  	v3 =	vor.u32 v3, v4  }
0x1ec: {  	v4 =	vperm.xlane v3, v0;
	_ =	sdelay $0x1  }
0x1ed: {  	v4 =	vadd.s32 v1, v4;
	_ =	sdelay $0x1  }
0x1ee: {  	v3 =	vperm.xlane v3, v2;
	_ =	sdelay $0x1  }
0x1ef: {  	s25 =	simm.s32 $0x12200;
	v3 =	vadd.s32 v1, v3  }
0x1f0: {  	[tilespmem:s25], [sflag:$0x2] =	stream.indirect_vreg.gather [hbm4b:s2+s3], $0x80, v4, vm0, $0xb8;
	[tilespmem:$0x18200] =	vst v63  }
0x1f1: {  	s25 =	simm.s32 $0x12A00  }
0x1f2: {  	[tilespmem:s25], [sflag:$0x2] =	stream.indirect_vreg.gather [hbm4b:s5+s3], $0x80, v4, vm1, $0xb8;
	[tilespmem:$0x18200] =	vst v63  }
0x1f3: {  	s25 =	simm.s32 $0x12E00  }
0x1f4: {  	[tilespmem:s25], [sflag:$0x2] =	stream.indirect_vreg.gather [hbm4b:s2+s3], $0x80, v3, vm0, $0xb8;
	[tilespmem:$0x18200] =	vst v63  }
0x1f5: {  	s25 =	simm.s32 $0x13600  }
0x1f6: {  	[tilespmem:s25], [sflag:$0x2] =	stream.indirect_vreg.gather [hbm4b:s5+s3], $0x80, v3, vm1, $0xb8;
	[tilespmem:$0x18200] =	vst v63  }
0x1f7: {  	v3 =	vld [tilespmem:$0x1D0];
	_ =	sdelay $0x4  }
0x1f8: {  	v61 =	vshrl.u32 v3, $0x3  }
0x1f9: {  	v4 =	vmul.u32 $0x18, v61  }
0x1fa: {  	v3 =	vand.u32 $0x7, v3  }
0x1fb: {  	v3 =	vor.u32 v3, v4  }
0x1fc: {  	v4 =	vperm.xlane v3, v0;
	_ =	sdelay $0x1  }
0x1fd: {  	v4 =	vadd.s32 v1, v4;
	_ =	sdelay $0x1  }
0x1fe: {  	v3 =	vperm.xlane v3, v2;
	_ =	sdelay $0x1  }
0x1ff: {  	s25 =	simm.s32 $0x13A00;
	v3 =	vadd.s32 v1, v3  }
0x200: {  	[tilespmem:s25], [sflag:$0x2] =	stream.indirect_vreg.gather [hbm4b:s2+s3], $0x80, v4, vm0, $0xb8;
	[tilespmem:$0x18200] =	vst v63  }
0x201: {  	s25 =	simm.s32 $0x14200  }
0x202: {  	[tilespmem:s25], [sflag:$0x2] =	stream.indirect_vreg.gather [hbm4b:s5+s3], $0x80, v4, vm1, $0xb8;
	[tilespmem:$0x18200] =	vst v63  }
0x203: {  	s25 =	simm.s32 $0x14600  }
0x204: {  	[tilespmem:s25], [sflag:$0x2] =	stream.indirect_vreg.gather [hbm4b:s2+s3], $0x80, v3, vm0, $0xb8;
	[tilespmem:$0x18200] =	vst v63  }
0x205: {  	s25 =	simm.s32 $0x14E00  }
0x206: {  	[tilespmem:s25], [sflag:$0x2] =	stream.indirect_vreg.gather [hbm4b:s5+s3], $0x80, v3, vm1, $0xb8;
	[tilespmem:$0x18200] =	vst v63  }
0x207: {  	v3 =	vld [tilespmem:$0x1E0];
	_ =	sdelay $0x4  }
0x208: {  	v62 =	vshrl.u32 v3, $0x3  }
0x209: {  	v4 =	vmul.u32 $0x18, v62  }
0x20a: {  	v3 =	vand.u32 $0x7, v3  }
0x20b: {  	v3 =	vor.u32 v3, v4  }
0x20c: {  	v4 =	vperm.xlane v3, v0;
	_ =	sdelay $0x1  }
0x20d: {  	v4 =	vadd.s32 v1, v4;
	_ =	sdelay $0x1  }
0x20e: {  	v3 =	vperm.xlane v3, v2;
	_ =	sdelay $0x1  }
0x20f: {  	s25 =	simm.s32 $0x15200;
	v3 =	vadd.s32 v1, v3  }
0x210: {  	[tilespmem:s25], [sflag:$0x2] =	stream.indirect_vreg.gather [hbm4b:s2+s3], $0x80, v4, vm0, $0xb8;
	[tilespmem:$0x18200] =	vst v63  }
0x211: {  	s25 =	simm.s32 $0x15A00  }
0x212: {  	[tilespmem:s25], [sflag:$0x2] =	stream.indirect_vreg.gather [hbm4b:s5+s3], $0x80, v4, vm1, $0xb8;
	[tilespmem:$0x18200] =	vst v63  }
0x213: {  	s25 =	simm.s32 $0x15E00  }
0x214: {  	[tilespmem:s25], [sflag:$0x2] =	stream.indirect_vreg.gather [hbm4b:s2+s3], $0x80, v3, vm0, $0xb8;
	[tilespmem:$0x18200] =	vst v63  }
0x215: {  	s25 =	simm.s32 $0x16600  }
0x216: {  	[tilespmem:s25], [sflag:$0x2] =	stream.indirect_vreg.gather [hbm4b:s5+s3], $0x80, v3, vm1, $0xb8;
	[tilespmem:$0x18200] =	vst v63  }
0x217: {  	v3 =	vld [tilespmem:$0x1F0];
	_ =	sdelay $0x4  }
0x218: {  	v63 =	vshrl.u32 v3, $0x3  }
0x219: {  	v4 =	vmul.u32 $0x18, v63  }
0x21a: {  	v3 =	vand.u32 $0x7, v3  }
0x21b: {  	v3 =	vor.u32 v3, v4  }
0x21c: {  	v4 =	vperm.xlane v3, v0;
	_ =	sdelay $0x1  }
0x21d: {  	v4 =	vadd.s32 v1, v4;
	_ =	sdelay $0x1  }
0x21e: {  	v3 =	vperm.xlane v3, v2;
	_ =	sdelay $0x1  }
0x21f: {  	s25 =	simm.s32 $0x16A00;
	v3 =	vadd.s32 v1, v3  }
0x220: {  	[tilespmem:s25], [sflag:$0x2] =	stream.indirect_vreg.gather [hbm4b:s2+s3], $0x80, v4, vm0, $0xb8;
	[tilespmem:$0x18200] =	vst v63  }
0x221: {  	s25 =	simm.s32 $0x17200  }
0x222: {  	[tilespmem:s25], [sflag:$0x2] =	stream.indirect_vreg.gather [hbm4b:s5+s3], $0x80, v4, vm1, $0xb8;
	[tilespmem:$0x18200] =	vst v63  }
0x223: {  	s25 =	simm.s32 $0x17600  }
0x224: {  	[tilespmem:s25], [sflag:$0x2] =	stream.indirect_vreg.gather [hbm4b:s2+s3], $0x80, v3, vm0, $0xb8;
	[tilespmem:$0x18200] =	vst v63  }
0x225: {  	s25 =	simm.s32 $0x17E00  }
0x226: {  	[tilespmem:s25], [sflag:$0x2] =	stream.indirect_vreg.gather [hbm4b:s5+s3], $0x80, v3, vm1, $0xb8;
	[tilespmem:$0x18200] =	vst v63  }
0x227: {  	_ =	swait.ge [sflag:s24], $0xC000  }
0x228: {  	[sflag:s24] =	ssyncset.done $0x0  }
0x229: {  	s1 =	simm.s32 $0x200;
	s25 =	rddreg [dreg:$0x5];
	[sflag:s24] =	ssyncadd.s32 $0xFFFF4000  }
0x22a: {  	[hbm4b:s25+s3] =	stream.linear.scatter [tilespmem:s1], [sflag:$0x3], $0xC000, $0x38;
	[tilespmem:$0x18200] =	vst v63  }
0x22b: {  	_ =	swait.ge [sflag:s7], $0xC000  }
0x22c: {  	[sflag:s7] =	ssyncset.done $0x0  }
0x22d: {  	[sflag:s7] =	ssyncadd.s32 $0xFFFF4000  }
0x22e: {  	_ =	swait.ge [sflag:s4], $0xC000  }
0x22f: {  	p0 =	sne.s32 s6, $0x1;
	[sflag:s4] =	ssyncset.done $0x0  }
.Ltmp0:
0x230: {  	s1 =	rddreg [dreg:$0x6];
	[sflag:s4] =	ssyncadd.s32 $0xFFFF4000;
	(pc) =	sbr.rel @p0 .LBB2_1-.Ltmp0, $4  }
0x231: {  	[hbm4b:s1+s3] =	stream.linear.scatter [tilespmem:s0], [sflag:$0x3], $0xC000, $0x38;
	[tilespmem:$0x18200] =	vst v63  }
0x232: {  	_ =	swait.ge [sflag:s7], $0xC000  }
0x233: {  	[sflag:s7] =	ssyncset.done $0x0  }
0x234: {  	s6 =	sadd.s32 $0xFFFFFFFF, s6;
	[sflag:s7] =	ssyncadd.s32 $0xFFFF4000  }
0x235: {  	_ =	sfence.sel $0x180000  }
0x236: {  	[bflag:$0x0] =	sbarrier.arrive $0xFFFF  }
0x237: {  	_ =	strace $0x90000050  }
0x238: {  	s0 =	stileid.u32;
	[bflag:$0x2] =	sbarrier.arrive $0xFFFF  }
0x239: {  	p0 =	sne.s32 s0, $0x0;
	s0 =	rddreg [dreg:$0x2]  }
0x23a: {  	s0 =	sadd.s32 @!p0 $0x100000, s0  }
0x23b: {  	[sflag:s0] =	ssyncadd.tile.s32 @!p0 $0x1;
	_ =	shalt  }
.Lfunc_end2:
_tile_overlayer_lowered:
.L_overlay_start_2:
0x23c: {  	(tag) =	ssettag $0x2  }
0x23d: {  	s0 =	rddreg [dreg:$0x0];
	s2 =	stileid.u32  }
0x23e: {  	s1 =	rddreg [dreg:$0x1];
	p0 =	sne.s32 s2, $0x0  }
0x23f: {  	s3 =	rddreg [dreg:$0x2];
	[bflag:$0x3] =	sbarrier.arrive $0xFFFF;
	s2 =	simm.s32 @!p0 $0x1C03  }
0x240: {  	[timem:s3], [sflag:s2] =	dma.local @!p0 [hbm:s0], s1  }
0x241: {  	s0 =	simm.s32 @!p0 $0x3  }
0x242: {  	_ =	swait.ge @!p0 [sflag:s0], s1  }
0x243: {  	s1 =	ssub.s32 @!p0 $0x0, s1;
	[sflag:s0] =	ssyncset.done @!p0 $0x0  }
0x244: {  	[sflag:s0] =	ssyncadd.s32 @!p0 s1  }
0x245: {  	[bflag:$0x3] =	sbarrier.arrive $0xFFFF  }
0x246: {  	_ =	shalt  }

</sc_bundles>
